<compile_context>
chip_gen: v7x
topology: tpu7x:2x2x1
jax: 0.10.2.dev20260603
libtpu: 0.0.44.dev20260713+nightly
codegen_flags: <defaults>
</compile_context>

<pallas_src>
import functools

import jax
import jax.numpy as jnp
import numpy as np
from jax import lax
from jax.experimental import pallas as pl
from jax.experimental.pallas import tpu as pltpu
from jax.experimental.pallas import tpu_sc as plsc

HIDDEN_DIM = 128
VIRTUAL_NODES = 4
TOTAL = 50000
N_GRAPHS = 10
TPG = 5000
N_RANDOM = 8
N_LATTICE = 4
E_REAL = TOTAL * (2 * N_LATTICE + N_RANDOM) + 2 * TOTAL * VIRTUAL_NODES
K = int(E_REAL * 0.65)

N_TILES = 32
CHUNK = 38400
E_PAD = N_TILES * CHUNK
N_STREAM = 6
SCH = CHUNK // N_STREAM
BUFW = SCH + 8
OUT_LEN = E_PAD + N_TILES * 4096
TSP_LEN = TOTAL + N_GRAPHS * VIRTUAL_NODES
_STAGES = (4096, 2048, 1024, 512, 256, 128, 64, 32, 16, 8)



_ROT0 = (13, 15, 26, 6)
_ROT1 = (17, 29, 16, 24)


def _rotl(x, d):
    return ((x << np.uint32(d)) | (x >> np.uint32(32 - d))).astype(np.uint32)


def _threefry2x32(k0, k1, x0, x1):
    x0 = x0.astype(np.uint32).copy()
    x1 = x1.astype(np.uint32).copy()
    ks = [np.uint32(k0), np.uint32(k1),
          np.uint32(np.uint32(k0) ^ np.uint32(k1) ^ np.uint32(0x1BD11BDA))]
    x0 += ks[0]
    x1 += ks[1]
    for i in range(5):
        rots = _ROT0 if i % 2 == 0 else _ROT1
        for r in rots:
            x0 += x1
            x1 = _rotl(x1, r)
            x1 ^= x0
        x0 += ks[(i + 1) % 3]
        x1 += ks[(i + 2) % 3] + np.uint32(i + 1)
    return x0, x1


def _np_split(keypair, num):
    b0, b1 = _threefry2x32(keypair[0], keypair[1], np.zeros(num, np.uint32),
                           np.arange(num, dtype=np.uint32))
    return np.stack([b0, b1], axis=1)


def _np_random_bits(keypair, shape):
    size = int(np.prod(shape))
    b0, b1 = _threefry2x32(keypair[0], keypair[1], np.zeros(size, np.uint32),
                           np.arange(size, dtype=np.uint32))
    return (b0 ^ b1).reshape(shape)


def _np_randint(keypair, shape, minval, maxval):
    ka, kb = _np_split(keypair, 2)
    u = _np_random_bits(ka, shape)
    v = _np_random_bits(kb, shape)
    m = int(maxval - minval)
    mult = np.uint32(((65536 % m) ** 2 % (2 ** 32)) % m)
    out = ((u % np.uint32(m)) * mult + (v % np.uint32(m))) % np.uint32(m)
    return out.astype(np.int32) + np.int32(minval)


def _np_uniform(keypair, shape):
    bits = _np_random_bits(keypair, shape)
    f = ((bits >> np.uint32(9)) | np.uint32(0x3F800000)).view(np.float32)
    return np.maximum(np.float32(0.0), f - np.float32(1.0))


@functools.lru_cache(maxsize=1)
def _edge_constants():
    seed_key = _np_split(np.array([0, 42], np.uint32), 2)
    krand, ksub = seed_key[0], seed_key[1]
    r = _np_randint(krand, (TOTAL, N_RANDOM), 0, 2 * TOTAL)
    t = np.arange(TOTAL, dtype=np.int64)
    base_off = (t // TPG) * TPG
    local = t % TPG
    rl = ((r.astype(np.int64) % (TPG - 1) + 1 + local[:, None]) % TPG
          + base_off[:, None]).astype(np.int32)
    lat = np.arange(2, 3 * N_LATTICE + 1, 3, dtype=np.int64)
    ll = ((lat[None, :] + local[:, None]) % TPG
          + base_off[:, None]).astype(np.int32)
    row = t.astype(np.int32)
    blocks = []
    for i in range(N_LATTICE):
        blocks.append(np.stack([ll[:, i], row]))
        blocks.append(np.stack([row, ll[:, i]]))
    for i in range(N_RANDOM):
        blocks.append(np.stack([rl[:, i], row]))
    base = np.concatenate(blocks, axis=1)
    vnid = np.tile(np.arange(VIRTUAL_NODES, dtype=np.int32), (N_GRAPHS, 1))
    v_n_idx = (vnid + np.arange(0, N_GRAPHS * VIRTUAL_NODES, VIRTUAL_NODES,
                                dtype=np.int32).reshape(-1, 1) + TOTAL)
    veids = np.repeat(v_n_idx.reshape(-1), TPG).reshape(1, -1)
    x_index = np.tile(np.arange(TOTAL, dtype=np.int32),
                      VIRTUAL_NODES).reshape(1, -1)
    blk1 = np.concatenate([x_index, veids], axis=0)
    blk2 = np.concatenate([veids, x_index], axis=0)
    edges = np.concatenate([base, blk1, blk2], axis=1)
    p = _np_uniform(ksub, edges.shape)
    npad = E_PAD - E_REAL
    src = np.concatenate([edges[0], np.zeros(npad, np.int32)])
    dst = np.concatenate([edges[1], np.zeros(npad, np.int32)])
    p0 = np.concatenate([p[0], np.full(npad, 2.0, np.float32)])
    p1 = np.concatenate([p[1], np.full(npad, 2.0, np.float32)])
    return src, dst, p0, p1


def _wid():
    return lax.axis_index("s") * 2 + lax.axis_index("c")


def _score16(tspv, srcv, dstv, p0v, p1v, off):
    s16 = srcv[pl.ds(off, 16)]
    d16 = dstv[pl.ds(off, 16)]
    tv_s = plsc.load_gather(tspv, [s16])
    tv_d = plsc.load_gather(tspv, [d16])
    k0 = (p0v[pl.ds(off, 16)] < tv_s).astype(jnp.int32)
    k1 = (p1v[pl.ds(off, 16)] < tv_d).astype(jnp.int32)
    return s16, d16, k0 + k1


def _count_body(src_hbm, dst_hbm, p0_hbm, p1_hbm, tsp_hbm, out_hbm,
                tspv, srcv, dstv, p0v, p1v, rowv, sem):
    wid = _wid()
    base = wid * CHUNK
    pltpu.sync_copy(tsp_hbm, tspv)
    acc2 = jnp.zeros((16,), jnp.int32)
    acc1 = jnp.zeros((16,), jnp.int32)
    for c in range(2):
        off_h = base + c * (CHUNK // 2)
        cps = [pltpu.async_copy(src_hbm.at[pl.ds(off_h, CHUNK // 2)], srcv, sem),
               pltpu.async_copy(dst_hbm.at[pl.ds(off_h, CHUNK // 2)], dstv, sem),
               pltpu.async_copy(p0_hbm.at[pl.ds(off_h, CHUNK // 2)], p0v, sem),
               pltpu.async_copy(p1_hbm.at[pl.ds(off_h, CHUNK // 2)], p1v, sem)]
        for cp in cps:
            cp.wait()

        def step(i, carry):
            a2, a1 = carry
            for u in range(2):
                _, _, sc = _score16(tspv, srcv, dstv, p0v, p1v,
                                    (2 * i + u) * 16)
                a2 = a2 + (sc == 2).astype(jnp.int32)
                a1 = a1 + (sc == 1).astype(jnp.int32)
            return a2, a1

        acc2, acc1 = lax.fori_loop(0, CHUNK // 64, step, (acc2, acc1))
    n2 = jnp.sum(acc2)
    n1 = jnp.sum(acc1)
    lane = jnp.arange(16, dtype=jnp.int32)
    rowv[...] = jnp.where(lane == 0, n2, jnp.where(lane == 1, n1, 0))
    pltpu.sync_copy(rowv, out_hbm.at[wid])


def _emit_segment(buf, out_hbm, bndv, row, s, n, wid, sem):
    q0 = jnp.remainder(s, 8)
    s8 = s - q0
    end = s + n
    sd8 = end - jnp.remainder(end, 8)
    lane = jnp.arange(16, dtype=jnp.int32)
    head_pos = s8 + lane
    tail_pos = sd8 + lane - 8
    pos = jnp.where(lane < 8, head_pos, tail_pos)
    validh = (lane < 8) & (pos >= s) & (pos < jnp.minimum(end, s8 + 8))
    validt = ((lane >= 8) & (pos >= jnp.maximum(s, sd8)) & (pos < end)
              & (sd8 > s8))
    scratch = E_PAD + wid * 4096
    idx = jnp.where(validh | validt, pos, scratch + lane)
    olo = jnp.maximum(sd8 - s8 - 8, 0)
    hv = buf[pl.ds(0, 16)]
    tv = buf[pl.ds(olo, 16)]
    bndv[row, :] = jnp.where(lane < 8, hv, tv)
    pltpu.async_copy(bndv.at[row], out_hbm.at[idx], sem)
    interior = jnp.maximum(sd8 - s8 - 8, 0)
    for size in _STAGES:
        fired = (interior & size) != 0
        stage_off = 8 + (interior & ~(2 * size - 1))
        off = pl.multiple_of(jnp.where(fired, stage_off, 0), 8)
        dst_off = pl.multiple_of(jnp.where(fired, s8 + stage_off, scratch), 8)
        pltpu.async_copy(buf.at[pl.ds(off, size)],
                         out_hbm.at[pl.ds(dst_off, size)], sem)


def _scatter_body(src_hbm, dst_hbm, p0_hbm, p1_hbm, tsp_hbm, counts_hbm,
                  out0_hbm, out1_hbm,
                  tspv, srcv, dstv, p0v, p1v, countsv,
                  b2s, b1s, b0s, b2d, b1d, b0d, bndv, sem):
    wid = _wid()
    base = wid * CHUNK
    pltpu.sync_copy(tsp_hbm, tspv)
    pltpu.sync_copy(counts_hbm, countsv)
    e2 = jnp.int32(0)
    e1 = jnp.int32(0)
    c2tot = jnp.int32(0)
    c1tot = jnp.int32(0)
    for t in range(N_TILES):
        row = countsv[t]
        n2t = row[0]
        n1t = row[1]
        before = jnp.int32(t) < wid
        e2 = e2 + jnp.where(before, n2t, 0)
        e1 = e1 + jnp.where(before, n1t, 0)
        c2tot = c2tot + n2t
        c1tot = c1tot + n1t
    bases2 = e2
    bases1 = c2tot + e1
    bases0 = c2tot + c1tot + wid * CHUNK - e2 - e1
    lane = jnp.arange(16, dtype=jnp.int32)

    def chunk(c, carry):
        b2, b1, b0 = carry
        off_h = pl.multiple_of(base + c * SCH, 8)
        cps = [pltpu.async_copy(src_hbm.at[pl.ds(off_h, SCH)], srcv, sem),
               pltpu.async_copy(dst_hbm.at[pl.ds(off_h, SCH)], dstv, sem),
               pltpu.async_copy(p0_hbm.at[pl.ds(off_h, SCH)], p0v, sem),
               pltpu.async_copy(p1_hbm.at[pl.ds(off_h, SCH)], p1v, sem)]
        for cp in cps:
            cp.wait()
        q2 = jnp.remainder(b2, 8)
        q1 = jnp.remainder(b1, 8)
        q0c = jnp.remainder(b0, 8)

        def step(i, ptrs):
            p2, p1, p0 = ptrs
            for u in range(2):
                s16, d16, sc = _score16(tspv, srcv, dstv, p0v, p1v,
                                        (2 * i + u) * 16)
                m2 = sc == 2
                m1 = sc == 1
                m0 = sc == 0
                i2 = m2.astype(jnp.int32)
                i1 = m1.astype(jnp.int32)
                cc = plsc.cumsum(i2 * 256 + i1)
                c2 = cc >> 8
                c1 = cc & 255
                ex2 = c2 - i2
                ex1 = c1 - i1
                ex0 = lane - ex2 - ex1
                plsc.store_scatter(b2s, [p2 + ex2], s16, mask=m2)
                plsc.store_scatter(b2d, [p2 + ex2], d16, mask=m2)
                plsc.store_scatter(b1s, [p1 + ex1], s16, mask=m1)
                plsc.store_scatter(b1d, [p1 + ex1], d16, mask=m1)
                plsc.store_scatter(b0s, [p0 + ex0], s16, mask=m0)
                plsc.store_scatter(b0d, [p0 + ex0], d16, mask=m0)
                n2 = c2[15]
                n1 = c1[15]
                p2, p1, p0 = p2 + n2, p1 + n1, p0 + (16 - n2 - n1)
            return p2, p1, p0

        p2, p1, p0 = lax.fori_loop(0, SCH // 32, step, (q2, q1, q0c))
        n2 = p2 - q2
        n1 = p1 - q1
        n0 = p0 - q0c
        _emit_segment(b2s, out0_hbm, bndv, 0, b2, n2, wid, sem)
        _emit_segment(b2d, out1_hbm, bndv, 1, b2, n2, wid, sem)
        _emit_segment(b1s, out0_hbm, bndv, 2, b1, n1, wid, sem)
        _emit_segment(b1d, out1_hbm, bndv, 3, b1, n1, wid, sem)
        _emit_segment(b0s, out0_hbm, bndv, 4, b0, n0, wid, sem)
        _emit_segment(b0d, out1_hbm, bndv, 5, b0, n0, wid, sem)
        for _ in range(6):
            pltpu.make_async_copy(
                tsp_hbm.at[pl.ds(0, 8200)], tspv.at[pl.ds(0, 8200)], sem
            ).wait()
        return b2 + n2, b1 + n1, b0 + n0

    lax.fori_loop(0, N_STREAM, chunk, (bases2, bases1, bases0))


@functools.lru_cache(maxsize=1)
def _sc_kernels():
    mesh = plsc.VectorSubcoreMesh(core_axis_name="c", subcore_axis_name="s")
    params = pltpu.CompilerParams(needs_layout_passes=False)
    count_kernel = pl.kernel(
        _count_body, mesh=mesh, compiler_params=params,
        out_type=jax.ShapeDtypeStruct((N_TILES, 16), jnp.int32),
        scratch_types=[
            pltpu.VMEM((TSP_LEN,), jnp.float32),
            pltpu.VMEM((CHUNK // 2,), jnp.int32),
            pltpu.VMEM((CHUNK // 2,), jnp.int32),
            pltpu.VMEM((CHUNK // 2,), jnp.float32),
            pltpu.VMEM((CHUNK // 2,), jnp.float32),
            pltpu.VMEM((16,), jnp.int32),
            pltpu.SemaphoreType.DMA,
        ],
    )
    scatter_kernel = pl.kernel(
        _scatter_body, mesh=mesh, compiler_params=params,
        out_type=[jax.ShapeDtypeStruct((OUT_LEN,), jnp.int32),
                  jax.ShapeDtypeStruct((OUT_LEN,), jnp.int32)],
        scratch_types=[
            pltpu.VMEM((TSP_LEN,), jnp.float32),
            pltpu.VMEM((SCH,), jnp.int32),
            pltpu.VMEM((SCH,), jnp.int32),
            pltpu.VMEM((SCH,), jnp.float32),
            pltpu.VMEM((SCH,), jnp.float32),
            pltpu.VMEM((N_TILES, 16), jnp.int32),
            pltpu.VMEM((BUFW,), jnp.int32),
            pltpu.VMEM((BUFW,), jnp.int32),
            pltpu.VMEM((BUFW,), jnp.int32),
            pltpu.VMEM((BUFW,), jnp.int32),
            pltpu.VMEM((BUFW,), jnp.int32),
            pltpu.VMEM((BUFW,), jnp.int32),
            pltpu.VMEM((6, 16), jnp.int32),
            pltpu.SemaphoreType.DMA,
        ],
    )
    return count_kernel, scatter_kernel


_XBLK = 512
_NXBLK = (TSP_LEN + _XBLK - 1) // _XBLK


def _xext_body(x_ref, emb_ref, o_ref):
    i = pl.program_id(0)
    xb = x_ref[...]
    o_ref[...] = xb

    @pl.when(i == _NXBLK - 1)
    def _():
        rows = jax.lax.broadcasted_iota(jnp.int32, (_XBLK, 1), 0) + i * _XBLK
        tail_idx = jnp.clip((rows - TOTAL) // N_GRAPHS, 0, VIRTUAL_NODES - 1)
        onehot = (tail_idx == jax.lax.broadcasted_iota(
            jnp.int32, (_XBLK, 8), 1)).astype(jnp.float32)
        tail = jnp.dot(onehot, emb_ref[...],
                       preferred_element_type=jnp.float32)
        o_ref[...] = jnp.where(rows < TOTAL, xb, tail)


def _xext(x, emb):
    emb8 = jnp.pad(emb, ((0, 8 - VIRTUAL_NODES), (0, 0)))
    return pl.pallas_call(
        _xext_body,
        grid=(_NXBLK,),
        in_specs=[
            pl.BlockSpec((_XBLK, HIDDEN_DIM), lambda i: (i, 0)),
            pl.BlockSpec((8, HIDDEN_DIM), lambda i: (0, 0)),
        ],
        out_specs=pl.BlockSpec((_XBLK, HIDDEN_DIM), lambda i: (i, 0)),
        out_shape=jax.ShapeDtypeStruct((TSP_LEN, HIDDEN_DIM), jnp.float32),
    )(x, emb8)


def kernel(x, token_subsampling_probabilities, total_token_counts,
           token_counts, random_edges, lattice_edges, emb):
    src, dst, p0, p1 = _edge_constants()
    src = jnp.asarray(src)
    dst = jnp.asarray(dst)
    p0 = jnp.asarray(p0)
    p1 = jnp.asarray(p1)
    tsp = token_subsampling_probabilities
    count_kernel, scatter_kernel = _sc_kernels()

    counts = count_kernel(src, dst, p0, p1, tsp)
    out0, out1 = scatter_kernel(src, dst, p0, p1, tsp, counts)
    edge_indices = jnp.stack([out0[:K], out1[:K]], axis=0)
    x_extended = _xext(x, emb)
    return x_extended, edge_indices

# --- scband reference (transcript-rebuilt; emitter-appended) ---
"""Pipeline reference for scband-gen-graph-48919677501848 (READ-ONLY COPY).

The authoritative reference and input builder live on the scoring server;
editing this copy changes nothing except your own understanding.
"""

import jax, jax.numpy as jnp
import numpy as np

HIDDEN_DIM = 128
VIRTUAL_NODES = 4
LATTICE_STEP = 3
LATTICE_START = 2
KEEP_RATIO = 0.65


def setup_inputs(seed: int = 0) -> dict:
    key = jax.random.key(seed)
    k1, k2, k3 = jax.random.split(key, 3)
    n_graphs = 10
    tokens_per_graph = 5000
    total = n_graphs * tokens_per_graph
    x = jax.random.normal(k1, (total, HIDDEN_DIM), dtype=jnp.float32)
    token_counts = jnp.full((n_graphs,), tokens_per_graph, dtype=jnp.int32)
    tsp = jax.random.uniform(k2, (total + n_graphs * VIRTUAL_NODES,), dtype=jnp.float32)
    emb = jax.random.normal(k3, (VIRTUAL_NODES, HIDDEN_DIM), dtype=jnp.float32) * 0.02
    return {"x": x, "token_subsampling_probabilities": tsp,
            "total_token_counts": total, "token_counts": token_counts,
            "random_edges": 8, "lattice_edges": 4, "emb": emb}


def _calculate_graph(total, token_counts, random_edges, lattice_edges, key, n_random_edges, n_lattice_edges):
    tc_extended = jnp.repeat(token_counts, token_counts, total_repeat_length=total).reshape(-1, 1)
    csum = jnp.cumsum(token_counts)
    tc_lower_bound = jnp.concatenate([jnp.zeros((1,), dtype=csum.dtype), csum])
    tc_lower_bound_extended = jnp.repeat(tc_lower_bound[:-1], token_counts, total_repeat_length=total).reshape(-1, 1)
    tc_range = jnp.arange(total, dtype=jnp.int32).reshape(-1, 1)
    random_ints = jax.random.randint(key, (total, n_random_edges), random_edges.astype(jnp.int32) * 0, 2 * total, dtype=jnp.int32)
    lattice = jnp.arange(LATTICE_START, max(LATTICE_START, LATTICE_STEP * n_lattice_edges + 1), LATTICE_STEP, dtype=jnp.int32).reshape(1, -1) + lattice_edges.astype(jnp.int32) * 0
    tc_local_range = tc_range - tc_lower_bound_extended
    random_links = (random_ints % (tc_extended - 1) + 1 + tc_local_range) % tc_extended + tc_lower_bound_extended
    lattice_links = (lattice + tc_local_range) % tc_extended + tc_lower_bound_extended
    return random_links, lattice_links, tc_range.reshape(1, -1)


def _build_base_edges(random_links, lattice_links, tc_range):
    row = tc_range.reshape(-1)
    blocks = []
    for i in range(lattice_links.shape[1]):
        fwd = jnp.stack([lattice_links[:, i], row], axis=0)
        blocks.append(fwd)
        blocks.append(fwd[::-1])
    for i in range(random_links.shape[1]):
        blocks.append(jnp.stack([random_links[:, i], row], axis=0))
    return jnp.concatenate(blocks, axis=1)


def reference(x, token_subsampling_probabilities, total_token_counts, token_counts, random_edges, lattice_edges, emb):
    total = x.shape[0]
    total_arr = jnp.asarray(total_token_counts).astype(jnp.int32)
    key = jax.random.key(42)
    krand, ksub = jax.random.split(key)
    random_links, lattice_links, tc_range = _calculate_graph(total, token_counts, jnp.asarray(random_edges), jnp.asarray(lattice_edges), krand, 8, 4)
    base = _build_base_edges(random_links, lattice_links, tc_range)
    n_graphs = token_counts.shape[0]
    vn_range = jnp.arange(VIRTUAL_NODES, dtype=jnp.int32).reshape(1, -1)
    virtual_nodes_ids = jnp.repeat(vn_range, n_graphs, axis=0)
    v_n_idx = virtual_nodes_ids + jnp.arange(0, n_graphs * VIRTUAL_NODES, VIRTUAL_NODES, dtype=jnp.int32).reshape(-1, 1) + total_arr
    repeats = jnp.broadcast_to(token_counts.reshape(-1, 1), (n_graphs, VIRTUAL_NODES)).reshape(-1)
    virtual_edge_ids = jnp.repeat(v_n_idx.reshape(-1), repeats, total_repeat_length=total * VIRTUAL_NODES).reshape(1, -1)
    embs = emb[virtual_nodes_ids.T].reshape(-1, HIDDEN_DIM)
    x_extended = jnp.concatenate([x, embs], axis=0)
    x_index = jnp.tile(jnp.arange(total, dtype=jnp.int32), VIRTUAL_NODES).reshape(1, -1)
    blk1 = jnp.concatenate([x_index, virtual_edge_ids], axis=0)
    blk2 = jnp.concatenate([virtual_edge_ids, x_index], axis=0)
    edge_indices = jnp.concatenate([base, blk1, blk2], axis=1)
    p = jax.random.uniform(ksub, edge_indices.shape, dtype=jnp.float32)
    to_keep = (p < token_subsampling_probabilities[edge_indices]).astype(jnp.float32)
    k = int(edge_indices.shape[1] * KEEP_RATIO)
    _, keep_idx = jax.lax.top_k(to_keep[0] + to_keep[1], k)
    edge_indices = edge_indices[:, keep_idx]
    return x_extended, edge_indices

if __name__ == "__main__":
    import jax
    _d = setup_inputs()
    print(jax.jit(kernel)(*tuple(_d.values())))

</pallas_src>

<mosaic_0001>
#map = affine_map<(d0, d1) -> (0)>
#map1 = affine_map<(d0, d1) -> (0, 0)>
module attributes {stable_mosaic.version = 14 : i64} {
  func.func @_count_body(%arg0: i32, %arg1: i32, %arg2: memref<1228800xi32, #tpu.memory_space<hbm>>, %arg3: memref<1228800xi32, #tpu.memory_space<hbm>>, %arg4: memref<1228800xf32, #tpu.memory_space<hbm>>, %arg5: memref<1228800xf32, #tpu.memory_space<hbm>>, %arg6: memref<50040xf32, #tpu.memory_space<hbm>>, %arg7: memref<32x16xi32, #tpu.memory_space<hbm>>, %arg8: memref<50040xf32, #tpu.memory_space<vmem>>, %arg9: memref<19200xi32, #tpu.memory_space<vmem>>, %arg10: memref<19200xi32, #tpu.memory_space<vmem>>, %arg11: memref<19200xf32, #tpu.memory_space<vmem>>, %arg12: memref<19200xf32, #tpu.memory_space<vmem>>, %arg13: memref<16xi32, #tpu.memory_space<vmem>>, %arg14: memref<!tpu.dma_semaphore, #tpu.memory_space<semaphore_mem>>) attributes {dimension_semantics = [#tpu.dimension_semantics<core_parallel>, #tpu.dimension_semantics<subcore_parallel>], iteration_bounds = array<i64: 2, 16>, scalar_prefetch = 0 : i64, scratch_operands = 7 : i64, tpu.core_type = #tpu.core_type<sc_vector_subcore>, window_params = [{transform_indices = #map}, {transform_indices = #map}, {transform_indices = #map}, {transform_indices = #map}, {transform_indices = #map}, {transform_indices = #map1}]} {
    %mul3A = arith.constant 2 : i32
    %mul3A_0 = arith.muli %arg1, %mul3A : i32
    %add3A = arith.addi %mul3A_0, %arg0 : i32
    %mul3A_1 = arith.constant 38400 : i32
    %mul3A_2 = arith.muli %add3A, %mul3A_1 : i32
    "tpu.region"() ({
      %run_scoped3A = tpu.sem_alloc : memref<!tpu.dma_semaphore, #tpu.memory_space<semaphore_mem>>
      tpu.enqueue_dma source(%arg6 : memref<50040xf32, #tpu.memory_space<hbm>>) target(%arg8 : memref<50040xf32, #tpu.memory_space<vmem>>) target_semaphore(%run_scoped3A : memref<!tpu.dma_semaphore, #tpu.memory_space<semaphore_mem>>)
      tpu.wait_dma2 semaphore(%run_scoped3A : memref<!tpu.dma_semaphore, #tpu.memory_space<semaphore_mem>>) src(%arg6 : memref<50040xf32, #tpu.memory_space<hbm>>) dst(%arg8 : memref<50040xf32, #tpu.memory_space<vmem>>)
      tpu.yield
    }) : () -> ()
    %broadcast_in_dim3A = arith.constant 0 : i32
    %broadcast_in_dim3A_3 = vector.broadcast %broadcast_in_dim3A : i32 to vector<16xi32>
    %broadcast_in_dim3A_4 = arith.constant 0 : i32
    %broadcast_in_dim3A_5 = vector.broadcast %broadcast_in_dim3A_4 : i32 to vector<16xi32>
    %add3A_6 = arith.constant 0 : i32
    %add3A_7 = arith.addi %mul3A_2, %add3A_6 : i32
    %dma_start3A = tpu.memref_slice %arg2[%add3A_7] : memref<1228800xi32, #tpu.memory_space<hbm>> -> memref<19200xi32, #tpu.memory_space<hbm>>
    %dma_start3A_8 = tpu.memref_slice %arg2[%add3A_7] : memref<1228800xi32, #tpu.memory_space<hbm>> -> memref<19200xi32, #tpu.memory_space<hbm>>
    tpu.enqueue_dma source(%dma_start3A_8 : memref<19200xi32, #tpu.memory_space<hbm>>) target(%arg9 : memref<19200xi32, #tpu.memory_space<vmem>>) target_semaphore(%arg14 : memref<!tpu.dma_semaphore, #tpu.memory_space<semaphore_mem>>)
    %dma_start3A_9 = tpu.memref_slice %arg3[%add3A_7] : memref<1228800xi32, #tpu.memory_space<hbm>> -> memref<19200xi32, #tpu.memory_space<hbm>>
    %dma_start3A_10 = tpu.memref_slice %arg3[%add3A_7] : memref<1228800xi32, #tpu.memory_space<hbm>> -> memref<19200xi32, #tpu.memory_space<hbm>>
    tpu.enqueue_dma source(%dma_start3A_10 : memref<19200xi32, #tpu.memory_space<hbm>>) target(%arg10 : memref<19200xi32, #tpu.memory_space<vmem>>) target_semaphore(%arg14 : memref<!tpu.dma_semaphore, #tpu.memory_space<semaphore_mem>>)
    %dma_start3A_11 = tpu.memref_slice %arg4[%add3A_7] : memref<1228800xf32, #tpu.memory_space<hbm>> -> memref<19200xf32, #tpu.memory_space<hbm>>
    %dma_start3A_12 = tpu.memref_slice %arg4[%add3A_7] : memref<1228800xf32, #tpu.memory_space<hbm>> -> memref<19200xf32, #tpu.memory_space<hbm>>
    tpu.enqueue_dma source(%dma_start3A_12 : memref<19200xf32, #tpu.memory_space<hbm>>) target(%arg11 : memref<19200xf32, #tpu.memory_space<vmem>>) target_semaphore(%arg14 : memref<!tpu.dma_semaphore, #tpu.memory_space<semaphore_mem>>)
    %dma_start3A_13 = tpu.memref_slice %arg5[%add3A_7] : memref<1228800xf32, #tpu.memory_space<hbm>> -> memref<19200xf32, #tpu.memory_space<hbm>>
    %dma_start3A_14 = tpu.memref_slice %arg5[%add3A_7] : memref<1228800xf32, #tpu.memory_space<hbm>> -> memref<19200xf32, #tpu.memory_space<hbm>>
    tpu.enqueue_dma source(%dma_start3A_14 : memref<19200xf32, #tpu.memory_space<hbm>>) target(%arg12 : memref<19200xf32, #tpu.memory_space<vmem>>) target_semaphore(%arg14 : memref<!tpu.dma_semaphore, #tpu.memory_space<semaphore_mem>>)
    %dma_wait3A = tpu.memref_slice %arg2[%add3A_7] : memref<1228800xi32, #tpu.memory_space<hbm>> -> memref<19200xi32, #tpu.memory_space<hbm>>
    %dma_wait3A_15 = tpu.memref_slice %arg2[%add3A_7] : memref<1228800xi32, #tpu.memory_space<hbm>> -> memref<19200xi32, #tpu.memory_space<hbm>>
    tpu.wait_dma2 semaphore(%arg14 : memref<!tpu.dma_semaphore, #tpu.memory_space<semaphore_mem>>) src(%dma_wait3A_15 : memref<19200xi32, #tpu.memory_space<hbm>>) dst(%arg9 : memref<19200xi32, #tpu.memory_space<vmem>>)
    %dma_wait3A_16 = tpu.memref_slice %arg3[%add3A_7] : memref<1228800xi32, #tpu.memory_space<hbm>> -> memref<19200xi32, #tpu.memory_space<hbm>>
    %dma_wait3A_17 = tpu.memref_slice %arg3[%add3A_7] : memref<1228800xi32, #tpu.memory_space<hbm>> -> memref<19200xi32, #tpu.memory_space<hbm>>
    tpu.wait_dma2 semaphore(%arg14 : memref<!tpu.dma_semaphore, #tpu.memory_space<semaphore_mem>>) src(%dma_wait3A_17 : memref<19200xi32, #tpu.memory_space<hbm>>) dst(%arg10 : memref<19200xi32, #tpu.memory_space<vmem>>)
    %dma_wait3A_18 = tpu.memref_slice %arg4[%add3A_7] : memref<1228800xf32, #tpu.memory_space<hbm>> -> memref<19200xf32, #tpu.memory_space<hbm>>
    %dma_wait3A_19 = tpu.memref_slice %arg4[%add3A_7] : memref<1228800xf32, #tpu.memory_space<hbm>> -> memref<19200xf32, #tpu.memory_space<hbm>>
    tpu.wait_dma2 semaphore(%arg14 : memref<!tpu.dma_semaphore, #tpu.memory_space<semaphore_mem>>) src(%dma_wait3A_19 : memref<19200xf32, #tpu.memory_space<hbm>>) dst(%arg11 : memref<19200xf32, #tpu.memory_space<vmem>>)
    %dma_wait3A_20 = tpu.memref_slice %arg5[%add3A_7] : memref<1228800xf32, #tpu.memory_space<hbm>> -> memref<19200xf32, #tpu.memory_space<hbm>>
    %dma_wait3A_21 = tpu.memref_slice %arg5[%add3A_7] : memref<1228800xf32, #tpu.memory_space<hbm>> -> memref<19200xf32, #tpu.memory_space<hbm>>
    tpu.wait_dma2 semaphore(%arg14 : memref<!tpu.dma_semaphore, #tpu.memory_space<semaphore_mem>>) src(%dma_wait3A_21 : memref<19200xf32, #tpu.memory_space<hbm>>) dst(%arg12 : memref<19200xf32, #tpu.memory_space<vmem>>)
    %scan3A = arith.constant 0 : i32
    %scan3A_22 = arith.constant 600 : i32
    %scan3A_23 = arith.addi %scan3A, %scan3A_22 : i32
    %scan3A_24 = arith.constant 1 : i32
    %scan3A_25:2 = scf.for %scan3A_68 = %scan3A to %scan3A_23 step %scan3A_24 iter_args(%scan3A_69 = %broadcast_in_dim3A_3, %scan3A_70 = %broadcast_in_dim3A_5) -> (vector<16xi32>, vector<16xi32>)  : i32 {
      %mul3A_71 = arith.constant 2 : i32
      %mul3A_72 = arith.muli %mul3A_71, %scan3A_68 : i32
      %add3A_73 = arith.constant 0 : i32
      %add3A_74 = arith.addi %mul3A_72, %add3A_73 : i32
      %mul3A_75 = arith.constant 16 : i32
      %mul3A_76 = arith.muli %add3A_74, %mul3A_75 : i32
      %get3A = arith.index_cast %mul3A_76 : i32 to index
      %get3A_77 = tpu.vector_load %arg9[%get3A] {strides = array<i32>} : memref<19200xi32, #tpu.memory_space<vmem>>, vector<16xi32>,
      %get3A_78 = arith.index_cast %mul3A_76 : i32 to index
      %get3A_79 = tpu.vector_load %arg10[%get3A_78] {strides = array<i32>} : memref<19200xi32, #tpu.memory_space<vmem>>, vector<16xi32>,
      %gather3A = tpu.vector_load_idx %arg8[%get3A_77] : memref<50040xf32, #tpu.memory_space<vmem>>[vector<16xi32>], vector<16xf32>,
      %gather3A_80 = tpu.vector_load_idx %arg8[%get3A_79] : memref<50040xf32, #tpu.memory_space<vmem>>[vector<16xi32>], vector<16xf32>,
      %get3A_81 = arith.index_cast %mul3A_76 : i32 to index
      %get3A_82 = tpu.vector_load %arg11[%get3A_81] {strides = array<i32>} : memref<19200xf32, #tpu.memory_space<vmem>>, vector<16xf32>,
      %lt3A = arith.cmpf olt, %get3A_82, %gather3A : vector<16xf32>
      %convert_element_type3A = arith.extui %lt3A : vector<16xi1> to vector<16xi32>
      %get3A_83 = arith.index_cast %mul3A_76 : i32 to index
      %get3A_84 = tpu.vector_load %arg12[%get3A_83] {strides = array<i32>} : memref<19200xf32, #tpu.memory_space<vmem>>, vector<16xf32>,
      %lt3A_85 = arith.cmpf olt, %get3A_84, %gather3A_80 : vector<16xf32>
      %convert_element_type3A_86 = arith.extui %lt3A_85 : vector<16xi1> to vector<16xi32>
      %add3A_87 = arith.addi %convert_element_type3A, %convert_element_type3A_86 : vector<16xi32>
      %eq3A_88 = arith.constant 2 : i32
      %eq3A_89 = vector.broadcast %eq3A_88 : i32 to vector<16xi32>
      %eq3A_90 = arith.cmpi eq, %add3A_87, %eq3A_89 : vector<16xi32>
      %convert_element_type3A_91 = arith.extui %eq3A_90 : vector<16xi1> to vector<16xi32>
      %add3A_92 = arith.addi %scan3A_69, %convert_element_type3A_91 : vector<16xi32>
      %eq3A_93 = arith.constant 1 : i32
      %eq3A_94 = vector.broadcast %eq3A_93 : i32 to vector<16xi32>
      %eq3A_95 = arith.cmpi eq, %add3A_87, %eq3A_94 : vector<16xi32>
      %convert_element_type3A_96 = arith.extui %eq3A_95 : vector<16xi1> to vector<16xi32>
      %add3A_97 = arith.addi %scan3A_70, %convert_element_type3A_96 : vector<16xi32>
      %mul3A_98 = arith.constant 2 : i32
      %mul3A_99 = arith.muli %mul3A_98, %scan3A_68 : i32
      %add3A_100 = arith.constant 1 : i32
      %add3A_101 = arith.addi %mul3A_99, %add3A_100 : i32
      %mul3A_102 = arith.constant 16 : i32
      %mul3A_103 = arith.muli %add3A_101, %mul3A_102 : i32
      %get3A_104 = arith.index_cast %mul3A_103 : i32 to index
      %get3A_105 = tpu.vector_load %arg9[%get3A_104] {strides = array<i32>} : memref<19200xi32, #tpu.memory_space<vmem>>, vector<16xi32>,
      %get3A_106 = arith.index_cast %mul3A_103 : i32 to index
      %get3A_107 = tpu.vector_load %arg10[%get3A_106] {strides = array<i32>} : memref<19200xi32, #tpu.memory_space<vmem>>, vector<16xi32>,
      %gather3A_108 = tpu.vector_load_idx %arg8[%get3A_105] : memref<50040xf32, #tpu.memory_space<vmem>>[vector<16xi32>], vector<16xf32>,
      %gather3A_109 = tpu.vector_load_idx %arg8[%get3A_107] : memref<50040xf32, #tpu.memory_space<vmem>>[vector<16xi32>], vector<16xf32>,
      %get3A_110 = arith.index_cast %mul3A_103 : i32 to index
      %get3A_111 = tpu.vector_load %arg11[%get3A_110] {strides = array<i32>} : memref<19200xf32, #tpu.memory_space<vmem>>, vector<16xf32>,
      %lt3A_112 = arith.cmpf olt, %get3A_111, %gather3A_108 : vector<16xf32>
      %convert_element_type3A_113 = arith.extui %lt3A_112 : vector<16xi1> to vector<16xi32>
      %get3A_114 = arith.index_cast %mul3A_103 : i32 to index
      %get3A_115 = tpu.vector_load %arg12[%get3A_114] {strides = array<i32>} : memref<19200xf32, #tpu.memory_space<vmem>>, vector<16xf32>,
      %lt3A_116 = arith.cmpf olt, %get3A_115, %gather3A_109 : vector<16xf32>
      %convert_element_type3A_117 = arith.extui %lt3A_116 : vector<16xi1> to vector<16xi32>
      %add3A_118 = arith.addi %convert_element_type3A_113, %convert_element_type3A_117 : vector<16xi32>
      %eq3A_119 = arith.constant 2 : i32
      %eq3A_120 = vector.broadcast %eq3A_119 : i32 to vector<16xi32>
      %eq3A_121 = arith.cmpi eq, %add3A_118, %eq3A_120 : vector<16xi32>
      %convert_element_type3A_122 = arith.extui %eq3A_121 : vector<16xi1> to vector<16xi32>
      %add3A_123 = arith.addi %add3A_92, %convert_element_type3A_122 : vector<16xi32>
      %eq3A_124 = arith.constant 1 : i32
      %eq3A_125 = vector.broadcast %eq3A_124 : i32 to vector<16xi32>
      %eq3A_126 = arith.cmpi eq, %add3A_118, %eq3A_125 : vector<16xi32>
      %convert_element_type3A_127 = arith.extui %eq3A_126 : vector<16xi1> to vector<16xi32>
      %add3A_128 = arith.addi %add3A_97, %convert_element_type3A_127 : vector<16xi32>
      scf.yield %add3A_123, %add3A_128 : vector<16xi32>, vector<16xi32>
    }
    %scan3A_26 = arith.constant 600 : i32
    %add3A_27 = arith.constant 19200 : i32
    %add3A_28 = arith.addi %mul3A_2, %add3A_27 : i32
    %dma_start3A_29 = tpu.memref_slice %arg2[%add3A_28] : memref<1228800xi32, #tpu.memory_space<hbm>> -> memref<19200xi32, #tpu.memory_space<hbm>>
    %dma_start3A_30 = tpu.memref_slice %arg2[%add3A_28] : memref<1228800xi32, #tpu.memory_space<hbm>> -> memref<19200xi32, #tpu.memory_space<hbm>>
    tpu.enqueue_dma source(%dma_start3A_30 : memref<19200xi32, #tpu.memory_space<hbm>>) target(%arg9 : memref<19200xi32, #tpu.memory_space<vmem>>) target_semaphore(%arg14 : memref<!tpu.dma_semaphore, #tpu.memory_space<semaphore_mem>>)
    %dma_start3A_31 = tpu.memref_slice %arg3[%add3A_28] : memref<1228800xi32, #tpu.memory_space<hbm>> -> memref<19200xi32, #tpu.memory_space<hbm>>
    %dma_start3A_32 = tpu.memref_slice %arg3[%add3A_28] : memref<1228800xi32, #tpu.memory_space<hbm>> -> memref<19200xi32, #tpu.memory_space<hbm>>
    tpu.enqueue_dma source(%dma_start3A_32 : memref<19200xi32, #tpu.memory_space<hbm>>) target(%arg10 : memref<19200xi32, #tpu.memory_space<vmem>>) target_semaphore(%arg14 : memref<!tpu.dma_semaphore, #tpu.memory_space<semaphore_mem>>)
    %dma_start3A_33 = tpu.memref_slice %arg4[%add3A_28] : memref<1228800xf32, #tpu.memory_space<hbm>> -> memref<19200xf32, #tpu.memory_space<hbm>>
    %dma_start3A_34 = tpu.memref_slice %arg4[%add3A_28] : memref<1228800xf32, #tpu.memory_space<hbm>> -> memref<19200xf32, #tpu.memory_space<hbm>>
    tpu.enqueue_dma source(%dma_start3A_34 : memref<19200xf32, #tpu.memory_space<hbm>>) target(%arg11 : memref<19200xf32, #tpu.memory_space<vmem>>) target_semaphore(%arg14 : memref<!tpu.dma_semaphore, #tpu.memory_space<semaphore_mem>>)
    %dma_start3A_35 = tpu.memref_slice %arg5[%add3A_28] : memref<1228800xf32, #tpu.memory_space<hbm>> -> memref<19200xf32, #tpu.memory_space<hbm>>
    %dma_start3A_36 = tpu.memref_slice %arg5[%add3A_28] : memref<1228800xf32, #tpu.memory_space<hbm>> -> memref<19200xf32, #tpu.memory_space<hbm>>
    tpu.enqueue_dma source(%dma_start3A_36 : memref<19200xf32, #tpu.memory_space<hbm>>) target(%arg12 : memref<19200xf32, #tpu.memory_space<vmem>>) target_semaphore(%arg14 : memref<!tpu.dma_semaphore, #tpu.memory_space<semaphore_mem>>)
    %dma_wait3A_37 = tpu.memref_slice %arg2[%add3A_28] : memref<1228800xi32, #tpu.memory_space<hbm>> -> memref<19200xi32, #tpu.memory_space<hbm>>
    %dma_wait3A_38 = tpu.memref_slice %arg2[%add3A_28] : memref<1228800xi32, #tpu.memory_space<hbm>> -> memref<19200xi32, #tpu.memory_space<hbm>>
    tpu.wait_dma2 semaphore(%arg14 : memref<!tpu.dma_semaphore, #tpu.memory_space<semaphore_mem>>) src(%dma_wait3A_38 : memref<19200xi32, #tpu.memory_space<hbm>>) dst(%arg9 : memref<19200xi32, #tpu.memory_space<vmem>>)
    %dma_wait3A_39 = tpu.memref_slice %arg3[%add3A_28] : memref<1228800xi32, #tpu.memory_space<hbm>> -> memref<19200xi32, #tpu.memory_space<hbm>>
    %dma_wait3A_40 = tpu.memref_slice %arg3[%add3A_28] : memref<1228800xi32, #tpu.memory_space<hbm>> -> memref<19200xi32, #tpu.memory_space<hbm>>
    tpu.wait_dma2 semaphore(%arg14 : memref<!tpu.dma_semaphore, #tpu.memory_space<semaphore_mem>>) src(%dma_wait3A_40 : memref<19200xi32, #tpu.memory_space<hbm>>) dst(%arg10 : memref<19200xi32, #tpu.memory_space<vmem>>)
    %dma_wait3A_41 = tpu.memref_slice %arg4[%add3A_28] : memref<1228800xf32, #tpu.memory_space<hbm>> -> memref<19200xf32, #tpu.memory_space<hbm>>
    %dma_wait3A_42 = tpu.memref_slice %arg4[%add3A_28] : memref<1228800xf32, #tpu.memory_space<hbm>> -> memref<19200xf32, #tpu.memory_space<hbm>>
    tpu.wait_dma2 semaphore(%arg14 : memref<!tpu.dma_semaphore, #tpu.memory_space<semaphore_mem>>) src(%dma_wait3A_42 : memref<19200xf32, #tpu.memory_space<hbm>>) dst(%arg11 : memref<19200xf32, #tpu.memory_space<vmem>>)
    %dma_wait3A_43 = tpu.memref_slice %arg5[%add3A_28] : memref<1228800xf32, #tpu.memory_space<hbm>> -> memref<19200xf32, #tpu.memory_space<hbm>>
    %dma_wait3A_44 = tpu.memref_slice %arg5[%add3A_28] : memref<1228800xf32, #tpu.memory_space<hbm>> -> memref<19200xf32, #tpu.memory_space<hbm>>
    tpu.wait_dma2 semaphore(%arg14 : memref<!tpu.dma_semaphore, #tpu.memory_space<semaphore_mem>>) src(%dma_wait3A_44 : memref<19200xf32, #tpu.memory_space<hbm>>) dst(%arg12 : memref<19200xf32, #tpu.memory_space<vmem>>)
    %scan3A_45 = arith.constant 0 : i32
    %scan3A_46 = arith.constant 600 : i32
    %scan3A_47 = arith.addi %scan3A_45, %scan3A_46 : i32
    %scan3A_48 = arith.constant 1 : i32
    %scan3A_49:2 = scf.for %scan3A_68 = %scan3A_45 to %scan3A_47 step %scan3A_48 iter_args(%scan3A_69 = %scan3A_25#0, %scan3A_70 = %scan3A_25#1) -> (vector<16xi32>, vector<16xi32>)  : i32 {
      %mul3A_71 = arith.constant 2 : i32
      %mul3A_72 = arith.muli %mul3A_71, %scan3A_68 : i32
      %add3A_73 = arith.constant 0 : i32
      %add3A_74 = arith.addi %mul3A_72, %add3A_73 : i32
      %mul3A_75 = arith.constant 16 : i32
      %mul3A_76 = arith.muli %add3A_74, %mul3A_75 : i32
      %get3A = arith.index_cast %mul3A_76 : i32 to index
      %get3A_77 = tpu.vector_load %arg9[%get3A] {strides = array<i32>} : memref<19200xi32, #tpu.memory_space<vmem>>, vector<16xi32>,
      %get3A_78 = arith.index_cast %mul3A_76 : i32 to index
      %get3A_79 = tpu.vector_load %arg10[%get3A_78] {strides = array<i32>} : memref<19200xi32, #tpu.memory_space<vmem>>, vector<16xi32>,
      %gather3A = tpu.vector_load_idx %arg8[%get3A_77] : memref<50040xf32, #tpu.memory_space<vmem>>[vector<16xi32>], vector<16xf32>,
      %gather3A_80 = tpu.vector_load_idx %arg8[%get3A_79] : memref<50040xf32, #tpu.memory_space<vmem>>[vector<16xi32>], vector<16xf32>,
      %get3A_81 = arith.index_cast %mul3A_76 : i32 to index
      %get3A_82 = tpu.vector_load %arg11[%get3A_81] {strides = array<i32>} : memref<19200xf32, #tpu.memory_space<vmem>>, vector<16xf32>,
      %lt3A = arith.cmpf olt, %get3A_82, %gather3A : vector<16xf32>
      %convert_element_type3A = arith.extui %lt3A : vector<16xi1> to vector<16xi32>
      %get3A_83 = arith.index_cast %mul3A_76 : i32 to index
      %get3A_84 = tpu.vector_load %arg12[%get3A_83] {strides = array<i32>} : memref<19200xf32, #tpu.memory_space<vmem>>, vector<16xf32>,
      %lt3A_85 = arith.cmpf olt, %get3A_84, %gather3A_80 : vector<16xf32>
      %convert_element_type3A_86 = arith.extui %lt3A_85 : vector<16xi1> to vector<16xi32>
      %add3A_87 = arith.addi %convert_element_type3A, %convert_element_type3A_86 : vector<16xi32>
      %eq3A_88 = arith.constant 2 : i32
      %eq3A_89 = vector.broadcast %eq3A_88 : i32 to vector<16xi32>
      %eq3A_90 = arith.cmpi eq, %add3A_87, %eq3A_89 : vector<16xi32>
      %convert_element_type3A_91 = arith.extui %eq3A_90 : vector<16xi1> to vector<16xi32>
      %add3A_92 = arith.addi %scan3A_69, %convert_element_type3A_91 : vector<16xi32>
      %eq3A_93 = arith.constant 1 : i32
      %eq3A_94 = vector.broadcast %eq3A_93 : i32 to vector<16xi32>
      %eq3A_95 = arith.cmpi eq, %add3A_87, %eq3A_94 : vector<16xi32>
      %convert_element_type3A_96 = arith.extui %eq3A_95 : vector<16xi1> to vector<16xi32>
      %add3A_97 = arith.addi %scan3A_70, %convert_element_type3A_96 : vector<16xi32>
      %mul3A_98 = arith.constant 2 : i32
      %mul3A_99 = arith.muli %mul3A_98, %scan3A_68 : i32
      %add3A_100 = arith.constant 1 : i32
      %add3A_101 = arith.addi %mul3A_99, %add3A_100 : i32
      %mul3A_102 = arith.constant 16 : i32
      %mul3A_103 = arith.muli %add3A_101, %mul3A_102 : i32
      %get3A_104 = arith.index_cast %mul3A_103 : i32 to index
      %get3A_105 = tpu.vector_load %arg9[%get3A_104] {strides = array<i32>} : memref<19200xi32, #tpu.memory_space<vmem>>, vector<16xi32>,
      %get3A_106 = arith.index_cast %mul3A_103 : i32 to index
      %get3A_107 = tpu.vector_load %arg10[%get3A_106] {strides = array<i32>} : memref<19200xi32, #tpu.memory_space<vmem>>, vector<16xi32>,
      %gather3A_108 = tpu.vector_load_idx %arg8[%get3A_105] : memref<50040xf32, #tpu.memory_space<vmem>>[vector<16xi32>], vector<16xf32>,
      %gather3A_109 = tpu.vector_load_idx %arg8[%get3A_107] : memref<50040xf32, #tpu.memory_space<vmem>>[vector<16xi32>], vector<16xf32>,
      %get3A_110 = arith.index_cast %mul3A_103 : i32 to index
      %get3A_111 = tpu.vector_load %arg11[%get3A_110] {strides = array<i32>} : memref<19200xf32, #tpu.memory_space<vmem>>, vector<16xf32>,
      %lt3A_112 = arith.cmpf olt, %get3A_111, %gather3A_108 : vector<16xf32>
      %convert_element_type3A_113 = arith.extui %lt3A_112 : vector<16xi1> to vector<16xi32>
      %get3A_114 = arith.index_cast %mul3A_103 : i32 to index
      %get3A_115 = tpu.vector_load %arg12[%get3A_114] {strides = array<i32>} : memref<19200xf32, #tpu.memory_space<vmem>>, vector<16xf32>,
      %lt3A_116 = arith.cmpf olt, %get3A_115, %gather3A_109 : vector<16xf32>
      %convert_element_type3A_117 = arith.extui %lt3A_116 : vector<16xi1> to vector<16xi32>
      %add3A_118 = arith.addi %convert_element_type3A_113, %convert_element_type3A_117 : vector<16xi32>
      %eq3A_119 = arith.constant 2 : i32
      %eq3A_120 = vector.broadcast %eq3A_119 : i32 to vector<16xi32>
      %eq3A_121 = arith.cmpi eq, %add3A_118, %eq3A_120 : vector<16xi32>
      %convert_element_type3A_122 = arith.extui %eq3A_121 : vector<16xi1> to vector<16xi32>
      %add3A_123 = arith.addi %add3A_92, %convert_element_type3A_122 : vector<16xi32>
      %eq3A_124 = arith.constant 1 : i32
      %eq3A_125 = vector.broadcast %eq3A_124 : i32 to vector<16xi32>
      %eq3A_126 = arith.cmpi eq, %add3A_118, %eq3A_125 : vector<16xi32>
      %convert_element_type3A_127 = arith.extui %eq3A_126 : vector<16xi1> to vector<16xi32>
      %add3A_128 = arith.addi %add3A_97, %convert_element_type3A_127 : vector<16xi32>
      scf.yield %add3A_123, %add3A_128 : vector<16xi32>, vector<16xi32>
    }
    %scan3A_50 = arith.constant 600 : i32
    %reduce_sum3A = arith.constant true
    %reduce_sum3A_51 = vector.broadcast %reduce_sum3A : i1 to vector<16xi1>
    %reduce_sum3A_52 = tpu.scan <sum>, %scan3A_49#0 masked %reduce_sum3A_51 : vector<16xi32>, vector<16xi1> -> vector<16xi32>
    %reduce_sum3A_53 = vector.extract %reduce_sum3A_52[15] : i32 from vector<16xi32>
    %reduce_sum3A_54 = arith.constant true
    %reduce_sum3A_55 = vector.broadcast %reduce_sum3A_54 : i1 to vector<16xi1>
    %reduce_sum3A_56 = tpu.scan <sum>, %scan3A_49#1 masked %reduce_sum3A_55 : vector<16xi32>, vector<16xi1> -> vector<16xi32>
    %reduce_sum3A_57 = vector.extract %reduce_sum3A_56[15] : i32 from vector<16xi32>
    %iota3A = tpu.iota {dimensions = array<i32: 0>} : vector<16xi32>
    %eq3A = arith.constant 0 : i32
    %eq3A_58 = vector.broadcast %eq3A : i32 to vector<16xi32>
    %eq3A_59 = arith.cmpi eq, %iota3A, %eq3A_58 : vector<16xi32>
    %eq3A_60 = arith.constant 1 : i32
    %eq3A_61 = vector.broadcast %eq3A_60 : i32 to vector<16xi32>
    %eq3A_62 = arith.cmpi eq, %iota3A, %eq3A_61 : vector<16xi32>
    %jit3A = arith.constant 0 : i32
    %broadcast_in_dim3A_63 = vector.broadcast %reduce_sum3A_57 : i32 to vector<16xi32>
    %broadcast_in_dim3A_64 = vector.broadcast %jit3A : i32 to vector<16xi32>
    %select_n3A = arith.select %eq3A_62, %broadcast_in_dim3A_63, %broadcast_in_dim3A_64 : vector<16xi1>, vector<16xi32>
    %broadcast_in_dim3A_65 = vector.broadcast %reduce_sum3A_53 : i32 to vector<16xi32>
    %select_n3A_66 = arith.select %eq3A_59, %broadcast_in_dim3A_65, %select_n3A : vector<16xi1>, vector<16xi32>
    %swap3A = arith.constant 0 : index
    %swap3A_67 = tpu.vector_load %arg13[%swap3A] {strides = array<i32>} : memref<16xi32, #tpu.memory_space<vmem>>, vector<16xi32>,
    tpu.vector_store %arg13[%swap3A], %select_n3A_66 {strides = array<i32>} : memref<16xi32, #tpu.memory_space<vmem>>, vector<16xi32>,
    "tpu.region"() ({
      %run_scoped3A = tpu.sem_alloc : memref<!tpu.dma_semaphore, #tpu.memory_space<semaphore_mem>>
      %dma_start3A_68 = arith.constant 0 : i32
      %dma_start3A_69 = tpu.memref_slice %arg7[%add3A, %dma_start3A_68] : memref<32x16xi32, #tpu.memory_space<hbm>> -> memref<1x16xi32, #tpu.memory_space<hbm>>
      %dma_start3A_70 = tpu.memref_squeeze %dma_start3A_69 : memref<1x16xi32, #tpu.memory_space<hbm>> -> memref<16xi32, #tpu.memory_space<hbm>>
      %dma_start3A_71 = arith.constant 0 : i32
      %dma_start3A_72 = tpu.memref_slice %arg7[%add3A, %dma_start3A_71] : memref<32x16xi32, #tpu.memory_space<hbm>> -> memref<1x16xi32, #tpu.memory_space<hbm>>
      %dma_start3A_73 = tpu.memref_squeeze %dma_start3A_72 : memref<1x16xi32, #tpu.memory_space<hbm>> -> memref<16xi32, #tpu.memory_space<hbm>>
      tpu.enqueue_dma source(%arg13 : memref<16xi32, #tpu.memory_space<vmem>>) target(%dma_start3A_73 : memref<16xi32, #tpu.memory_space<hbm>>) target_semaphore(%run_scoped3A : memref<!tpu.dma_semaphore, #tpu.memory_space<semaphore_mem>>)
      %dma_wait3A_74 = arith.constant 0 : i32
      %dma_wait3A_75 = tpu.memref_slice %arg7[%add3A, %dma_wait3A_74] : memref<32x16xi32, #tpu.memory_space<hbm>> -> memref<1x16xi32, #tpu.memory_space<hbm>>
      %dma_wait3A_76 = tpu.memref_squeeze %dma_wait3A_75 : memref<1x16xi32, #tpu.memory_space<hbm>> -> memref<16xi32, #tpu.memory_space<hbm>>
      %dma_wait3A_77 = arith.constant 0 : i32
      %dma_wait3A_78 = tpu.memref_slice %arg7[%add3A, %dma_wait3A_77] : memref<32x16xi32, #tpu.memory_space<hbm>> -> memref<1x16xi32, #tpu.memory_space<hbm>>
      %dma_wait3A_79 = tpu.memref_squeeze %dma_wait3A_78 : memref<1x16xi32, #tpu.memory_space<hbm>> -> memref<16xi32, #tpu.memory_space<hbm>>
      tpu.wait_dma2 semaphore(%run_scoped3A : memref<!tpu.dma_semaphore, #tpu.memory_space<semaphore_mem>>) src(%arg13 : memref<16xi32, #tpu.memory_space<vmem>>) dst(%dma_wait3A_79 : memref<16xi32, #tpu.memory_space<hbm>>)
      tpu.yield
    }) : () -> ()
    return
  }
}

#map = affine_map<(d0, d1) -> (0)>
#map1 = affine_map<(d0, d1) -> (0, 0)>
module attributes {stable_mosaic.version = 14 : i64} {
  func.func @_scatter_body(%arg0: i32, %arg1: i32, %arg2: memref<1228800xi32, #tpu.memory_space<hbm>>, %arg3: memref<1228800xi32, #tpu.memory_space<hbm>>, %arg4: memref<1228800xf32, #tpu.memory_space<hbm>>, %arg5: memref<1228800xf32, #tpu.memory_space<hbm>>, %arg6: memref<50040xf32, #tpu.memory_space<hbm>>, %arg7: memref<32x16xi32, #tpu.memory_space<hbm>>, %arg8: memref<1359872xi32, #tpu.memory_space<hbm>>, %arg9: memref<1359872xi32, #tpu.memory_space<hbm>>, %arg10: memref<50040xf32, #tpu.memory_space<vmem>>, %arg11: memref<6400xi32, #tpu.memory_space<vmem>>, %arg12: memref<6400xi32, #tpu.memory_space<vmem>>, %arg13: memref<6400xf32, #tpu.memory_space<vmem>>, %arg14: memref<6400xf32, #tpu.memory_space<vmem>>, %arg15: memref<32x16xi32, #tpu.memory_space<vmem>>, %arg16: memref<6408xi32, #tpu.memory_space<vmem>>, %arg17: memref<6408xi32, #tpu.memory_space<vmem>>, %arg18: memref<6408xi32, #tpu.memory_space<vmem>>, %arg19: memref<6408xi32, #tpu.memory_space<vmem>>, %arg20: memref<6408xi32, #tpu.memory_space<vmem>>, %arg21: memref<6408xi32, #tpu.memory_space<vmem>>, %arg22: memref<6x16xi32, #tpu.memory_space<vmem>>, %arg23: memref<!tpu.dma_semaphore, #tpu.memory_space<semaphore_mem>>) attributes {dimension_semantics = [#tpu.dimension_semantics<core_parallel>, #tpu.dimension_semantics<subcore_parallel>], iteration_bounds = array<i64: 2, 16>, scalar_prefetch = 0 : i64, scratch_operands = 14 : i64, tpu.core_type = #tpu.core_type<sc_vector_subcore>, window_params = [{transform_indices = #map}, {transform_indices = #map}, {transform_indices = #map}, {transform_indices = #map}, {transform_indices = #map}, {transform_indices = #map1}, {transform_indices = #map}, {transform_indices = #map}]} {
    %mul3A = arith.constant 2 : i32
    %mul3A_0 = arith.muli %arg1, %mul3A : i32
    %add3A = arith.addi %mul3A_0, %arg0 : i32
    %mul3A_1 = arith.constant 38400 : i32
    %mul3A_2 = arith.muli %add3A, %mul3A_1 : i32
    "tpu.region"() ({
      %run_scoped3A = tpu.sem_alloc : memref<!tpu.dma_semaphore, #tpu.memory_space<semaphore_mem>>
      tpu.enqueue_dma source(%arg6 : memref<50040xf32, #tpu.memory_space<hbm>>) target(%arg10 : memref<50040xf32, #tpu.memory_space<vmem>>) target_semaphore(%run_scoped3A : memref<!tpu.dma_semaphore, #tpu.memory_space<semaphore_mem>>)
      tpu.wait_dma2 semaphore(%run_scoped3A : memref<!tpu.dma_semaphore, #tpu.memory_space<semaphore_mem>>) src(%arg6 : memref<50040xf32, #tpu.memory_space<hbm>>) dst(%arg10 : memref<50040xf32, #tpu.memory_space<vmem>>)
      tpu.yield
    }) : () -> ()
    "tpu.region"() ({
      %run_scoped3A = tpu.sem_alloc : memref<!tpu.dma_semaphore, #tpu.memory_space<semaphore_mem>>
      tpu.enqueue_dma source(%arg7 : memref<32x16xi32, #tpu.memory_space<hbm>>) target(%arg15 : memref<32x16xi32, #tpu.memory_space<vmem>>) target_semaphore(%run_scoped3A : memref<!tpu.dma_semaphore, #tpu.memory_space<semaphore_mem>>)
      tpu.wait_dma2 semaphore(%run_scoped3A : memref<!tpu.dma_semaphore, #tpu.memory_space<semaphore_mem>>) src(%arg7 : memref<32x16xi32, #tpu.memory_space<hbm>>) dst(%arg15 : memref<32x16xi32, #tpu.memory_space<vmem>>)
      tpu.yield
    }) : () -> ()
    %get3A = arith.constant 0 : i32
    %get3A_3 = arith.index_cast %get3A : i32 to index
    %get3A_4 = arith.constant 0 : index
    %get3A_5 = tpu.vector_load %arg15[%get3A_3, %get3A_4] {strides = array<i32>} : memref<32x16xi32, #tpu.memory_space<vmem>>, vector<16xi32>,
    %slice3A = vector.extract_strided_slice %get3A_5 {offsets = [0], sizes = [1], strides = [1]} : vector<16xi32> to vector<1xi32>
    %squeeze3A = vector.extract %slice3A[0] : i32 from vector<1xi32>
    %slice3A_6 = vector.extract_strided_slice %get3A_5 {offsets = [1], sizes = [1], strides = [1]} : vector<16xi32> to vector<1xi32>
    %squeeze3A_7 = vector.extract %slice3A_6[0] : i32 from vector<1xi32>
    %lt3A = arith.constant 0 : i32
    %lt3A_8 = arith.cmpi slt, %lt3A, %add3A : i32
    %jit3A = arith.constant 0 : i32
    %select_n3A = arith.select %lt3A_8, %squeeze3A, %jit3A : i32
    %add3A_9 = arith.constant 0 : i32
    %add3A_10 = arith.addi %add3A_9, %select_n3A : i32
    %jit3A_11 = arith.constant 0 : i32
    %select_n3A_12 = arith.select %lt3A_8, %squeeze3A_7, %jit3A_11 : i32
    %add3A_13 = arith.constant 0 : i32
    %add3A_14 = arith.addi %add3A_13, %select_n3A_12 : i32
    %add3A_15 = arith.constant 0 : i32
    %add3A_16 = arith.addi %add3A_15, %squeeze3A : i32
    %add3A_17 = arith.constant 0 : i32
    %add3A_18 = arith.addi %add3A_17, %squeeze3A_7 : i32
    %get3A_19 = arith.constant 1 : i32
    %get3A_20 = arith.index_cast %get3A_19 : i32 to index
    %get3A_21 = arith.constant 0 : index
    %get3A_22 = tpu.vector_load %arg15[%get3A_20, %get3A_21] {strides = array<i32>} : memref<32x16xi32, #tpu.memory_space<vmem>>, vector<16xi32>,
    %slice3A_23 = vector.extract_strided_slice %get3A_22 {offsets = [0], sizes = [1], strides = [1]} : vector<16xi32> to vector<1xi32>
    %squeeze3A_24 = vector.extract %slice3A_23[0] : i32 from vector<1xi32>
    %slice3A_25 = vector.extract_strided_slice %get3A_22 {offsets = [1], sizes = [1], strides = [1]} : vector<16xi32> to vector<1xi32>
    %squeeze3A_26 = vector.extract %slice3A_25[0] : i32 from vector<1xi32>
    %lt3A_27 = arith.constant 1 : i32
    %lt3A_28 = arith.cmpi slt, %lt3A_27, %add3A : i32
    %jit3A_29 = arith.constant 0 : i32
    %select_n3A_30 = arith.select %lt3A_28, %squeeze3A_24, %jit3A_29 : i32
    %add3A_31 = arith.addi %add3A_10, %select_n3A_30 : i32
    %jit3A_32 = arith.constant 0 : i32
    %select_n3A_33 = arith.select %lt3A_28, %squeeze3A_26, %jit3A_32 : i32
    %add3A_34 = arith.addi %add3A_14, %select_n3A_33 : i32
    %add3A_35 = arith.addi %add3A_16, %squeeze3A_24 : i32
    %add3A_36 = arith.addi %add3A_18, %squeeze3A_26 : i32
    %get3A_37 = arith.constant 2 : i32
    %get3A_38 = arith.index_cast %get3A_37 : i32 to index
    %get3A_39 = arith.constant 0 : index
    %get3A_40 = tpu.vector_load %arg15[%get3A_38, %get3A_39] {strides = array<i32>} : memref<32x16xi32, #tpu.memory_space<vmem>>, vector<16xi32>,
    %slice3A_41 = vector.extract_strided_slice %get3A_40 {offsets = [0], sizes = [1], strides = [1]} : vector<16xi32> to vector<1xi32>
    %squeeze3A_42 = vector.extract %slice3A_41[0] : i32 from vector<1xi32>
    %slice3A_43 = vector.extract_strided_slice %get3A_40 {offsets = [1], sizes = [1], strides = [1]} : vector<16xi32> to vector<1xi32>
    %squeeze3A_44 = vector.extract %slice3A_43[0] : i32 from vector<1xi32>
    %lt3A_45 = arith.constant 2 : i32
    %lt3A_46 = arith.cmpi slt, %lt3A_45, %add3A : i32
    %jit3A_47 = arith.constant 0 : i32
    %select_n3A_48 = arith.select %lt3A_46, %squeeze3A_42, %jit3A_47 : i32
    %add3A_49 = arith.addi %add3A_31, %select_n3A_48 : i32
    %jit3A_50 = arith.constant 0 : i32
    %select_n3A_51 = arith.select %lt3A_46, %squeeze3A_44, %jit3A_50 : i32
    %add3A_52 = arith.addi %add3A_34, %select_n3A_51 : i32
    %add3A_53 = arith.addi %add3A_35, %squeeze3A_42 : i32
    %add3A_54 = arith.addi %add3A_36, %squeeze3A_44 : i32
    %get3A_55 = arith.constant 3 : i32
    %get3A_56 = arith.index_cast %get3A_55 : i32 to index
    %get3A_57 = arith.constant 0 : index
    %get3A_58 = tpu.vector_load %arg15[%get3A_56, %get3A_57] {strides = array<i32>} : memref<32x16xi32, #tpu.memory_space<vmem>>, vector<16xi32>,
    %slice3A_59 = vector.extract_strided_slice %get3A_58 {offsets = [0], sizes = [1], strides = [1]} : vector<16xi32> to vector<1xi32>
    %squeeze3A_60 = vector.extract %slice3A_59[0] : i32 from vector<1xi32>
    %slice3A_61 = vector.extract_strided_slice %get3A_58 {offsets = [1], sizes = [1], strides = [1]} : vector<16xi32> to vector<1xi32>
    %squeeze3A_62 = vector.extract %slice3A_61[0] : i32 from vector<1xi32>
    %lt3A_63 = arith.constant 3 : i32
    %lt3A_64 = arith.cmpi slt, %lt3A_63, %add3A : i32
    %jit3A_65 = arith.constant 0 : i32
    %select_n3A_66 = arith.select %lt3A_64, %squeeze3A_60, %jit3A_65 : i32
    %add3A_67 = arith.addi %add3A_49, %select_n3A_66 : i32
    %jit3A_68 = arith.constant 0 : i32
    %select_n3A_69 = arith.select %lt3A_64, %squeeze3A_62, %jit3A_68 : i32
    %add3A_70 = arith.addi %add3A_52, %select_n3A_69 : i32
    %add3A_71 = arith.addi %add3A_53, %squeeze3A_60 : i32
    %add3A_72 = arith.addi %add3A_54, %squeeze3A_62 : i32
    %get3A_73 = arith.constant 4 : i32
    %get3A_74 = arith.index_cast %get3A_73 : i32 to index
    %get3A_75 = arith.constant 0 : index
    %get3A_76 = tpu.vector_load %arg15[%get3A_74, %get3A_75] {strides = array<i32>} : memref<32x16xi32, #tpu.memory_space<vmem>>, vector<16xi32>,
    %slice3A_77 = vector.extract_strided_slice %get3A_76 {offsets = [0], sizes = [1], strides = [1]} : vector<16xi32> to vector<1xi32>
    %squeeze3A_78 = vector.extract %slice3A_77[0] : i32 from vector<1xi32>
    %slice3A_79 = vector.extract_strided_slice %get3A_76 {offsets = [1], sizes = [1], strides = [1]} : vector<16xi32> to vector<1xi32>
    %squeeze3A_80 = vector.extract %slice3A_79[0] : i32 from vector<1xi32>
    %lt3A_81 = arith.constant 4 : i32
    %lt3A_82 = arith.cmpi slt, %lt3A_81, %add3A : i32
    %jit3A_83 = arith.constant 0 : i32
    %select_n3A_84 = arith.select %lt3A_82, %squeeze3A_78, %jit3A_83 : i32
    %add3A_85 = arith.addi %add3A_67, %select_n3A_84 : i32
    %jit3A_86 = arith.constant 0 : i32
    %select_n3A_87 = arith.select %lt3A_82, %squeeze3A_80, %jit3A_86 : i32
    %add3A_88 = arith.addi %add3A_70, %select_n3A_87 : i32
    %add3A_89 = arith.addi %add3A_71, %squeeze3A_78 : i32
    %add3A_90 = arith.addi %add3A_72, %squeeze3A_80 : i32
    %get3A_91 = arith.constant 5 : i32
    %get3A_92 = arith.index_cast %get3A_91 : i32 to index
    %get3A_93 = arith.constant 0 : index
    %get3A_94 = tpu.vector_load %arg15[%get3A_92, %get3A_93] {strides = array<i32>} : memref<32x16xi32, #tpu.memory_space<vmem>>, vector<16xi32>,
    %slice3A_95 = vector.extract_strided_slice %get3A_94 {offsets = [0], sizes = [1], strides = [1]} : vector<16xi32> to vector<1xi32>
    %squeeze3A_96 = vector.extract %slice3A_95[0] : i32 from vector<1xi32>
    %slice3A_97 = vector.extract_strided_slice %get3A_94 {offsets = [1], sizes = [1], strides = [1]} : vector<16xi32> to vector<1xi32>
    %squeeze3A_98 = vector.extract %slice3A_97[0] : i32 from vector<1xi32>
    %lt3A_99 = arith.constant 5 : i32
    %lt3A_100 = arith.cmpi slt, %lt3A_99, %add3A : i32
    %jit3A_101 = arith.constant 0 : i32
    %select_n3A_102 = arith.select %lt3A_100, %squeeze3A_96, %jit3A_101 : i32
    %add3A_103 = arith.addi %add3A_85, %select_n3A_102 : i32
    %jit3A_104 = arith.constant 0 : i32
    %select_n3A_105 = arith.select %lt3A_100, %squeeze3A_98, %jit3A_104 : i32
    %add3A_106 = arith.addi %add3A_88, %select_n3A_105 : i32
    %add3A_107 = arith.addi %add3A_89, %squeeze3A_96 : i32
    %add3A_108 = arith.addi %add3A_90, %squeeze3A_98 : i32
    %get3A_109 = arith.constant 6 : i32
    %get3A_110 = arith.index_cast %get3A_109 : i32 to index
    %get3A_111 = arith.constant 0 : index
    %get3A_112 = tpu.vector_load %arg15[%get3A_110, %get3A_111] {strides = array<i32>} : memref<32x16xi32, #tpu.memory_space<vmem>>, vector<16xi32>,
    %slice3A_113 = vector.extract_strided_slice %get3A_112 {offsets = [0], sizes = [1], strides = [1]} : vector<16xi32> to vector<1xi32>
    %squeeze3A_114 = vector.extract %slice3A_113[0] : i32 from vector<1xi32>
    %slice3A_115 = vector.extract_strided_slice %get3A_112 {offsets = [1], sizes = [1], strides = [1]} : vector<16xi32> to vector<1xi32>
    %squeeze3A_116 = vector.extract %slice3A_115[0] : i32 from vector<1xi32>
    %lt3A_117 = arith.constant 6 : i32
    %lt3A_118 = arith.cmpi slt, %lt3A_117, %add3A : i32
    %jit3A_119 = arith.constant 0 : i32
    %select_n3A_120 = arith.select %lt3A_118, %squeeze3A_114, %jit3A_119 : i32
    %add3A_121 = arith.addi %add3A_103, %select_n3A_120 : i32
    %jit3A_122 = arith.constant 0 : i32
    %select_n3A_123 = arith.select %lt3A_118, %squeeze3A_116, %jit3A_122 : i32
    %add3A_124 = arith.addi %add3A_106, %select_n3A_123 : i32
    %add3A_125 = arith.addi %add3A_107, %squeeze3A_114 : i32
    %add3A_126 = arith.addi %add3A_108, %squeeze3A_116 : i32
    %get3A_127 = arith.constant 7 : i32
    %get3A_128 = arith.index_cast %get3A_127 : i32 to index
    %get3A_129 = arith.constant 0 : index
    %get3A_130 = tpu.vector_load %arg15[%get3A_128, %get3A_129] {strides = array<i32>} : memref<32x16xi32, #tpu.memory_space<vmem>>, vector<16xi32>,
    %slice3A_131 = vector.extract_strided_slice %get3A_130 {offsets = [0], sizes = [1], strides = [1]} : vector<16xi32> to vector<1xi32>
    %squeeze3A_132 = vector.extract %slice3A_131[0] : i32 from vector<1xi32>
    %slice3A_133 = vector.extract_strided_slice %get3A_130 {offsets = [1], sizes = [1], strides = [1]} : vector<16xi32> to vector<1xi32>
    %squeeze3A_134 = vector.extract %slice3A_133[0] : i32 from vector<1xi32>
    %lt3A_135 = arith.constant 7 : i32
    %lt3A_136 = arith.cmpi slt, %lt3A_135, %add3A : i32
    %jit3A_137 = arith.constant 0 : i32
    %select_n3A_138 = arith.select %lt3A_136, %squeeze3A_132, %jit3A_137 : i32
    %add3A_139 = arith.addi %add3A_121, %select_n3A_138 : i32
    %jit3A_140 = arith.constant 0 : i32
    %select_n3A_141 = arith.select %lt3A_136, %squeeze3A_134, %jit3A_140 : i32
    %add3A_142 = arith.addi %add3A_124, %select_n3A_141 : i32
    %add3A_143 = arith.addi %add3A_125, %squeeze3A_132 : i32
    %add3A_144 = arith.addi %add3A_126, %squeeze3A_134 : i32
    %get3A_145 = arith.constant 8 : i32
    %get3A_146 = arith.index_cast %get3A_145 : i32 to index
    %get3A_147 = arith.constant 0 : index
    %get3A_148 = tpu.vector_load %arg15[%get3A_146, %get3A_147] {strides = array<i32>} : memref<32x16xi32, #tpu.memory_space<vmem>>, vector<16xi32>,
    %slice3A_149 = vector.extract_strided_slice %get3A_148 {offsets = [0], sizes = [1], strides = [1]} : vector<16xi32> to vector<1xi32>
    %squeeze3A_150 = vector.extract %slice3A_149[0] : i32 from vector<1xi32>
    %slice3A_151 = vector.extract_strided_slice %get3A_148 {offsets = [1], sizes = [1], strides = [1]} : vector<16xi32> to vector<1xi32>
    %squeeze3A_152 = vector.extract %slice3A_151[0] : i32 from vector<1xi32>
    %lt3A_153 = arith.constant 8 : i32
    %lt3A_154 = arith.cmpi slt, %lt3A_153, %add3A : i32
    %jit3A_155 = arith.constant 0 : i32
    %select_n3A_156 = arith.select %lt3A_154, %squeeze3A_150, %jit3A_155 : i32
    %add3A_157 = arith.addi %add3A_139, %select_n3A_156 : i32
    %jit3A_158 = arith.constant 0 : i32
    %select_n3A_159 = arith.select %lt3A_154, %squeeze3A_152, %jit3A_158 : i32
    %add3A_160 = arith.addi %add3A_142, %select_n3A_159 : i32
    %add3A_161 = arith.addi %add3A_143, %squeeze3A_150 : i32
    %add3A_162 = arith.addi %add3A_144, %squeeze3A_152 : i32
    %get3A_163 = arith.constant 9 : i32
    %get3A_164 = arith.index_cast %get3A_163 : i32 to index
    %get3A_165 = arith.constant 0 : index
    %get3A_166 = tpu.vector_load %arg15[%get3A_164, %get3A_165] {strides = array<i32>} : memref<32x16xi32, #tpu.memory_space<vmem>>, vector<16xi32>,
    %slice3A_167 = vector.extract_strided_slice %get3A_166 {offsets = [0], sizes = [1], strides = [1]} : vector<16xi32> to vector<1xi32>
    %squeeze3A_168 = vector.extract %slice3A_167[0] : i32 from vector<1xi32>
    %slice3A_169 = vector.extract_strided_slice %get3A_166 {offsets = [1], sizes = [1], strides = [1]} : vector<16xi32> to vector<1xi32>
    %squeeze3A_170 = vector.extract %slice3A_169[0] : i32 from vector<1xi32>
    %lt3A_171 = arith.constant 9 : i32
    %lt3A_172 = arith.cmpi slt, %lt3A_171, %add3A : i32
    %jit3A_173 = arith.constant 0 : i32
    %select_n3A_174 = arith.select %lt3A_172, %squeeze3A_168, %jit3A_173 : i32
    %add3A_175 = arith.addi %add3A_157, %select_n3A_174 : i32
    %jit3A_176 = arith.constant 0 : i32
    %select_n3A_177 = arith.select %lt3A_172, %squeeze3A_170, %jit3A_176 : i32
    %add3A_178 = arith.addi %add3A_160, %select_n3A_177 : i32
    %add3A_179 = arith.addi %add3A_161, %squeeze3A_168 : i32
    %add3A_180 = arith.addi %add3A_162, %squeeze3A_170 : i32
    %get3A_181 = arith.constant 10 : i32
    %get3A_182 = arith.index_cast %get3A_181 : i32 to index
    %get3A_183 = arith.constant 0 : index
    %get3A_184 = tpu.vector_load %arg15[%get3A_182, %get3A_183] {strides = array<i32>} : memref<32x16xi32, #tpu.memory_space<vmem>>, vector<16xi32>,
    %slice3A_185 = vector.extract_strided_slice %get3A_184 {offsets = [0], sizes = [1], strides = [1]} : vector<16xi32> to vector<1xi32>
    %squeeze3A_186 = vector.extract %slice3A_185[0] : i32 from vector<1xi32>
    %slice3A_187 = vector.extract_strided_slice %get3A_184 {offsets = [1], sizes = [1], strides = [1]} : vector<16xi32> to vector<1xi32>
    %squeeze3A_188 = vector.extract %slice3A_187[0] : i32 from vector<1xi32>
    %lt3A_189 = arith.constant 10 : i32
    %lt3A_190 = arith.cmpi slt, %lt3A_189, %add3A : i32
    %jit3A_191 = arith.constant 0 : i32
    %select_n3A_192 = arith.select %lt3A_190, %squeeze3A_186, %jit3A_191 : i32
    %add3A_193 = arith.addi %add3A_175, %select_n3A_192 : i32
    %jit3A_194 = arith.constant 0 : i32
    %select_n3A_195 = arith.select %lt3A_190, %squeeze3A_188, %jit3A_194 : i32
    %add3A_196 = arith.addi %add3A_178, %select_n3A_195 : i32
    %add3A_197 = arith.addi %add3A_179, %squeeze3A_186 : i32
    %add3A_198 = arith.addi %add3A_180, %squeeze3A_188 : i32
    %get3A_199 = arith.constant 11 : i32
    %get3A_200 = arith.index_cast %get3A_199 : i32 to index
    %get3A_201 = arith.constant 0 : index
    %get3A_202 = tpu.vector_load %arg15[%get3A_200, %get3A_201] {strides = array<i32>} : memref<32x16xi32, #tpu.memory_space<vmem>>, vector<16xi32>,
    %slice3A_203 = vector.extract_strided_slice %get3A_202 {offsets = [0], sizes = [1], strides = [1]} : vector<16xi32> to vector<1xi32>
    %squeeze3A_204 = vector.extract %slice3A_203[0] : i32 from vector<1xi32>
    %slice3A_205 = vector.extract_strided_slice %get3A_202 {offsets = [1], sizes = [1], strides = [1]} : vector<16xi32> to vector<1xi32>
    %squeeze3A_206 = vector.extract %slice3A_205[0] : i32 from vector<1xi32>
    %lt3A_207 = arith.constant 11 : i32
    %lt3A_208 = arith.cmpi slt, %lt3A_207, %add3A : i32
    %jit3A_209 = arith.constant 0 : i32
    %select_n3A_210 = arith.select %lt3A_208, %squeeze3A_204, %jit3A_209 : i32
    %add3A_211 = arith.addi %add3A_193, %select_n3A_210 : i32
    %jit3A_212 = arith.constant 0 : i32
    %select_n3A_213 = arith.select %lt3A_208, %squeeze3A_206, %jit3A_212 : i32
    %add3A_214 = arith.addi %add3A_196, %select_n3A_213 : i32
    %add3A_215 = arith.addi %add3A_197, %squeeze3A_204 : i32
    %add3A_216 = arith.addi %add3A_198, %squeeze3A_206 : i32
    %get3A_217 = arith.constant 12 : i32
    %get3A_218 = arith.index_cast %get3A_217 : i32 to index
    %get3A_219 = arith.constant 0 : index
    %get3A_220 = tpu.vector_load %arg15[%get3A_218, %get3A_219] {strides = array<i32>} : memref<32x16xi32, #tpu.memory_space<vmem>>, vector<16xi32>,
    %slice3A_221 = vector.extract_strided_slice %get3A_220 {offsets = [0], sizes = [1], strides = [1]} : vector<16xi32> to vector<1xi32>
    %squeeze3A_222 = vector.extract %slice3A_221[0] : i32 from vector<1xi32>
    %slice3A_223 = vector.extract_strided_slice %get3A_220 {offsets = [1], sizes = [1], strides = [1]} : vector<16xi32> to vector<1xi32>
    %squeeze3A_224 = vector.extract %slice3A_223[0] : i32 from vector<1xi32>
    %lt3A_225 = arith.constant 12 : i32
    %lt3A_226 = arith.cmpi slt, %lt3A_225, %add3A : i32
    %jit3A_227 = arith.constant 0 : i32
    %select_n3A_228 = arith.select %lt3A_226, %squeeze3A_222, %jit3A_227 : i32
    %add3A_229 = arith.addi %add3A_211, %select_n3A_228 : i32
    %jit3A_230 = arith.constant 0 : i32
    %select_n3A_231 = arith.select %lt3A_226, %squeeze3A_224, %jit3A_230 : i32
    %add3A_232 = arith.addi %add3A_214, %select_n3A_231 : i32
    %add3A_233 = arith.addi %add3A_215, %squeeze3A_222 : i32
    %add3A_234 = arith.addi %add3A_216, %squeeze3A_224 : i32
    %get3A_235 = arith.constant 13 : i32
    %get3A_236 = arith.index_cast %get3A_235 : i32 to index
    %get3A_237 = arith.constant 0 : index
    %get3A_238 = tpu.vector_load %arg15[%get3A_236, %get3A_237] {strides = array<i32>} : memref<32x16xi32, #tpu.memory_space<vmem>>, vector<16xi32>,
    %slice3A_239 = vector.extract_strided_slice %get3A_238 {offsets = [0], sizes = [1], strides = [1]} : vector<16xi32> to vector<1xi32>
    %squeeze3A_240 = vector.extract %slice3A_239[0] : i32 from vector<1xi32>
    %slice3A_241 = vector.extract_strided_slice %get3A_238 {offsets = [1], sizes = [1], strides = [1]} : vector<16xi32> to vector<1xi32>
    %squeeze3A_242 = vector.extract %slice3A_241[0] : i32 from vector<1xi32>
    %lt3A_243 = arith.constant 13 : i32
    %lt3A_244 = arith.cmpi slt, %lt3A_243, %add3A : i32
    %jit3A_245 = arith.constant 0 : i32
    %select_n3A_246 = arith.select %lt3A_244, %squeeze3A_240, %jit3A_245 : i32
    %add3A_247 = arith.addi %add3A_229, %select_n3A_246 : i32
    %jit3A_248 = arith.constant 0 : i32
    %select_n3A_249 = arith.select %lt3A_244, %squeeze3A_242, %jit3A_248 : i32
    %add3A_250 = arith.addi %add3A_232, %select_n3A_249 : i32
    %add3A_251 = arith.addi %add3A_233, %squeeze3A_240 : i32
    %add3A_252 = arith.addi %add3A_234, %squeeze3A_242 : i32
    %get3A_253 = arith.constant 14 : i32
    %get3A_254 = arith.index_cast %get3A_253 : i32 to index
    %get3A_255 = arith.constant 0 : index
    %get3A_256 = tpu.vector_load %arg15[%get3A_254, %get3A_255] {strides = array<i32>} : memref<32x16xi32, #tpu.memory_space<vmem>>, vector<16xi32>,
    %slice3A_257 = vector.extract_strided_slice %get3A_256 {offsets = [0], sizes = [1], strides = [1]} : vector<16xi32> to vector<1xi32>
    %squeeze3A_258 = vector.extract %slice3A_257[0] : i32 from vector<1xi32>
    %slice3A_259 = vector.extract_strided_slice %get3A_256 {offsets = [1], sizes = [1], strides = [1]} : vector<16xi32> to vector<1xi32>
    %squeeze3A_260 = vector.extract %slice3A_259[0] : i32 from vector<1xi32>
    %lt3A_261 = arith.constant 14 : i32
    %lt3A_262 = arith.cmpi slt, %lt3A_261, %add3A : i32
    %jit3A_263 = arith.constant 0 : i32
    %select_n3A_264 = arith.select %lt3A_262, %squeeze3A_258, %jit3A_263 : i32
    %add3A_265 = arith.addi %add3A_247, %select_n3A_264 : i32
    %jit3A_266 = arith.constant 0 : i32
    %select_n3A_267 = arith.select %lt3A_262, %squeeze3A_260, %jit3A_266 : i32
    %add3A_268 = arith.addi %add3A_250, %select_n3A_267 : i32
    %add3A_269 = arith.addi %add3A_251, %squeeze3A_258 : i32
    %add3A_270 = arith.addi %add3A_252, %squeeze3A_260 : i32
    %get3A_271 = arith.constant 15 : i32
    %get3A_272 = arith.index_cast %get3A_271 : i32 to index
    %get3A_273 = arith.constant 0 : index
    %get3A_274 = tpu.vector_load %arg15[%get3A_272, %get3A_273] {strides = array<i32>} : memref<32x16xi32, #tpu.memory_space<vmem>>, vector<16xi32>,
    %slice3A_275 = vector.extract_strided_slice %get3A_274 {offsets = [0], sizes = [1], strides = [1]} : vector<16xi32> to vector<1xi32>
    %squeeze3A_276 = vector.extract %slice3A_275[0] : i32 from vector<1xi32>
    %slice3A_277 = vector.extract_strided_slice %get3A_274 {offsets = [1], sizes = [1], strides = [1]} : vector<16xi32> to vector<1xi32>
    %squeeze3A_278 = vector.extract %slice3A_277[0] : i32 from vector<1xi32>
    %lt3A_279 = arith.constant 15 : i32
    %lt3A_280 = arith.cmpi slt, %lt3A_279, %add3A : i32
    %jit3A_281 = arith.constant 0 : i32
    %select_n3A_282 = arith.select %lt3A_280, %squeeze3A_276, %jit3A_281 : i32
    %add3A_283 = arith.addi %add3A_265, %select_n3A_282 : i32
    %jit3A_284 = arith.constant 0 : i32
    %select_n3A_285 = arith.select %lt3A_280, %squeeze3A_278, %jit3A_284 : i32
    %add3A_286 = arith.addi %add3A_268, %select_n3A_285 : i32
    %add3A_287 = arith.addi %add3A_269, %squeeze3A_276 : i32
    %add3A_288 = arith.addi %add3A_270, %squeeze3A_278 : i32
    %get3A_289 = arith.constant 16 : i32
    %get3A_290 = arith.index_cast %get3A_289 : i32 to index
    %get3A_291 = arith.constant 0 : index
    %get3A_292 = tpu.vector_load %arg15[%get3A_290, %get3A_291] {strides = array<i32>} : memref<32x16xi32, #tpu.memory_space<vmem>>, vector<16xi32>,
    %slice3A_293 = vector.extract_strided_slice %get3A_292 {offsets = [0], sizes = [1], strides = [1]} : vector<16xi32> to vector<1xi32>
    %squeeze3A_294 = vector.extract %slice3A_293[0] : i32 from vector<1xi32>
    %slice3A_295 = vector.extract_strided_slice %get3A_292 {offsets = [1], sizes = [1], strides = [1]} : vector<16xi32> to vector<1xi32>
    %squeeze3A_296 = vector.extract %slice3A_295[0] : i32 from vector<1xi32>
    %lt3A_297 = arith.constant 16 : i32
    %lt3A_298 = arith.cmpi slt, %lt3A_297, %add3A : i32
    %jit3A_299 = arith.constant 0 : i32
    %select_n3A_300 = arith.select %lt3A_298, %squeeze3A_294, %jit3A_299 : i32
    %add3A_301 = arith.addi %add3A_283, %select_n3A_300 : i32
    %jit3A_302 = arith.constant 0 : i32
    %select_n3A_303 = arith.select %lt3A_298, %squeeze3A_296, %jit3A_302 : i32
    %add3A_304 = arith.addi %add3A_286, %select_n3A_303 : i32
    %add3A_305 = arith.addi %add3A_287, %squeeze3A_294 : i32
    %add3A_306 = arith.addi %add3A_288, %squeeze3A_296 : i32
    %get3A_307 = arith.constant 17 : i32
    %get3A_308 = arith.index_cast %get3A_307 : i32 to index
    %get3A_309 = arith.constant 0 : index
    %get3A_310 = tpu.vector_load %arg15[%get3A_308, %get3A_309] {strides = array<i32>} : memref<32x16xi32, #tpu.memory_space<vmem>>, vector<16xi32>,
    %slice3A_311 = vector.extract_strided_slice %get3A_310 {offsets = [0], sizes = [1], strides = [1]} : vector<16xi32> to vector<1xi32>
    %squeeze3A_312 = vector.extract %slice3A_311[0] : i32 from vector<1xi32>
    %slice3A_313 = vector.extract_strided_slice %get3A_310 {offsets = [1], sizes = [1], strides = [1]} : vector<16xi32> to vector<1xi32>
    %squeeze3A_314 = vector.extract %slice3A_313[0] : i32 from vector<1xi32>
    %lt3A_315 = arith.constant 17 : i32
    %lt3A_316 = arith.cmpi slt, %lt3A_315, %add3A : i32
    %jit3A_317 = arith.constant 0 : i32
    %select_n3A_318 = arith.select %lt3A_316, %squeeze3A_312, %jit3A_317 : i32
    %add3A_319 = arith.addi %add3A_301, %select_n3A_318 : i32
    %jit3A_320 = arith.constant 0 : i32
    %select_n3A_321 = arith.select %lt3A_316, %squeeze3A_314, %jit3A_320 : i32
    %add3A_322 = arith.addi %add3A_304, %select_n3A_321 : i32
    %add3A_323 = arith.addi %add3A_305, %squeeze3A_312 : i32
    %add3A_324 = arith.addi %add3A_306, %squeeze3A_314 : i32
    %get3A_325 = arith.constant 18 : i32
    %get3A_326 = arith.index_cast %get3A_325 : i32 to index
    %get3A_327 = arith.constant 0 : index
    %get3A_328 = tpu.vector_load %arg15[%get3A_326, %get3A_327] {strides = array<i32>} : memref<32x16xi32, #tpu.memory_space<vmem>>, vector<16xi32>,
    %slice3A_329 = vector.extract_strided_slice %get3A_328 {offsets = [0], sizes = [1], strides = [1]} : vector<16xi32> to vector<1xi32>
    %squeeze3A_330 = vector.extract %slice3A_329[0] : i32 from vector<1xi32>
    %slice3A_331 = vector.extract_strided_slice %get3A_328 {offsets = [1], sizes = [1], strides = [1]} : vector<16xi32> to vector<1xi32>
    %squeeze3A_332 = vector.extract %slice3A_331[0] : i32 from vector<1xi32>
    %lt3A_333 = arith.constant 18 : i32
    %lt3A_334 = arith.cmpi slt, %lt3A_333, %add3A : i32
    %jit3A_335 = arith.constant 0 : i32
    %select_n3A_336 = arith.select %lt3A_334, %squeeze3A_330, %jit3A_335 : i32
    %add3A_337 = arith.addi %add3A_319, %select_n3A_336 : i32
    %jit3A_338 = arith.constant 0 : i32
    %select_n3A_339 = arith.select %lt3A_334, %squeeze3A_332, %jit3A_338 : i32
    %add3A_340 = arith.addi %add3A_322, %select_n3A_339 : i32
    %add3A_341 = arith.addi %add3A_323, %squeeze3A_330 : i32
    %add3A_342 = arith.addi %add3A_324, %squeeze3A_332 : i32
    %get3A_343 = arith.constant 19 : i32
    %get3A_344 = arith.index_cast %get3A_343 : i32 to index
    %get3A_345 = arith.constant 0 : index
    %get3A_346 = tpu.vector_load %arg15[%get3A_344, %get3A_345] {strides = array<i32>} : memref<32x16xi32, #tpu.memory_space<vmem>>, vector<16xi32>,
    %slice3A_347 = vector.extract_strided_slice %get3A_346 {offsets = [0], sizes = [1], strides = [1]} : vector<16xi32> to vector<1xi32>
    %squeeze3A_348 = vector.extract %slice3A_347[0] : i32 from vector<1xi32>
    %slice3A_349 = vector.extract_strided_slice %get3A_346 {offsets = [1], sizes = [1], strides = [1]} : vector<16xi32> to vector<1xi32>
    %squeeze3A_350 = vector.extract %slice3A_349[0] : i32 from vector<1xi32>
    %lt3A_351 = arith.constant 19 : i32
    %lt3A_352 = arith.cmpi slt, %lt3A_351, %add3A : i32
    %jit3A_353 = arith.constant 0 : i32
    %select_n3A_354 = arith.select %lt3A_352, %squeeze3A_348, %jit3A_353 : i32
    %add3A_355 = arith.addi %add3A_337, %select_n3A_354 : i32
    %jit3A_356 = arith.constant 0 : i32
    %select_n3A_357 = arith.select %lt3A_352, %squeeze3A_350, %jit3A_356 : i32
    %add3A_358 = arith.addi %add3A_340, %select_n3A_357 : i32
    %add3A_359 = arith.addi %add3A_341, %squeeze3A_348 : i32
    %add3A_360 = arith.addi %add3A_342, %squeeze3A_350 : i32
    %get3A_361 = arith.constant 20 : i32
    %get3A_362 = arith.index_cast %get3A_361 : i32 to index
    %get3A_363 = arith.constant 0 : index
    %get3A_364 = tpu.vector_load %arg15[%get3A_362, %get3A_363] {strides = array<i32>} : memref<32x16xi32, #tpu.memory_space<vmem>>, vector<16xi32>,
    %slice3A_365 = vector.extract_strided_slice %get3A_364 {offsets = [0], sizes = [1], strides = [1]} : vector<16xi32> to vector<1xi32>
    %squeeze3A_366 = vector.extract %slice3A_365[0] : i32 from vector<1xi32>
    %slice3A_367 = vector.extract_strided_slice %get3A_364 {offsets = [1], sizes = [1], strides = [1]} : vector<16xi32> to vector<1xi32>
    %squeeze3A_368 = vector.extract %slice3A_367[0] : i32 from vector<1xi32>
    %lt3A_369 = arith.constant 20 : i32
    %lt3A_370 = arith.cmpi slt, %lt3A_369, %add3A : i32
    %jit3A_371 = arith.constant 0 : i32
    %select_n3A_372 = arith.select %lt3A_370, %squeeze3A_366, %jit3A_371 : i32
    %add3A_373 = arith.addi %add3A_355, %select_n3A_372 : i32
    %jit3A_374 = arith.constant 0 : i32
    %select_n3A_375 = arith.select %lt3A_370, %squeeze3A_368, %jit3A_374 : i32
    %add3A_376 = arith.addi %add3A_358, %select_n3A_375 : i32
    %add3A_377 = arith.addi %add3A_359, %squeeze3A_366 : i32
    %add3A_378 = arith.addi %add3A_360, %squeeze3A_368 : i32
    %get3A_379 = arith.constant 21 : i32
    %get3A_380 = arith.index_cast %get3A_379 : i32 to index
    %get3A_381 = arith.constant 0 : index
    %get3A_382 = tpu.vector_load %arg15[%get3A_380, %get3A_381] {strides = array<i32>} : memref<32x16xi32, #tpu.memory_space<vmem>>, vector<16xi32>,
    %slice3A_383 = vector.extract_strided_slice %get3A_382 {offsets = [0], sizes = [1], strides = [1]} : vector<16xi32> to vector<1xi32>
    %squeeze3A_384 = vector.extract %slice3A_383[0] : i32 from vector<1xi32>
    %slice3A_385 = vector.extract_strided_slice %get3A_382 {offsets = [1], sizes = [1], strides = [1]} : vector<16xi32> to vector<1xi32>
    %squeeze3A_386 = vector.extract %slice3A_385[0] : i32 from vector<1xi32>
    %lt3A_387 = arith.constant 21 : i32
    %lt3A_388 = arith.cmpi slt, %lt3A_387, %add3A : i32
    %jit3A_389 = arith.constant 0 : i32
    %select_n3A_390 = arith.select %lt3A_388, %squeeze3A_384, %jit3A_389 : i32
    %add3A_391 = arith.addi %add3A_373, %select_n3A_390 : i32
    %jit3A_392 = arith.constant 0 : i32
    %select_n3A_393 = arith.select %lt3A_388, %squeeze3A_386, %jit3A_392 : i32
    %add3A_394 = arith.addi %add3A_376, %select_n3A_393 : i32
    %add3A_395 = arith.addi %add3A_377, %squeeze3A_384 : i32
    %add3A_396 = arith.addi %add3A_378, %squeeze3A_386 : i32
    %get3A_397 = arith.constant 22 : i32
    %get3A_398 = arith.index_cast %get3A_397 : i32 to index
    %get3A_399 = arith.constant 0 : index
    %get3A_400 = tpu.vector_load %arg15[%get3A_398, %get3A_399] {strides = array<i32>} : memref<32x16xi32, #tpu.memory_space<vmem>>, vector<16xi32>,
    %slice3A_401 = vector.extract_strided_slice %get3A_400 {offsets = [0], sizes = [1], strides = [1]} : vector<16xi32> to vector<1xi32>
    %squeeze3A_402 = vector.extract %slice3A_401[0] : i32 from vector<1xi32>
    %slice3A_403 = vector.extract_strided_slice %get3A_400 {offsets = [1], sizes = [1], strides = [1]} : vector<16xi32> to vector<1xi32>
    %squeeze3A_404 = vector.extract %slice3A_403[0] : i32 from vector<1xi32>
    %lt3A_405 = arith.constant 22 : i32
    %lt3A_406 = arith.cmpi slt, %lt3A_405, %add3A : i32
    %jit3A_407 = arith.constant 0 : i32
    %select_n3A_408 = arith.select %lt3A_406, %squeeze3A_402, %jit3A_407 : i32
    %add3A_409 = arith.addi %add3A_391, %select_n3A_408 : i32
    %jit3A_410 = arith.constant 0 : i32
    %select_n3A_411 = arith.select %lt3A_406, %squeeze3A_404, %jit3A_410 : i32
    %add3A_412 = arith.addi %add3A_394, %select_n3A_411 : i32
    %add3A_413 = arith.addi %add3A_395, %squeeze3A_402 : i32
    %add3A_414 = arith.addi %add3A_396, %squeeze3A_404 : i32
    %get3A_415 = arith.constant 23 : i32
    %get3A_416 = arith.index_cast %get3A_415 : i32 to index
    %get3A_417 = arith.constant 0 : index
    %get3A_418 = tpu.vector_load %arg15[%get3A_416, %get3A_417] {strides = array<i32>} : memref<32x16xi32, #tpu.memory_space<vmem>>, vector<16xi32>,
    %slice3A_419 = vector.extract_strided_slice %get3A_418 {offsets = [0], sizes = [1], strides = [1]} : vector<16xi32> to vector<1xi32>
    %squeeze3A_420 = vector.extract %slice3A_419[0] : i32 from vector<1xi32>
    %slice3A_421 = vector.extract_strided_slice %get3A_418 {offsets = [1], sizes = [1], strides = [1]} : vector<16xi32> to vector<1xi32>
    %squeeze3A_422 = vector.extract %slice3A_421[0] : i32 from vector<1xi32>
    %lt3A_423 = arith.constant 23 : i32
    %lt3A_424 = arith.cmpi slt, %lt3A_423, %add3A : i32
    %jit3A_425 = arith.constant 0 : i32
    %select_n3A_426 = arith.select %lt3A_424, %squeeze3A_420, %jit3A_425 : i32
    %add3A_427 = arith.addi %add3A_409, %select_n3A_426 : i32
    %jit3A_428 = arith.constant 0 : i32
    %select_n3A_429 = arith.select %lt3A_424, %squeeze3A_422, %jit3A_428 : i32
    %add3A_430 = arith.addi %add3A_412, %select_n3A_429 : i32
    %add3A_431 = arith.addi %add3A_413, %squeeze3A_420 : i32
    %add3A_432 = arith.addi %add3A_414, %squeeze3A_422 : i32
    %get3A_433 = arith.constant 24 : i32
    %get3A_434 = arith.index_cast %get3A_433 : i32 to index
    %get3A_435 = arith.constant 0 : index
    %get3A_436 = tpu.vector_load %arg15[%get3A_434, %get3A_435] {strides = array<i32>} : memref<32x16xi32, #tpu.memory_space<vmem>>, vector<16xi32>,
    %slice3A_437 = vector.extract_strided_slice %get3A_436 {offsets = [0], sizes = [1], strides = [1]} : vector<16xi32> to vector<1xi32>
    %squeeze3A_438 = vector.extract %slice3A_437[0] : i32 from vector<1xi32>
    %slice3A_439 = vector.extract_strided_slice %get3A_436 {offsets = [1], sizes = [1], strides = [1]} : vector<16xi32> to vector<1xi32>
    %squeeze3A_440 = vector.extract %slice3A_439[0] : i32 from vector<1xi32>
    %lt3A_441 = arith.constant 24 : i32
    %lt3A_442 = arith.cmpi slt, %lt3A_441, %add3A : i32
    %jit3A_443 = arith.constant 0 : i32
    %select_n3A_444 = arith.select %lt3A_442, %squeeze3A_438, %jit3A_443 : i32
    %add3A_445 = arith.addi %add3A_427, %select_n3A_444 : i32
    %jit3A_446 = arith.constant 0 : i32
    %select_n3A_447 = arith.select %lt3A_442, %squeeze3A_440, %jit3A_446 : i32
    %add3A_448 = arith.addi %add3A_430, %select_n3A_447 : i32
    %add3A_449 = arith.addi %add3A_431, %squeeze3A_438 : i32
    %add3A_450 = arith.addi %add3A_432, %squeeze3A_440 : i32
    %get3A_451 = arith.constant 25 : i32
    %get3A_452 = arith.index_cast %get3A_451 : i32 to index
    %get3A_453 = arith.constant 0 : index
    %get3A_454 = tpu.vector_load %arg15[%get3A_452, %get3A_453] {strides = array<i32>} : memref<32x16xi32, #tpu.memory_space<vmem>>, vector<16xi32>,
    %slice3A_455 = vector.extract_strided_slice %get3A_454 {offsets = [0], sizes = [1], strides = [1]} : vector<16xi32> to vector<1xi32>
    %squeeze3A_456 = vector.extract %slice3A_455[0] : i32 from vector<1xi32>
    %slice3A_457 = vector.extract_strided_slice %get3A_454 {offsets = [1], sizes = [1], strides = [1]} : vector<16xi32> to vector<1xi32>
    %squeeze3A_458 = vector.extract %slice3A_457[0] : i32 from vector<1xi32>
    %lt3A_459 = arith.constant 25 : i32
    %lt3A_460 = arith.cmpi slt, %lt3A_459, %add3A : i32
    %jit3A_461 = arith.constant 0 : i32
    %select_n3A_462 = arith.select %lt3A_460, %squeeze3A_456, %jit3A_461 : i32
    %add3A_463 = arith.addi %add3A_445, %select_n3A_462 : i32
    %jit3A_464 = arith.constant 0 : i32
    %select_n3A_465 = arith.select %lt3A_460, %squeeze3A_458, %jit3A_464 : i32
    %add3A_466 = arith.addi %add3A_448, %select_n3A_465 : i32
    %add3A_467 = arith.addi %add3A_449, %squeeze3A_456 : i32
    %add3A_468 = arith.addi %add3A_450, %squeeze3A_458 : i32
    %get3A_469 = arith.constant 26 : i32
    %get3A_470 = arith.index_cast %get3A_469 : i32 to index
    %get3A_471 = arith.constant 0 : index
    %get3A_472 = tpu.vector_load %arg15[%get3A_470, %get3A_471] {strides = array<i32>} : memref<32x16xi32, #tpu.memory_space<vmem>>, vector<16xi32>,
    %slice3A_473 = vector.extract_strided_slice %get3A_472 {offsets = [0], sizes = [1], strides = [1]} : vector<16xi32> to vector<1xi32>
    %squeeze3A_474 = vector.extract %slice3A_473[0] : i32 from vector<1xi32>
    %slice3A_475 = vector.extract_strided_slice %get3A_472 {offsets = [1], sizes = [1], strides = [1]} : vector<16xi32> to vector<1xi32>
    %squeeze3A_476 = vector.extract %slice3A_475[0] : i32 from vector<1xi32>
    %lt3A_477 = arith.constant 26 : i32
    %lt3A_478 = arith.cmpi slt, %lt3A_477, %add3A : i32
    %jit3A_479 = arith.constant 0 : i32
    %select_n3A_480 = arith.select %lt3A_478, %squeeze3A_474, %jit3A_479 : i32
    %add3A_481 = arith.addi %add3A_463, %select_n3A_480 : i32
    %jit3A_482 = arith.constant 0 : i32
    %select_n3A_483 = arith.select %lt3A_478, %squeeze3A_476, %jit3A_482 : i32
    %add3A_484 = arith.addi %add3A_466, %select_n3A_483 : i32
    %add3A_485 = arith.addi %add3A_467, %squeeze3A_474 : i32
    %add3A_486 = arith.addi %add3A_468, %squeeze3A_476 : i32
    %get3A_487 = arith.constant 27 : i32
    %get3A_488 = arith.index_cast %get3A_487 : i32 to index
    %get3A_489 = arith.constant 0 : index
    %get3A_490 = tpu.vector_load %arg15[%get3A_488, %get3A_489] {strides = array<i32>} : memref<32x16xi32, #tpu.memory_space<vmem>>, vector<16xi32>,
    %slice3A_491 = vector.extract_strided_slice %get3A_490 {offsets = [0], sizes = [1], strides = [1]} : vector<16xi32> to vector<1xi32>
    %squeeze3A_492 = vector.extract %slice3A_491[0] : i32 from vector<1xi32>
    %slice3A_493 = vector.extract_strided_slice %get3A_490 {offsets = [1], sizes = [1], strides = [1]} : vector<16xi32> to vector<1xi32>
    %squeeze3A_494 = vector.extract %slice3A_493[0] : i32 from vector<1xi32>
    %lt3A_495 = arith.constant 27 : i32
    %lt3A_496 = arith.cmpi slt, %lt3A_495, %add3A : i32
    %jit3A_497 = arith.constant 0 : i32
    %select_n3A_498 = arith.select %lt3A_496, %squeeze3A_492, %jit3A_497 : i32
    %add3A_499 = arith.addi %add3A_481, %select_n3A_498 : i32
    %jit3A_500 = arith.constant 0 : i32
    %select_n3A_501 = arith.select %lt3A_496, %squeeze3A_494, %jit3A_500 : i32
    %add3A_502 = arith.addi %add3A_484, %select_n3A_501 : i32
    %add3A_503 = arith.addi %add3A_485, %squeeze3A_492 : i32
    %add3A_504 = arith.addi %add3A_486, %squeeze3A_494 : i32
    %get3A_505 = arith.constant 28 : i32
    %get3A_506 = arith.index_cast %get3A_505 : i32 to index
    %get3A_507 = arith.constant 0 : index
    %get3A_508 = tpu.vector_load %arg15[%get3A_506, %get3A_507] {strides = array<i32>} : memref<32x16xi32, #tpu.memory_space<vmem>>, vector<16xi32>,
    %slice3A_509 = vector.extract_strided_slice %get3A_508 {offsets = [0], sizes = [1], strides = [1]} : vector<16xi32> to vector<1xi32>
    %squeeze3A_510 = vector.extract %slice3A_509[0] : i32 from vector<1xi32>
    %slice3A_511 = vector.extract_strided_slice %get3A_508 {offsets = [1], sizes = [1], strides = [1]} : vector<16xi32> to vector<1xi32>
    %squeeze3A_512 = vector.extract %slice3A_511[0] : i32 from vector<1xi32>
    %lt3A_513 = arith.constant 28 : i32
    %lt3A_514 = arith.cmpi slt, %lt3A_513, %add3A : i32
    %jit3A_515 = arith.constant 0 : i32
    %select_n3A_516 = arith.select %lt3A_514, %squeeze3A_510, %jit3A_515 : i32
    %add3A_517 = arith.addi %add3A_499, %select_n3A_516 : i32
    %jit3A_518 = arith.constant 0 : i32
    %select_n3A_519 = arith.select %lt3A_514, %squeeze3A_512, %jit3A_518 : i32
    %add3A_520 = arith.addi %add3A_502, %select_n3A_519 : i32
    %add3A_521 = arith.addi %add3A_503, %squeeze3A_510 : i32
    %add3A_522 = arith.addi %add3A_504, %squeeze3A_512 : i32
    %get3A_523 = arith.constant 29 : i32
    %get3A_524 = arith.index_cast %get3A_523 : i32 to index
    %get3A_525 = arith.constant 0 : index
    %get3A_526 = tpu.vector_load %arg15[%get3A_524, %get3A_525] {strides = array<i32>} : memref<32x16xi32, #tpu.memory_space<vmem>>, vector<16xi32>,
    %slice3A_527 = vector.extract_strided_slice %get3A_526 {offsets = [0], sizes = [1], strides = [1]} : vector<16xi32> to vector<1xi32>
    %squeeze3A_528 = vector.extract %slice3A_527[0] : i32 from vector<1xi32>
    %slice3A_529 = vector.extract_strided_slice %get3A_526 {offsets = [1], sizes = [1], strides = [1]} : vector<16xi32> to vector<1xi32>
    %squeeze3A_530 = vector.extract %slice3A_529[0] : i32 from vector<1xi32>
    %lt3A_531 = arith.constant 29 : i32
    %lt3A_532 = arith.cmpi slt, %lt3A_531, %add3A : i32
    %jit3A_533 = arith.constant 0 : i32
    %select_n3A_534 = arith.select %lt3A_532, %squeeze3A_528, %jit3A_533 : i32
    %add3A_535 = arith.addi %add3A_517, %select_n3A_534 : i32
    %jit3A_536 = arith.constant 0 : i32
    %select_n3A_537 = arith.select %lt3A_532, %squeeze3A_530, %jit3A_536 : i32
    %add3A_538 = arith.addi %add3A_520, %select_n3A_537 : i32
    %add3A_539 = arith.addi %add3A_521, %squeeze3A_528 : i32
    %add3A_540 = arith.addi %add3A_522, %squeeze3A_530 : i32
    %get3A_541 = arith.constant 30 : i32
    %get3A_542 = arith.index_cast %get3A_541 : i32 to index
    %get3A_543 = arith.constant 0 : index
    %get3A_544 = tpu.vector_load %arg15[%get3A_542, %get3A_543] {strides = array<i32>} : memref<32x16xi32, #tpu.memory_space<vmem>>, vector<16xi32>,
    %slice3A_545 = vector.extract_strided_slice %get3A_544 {offsets = [0], sizes = [1], strides = [1]} : vector<16xi32> to vector<1xi32>
    %squeeze3A_546 = vector.extract %slice3A_545[0] : i32 from vector<1xi32>
    %slice3A_547 = vector.extract_strided_slice %get3A_544 {offsets = [1], sizes = [1], strides = [1]} : vector<16xi32> to vector<1xi32>
    %squeeze3A_548 = vector.extract %slice3A_547[0] : i32 from vector<1xi32>
    %lt3A_549 = arith.constant 30 : i32
    %lt3A_550 = arith.cmpi slt, %lt3A_549, %add3A : i32
    %jit3A_551 = arith.constant 0 : i32
    %select_n3A_552 = arith.select %lt3A_550, %squeeze3A_546, %jit3A_551 : i32
    %add3A_553 = arith.addi %add3A_535, %select_n3A_552 : i32
    %jit3A_554 = arith.constant 0 : i32
    %select_n3A_555 = arith.select %lt3A_550, %squeeze3A_548, %jit3A_554 : i32
    %add3A_556 = arith.addi %add3A_538, %select_n3A_555 : i32
    %add3A_557 = arith.addi %add3A_539, %squeeze3A_546 : i32
    %add3A_558 = arith.addi %add3A_540, %squeeze3A_548 : i32
    %get3A_559 = arith.constant 31 : i32
    %get3A_560 = arith.index_cast %get3A_559 : i32 to index
    %get3A_561 = arith.constant 0 : index
    %get3A_562 = tpu.vector_load %arg15[%get3A_560, %get3A_561] {strides = array<i32>} : memref<32x16xi32, #tpu.memory_space<vmem>>, vector<16xi32>,
    %slice3A_563 = vector.extract_strided_slice %get3A_562 {offsets = [0], sizes = [1], strides = [1]} : vector<16xi32> to vector<1xi32>
    %squeeze3A_564 = vector.extract %slice3A_563[0] : i32 from vector<1xi32>
    %slice3A_565 = vector.extract_strided_slice %get3A_562 {offsets = [1], sizes = [1], strides = [1]} : vector<16xi32> to vector<1xi32>
    %squeeze3A_566 = vector.extract %slice3A_565[0] : i32 from vector<1xi32>
    %lt3A_567 = arith.constant 31 : i32
    %lt3A_568 = arith.cmpi slt, %lt3A_567, %add3A : i32
    %jit3A_569 = arith.constant 0 : i32
    %select_n3A_570 = arith.select %lt3A_568, %squeeze3A_564, %jit3A_569 : i32
    %add3A_571 = arith.addi %add3A_553, %select_n3A_570 : i32
    %jit3A_572 = arith.constant 0 : i32
    %select_n3A_573 = arith.select %lt3A_568, %squeeze3A_566, %jit3A_572 : i32
    %add3A_574 = arith.addi %add3A_556, %select_n3A_573 : i32
    %add3A_575 = arith.addi %add3A_557, %squeeze3A_564 : i32
    %add3A_576 = arith.addi %add3A_558, %squeeze3A_566 : i32
    %add3A_577 = arith.addi %add3A_575, %add3A_574 : i32
    %add3A_578 = arith.addi %add3A_575, %add3A_576 : i32
    %mul3A_579 = arith.constant 38400 : i32
    %mul3A_580 = arith.muli %add3A, %mul3A_579 : i32
    %add3A_581 = arith.addi %add3A_578, %mul3A_580 : i32
    %sub3A = arith.subi %add3A_581, %add3A_571 : i32
    %sub3A_582 = arith.subi %sub3A, %add3A_574 : i32
    %iota3A = tpu.iota {dimensions = array<i32: 0>} : vector<16xi32>
    %scan3A = arith.constant 0 : i32
    %scan3A_583 = arith.constant 6 : i32
    %scan3A_584 = arith.addi %scan3A, %scan3A_583 : i32
    %scan3A_585 = arith.constant 1 : i32
    %scan3A_586:3 = scf.for %scan3A_588 = %scan3A to %scan3A_584 step %scan3A_585 iter_args(%scan3A_589 = %add3A_571, %scan3A_590 = %add3A_577, %scan3A_591 = %sub3A_582) -> (i32, i32, i32)  : i32 {
      %mul3A_592 = arith.constant 6400 : i32
      %mul3A_593 = arith.muli %scan3A_588, %mul3A_592 : i32
      %add3A_594 = arith.addi %mul3A_2, %mul3A_593 : i32
      %multiple_of3A = tpu.assume_multiple %add3A_594, 8 : i32
      %dma_start3A = tpu.memref_slice %arg2[%multiple_of3A] : memref<1228800xi32, #tpu.memory_space<hbm>> -> memref<6400xi32, #tpu.memory_space<hbm>>
      %dma_start3A_595 = tpu.memref_slice %arg2[%multiple_of3A] : memref<1228800xi32, #tpu.memory_space<hbm>> -> memref<6400xi32, #tpu.memory_space<hbm>>
      tpu.enqueue_dma source(%dma_start3A_595 : memref<6400xi32, #tpu.memory_space<hbm>>) target(%arg11 : memref<6400xi32, #tpu.memory_space<vmem>>) target_semaphore(%arg23 : memref<!tpu.dma_semaphore, #tpu.memory_space<semaphore_mem>>)
      %dma_start3A_596 = tpu.memref_slice %arg3[%multiple_of3A] : memref<1228800xi32, #tpu.memory_space<hbm>> -> memref<6400xi32, #tpu.memory_space<hbm>>
      %dma_start3A_597 = tpu.memref_slice %arg3[%multiple_of3A] : memref<1228800xi32, #tpu.memory_space<hbm>> -> memref<6400xi32, #tpu.memory_space<hbm>>
      tpu.enqueue_dma source(%dma_start3A_597 : memref<6400xi32, #tpu.memory_space<hbm>>) target(%arg12 : memref<6400xi32, #tpu.memory_space<vmem>>) target_semaphore(%arg23 : memref<!tpu.dma_semaphore, #tpu.memory_space<semaphore_mem>>)
      %dma_start3A_598 = tpu.memref_slice %arg4[%multiple_of3A] : memref<1228800xf32, #tpu.memory_space<hbm>> -> memref<6400xf32, #tpu.memory_space<hbm>>
      %dma_start3A_599 = tpu.memref_slice %arg4[%multiple_of3A] : memref<1228800xf32, #tpu.memory_space<hbm>> -> memref<6400xf32, #tpu.memory_space<hbm>>
      tpu.enqueue_dma source(%dma_start3A_599 : memref<6400xf32, #tpu.memory_space<hbm>>) target(%arg13 : memref<6400xf32, #tpu.memory_space<vmem>>) target_semaphore(%arg23 : memref<!tpu.dma_semaphore, #tpu.memory_space<semaphore_mem>>)
      %dma_start3A_600 = tpu.memref_slice %arg5[%multiple_of3A] : memref<1228800xf32, #tpu.memory_space<hbm>> -> memref<6400xf32, #tpu.memory_space<hbm>>
      %dma_start3A_601 = tpu.memref_slice %arg5[%multiple_of3A] : memref<1228800xf32, #tpu.memory_space<hbm>> -> memref<6400xf32, #tpu.memory_space<hbm>>
      tpu.enqueue_dma source(%dma_start3A_601 : memref<6400xf32, #tpu.memory_space<hbm>>) target(%arg14 : memref<6400xf32, #tpu.memory_space<vmem>>) target_semaphore(%arg23 : memref<!tpu.dma_semaphore, #tpu.memory_space<semaphore_mem>>)
      %dma_wait3A = tpu.memref_slice %arg2[%multiple_of3A] : memref<1228800xi32, #tpu.memory_space<hbm>> -> memref<6400xi32, #tpu.memory_space<hbm>>
      %dma_wait3A_602 = tpu.memref_slice %arg2[%multiple_of3A] : memref<1228800xi32, #tpu.memory_space<hbm>> -> memref<6400xi32, #tpu.memory_space<hbm>>
      tpu.wait_dma2 semaphore(%arg23 : memref<!tpu.dma_semaphore, #tpu.memory_space<semaphore_mem>>) src(%dma_wait3A_602 : memref<6400xi32, #tpu.memory_space<hbm>>) dst(%arg11 : memref<6400xi32, #tpu.memory_space<vmem>>)
      %dma_wait3A_603 = tpu.memref_slice %arg3[%multiple_of3A] : memref<1228800xi32, #tpu.memory_space<hbm>> -> memref<6400xi32, #tpu.memory_space<hbm>>
      %dma_wait3A_604 = tpu.memref_slice %arg3[%multiple_of3A] : memref<1228800xi32, #tpu.memory_space<hbm>> -> memref<6400xi32, #tpu.memory_space<hbm>>
      tpu.wait_dma2 semaphore(%arg23 : memref<!tpu.dma_semaphore, #tpu.memory_space<semaphore_mem>>) src(%dma_wait3A_604 : memref<6400xi32, #tpu.memory_space<hbm>>) dst(%arg12 : memref<6400xi32, #tpu.memory_space<vmem>>)
      %dma_wait3A_605 = tpu.memref_slice %arg4[%multiple_of3A] : memref<1228800xf32, #tpu.memory_space<hbm>> -> memref<6400xf32, #tpu.memory_space<hbm>>
      %dma_wait3A_606 = tpu.memref_slice %arg4[%multiple_of3A] : memref<1228800xf32, #tpu.memory_space<hbm>> -> memref<6400xf32, #tpu.memory_space<hbm>>
      tpu.wait_dma2 semaphore(%arg23 : memref<!tpu.dma_semaphore, #tpu.memory_space<semaphore_mem>>) src(%dma_wait3A_606 : memref<6400xf32, #tpu.memory_space<hbm>>) dst(%arg13 : memref<6400xf32, #tpu.memory_space<vmem>>)
      %dma_wait3A_607 = tpu.memref_slice %arg5[%multiple_of3A] : memref<1228800xf32, #tpu.memory_space<hbm>> -> memref<6400xf32, #tpu.memory_space<hbm>>
      %dma_wait3A_608 = tpu.memref_slice %arg5[%multiple_of3A] : memref<1228800xf32, #tpu.memory_space<hbm>> -> memref<6400xf32, #tpu.memory_space<hbm>>
      tpu.wait_dma2 semaphore(%arg23 : memref<!tpu.dma_semaphore, #tpu.memory_space<semaphore_mem>>) src(%dma_wait3A_608 : memref<6400xf32, #tpu.memory_space<hbm>>) dst(%arg14 : memref<6400xf32, #tpu.memory_space<vmem>>)
      %jit3A_609 = arith.constant 8 : i32
      %eq3A = arith.constant 0 : i32
      %eq3A_610 = arith.cmpi eq, %jit3A_609, %eq3A : i32
      %jit3A_611 = arith.constant 1 : i32
      %select_n3A_612 = arith.select %eq3A_610, %jit3A_611, %jit3A_609 : i32
      %rem3A = arith.remsi %scan3A_589, %select_n3A_612 : i32
      %ne3A = arith.constant 0 : i32
      %ne3A_613 = arith.cmpi ne, %rem3A, %ne3A : i32
      %lt3A_614 = arith.constant 0 : i32
      %lt3A_615 = arith.cmpi slt, %rem3A, %lt3A_614 : i32
      %lt3A_616 = arith.constant 0 : i32
      %lt3A_617 = arith.cmpi slt, %select_n3A_612, %lt3A_616 : i32
      %ne3A_618 = arith.xori %lt3A_615, %lt3A_617 : i1
      %and3A = arith.andi %ne3A_618, %ne3A_613 : i1
      %add3A_619 = arith.addi %rem3A, %select_n3A_612 : i32
      %select_n3A_620 = arith.select %and3A, %add3A_619, %rem3A : i32
      %jit3A_621 = arith.constant 8 : i32
      %eq3A_622 = arith.constant 0 : i32
      %eq3A_623 = arith.cmpi eq, %jit3A_621, %eq3A_622 : i32
      %jit3A_624 = arith.constant 1 : i32
      %select_n3A_625 = arith.select %eq3A_623, %jit3A_624, %jit3A_621 : i32
      %rem3A_626 = arith.remsi %scan3A_590, %select_n3A_625 : i32
      %ne3A_627 = arith.constant 0 : i32
      %ne3A_628 = arith.cmpi ne, %rem3A_626, %ne3A_627 : i32
      %lt3A_629 = arith.constant 0 : i32
      %lt3A_630 = arith.cmpi slt, %rem3A_626, %lt3A_629 : i32
      %lt3A_631 = arith.constant 0 : i32
      %lt3A_632 = arith.cmpi slt, %select_n3A_625, %lt3A_631 : i32
      %ne3A_633 = arith.xori %lt3A_630, %lt3A_632 : i1
      %and3A_634 = arith.andi %ne3A_633, %ne3A_628 : i1
      %add3A_635 = arith.addi %rem3A_626, %select_n3A_625 : i32
      %select_n3A_636 = arith.select %and3A_634, %add3A_635, %rem3A_626 : i32
      %jit3A_637 = arith.constant 8 : i32
      %eq3A_638 = arith.constant 0 : i32
      %eq3A_639 = arith.cmpi eq, %jit3A_637, %eq3A_638 : i32
      %jit3A_640 = arith.constant 1 : i32
      %select_n3A_641 = arith.select %eq3A_639, %jit3A_640, %jit3A_637 : i32
      %rem3A_642 = arith.remsi %scan3A_591, %select_n3A_641 : i32
      %ne3A_643 = arith.constant 0 : i32
      %ne3A_644 = arith.cmpi ne, %rem3A_642, %ne3A_643 : i32
      %lt3A_645 = arith.constant 0 : i32
      %lt3A_646 = arith.cmpi slt, %rem3A_642, %lt3A_645 : i32
      %lt3A_647 = arith.constant 0 : i32
      %lt3A_648 = arith.cmpi slt, %select_n3A_641, %lt3A_647 : i32
      %ne3A_649 = arith.xori %lt3A_646, %lt3A_648 : i1
      %and3A_650 = arith.andi %ne3A_649, %ne3A_644 : i1
      %add3A_651 = arith.addi %rem3A_642, %select_n3A_641 : i32
      %select_n3A_652 = arith.select %and3A_650, %add3A_651, %rem3A_642 : i32
      %scan3A_653 = arith.constant 0 : i32
      %scan3A_654 = arith.constant 200 : i32
      %scan3A_655 = arith.addi %scan3A_653, %scan3A_654 : i32
      %scan3A_656 = arith.constant 1 : i32
      %scan3A_657:3 = scf.for %scan3A_2435 = %scan3A_653 to %scan3A_655 step %scan3A_656 iter_args(%scan3A_2436 = %select_n3A_620, %scan3A_2437 = %select_n3A_636, %scan3A_2438 = %select_n3A_652) -> (i32, i32, i32)  : i32 {
        %mul3A_2439 = arith.constant 2 : i32
        %mul3A_2440 = arith.muli %mul3A_2439, %scan3A_2435 : i32
        %add3A_2441 = arith.constant 0 : i32
        %add3A_2442 = arith.addi %mul3A_2440, %add3A_2441 : i32
        %mul3A_2443 = arith.constant 16 : i32
        %mul3A_2444 = arith.muli %add3A_2442, %mul3A_2443 : i32
        %get3A_2445 = arith.index_cast %mul3A_2444 : i32 to index
        %get3A_2446 = tpu.vector_load %arg11[%get3A_2445] {strides = array<i32>} : memref<6400xi32, #tpu.memory_space<vmem>>, vector<16xi32>,
        %get3A_2447 = arith.index_cast %mul3A_2444 : i32 to index
        %get3A_2448 = tpu.vector_load %arg12[%get3A_2447] {strides = array<i32>} : memref<6400xi32, #tpu.memory_space<vmem>>, vector<16xi32>,
        %gather3A = tpu.vector_load_idx %arg10[%get3A_2446] : memref<50040xf32, #tpu.memory_space<vmem>>[vector<16xi32>], vector<16xf32>,
        %gather3A_2449 = tpu.vector_load_idx %arg10[%get3A_2448] : memref<50040xf32, #tpu.memory_space<vmem>>[vector<16xi32>], vector<16xf32>,
        %get3A_2450 = arith.index_cast %mul3A_2444 : i32 to index
        %get3A_2451 = tpu.vector_load %arg13[%get3A_2450] {strides = array<i32>} : memref<6400xf32, #tpu.memory_space<vmem>>, vector<16xf32>,
        %lt3A_2452 = arith.cmpf olt, %get3A_2451, %gather3A : vector<16xf32>
        %convert_element_type3A = arith.extui %lt3A_2452 : vector<16xi1> to vector<16xi32>
        %get3A_2453 = arith.index_cast %mul3A_2444 : i32 to index
        %get3A_2454 = tpu.vector_load %arg14[%get3A_2453] {strides = array<i32>} : memref<6400xf32, #tpu.memory_space<vmem>>, vector<16xf32>,
        %lt3A_2455 = arith.cmpf olt, %get3A_2454, %gather3A_2449 : vector<16xf32>
        %convert_element_type3A_2456 = arith.extui %lt3A_2455 : vector<16xi1> to vector<16xi32>
        %add3A_2457 = arith.addi %convert_element_type3A, %convert_element_type3A_2456 : vector<16xi32>
        %eq3A_2458 = arith.constant 2 : i32
        %eq3A_2459 = vector.broadcast %eq3A_2458 : i32 to vector<16xi32>
        %eq3A_2460 = arith.cmpi eq, %add3A_2457, %eq3A_2459 : vector<16xi32>
        %eq3A_2461 = arith.constant 1 : i32
        %eq3A_2462 = vector.broadcast %eq3A_2461 : i32 to vector<16xi32>
        %eq3A_2463 = arith.cmpi eq, %add3A_2457, %eq3A_2462 : vector<16xi32>
        %eq3A_2464 = arith.constant 0 : i32
        %eq3A_2465 = vector.broadcast %eq3A_2464 : i32 to vector<16xi32>
        %eq3A_2466 = arith.cmpi eq, %add3A_2457, %eq3A_2465 : vector<16xi32>
        %convert_element_type3A_2467 = arith.extui %eq3A_2460 : vector<16xi1> to vector<16xi32>
        %convert_element_type3A_2468 = arith.extui %eq3A_2463 : vector<16xi1> to vector<16xi32>
        %mul3A_2469 = arith.constant 256 : i32
        %mul3A_2470 = vector.broadcast %mul3A_2469 : i32 to vector<16xi32>
        %mul3A_2471 = arith.muli %convert_element_type3A_2467, %mul3A_2470 : vector<16xi32>
        %add3A_2472 = arith.addi %mul3A_2471, %convert_element_type3A_2468 : vector<16xi32>
        %broadcast_in_dim3A = arith.constant true
        %broadcast_in_dim3A_2473 = vector.broadcast %broadcast_in_dim3A : i1 to vector<16xi1>
        %masked_cumsum3A = tpu.scan <sum>, %add3A_2472 masked %broadcast_in_dim3A_2473 : vector<16xi32>, vector<16xi1> -> vector<16xi32>
        %shift_right_arithmetic3A = arith.constant 8 : i32
        %shift_right_arithmetic3A_2474 = vector.broadcast %shift_right_arithmetic3A : i32 to vector<16xi32>
        %shift_right_arithmetic3A_2475 = arith.shrsi %masked_cumsum3A, %shift_right_arithmetic3A_2474 : vector<16xi32>
        %and3A_2476 = arith.constant 255 : i32
        %and3A_2477 = vector.broadcast %and3A_2476 : i32 to vector<16xi32>
        %and3A_2478 = arith.andi %masked_cumsum3A, %and3A_2477 : vector<16xi32>
        %sub3A_2479 = arith.subi %shift_right_arithmetic3A_2475, %convert_element_type3A_2467 : vector<16xi32>
        %sub3A_2480 = arith.subi %and3A_2478, %convert_element_type3A_2468 : vector<16xi32>
        %sub3A_2481 = arith.subi %iota3A, %sub3A_2479 : vector<16xi32>
        %sub3A_2482 = arith.subi %sub3A_2481, %sub3A_2480 : vector<16xi32>
        %add3A_2483 = vector.broadcast %scan3A_2436 : i32 to vector<16xi32>
        %add3A_2484 = arith.addi %add3A_2483, %sub3A_2479 : vector<16xi32>
        tpu.vector_store_idx %arg16[%add3A_2484], %get3A_2446 masked %eq3A_2460 : memref<6408xi32, #tpu.memory_space<vmem>>[vector<16xi32>], vector<16xi32>, vector<16xi1>
        %add3A_2485 = vector.broadcast %scan3A_2436 : i32 to vector<16xi32>
        %add3A_2486 = arith.addi %add3A_2485, %sub3A_2479 : vector<16xi32>
        tpu.vector_store_idx %arg19[%add3A_2486], %get3A_2448 masked %eq3A_2460 : memref<6408xi32, #tpu.memory_space<vmem>>[vector<16xi32>], vector<16xi32>, vector<16xi1>
        %add3A_2487 = vector.broadcast %scan3A_2437 : i32 to vector<16xi32>
        %add3A_2488 = arith.addi %add3A_2487, %sub3A_2480 : vector<16xi32>
        tpu.vector_store_idx %arg17[%add3A_2488], %get3A_2446 masked %eq3A_2463 : memref<6408xi32, #tpu.memory_space<vmem>>[vector<16xi32>], vector<16xi32>, vector<16xi1>
        %add3A_2489 = vector.broadcast %scan3A_2437 : i32 to vector<16xi32>
        %add3A_2490 = arith.addi %add3A_2489, %sub3A_2480 : vector<16xi32>
        tpu.vector_store_idx %arg20[%add3A_2490], %get3A_2448 masked %eq3A_2463 : memref<6408xi32, #tpu.memory_space<vmem>>[vector<16xi32>], vector<16xi32>, vector<16xi1>
        %add3A_2491 = vector.broadcast %scan3A_2438 : i32 to vector<16xi32>
        %add3A_2492 = arith.addi %add3A_2491, %sub3A_2482 : vector<16xi32>
        tpu.vector_store_idx %arg18[%add3A_2492], %get3A_2446 masked %eq3A_2466 : memref<6408xi32, #tpu.memory_space<vmem>>[vector<16xi32>], vector<16xi32>, vector<16xi1>
        %add3A_2493 = vector.broadcast %scan3A_2438 : i32 to vector<16xi32>
        %add3A_2494 = arith.addi %add3A_2493, %sub3A_2482 : vector<16xi32>
        tpu.vector_store_idx %arg21[%add3A_2494], %get3A_2448 masked %eq3A_2466 : memref<6408xi32, #tpu.memory_space<vmem>>[vector<16xi32>], vector<16xi32>, vector<16xi1>
        %slice3A_2495 = vector.extract_strided_slice %shift_right_arithmetic3A_2475 {offsets = [15], sizes = [1], strides = [1]} : vector<16xi32> to vector<1xi32>
        %squeeze3A_2496 = vector.extract %slice3A_2495[0] : i32 from vector<1xi32>
        %slice3A_2497 = vector.extract_strided_slice %and3A_2478 {offsets = [15], sizes = [1], strides = [1]} : vector<16xi32> to vector<1xi32>
        %squeeze3A_2498 = vector.extract %slice3A_2497[0] : i32 from vector<1xi32>
        %add3A_2499 = arith.addi %scan3A_2436, %squeeze3A_2496 : i32
        %add3A_2500 = arith.addi %scan3A_2437, %squeeze3A_2498 : i32
        %sub3A_2501 = arith.constant 16 : i32
        %sub3A_2502 = arith.subi %sub3A_2501, %squeeze3A_2496 : i32
        %sub3A_2503 = arith.subi %sub3A_2502, %squeeze3A_2498 : i32
        %add3A_2504 = arith.addi %scan3A_2438, %sub3A_2503 : i32
        %mul3A_2505 = arith.constant 2 : i32
        %mul3A_2506 = arith.muli %mul3A_2505, %scan3A_2435 : i32
        %add3A_2507 = arith.constant 1 : i32
        %add3A_2508 = arith.addi %mul3A_2506, %add3A_2507 : i32
        %mul3A_2509 = arith.constant 16 : i32
        %mul3A_2510 = arith.muli %add3A_2508, %mul3A_2509 : i32
        %get3A_2511 = arith.index_cast %mul3A_2510 : i32 to index
        %get3A_2512 = tpu.vector_load %arg11[%get3A_2511] {strides = array<i32>} : memref<6400xi32, #tpu.memory_space<vmem>>, vector<16xi32>,
        %get3A_2513 = arith.index_cast %mul3A_2510 : i32 to index
        %get3A_2514 = tpu.vector_load %arg12[%get3A_2513] {strides = array<i32>} : memref<6400xi32, #tpu.memory_space<vmem>>, vector<16xi32>,
        %gather3A_2515 = tpu.vector_load_idx %arg10[%get3A_2512] : memref<50040xf32, #tpu.memory_space<vmem>>[vector<16xi32>], vector<16xf32>,
        %gather3A_2516 = tpu.vector_load_idx %arg10[%get3A_2514] : memref<50040xf32, #tpu.memory_space<vmem>>[vector<16xi32>], vector<16xf32>,
        %get3A_2517 = arith.index_cast %mul3A_2510 : i32 to index
        %get3A_2518 = tpu.vector_load %arg13[%get3A_2517] {strides = array<i32>} : memref<6400xf32, #tpu.memory_space<vmem>>, vector<16xf32>,
        %lt3A_2519 = arith.cmpf olt, %get3A_2518, %gather3A_2515 : vector<16xf32>
        %convert_element_type3A_2520 = arith.extui %lt3A_2519 : vector<16xi1> to vector<16xi32>
        %get3A_2521 = arith.index_cast %mul3A_2510 : i32 to index
        %get3A_2522 = tpu.vector_load %arg14[%get3A_2521] {strides = array<i32>} : memref<6400xf32, #tpu.memory_space<vmem>>, vector<16xf32>,
        %lt3A_2523 = arith.cmpf olt, %get3A_2522, %gather3A_2516 : vector<16xf32>
        %convert_element_type3A_2524 = arith.extui %lt3A_2523 : vector<16xi1> to vector<16xi32>
        %add3A_2525 = arith.addi %convert_element_type3A_2520, %convert_element_type3A_2524 : vector<16xi32>
        %eq3A_2526 = arith.constant 2 : i32
        %eq3A_2527 = vector.broadcast %eq3A_2526 : i32 to vector<16xi32>
        %eq3A_2528 = arith.cmpi eq, %add3A_2525, %eq3A_2527 : vector<16xi32>
        %eq3A_2529 = arith.constant 1 : i32
        %eq3A_2530 = vector.broadcast %eq3A_2529 : i32 to vector<16xi32>
        %eq3A_2531 = arith.cmpi eq, %add3A_2525, %eq3A_2530 : vector<16xi32>
        %eq3A_2532 = arith.constant 0 : i32
        %eq3A_2533 = vector.broadcast %eq3A_2532 : i32 to vector<16xi32>
        %eq3A_2534 = arith.cmpi eq, %add3A_2525, %eq3A_2533 : vector<16xi32>
        %convert_element_type3A_2535 = arith.extui %eq3A_2528 : vector<16xi1> to vector<16xi32>
        %convert_element_type3A_2536 = arith.extui %eq3A_2531 : vector<16xi1> to vector<16xi32>
        %mul3A_2537 = arith.constant 256 : i32
        %mul3A_2538 = vector.broadcast %mul3A_2537 : i32 to vector<16xi32>
        %mul3A_2539 = arith.muli %convert_element_type3A_2535, %mul3A_2538 : vector<16xi32>
        %add3A_2540 = arith.addi %mul3A_2539, %convert_element_type3A_2536 : vector<16xi32>
        %broadcast_in_dim3A_2541 = arith.constant true
        %broadcast_in_dim3A_2542 = vector.broadcast %broadcast_in_dim3A_2541 : i1 to vector<16xi1>
        %masked_cumsum3A_2543 = tpu.scan <sum>, %add3A_2540 masked %broadcast_in_dim3A_2542 : vector<16xi32>, vector<16xi1> -> vector<16xi32>
        %shift_right_arithmetic3A_2544 = arith.constant 8 : i32
        %shift_right_arithmetic3A_2545 = vector.broadcast %shift_right_arithmetic3A_2544 : i32 to vector<16xi32>
        %shift_right_arithmetic3A_2546 = arith.shrsi %masked_cumsum3A_2543, %shift_right_arithmetic3A_2545 : vector<16xi32>
        %and3A_2547 = arith.constant 255 : i32
        %and3A_2548 = vector.broadcast %and3A_2547 : i32 to vector<16xi32>
        %and3A_2549 = arith.andi %masked_cumsum3A_2543, %and3A_2548 : vector<16xi32>
        %sub3A_2550 = arith.subi %shift_right_arithmetic3A_2546, %convert_element_type3A_2535 : vector<16xi32>
        %sub3A_2551 = arith.subi %and3A_2549, %convert_element_type3A_2536 : vector<16xi32>
        %sub3A_2552 = arith.subi %iota3A, %sub3A_2550 : vector<16xi32>
        %sub3A_2553 = arith.subi %sub3A_2552, %sub3A_2551 : vector<16xi32>
        %add3A_2554 = vector.broadcast %add3A_2499 : i32 to vector<16xi32>
        %add3A_2555 = arith.addi %add3A_2554, %sub3A_2550 : vector<16xi32>
        tpu.vector_store_idx %arg16[%add3A_2555], %get3A_2512 masked %eq3A_2528 : memref<6408xi32, #tpu.memory_space<vmem>>[vector<16xi32>], vector<16xi32>, vector<16xi1>
        %add3A_2556 = vector.broadcast %add3A_2499 : i32 to vector<16xi32>
        %add3A_2557 = arith.addi %add3A_2556, %sub3A_2550 : vector<16xi32>
        tpu.vector_store_idx %arg19[%add3A_2557], %get3A_2514 masked %eq3A_2528 : memref<6408xi32, #tpu.memory_space<vmem>>[vector<16xi32>], vector<16xi32>, vector<16xi1>
        %add3A_2558 = vector.broadcast %add3A_2500 : i32 to vector<16xi32>
        %add3A_2559 = arith.addi %add3A_2558, %sub3A_2551 : vector<16xi32>
        tpu.vector_store_idx %arg17[%add3A_2559], %get3A_2512 masked %eq3A_2531 : memref<6408xi32, #tpu.memory_space<vmem>>[vector<16xi32>], vector<16xi32>, vector<16xi1>
        %add3A_2560 = vector.broadcast %add3A_2500 : i32 to vector<16xi32>
        %add3A_2561 = arith.addi %add3A_2560, %sub3A_2551 : vector<16xi32>
        tpu.vector_store_idx %arg20[%add3A_2561], %get3A_2514 masked %eq3A_2531 : memref<6408xi32, #tpu.memory_space<vmem>>[vector<16xi32>], vector<16xi32>, vector<16xi1>
        %add3A_2562 = vector.broadcast %add3A_2504 : i32 to vector<16xi32>
        %add3A_2563 = arith.addi %add3A_2562, %sub3A_2553 : vector<16xi32>
        tpu.vector_store_idx %arg18[%add3A_2563], %get3A_2512 masked %eq3A_2534 : memref<6408xi32, #tpu.memory_space<vmem>>[vector<16xi32>], vector<16xi32>, vector<16xi1>
        %add3A_2564 = vector.broadcast %add3A_2504 : i32 to vector<16xi32>
        %add3A_2565 = arith.addi %add3A_2564, %sub3A_2553 : vector<16xi32>
        tpu.vector_store_idx %arg21[%add3A_2565], %get3A_2514 masked %eq3A_2534 : memref<6408xi32, #tpu.memory_space<vmem>>[vector<16xi32>], vector<16xi32>, vector<16xi1>
        %slice3A_2566 = vector.extract_strided_slice %shift_right_arithmetic3A_2546 {offsets = [15], sizes = [1], strides = [1]} : vector<16xi32> to vector<1xi32>
        %squeeze3A_2567 = vector.extract %slice3A_2566[0] : i32 from vector<1xi32>
        %slice3A_2568 = vector.extract_strided_slice %and3A_2549 {offsets = [15], sizes = [1], strides = [1]} : vector<16xi32> to vector<1xi32>
        %squeeze3A_2569 = vector.extract %slice3A_2568[0] : i32 from vector<1xi32>
        %add3A_2570 = arith.addi %add3A_2499, %squeeze3A_2567 : i32
        %add3A_2571 = arith.addi %add3A_2500, %squeeze3A_2569 : i32
        %sub3A_2572 = arith.constant 16 : i32
        %sub3A_2573 = arith.subi %sub3A_2572, %squeeze3A_2567 : i32
        %sub3A_2574 = arith.subi %sub3A_2573, %squeeze3A_2569 : i32
        %add3A_2575 = arith.addi %add3A_2504, %sub3A_2574 : i32
        scf.yield %add3A_2570, %add3A_2571, %add3A_2575 : i32, i32, i32
      }
      %scan3A_658 = arith.constant 200 : i32
      %sub3A_659 = arith.subi %scan3A_657#0, %select_n3A_620 : i32
      %sub3A_660 = arith.subi %scan3A_657#1, %select_n3A_636 : i32
      %sub3A_661 = arith.subi %scan3A_657#2, %select_n3A_652 : i32
      %jit3A_662 = arith.constant 8 : i32
      %eq3A_663 = arith.constant 0 : i32
      %eq3A_664 = arith.cmpi eq, %jit3A_662, %eq3A_663 : i32
      %jit3A_665 = arith.constant 1 : i32
      %select_n3A_666 = arith.select %eq3A_664, %jit3A_665, %jit3A_662 : i32
      %rem3A_667 = arith.remsi %scan3A_589, %select_n3A_666 : i32
      %ne3A_668 = arith.constant 0 : i32
      %ne3A_669 = arith.cmpi ne, %rem3A_667, %ne3A_668 : i32
      %lt3A_670 = arith.constant 0 : i32
      %lt3A_671 = arith.cmpi slt, %rem3A_667, %lt3A_670 : i32
      %lt3A_672 = arith.constant 0 : i32
      %lt3A_673 = arith.cmpi slt, %select_n3A_666, %lt3A_672 : i32
      %ne3A_674 = arith.xori %lt3A_671, %lt3A_673 : i1
      %and3A_675 = arith.andi %ne3A_674, %ne3A_669 : i1
      %add3A_676 = arith.addi %rem3A_667, %select_n3A_666 : i32
      %select_n3A_677 = arith.select %and3A_675, %add3A_676, %rem3A_667 : i32
      %sub3A_678 = arith.subi %scan3A_589, %select_n3A_677 : i32
      %add3A_679 = arith.addi %scan3A_589, %sub3A_659 : i32
      %jit3A_680 = arith.constant 8 : i32
      %eq3A_681 = arith.constant 0 : i32
      %eq3A_682 = arith.cmpi eq, %jit3A_680, %eq3A_681 : i32
      %jit3A_683 = arith.constant 1 : i32
      %select_n3A_684 = arith.select %eq3A_682, %jit3A_683, %jit3A_680 : i32
      %rem3A_685 = arith.remsi %add3A_679, %select_n3A_684 : i32
      %ne3A_686 = arith.constant 0 : i32
      %ne3A_687 = arith.cmpi ne, %rem3A_685, %ne3A_686 : i32
      %lt3A_688 = arith.constant 0 : i32
      %lt3A_689 = arith.cmpi slt, %rem3A_685, %lt3A_688 : i32
      %lt3A_690 = arith.constant 0 : i32
      %lt3A_691 = arith.cmpi slt, %select_n3A_684, %lt3A_690 : i32
      %ne3A_692 = arith.xori %lt3A_689, %lt3A_691 : i1
      %and3A_693 = arith.andi %ne3A_692, %ne3A_687 : i1
      %add3A_694 = arith.addi %rem3A_685, %select_n3A_684 : i32
      %select_n3A_695 = arith.select %and3A_693, %add3A_694, %rem3A_685 : i32
      %sub3A_696 = arith.subi %add3A_679, %select_n3A_695 : i32
      %iota3A_697 = tpu.iota {dimensions = array<i32: 0>} : vector<16xi32>
      %add3A_698 = vector.broadcast %sub3A_678 : i32 to vector<16xi32>
      %add3A_699 = arith.addi %add3A_698, %iota3A_697 : vector<16xi32>
      %add3A_700 = vector.broadcast %sub3A_696 : i32 to vector<16xi32>
      %add3A_701 = arith.addi %add3A_700, %iota3A_697 : vector<16xi32>
      %sub3A_702 = arith.constant 8 : i32
      %sub3A_703 = vector.broadcast %sub3A_702 : i32 to vector<16xi32>
      %sub3A_704 = arith.subi %add3A_701, %sub3A_703 : vector<16xi32>
      %lt3A_705 = arith.constant 8 : i32
      %lt3A_706 = vector.broadcast %lt3A_705 : i32 to vector<16xi32>
      %lt3A_707 = arith.cmpi slt, %iota3A_697, %lt3A_706 : vector<16xi32>
      %select_n3A_708 = arith.select %lt3A_707, %add3A_699, %sub3A_704 : vector<16xi1>, vector<16xi32>
      %lt3A_709 = arith.constant 8 : i32
      %lt3A_710 = vector.broadcast %lt3A_709 : i32 to vector<16xi32>
      %lt3A_711 = arith.cmpi slt, %iota3A_697, %lt3A_710 : vector<16xi32>
      %ge3A = vector.broadcast %scan3A_589 : i32 to vector<16xi32>
      %ge3A_712 = arith.cmpi sge, %select_n3A_708, %ge3A : vector<16xi32>
      %and3A_713 = arith.andi %lt3A_711, %ge3A_712 : vector<16xi1>
      %add3A_714 = arith.constant 8 : i32
      %add3A_715 = arith.addi %sub3A_678, %add3A_714 : i32
      %min3A = arith.minsi %add3A_679, %add3A_715 : i32
      %lt3A_716 = vector.broadcast %min3A : i32 to vector<16xi32>
      %lt3A_717 = arith.cmpi slt, %select_n3A_708, %lt3A_716 : vector<16xi32>
      %and3A_718 = arith.andi %and3A_713, %lt3A_717 : vector<16xi1>
      %ge3A_719 = arith.constant 8 : i32
      %ge3A_720 = vector.broadcast %ge3A_719 : i32 to vector<16xi32>
      %ge3A_721 = arith.cmpi sge, %iota3A_697, %ge3A_720 : vector<16xi32>
      %max3A = arith.maxsi %scan3A_589, %sub3A_696 : i32
      %ge3A_722 = vector.broadcast %max3A : i32 to vector<16xi32>
      %ge3A_723 = arith.cmpi sge, %select_n3A_708, %ge3A_722 : vector<16xi32>
      %and3A_724 = arith.andi %ge3A_721, %ge3A_723 : vector<16xi1>
      %lt3A_725 = vector.broadcast %add3A_679 : i32 to vector<16xi32>
      %lt3A_726 = arith.cmpi slt, %select_n3A_708, %lt3A_725 : vector<16xi32>
      %and3A_727 = arith.andi %and3A_724, %lt3A_726 : vector<16xi1>
      %gt3A = arith.cmpi sgt, %sub3A_696, %sub3A_678 : i32
      %and3A_728 = vector.broadcast %gt3A : i1 to vector<16xi1>
      %and3A_729 = arith.andi %and3A_727, %and3A_728 : vector<16xi1>
      %mul3A_730 = arith.constant 4096 : i32
      %mul3A_731 = arith.muli %add3A, %mul3A_730 : i32
      %add3A_732 = arith.constant 1228800 : i32
      %add3A_733 = arith.addi %add3A_732, %mul3A_731 : i32
      %or3A = arith.ori %and3A_718, %and3A_729 : vector<16xi1>
      %add3A_734 = vector.broadcast %add3A_733 : i32 to vector<16xi32>
      %add3A_735 = arith.addi %add3A_734, %iota3A_697 : vector<16xi32>
      %select_n3A_736 = arith.select %or3A, %select_n3A_708, %add3A_735 : vector<16xi1>, vector<16xi32>
      %sub3A_737 = arith.subi %sub3A_696, %sub3A_678 : i32
      %sub3A_738 = arith.constant 8 : i32
      %sub3A_739 = arith.subi %sub3A_737, %sub3A_738 : i32
      %max3A_740 = arith.constant 0 : i32
      %max3A_741 = arith.maxsi %sub3A_739, %max3A_740 : i32
      %get3A_742 = arith.constant 0 : index
      %get3A_743 = tpu.vector_load %arg16[%get3A_742] {strides = array<i32>} : memref<6408xi32, #tpu.memory_space<vmem>>, vector<16xi32>,
      %get3A_744 = arith.index_cast %max3A_741 : i32 to index
      %get3A_745 = tpu.vector_load %arg16[%get3A_744] {strides = array<i32>} : memref<6408xi32, #tpu.memory_space<vmem>>, vector<16xi32>,
      %lt3A_746 = arith.constant 8 : i32
      %lt3A_747 = vector.broadcast %lt3A_746 : i32 to vector<16xi32>
      %lt3A_748 = arith.cmpi slt, %iota3A_697, %lt3A_747 : vector<16xi32>
      %select_n3A_749 = arith.select %lt3A_748, %get3A_743, %get3A_745 : vector<16xi1>, vector<16xi32>
      %swap3A = arith.constant 0 : i32
      %swap3A_750 = arith.index_cast %swap3A : i32 to index
      %swap3A_751 = arith.constant 0 : index
      %swap3A_752 = tpu.vector_load %arg22[%swap3A_750, %swap3A_751] {strides = array<i32>} : memref<6x16xi32, #tpu.memory_space<vmem>>, vector<16xi32>,
      tpu.vector_store %arg22[%swap3A_750, %swap3A_751], %select_n3A_749 {strides = array<i32>} : memref<6x16xi32, #tpu.memory_space<vmem>>, vector<16xi32>,
      %dma_start3A_753 = arith.constant 0 : i32
      %dma_start3A_754 = arith.constant 0 : i32
      %dma_start3A_755 = tpu.memref_slice %arg22[%dma_start3A_753, %dma_start3A_754] : memref<6x16xi32, #tpu.memory_space<vmem>> -> memref<1x16xi32, #tpu.memory_space<vmem>>
      %dma_start3A_756 = tpu.memref_squeeze %dma_start3A_755 : memref<1x16xi32, #tpu.memory_space<vmem>> -> memref<16xi32, #tpu.memory_space<vmem>>
      %dma_start3A_757 = arith.constant 0 : i32
      %dma_start3A_758 = tpu.memref_slice %arg8[%dma_start3A_757] : memref<1359872xi32, #tpu.memory_space<hbm>> -> memref<1359872xi32, #tpu.memory_space<hbm>>
      tpu.enqueue_indirect_dma source(%dma_start3A_756 : memref<16xi32, #tpu.memory_space<vmem>>) target(%dma_start3A_758 : memref<1359872xi32, #tpu.memory_space<hbm>>) offsets(%select_n3A_736 : vector<16xi32>) semaphore(%arg23 : memref<!tpu.dma_semaphore, #tpu.memory_space<semaphore_mem>>)
      %sub3A_759 = arith.subi %sub3A_696, %sub3A_678 : i32
      %sub3A_760 = arith.constant 8 : i32
      %sub3A_761 = arith.subi %sub3A_759, %sub3A_760 : i32
      %max3A_762 = arith.constant 0 : i32
      %max3A_763 = arith.maxsi %sub3A_761, %max3A_762 : i32
      %and3A_764 = arith.constant 4096 : i32
      %and3A_765 = arith.andi %max3A_763, %and3A_764 : i32
      %ne3A_766 = arith.constant 0 : i32
      %ne3A_767 = arith.cmpi ne, %and3A_765, %ne3A_766 : i32
      %and3A_768 = arith.constant -8192 : i32
      %and3A_769 = arith.andi %max3A_763, %and3A_768 : i32
      %add3A_770 = arith.constant 8 : i32
      %add3A_771 = arith.addi %add3A_770, %and3A_769 : i32
      %jit3A_772 = arith.constant 0 : i32
      %select_n3A_773 = arith.select %ne3A_767, %add3A_771, %jit3A_772 : i32
      %multiple_of3A_774 = tpu.assume_multiple %select_n3A_773, 8 : i32
      %add3A_775 = arith.addi %sub3A_678, %add3A_771 : i32
      %select_n3A_776 = arith.select %ne3A_767, %add3A_775, %add3A_733 : i32
      %multiple_of3A_777 = tpu.assume_multiple %select_n3A_776, 8 : i32
      %dma_start3A_778 = tpu.memref_slice %arg16[%multiple_of3A_774] : memref<6408xi32, #tpu.memory_space<vmem>> -> memref<4096xi32, #tpu.memory_space<vmem>>
      %dma_start3A_779 = tpu.memref_slice %arg8[%multiple_of3A_777] : memref<1359872xi32, #tpu.memory_space<hbm>> -> memref<4096xi32, #tpu.memory_space<hbm>>
      %dma_start3A_780 = tpu.memref_slice %arg8[%multiple_of3A_777] : memref<1359872xi32, #tpu.memory_space<hbm>> -> memref<4096xi32, #tpu.memory_space<hbm>>
      %dma_start3A_781 = tpu.memref_slice %arg16[%multiple_of3A_774] : memref<6408xi32, #tpu.memory_space<vmem>> -> memref<4096xi32, #tpu.memory_space<vmem>>
      tpu.enqueue_dma source(%dma_start3A_781 : memref<4096xi32, #tpu.memory_space<vmem>>) target(%dma_start3A_780 : memref<4096xi32, #tpu.memory_space<hbm>>) target_semaphore(%arg23 : memref<!tpu.dma_semaphore, #tpu.memory_space<semaphore_mem>>)
      %and3A_782 = arith.constant 2048 : i32
      %and3A_783 = arith.andi %max3A_763, %and3A_782 : i32
      %ne3A_784 = arith.constant 0 : i32
      %ne3A_785 = arith.cmpi ne, %and3A_783, %ne3A_784 : i32
      %and3A_786 = arith.constant -4096 : i32
      %and3A_787 = arith.andi %max3A_763, %and3A_786 : i32
      %add3A_788 = arith.constant 8 : i32
      %add3A_789 = arith.addi %add3A_788, %and3A_787 : i32
      %jit3A_790 = arith.constant 0 : i32
      %select_n3A_791 = arith.select %ne3A_785, %add3A_789, %jit3A_790 : i32
      %multiple_of3A_792 = tpu.assume_multiple %select_n3A_791, 8 : i32
      %add3A_793 = arith.addi %sub3A_678, %add3A_789 : i32
      %select_n3A_794 = arith.select %ne3A_785, %add3A_793, %add3A_733 : i32
      %multiple_of3A_795 = tpu.assume_multiple %select_n3A_794, 8 : i32
      %dma_start3A_796 = tpu.memref_slice %arg16[%multiple_of3A_792] : memref<6408xi32, #tpu.memory_space<vmem>> -> memref<2048xi32, #tpu.memory_space<vmem>>
      %dma_start3A_797 = tpu.memref_slice %arg8[%multiple_of3A_795] : memref<1359872xi32, #tpu.memory_space<hbm>> -> memref<2048xi32, #tpu.memory_space<hbm>>
      %dma_start3A_798 = tpu.memref_slice %arg8[%multiple_of3A_795] : memref<1359872xi32, #tpu.memory_space<hbm>> -> memref<2048xi32, #tpu.memory_space<hbm>>
      %dma_start3A_799 = tpu.memref_slice %arg16[%multiple_of3A_792] : memref<6408xi32, #tpu.memory_space<vmem>> -> memref<2048xi32, #tpu.memory_space<vmem>>
      tpu.enqueue_dma source(%dma_start3A_799 : memref<2048xi32, #tpu.memory_space<vmem>>) target(%dma_start3A_798 : memref<2048xi32, #tpu.memory_space<hbm>>) target_semaphore(%arg23 : memref<!tpu.dma_semaphore, #tpu.memory_space<semaphore_mem>>)
      %and3A_800 = arith.constant 1024 : i32
      %and3A_801 = arith.andi %max3A_763, %and3A_800 : i32
      %ne3A_802 = arith.constant 0 : i32
      %ne3A_803 = arith.cmpi ne, %and3A_801, %ne3A_802 : i32
      %and3A_804 = arith.constant -2048 : i32
      %and3A_805 = arith.andi %max3A_763, %and3A_804 : i32
      %add3A_806 = arith.constant 8 : i32
      %add3A_807 = arith.addi %add3A_806, %and3A_805 : i32
      %jit3A_808 = arith.constant 0 : i32
      %select_n3A_809 = arith.select %ne3A_803, %add3A_807, %jit3A_808 : i32
      %multiple_of3A_810 = tpu.assume_multiple %select_n3A_809, 8 : i32
      %add3A_811 = arith.addi %sub3A_678, %add3A_807 : i32
      %select_n3A_812 = arith.select %ne3A_803, %add3A_811, %add3A_733 : i32
      %multiple_of3A_813 = tpu.assume_multiple %select_n3A_812, 8 : i32
      %dma_start3A_814 = tpu.memref_slice %arg16[%multiple_of3A_810] : memref<6408xi32, #tpu.memory_space<vmem>> -> memref<1024xi32, #tpu.memory_space<vmem>>
      %dma_start3A_815 = tpu.memref_slice %arg8[%multiple_of3A_813] : memref<1359872xi32, #tpu.memory_space<hbm>> -> memref<1024xi32, #tpu.memory_space<hbm>>
      %dma_start3A_816 = tpu.memref_slice %arg8[%multiple_of3A_813] : memref<1359872xi32, #tpu.memory_space<hbm>> -> memref<1024xi32, #tpu.memory_space<hbm>>
      %dma_start3A_817 = tpu.memref_slice %arg16[%multiple_of3A_810] : memref<6408xi32, #tpu.memory_space<vmem>> -> memref<1024xi32, #tpu.memory_space<vmem>>
      tpu.enqueue_dma source(%dma_start3A_817 : memref<1024xi32, #tpu.memory_space<vmem>>) target(%dma_start3A_816 : memref<1024xi32, #tpu.memory_space<hbm>>) target_semaphore(%arg23 : memref<!tpu.dma_semaphore, #tpu.memory_space<semaphore_mem>>)
      %and3A_818 = arith.constant 512 : i32
      %and3A_819 = arith.andi %max3A_763, %and3A_818 : i32
      %ne3A_820 = arith.constant 0 : i32
      %ne3A_821 = arith.cmpi ne, %and3A_819, %ne3A_820 : i32
      %and3A_822 = arith.constant -1024 : i32
      %and3A_823 = arith.andi %max3A_763, %and3A_822 : i32
      %add3A_824 = arith.constant 8 : i32
      %add3A_825 = arith.addi %add3A_824, %and3A_823 : i32
      %jit3A_826 = arith.constant 0 : i32
      %select_n3A_827 = arith.select %ne3A_821, %add3A_825, %jit3A_826 : i32
      %multiple_of3A_828 = tpu.assume_multiple %select_n3A_827, 8 : i32
      %add3A_829 = arith.addi %sub3A_678, %add3A_825 : i32
      %select_n3A_830 = arith.select %ne3A_821, %add3A_829, %add3A_733 : i32
      %multiple_of3A_831 = tpu.assume_multiple %select_n3A_830, 8 : i32
      %dma_start3A_832 = tpu.memref_slice %arg16[%multiple_of3A_828] : memref<6408xi32, #tpu.memory_space<vmem>> -> memref<512xi32, #tpu.memory_space<vmem>>
      %dma_start3A_833 = tpu.memref_slice %arg8[%multiple_of3A_831] : memref<1359872xi32, #tpu.memory_space<hbm>> -> memref<512xi32, #tpu.memory_space<hbm>>
      %dma_start3A_834 = tpu.memref_slice %arg8[%multiple_of3A_831] : memref<1359872xi32, #tpu.memory_space<hbm>> -> memref<512xi32, #tpu.memory_space<hbm>>
      %dma_start3A_835 = tpu.memref_slice %arg16[%multiple_of3A_828] : memref<6408xi32, #tpu.memory_space<vmem>> -> memref<512xi32, #tpu.memory_space<vmem>>
      tpu.enqueue_dma source(%dma_start3A_835 : memref<512xi32, #tpu.memory_space<vmem>>) target(%dma_start3A_834 : memref<512xi32, #tpu.memory_space<hbm>>) target_semaphore(%arg23 : memref<!tpu.dma_semaphore, #tpu.memory_space<semaphore_mem>>)
      %and3A_836 = arith.constant 256 : i32
      %and3A_837 = arith.andi %max3A_763, %and3A_836 : i32
      %ne3A_838 = arith.constant 0 : i32
      %ne3A_839 = arith.cmpi ne, %and3A_837, %ne3A_838 : i32
      %and3A_840 = arith.constant -512 : i32
      %and3A_841 = arith.andi %max3A_763, %and3A_840 : i32
      %add3A_842 = arith.constant 8 : i32
      %add3A_843 = arith.addi %add3A_842, %and3A_841 : i32
      %jit3A_844 = arith.constant 0 : i32
      %select_n3A_845 = arith.select %ne3A_839, %add3A_843, %jit3A_844 : i32
      %multiple_of3A_846 = tpu.assume_multiple %select_n3A_845, 8 : i32
      %add3A_847 = arith.addi %sub3A_678, %add3A_843 : i32
      %select_n3A_848 = arith.select %ne3A_839, %add3A_847, %add3A_733 : i32
      %multiple_of3A_849 = tpu.assume_multiple %select_n3A_848, 8 : i32
      %dma_start3A_850 = tpu.memref_slice %arg16[%multiple_of3A_846] : memref<6408xi32, #tpu.memory_space<vmem>> -> memref<256xi32, #tpu.memory_space<vmem>>
      %dma_start3A_851 = tpu.memref_slice %arg8[%multiple_of3A_849] : memref<1359872xi32, #tpu.memory_space<hbm>> -> memref<256xi32, #tpu.memory_space<hbm>>
      %dma_start3A_852 = tpu.memref_slice %arg8[%multiple_of3A_849] : memref<1359872xi32, #tpu.memory_space<hbm>> -> memref<256xi32, #tpu.memory_space<hbm>>
      %dma_start3A_853 = tpu.memref_slice %arg16[%multiple_of3A_846] : memref<6408xi32, #tpu.memory_space<vmem>> -> memref<256xi32, #tpu.memory_space<vmem>>
      tpu.enqueue_dma source(%dma_start3A_853 : memref<256xi32, #tpu.memory_space<vmem>>) target(%dma_start3A_852 : memref<256xi32, #tpu.memory_space<hbm>>) target_semaphore(%arg23 : memref<!tpu.dma_semaphore, #tpu.memory_space<semaphore_mem>>)
      %and3A_854 = arith.constant 128 : i32
      %and3A_855 = arith.andi %max3A_763, %and3A_854 : i32
      %ne3A_856 = arith.constant 0 : i32
      %ne3A_857 = arith.cmpi ne, %and3A_855, %ne3A_856 : i32
      %and3A_858 = arith.constant -256 : i32
      %and3A_859 = arith.andi %max3A_763, %and3A_858 : i32
      %add3A_860 = arith.constant 8 : i32
      %add3A_861 = arith.addi %add3A_860, %and3A_859 : i32
      %jit3A_862 = arith.constant 0 : i32
      %select_n3A_863 = arith.select %ne3A_857, %add3A_861, %jit3A_862 : i32
      %multiple_of3A_864 = tpu.assume_multiple %select_n3A_863, 8 : i32
      %add3A_865 = arith.addi %sub3A_678, %add3A_861 : i32
      %select_n3A_866 = arith.select %ne3A_857, %add3A_865, %add3A_733 : i32
      %multiple_of3A_867 = tpu.assume_multiple %select_n3A_866, 8 : i32
      %dma_start3A_868 = tpu.memref_slice %arg16[%multiple_of3A_864] : memref<6408xi32, #tpu.memory_space<vmem>> -> memref<128xi32, #tpu.memory_space<vmem>>
      %dma_start3A_869 = tpu.memref_slice %arg8[%multiple_of3A_867] : memref<1359872xi32, #tpu.memory_space<hbm>> -> memref<128xi32, #tpu.memory_space<hbm>>
      %dma_start3A_870 = tpu.memref_slice %arg8[%multiple_of3A_867] : memref<1359872xi32, #tpu.memory_space<hbm>> -> memref<128xi32, #tpu.memory_space<hbm>>
      %dma_start3A_871 = tpu.memref_slice %arg16[%multiple_of3A_864] : memref<6408xi32, #tpu.memory_space<vmem>> -> memref<128xi32, #tpu.memory_space<vmem>>
      tpu.enqueue_dma source(%dma_start3A_871 : memref<128xi32, #tpu.memory_space<vmem>>) target(%dma_start3A_870 : memref<128xi32, #tpu.memory_space<hbm>>) target_semaphore(%arg23 : memref<!tpu.dma_semaphore, #tpu.memory_space<semaphore_mem>>)
      %and3A_872 = arith.constant 64 : i32
      %and3A_873 = arith.andi %max3A_763, %and3A_872 : i32
      %ne3A_874 = arith.constant 0 : i32
      %ne3A_875 = arith.cmpi ne, %and3A_873, %ne3A_874 : i32
      %and3A_876 = arith.constant -128 : i32
      %and3A_877 = arith.andi %max3A_763, %and3A_876 : i32
      %add3A_878 = arith.constant 8 : i32
      %add3A_879 = arith.addi %add3A_878, %and3A_877 : i32
      %jit3A_880 = arith.constant 0 : i32
      %select_n3A_881 = arith.select %ne3A_875, %add3A_879, %jit3A_880 : i32
      %multiple_of3A_882 = tpu.assume_multiple %select_n3A_881, 8 : i32
      %add3A_883 = arith.addi %sub3A_678, %add3A_879 : i32
      %select_n3A_884 = arith.select %ne3A_875, %add3A_883, %add3A_733 : i32
      %multiple_of3A_885 = tpu.assume_multiple %select_n3A_884, 8 : i32
      %dma_start3A_886 = tpu.memref_slice %arg16[%multiple_of3A_882] : memref<6408xi32, #tpu.memory_space<vmem>> -> memref<64xi32, #tpu.memory_space<vmem>>
      %dma_start3A_887 = tpu.memref_slice %arg8[%multiple_of3A_885] : memref<1359872xi32, #tpu.memory_space<hbm>> -> memref<64xi32, #tpu.memory_space<hbm>>
      %dma_start3A_888 = tpu.memref_slice %arg8[%multiple_of3A_885] : memref<1359872xi32, #tpu.memory_space<hbm>> -> memref<64xi32, #tpu.memory_space<hbm>>
      %dma_start3A_889 = tpu.memref_slice %arg16[%multiple_of3A_882] : memref<6408xi32, #tpu.memory_space<vmem>> -> memref<64xi32, #tpu.memory_space<vmem>>
      tpu.enqueue_dma source(%dma_start3A_889 : memref<64xi32, #tpu.memory_space<vmem>>) target(%dma_start3A_888 : memref<64xi32, #tpu.memory_space<hbm>>) target_semaphore(%arg23 : memref<!tpu.dma_semaphore, #tpu.memory_space<semaphore_mem>>)
      %and3A_890 = arith.constant 32 : i32
      %and3A_891 = arith.andi %max3A_763, %and3A_890 : i32
      %ne3A_892 = arith.constant 0 : i32
      %ne3A_893 = arith.cmpi ne, %and3A_891, %ne3A_892 : i32
      %and3A_894 = arith.constant -64 : i32
      %and3A_895 = arith.andi %max3A_763, %and3A_894 : i32
      %add3A_896 = arith.constant 8 : i32
      %add3A_897 = arith.addi %add3A_896, %and3A_895 : i32
      %jit3A_898 = arith.constant 0 : i32
      %select_n3A_899 = arith.select %ne3A_893, %add3A_897, %jit3A_898 : i32
      %multiple_of3A_900 = tpu.assume_multiple %select_n3A_899, 8 : i32
      %add3A_901 = arith.addi %sub3A_678, %add3A_897 : i32
      %select_n3A_902 = arith.select %ne3A_893, %add3A_901, %add3A_733 : i32
      %multiple_of3A_903 = tpu.assume_multiple %select_n3A_902, 8 : i32
      %dma_start3A_904 = tpu.memref_slice %arg16[%multiple_of3A_900] : memref<6408xi32, #tpu.memory_space<vmem>> -> memref<32xi32, #tpu.memory_space<vmem>>
      %dma_start3A_905 = tpu.memref_slice %arg8[%multiple_of3A_903] : memref<1359872xi32, #tpu.memory_space<hbm>> -> memref<32xi32, #tpu.memory_space<hbm>>
      %dma_start3A_906 = tpu.memref_slice %arg8[%multiple_of3A_903] : memref<1359872xi32, #tpu.memory_space<hbm>> -> memref<32xi32, #tpu.memory_space<hbm>>
      %dma_start3A_907 = tpu.memref_slice %arg16[%multiple_of3A_900] : memref<6408xi32, #tpu.memory_space<vmem>> -> memref<32xi32, #tpu.memory_space<vmem>>
      tpu.enqueue_dma source(%dma_start3A_907 : memref<32xi32, #tpu.memory_space<vmem>>) target(%dma_start3A_906 : memref<32xi32, #tpu.memory_space<hbm>>) target_semaphore(%arg23 : memref<!tpu.dma_semaphore, #tpu.memory_space<semaphore_mem>>)
      %and3A_908 = arith.constant 16 : i32
      %and3A_909 = arith.andi %max3A_763, %and3A_908 : i32
      %ne3A_910 = arith.constant 0 : i32
      %ne3A_911 = arith.cmpi ne, %and3A_909, %ne3A_910 : i32
      %and3A_912 = arith.constant -32 : i32
      %and3A_913 = arith.andi %max3A_763, %and3A_912 : i32
      %add3A_914 = arith.constant 8 : i32
      %add3A_915 = arith.addi %add3A_914, %and3A_913 : i32
      %jit3A_916 = arith.constant 0 : i32
      %select_n3A_917 = arith.select %ne3A_911, %add3A_915, %jit3A_916 : i32
      %multiple_of3A_918 = tpu.assume_multiple %select_n3A_917, 8 : i32
      %add3A_919 = arith.addi %sub3A_678, %add3A_915 : i32
      %select_n3A_920 = arith.select %ne3A_911, %add3A_919, %add3A_733 : i32
      %multiple_of3A_921 = tpu.assume_multiple %select_n3A_920, 8 : i32
      %dma_start3A_922 = tpu.memref_slice %arg16[%multiple_of3A_918] : memref<6408xi32, #tpu.memory_space<vmem>> -> memref<16xi32, #tpu.memory_space<vmem>>
      %dma_start3A_923 = tpu.memref_slice %arg8[%multiple_of3A_921] : memref<1359872xi32, #tpu.memory_space<hbm>> -> memref<16xi32, #tpu.memory_space<hbm>>
      %dma_start3A_924 = tpu.memref_slice %arg8[%multiple_of3A_921] : memref<1359872xi32, #tpu.memory_space<hbm>> -> memref<16xi32, #tpu.memory_space<hbm>>
      %dma_start3A_925 = tpu.memref_slice %arg16[%multiple_of3A_918] : memref<6408xi32, #tpu.memory_space<vmem>> -> memref<16xi32, #tpu.memory_space<vmem>>
      tpu.enqueue_dma source(%dma_start3A_925 : memref<16xi32, #tpu.memory_space<vmem>>) target(%dma_start3A_924 : memref<16xi32, #tpu.memory_space<hbm>>) target_semaphore(%arg23 : memref<!tpu.dma_semaphore, #tpu.memory_space<semaphore_mem>>)
      %and3A_926 = arith.constant 8 : i32
      %and3A_927 = arith.andi %max3A_763, %and3A_926 : i32
      %ne3A_928 = arith.constant 0 : i32
      %ne3A_929 = arith.cmpi ne, %and3A_927, %ne3A_928 : i32
      %and3A_930 = arith.constant -16 : i32
      %and3A_931 = arith.andi %max3A_763, %and3A_930 : i32
      %add3A_932 = arith.constant 8 : i32
      %add3A_933 = arith.addi %add3A_932, %and3A_931 : i32
      %jit3A_934 = arith.constant 0 : i32
      %select_n3A_935 = arith.select %ne3A_929, %add3A_933, %jit3A_934 : i32
      %multiple_of3A_936 = tpu.assume_multiple %select_n3A_935, 8 : i32
      %add3A_937 = arith.addi %sub3A_678, %add3A_933 : i32
      %select_n3A_938 = arith.select %ne3A_929, %add3A_937, %add3A_733 : i32
      %multiple_of3A_939 = tpu.assume_multiple %select_n3A_938, 8 : i32
      %dma_start3A_940 = tpu.memref_slice %arg16[%multiple_of3A_936] : memref<6408xi32, #tpu.memory_space<vmem>> -> memref<8xi32, #tpu.memory_space<vmem>>
      %dma_start3A_941 = tpu.memref_slice %arg8[%multiple_of3A_939] : memref<1359872xi32, #tpu.memory_space<hbm>> -> memref<8xi32, #tpu.memory_space<hbm>>
      %dma_start3A_942 = tpu.memref_slice %arg8[%multiple_of3A_939] : memref<1359872xi32, #tpu.memory_space<hbm>> -> memref<8xi32, #tpu.memory_space<hbm>>
      %dma_start3A_943 = tpu.memref_slice %arg16[%multiple_of3A_936] : memref<6408xi32, #tpu.memory_space<vmem>> -> memref<8xi32, #tpu.memory_space<vmem>>
      tpu.enqueue_dma source(%dma_start3A_943 : memref<8xi32, #tpu.memory_space<vmem>>) target(%dma_start3A_942 : memref<8xi32, #tpu.memory_space<hbm>>) target_semaphore(%arg23 : memref<!tpu.dma_semaphore, #tpu.memory_space<semaphore_mem>>)
      %jit3A_944 = arith.constant 8 : i32
      %eq3A_945 = arith.constant 0 : i32
      %eq3A_946 = arith.cmpi eq, %jit3A_944, %eq3A_945 : i32
      %jit3A_947 = arith.constant 1 : i32
      %select_n3A_948 = arith.select %eq3A_946, %jit3A_947, %jit3A_944 : i32
      %rem3A_949 = arith.remsi %scan3A_589, %select_n3A_948 : i32
      %ne3A_950 = arith.constant 0 : i32
      %ne3A_951 = arith.cmpi ne, %rem3A_949, %ne3A_950 : i32
      %lt3A_952 = arith.constant 0 : i32
      %lt3A_953 = arith.cmpi slt, %rem3A_949, %lt3A_952 : i32
      %lt3A_954 = arith.constant 0 : i32
      %lt3A_955 = arith.cmpi slt, %select_n3A_948, %lt3A_954 : i32
      %ne3A_956 = arith.xori %lt3A_953, %lt3A_955 : i1
      %and3A_957 = arith.andi %ne3A_956, %ne3A_951 : i1
      %add3A_958 = arith.addi %rem3A_949, %select_n3A_948 : i32
      %select_n3A_959 = arith.select %and3A_957, %add3A_958, %rem3A_949 : i32
      %sub3A_960 = arith.subi %scan3A_589, %select_n3A_959 : i32
      %add3A_961 = arith.addi %scan3A_589, %sub3A_659 : i32
      %jit3A_962 = arith.constant 8 : i32
      %eq3A_963 = arith.constant 0 : i32
      %eq3A_964 = arith.cmpi eq, %jit3A_962, %eq3A_963 : i32
      %jit3A_965 = arith.constant 1 : i32
      %select_n3A_966 = arith.select %eq3A_964, %jit3A_965, %jit3A_962 : i32
      %rem3A_967 = arith.remsi %add3A_961, %select_n3A_966 : i32
      %ne3A_968 = arith.constant 0 : i32
      %ne3A_969 = arith.cmpi ne, %rem3A_967, %ne3A_968 : i32
      %lt3A_970 = arith.constant 0 : i32
      %lt3A_971 = arith.cmpi slt, %rem3A_967, %lt3A_970 : i32
      %lt3A_972 = arith.constant 0 : i32
      %lt3A_973 = arith.cmpi slt, %select_n3A_966, %lt3A_972 : i32
      %ne3A_974 = arith.xori %lt3A_971, %lt3A_973 : i1
      %and3A_975 = arith.andi %ne3A_974, %ne3A_969 : i1
      %add3A_976 = arith.addi %rem3A_967, %select_n3A_966 : i32
      %select_n3A_977 = arith.select %and3A_975, %add3A_976, %rem3A_967 : i32
      %sub3A_978 = arith.subi %add3A_961, %select_n3A_977 : i32
      %iota3A_979 = tpu.iota {dimensions = array<i32: 0>} : vector<16xi32>
      %add3A_980 = vector.broadcast %sub3A_960 : i32 to vector<16xi32>
      %add3A_981 = arith.addi %add3A_980, %iota3A_979 : vector<16xi32>
      %add3A_982 = vector.broadcast %sub3A_978 : i32 to vector<16xi32>
      %add3A_983 = arith.addi %add3A_982, %iota3A_979 : vector<16xi32>
      %sub3A_984 = arith.constant 8 : i32
      %sub3A_985 = vector.broadcast %sub3A_984 : i32 to vector<16xi32>
      %sub3A_986 = arith.subi %add3A_983, %sub3A_985 : vector<16xi32>
      %lt3A_987 = arith.constant 8 : i32
      %lt3A_988 = vector.broadcast %lt3A_987 : i32 to vector<16xi32>
      %lt3A_989 = arith.cmpi slt, %iota3A_979, %lt3A_988 : vector<16xi32>
      %select_n3A_990 = arith.select %lt3A_989, %add3A_981, %sub3A_986 : vector<16xi1>, vector<16xi32>
      %lt3A_991 = arith.constant 8 : i32
      %lt3A_992 = vector.broadcast %lt3A_991 : i32 to vector<16xi32>
      %lt3A_993 = arith.cmpi slt, %iota3A_979, %lt3A_992 : vector<16xi32>
      %ge3A_994 = vector.broadcast %scan3A_589 : i32 to vector<16xi32>
      %ge3A_995 = arith.cmpi sge, %select_n3A_990, %ge3A_994 : vector<16xi32>
      %and3A_996 = arith.andi %lt3A_993, %ge3A_995 : vector<16xi1>
      %add3A_997 = arith.constant 8 : i32
      %add3A_998 = arith.addi %sub3A_960, %add3A_997 : i32
      %min3A_999 = arith.minsi %add3A_961, %add3A_998 : i32
      %lt3A_1000 = vector.broadcast %min3A_999 : i32 to vector<16xi32>
      %lt3A_1001 = arith.cmpi slt, %select_n3A_990, %lt3A_1000 : vector<16xi32>
      %and3A_1002 = arith.andi %and3A_996, %lt3A_1001 : vector<16xi1>
      %ge3A_1003 = arith.constant 8 : i32
      %ge3A_1004 = vector.broadcast %ge3A_1003 : i32 to vector<16xi32>
      %ge3A_1005 = arith.cmpi sge, %iota3A_979, %ge3A_1004 : vector<16xi32>
      %max3A_1006 = arith.maxsi %scan3A_589, %sub3A_978 : i32
      %ge3A_1007 = vector.broadcast %max3A_1006 : i32 to vector<16xi32>
      %ge3A_1008 = arith.cmpi sge, %select_n3A_990, %ge3A_1007 : vector<16xi32>
      %and3A_1009 = arith.andi %ge3A_1005, %ge3A_1008 : vector<16xi1>
      %lt3A_1010 = vector.broadcast %add3A_961 : i32 to vector<16xi32>
      %lt3A_1011 = arith.cmpi slt, %select_n3A_990, %lt3A_1010 : vector<16xi32>
      %and3A_1012 = arith.andi %and3A_1009, %lt3A_1011 : vector<16xi1>
      %gt3A_1013 = arith.cmpi sgt, %sub3A_978, %sub3A_960 : i32
      %and3A_1014 = vector.broadcast %gt3A_1013 : i1 to vector<16xi1>
      %and3A_1015 = arith.andi %and3A_1012, %and3A_1014 : vector<16xi1>
      %mul3A_1016 = arith.constant 4096 : i32
      %mul3A_1017 = arith.muli %add3A, %mul3A_1016 : i32
      %add3A_1018 = arith.constant 1228800 : i32
      %add3A_1019 = arith.addi %add3A_1018, %mul3A_1017 : i32
      %or3A_1020 = arith.ori %and3A_1002, %and3A_1015 : vector<16xi1>
      %add3A_1021 = vector.broadcast %add3A_1019 : i32 to vector<16xi32>
      %add3A_1022 = arith.addi %add3A_1021, %iota3A_979 : vector<16xi32>
      %select_n3A_1023 = arith.select %or3A_1020, %select_n3A_990, %add3A_1022 : vector<16xi1>, vector<16xi32>
      %sub3A_1024 = arith.subi %sub3A_978, %sub3A_960 : i32
      %sub3A_1025 = arith.constant 8 : i32
      %sub3A_1026 = arith.subi %sub3A_1024, %sub3A_1025 : i32
      %max3A_1027 = arith.constant 0 : i32
      %max3A_1028 = arith.maxsi %sub3A_1026, %max3A_1027 : i32
      %get3A_1029 = arith.constant 0 : index
      %get3A_1030 = tpu.vector_load %arg19[%get3A_1029] {strides = array<i32>} : memref<6408xi32, #tpu.memory_space<vmem>>, vector<16xi32>,
      %get3A_1031 = arith.index_cast %max3A_1028 : i32 to index
      %get3A_1032 = tpu.vector_load %arg19[%get3A_1031] {strides = array<i32>} : memref<6408xi32, #tpu.memory_space<vmem>>, vector<16xi32>,
      %lt3A_1033 = arith.constant 8 : i32
      %lt3A_1034 = vector.broadcast %lt3A_1033 : i32 to vector<16xi32>
      %lt3A_1035 = arith.cmpi slt, %iota3A_979, %lt3A_1034 : vector<16xi32>
      %select_n3A_1036 = arith.select %lt3A_1035, %get3A_1030, %get3A_1032 : vector<16xi1>, vector<16xi32>
      %swap3A_1037 = arith.constant 1 : i32
      %swap3A_1038 = arith.index_cast %swap3A_1037 : i32 to index
      %swap3A_1039 = arith.constant 0 : index
      %swap3A_1040 = tpu.vector_load %arg22[%swap3A_1038, %swap3A_1039] {strides = array<i32>} : memref<6x16xi32, #tpu.memory_space<vmem>>, vector<16xi32>,
      tpu.vector_store %arg22[%swap3A_1038, %swap3A_1039], %select_n3A_1036 {strides = array<i32>} : memref<6x16xi32, #tpu.memory_space<vmem>>, vector<16xi32>,
      %dma_start3A_1041 = arith.constant 1 : i32
      %dma_start3A_1042 = arith.constant 0 : i32
      %dma_start3A_1043 = tpu.memref_slice %arg22[%dma_start3A_1041, %dma_start3A_1042] : memref<6x16xi32, #tpu.memory_space<vmem>> -> memref<1x16xi32, #tpu.memory_space<vmem>>
      %dma_start3A_1044 = tpu.memref_squeeze %dma_start3A_1043 : memref<1x16xi32, #tpu.memory_space<vmem>> -> memref<16xi32, #tpu.memory_space<vmem>>
      %dma_start3A_1045 = arith.constant 0 : i32
      %dma_start3A_1046 = tpu.memref_slice %arg9[%dma_start3A_1045] : memref<1359872xi32, #tpu.memory_space<hbm>> -> memref<1359872xi32, #tpu.memory_space<hbm>>
      tpu.enqueue_indirect_dma source(%dma_start3A_1044 : memref<16xi32, #tpu.memory_space<vmem>>) target(%dma_start3A_1046 : memref<1359872xi32, #tpu.memory_space<hbm>>) offsets(%select_n3A_1023 : vector<16xi32>) semaphore(%arg23 : memref<!tpu.dma_semaphore, #tpu.memory_space<semaphore_mem>>)
      %sub3A_1047 = arith.subi %sub3A_978, %sub3A_960 : i32
      %sub3A_1048 = arith.constant 8 : i32
      %sub3A_1049 = arith.subi %sub3A_1047, %sub3A_1048 : i32
      %max3A_1050 = arith.constant 0 : i32
      %max3A_1051 = arith.maxsi %sub3A_1049, %max3A_1050 : i32
      %and3A_1052 = arith.constant 4096 : i32
      %and3A_1053 = arith.andi %max3A_1051, %and3A_1052 : i32
      %ne3A_1054 = arith.constant 0 : i32
      %ne3A_1055 = arith.cmpi ne, %and3A_1053, %ne3A_1054 : i32
      %and3A_1056 = arith.constant -8192 : i32
      %and3A_1057 = arith.andi %max3A_1051, %and3A_1056 : i32
      %add3A_1058 = arith.constant 8 : i32
      %add3A_1059 = arith.addi %add3A_1058, %and3A_1057 : i32
      %jit3A_1060 = arith.constant 0 : i32
      %select_n3A_1061 = arith.select %ne3A_1055, %add3A_1059, %jit3A_1060 : i32
      %multiple_of3A_1062 = tpu.assume_multiple %select_n3A_1061, 8 : i32
      %add3A_1063 = arith.addi %sub3A_960, %add3A_1059 : i32
      %select_n3A_1064 = arith.select %ne3A_1055, %add3A_1063, %add3A_1019 : i32
      %multiple_of3A_1065 = tpu.assume_multiple %select_n3A_1064, 8 : i32
      %dma_start3A_1066 = tpu.memref_slice %arg19[%multiple_of3A_1062] : memref<6408xi32, #tpu.memory_space<vmem>> -> memref<4096xi32, #tpu.memory_space<vmem>>
      %dma_start3A_1067 = tpu.memref_slice %arg9[%multiple_of3A_1065] : memref<1359872xi32, #tpu.memory_space<hbm>> -> memref<4096xi32, #tpu.memory_space<hbm>>
      %dma_start3A_1068 = tpu.memref_slice %arg9[%multiple_of3A_1065] : memref<1359872xi32, #tpu.memory_space<hbm>> -> memref<4096xi32, #tpu.memory_space<hbm>>
      %dma_start3A_1069 = tpu.memref_slice %arg19[%multiple_of3A_1062] : memref<6408xi32, #tpu.memory_space<vmem>> -> memref<4096xi32, #tpu.memory_space<vmem>>
      tpu.enqueue_dma source(%dma_start3A_1069 : memref<4096xi32, #tpu.memory_space<vmem>>) target(%dma_start3A_1068 : memref<4096xi32, #tpu.memory_space<hbm>>) target_semaphore(%arg23 : memref<!tpu.dma_semaphore, #tpu.memory_space<semaphore_mem>>)
      %and3A_1070 = arith.constant 2048 : i32
      %and3A_1071 = arith.andi %max3A_1051, %and3A_1070 : i32
      %ne3A_1072 = arith.constant 0 : i32
      %ne3A_1073 = arith.cmpi ne, %and3A_1071, %ne3A_1072 : i32
      %and3A_1074 = arith.constant -4096 : i32
      %and3A_1075 = arith.andi %max3A_1051, %and3A_1074 : i32
      %add3A_1076 = arith.constant 8 : i32
      %add3A_1077 = arith.addi %add3A_1076, %and3A_1075 : i32
      %jit3A_1078 = arith.constant 0 : i32
      %select_n3A_1079 = arith.select %ne3A_1073, %add3A_1077, %jit3A_1078 : i32
      %multiple_of3A_1080 = tpu.assume_multiple %select_n3A_1079, 8 : i32
      %add3A_1081 = arith.addi %sub3A_960, %add3A_1077 : i32
      %select_n3A_1082 = arith.select %ne3A_1073, %add3A_1081, %add3A_1019 : i32
      %multiple_of3A_1083 = tpu.assume_multiple %select_n3A_1082, 8 : i32
      %dma_start3A_1084 = tpu.memref_slice %arg19[%multiple_of3A_1080] : memref<6408xi32, #tpu.memory_space<vmem>> -> memref<2048xi32, #tpu.memory_space<vmem>>
      %dma_start3A_1085 = tpu.memref_slice %arg9[%multiple_of3A_1083] : memref<1359872xi32, #tpu.memory_space<hbm>> -> memref<2048xi32, #tpu.memory_space<hbm>>
      %dma_start3A_1086 = tpu.memref_slice %arg9[%multiple_of3A_1083] : memref<1359872xi32, #tpu.memory_space<hbm>> -> memref<2048xi32, #tpu.memory_space<hbm>>
      %dma_start3A_1087 = tpu.memref_slice %arg19[%multiple_of3A_1080] : memref<6408xi32, #tpu.memory_space<vmem>> -> memref<2048xi32, #tpu.memory_space<vmem>>
      tpu.enqueue_dma source(%dma_start3A_1087 : memref<2048xi32, #tpu.memory_space<vmem>>) target(%dma_start3A_1086 : memref<2048xi32, #tpu.memory_space<hbm>>) target_semaphore(%arg23 : memref<!tpu.dma_semaphore, #tpu.memory_space<semaphore_mem>>)
      %and3A_1088 = arith.constant 1024 : i32
      %and3A_1089 = arith.andi %max3A_1051, %and3A_1088 : i32
      %ne3A_1090 = arith.constant 0 : i32
      %ne3A_1091 = arith.cmpi ne, %and3A_1089, %ne3A_1090 : i32
      %and3A_1092 = arith.constant -2048 : i32
      %and3A_1093 = arith.andi %max3A_1051, %and3A_1092 : i32
      %add3A_1094 = arith.constant 8 : i32
      %add3A_1095 = arith.addi %add3A_1094, %and3A_1093 : i32
      %jit3A_1096 = arith.constant 0 : i32
      %select_n3A_1097 = arith.select %ne3A_1091, %add3A_1095, %jit3A_1096 : i32
      %multiple_of3A_1098 = tpu.assume_multiple %select_n3A_1097, 8 : i32
      %add3A_1099 = arith.addi %sub3A_960, %add3A_1095 : i32
      %select_n3A_1100 = arith.select %ne3A_1091, %add3A_1099, %add3A_1019 : i32
      %multiple_of3A_1101 = tpu.assume_multiple %select_n3A_1100, 8 : i32
      %dma_start3A_1102 = tpu.memref_slice %arg19[%multiple_of3A_1098] : memref<6408xi32, #tpu.memory_space<vmem>> -> memref<1024xi32, #tpu.memory_space<vmem>>
      %dma_start3A_1103 = tpu.memref_slice %arg9[%multiple_of3A_1101] : memref<1359872xi32, #tpu.memory_space<hbm>> -> memref<1024xi32, #tpu.memory_space<hbm>>
      %dma_start3A_1104 = tpu.memref_slice %arg9[%multiple_of3A_1101] : memref<1359872xi32, #tpu.memory_space<hbm>> -> memref<1024xi32, #tpu.memory_space<hbm>>
      %dma_start3A_1105 = tpu.memref_slice %arg19[%multiple_of3A_1098] : memref<6408xi32, #tpu.memory_space<vmem>> -> memref<1024xi32, #tpu.memory_space<vmem>>
      tpu.enqueue_dma source(%dma_start3A_1105 : memref<1024xi32, #tpu.memory_space<vmem>>) target(%dma_start3A_1104 : memref<1024xi32, #tpu.memory_space<hbm>>) target_semaphore(%arg23 : memref<!tpu.dma_semaphore, #tpu.memory_space<semaphore_mem>>)
      %and3A_1106 = arith.constant 512 : i32
      %and3A_1107 = arith.andi %max3A_1051, %and3A_1106 : i32
      %ne3A_1108 = arith.constant 0 : i32
      %ne3A_1109 = arith.cmpi ne, %and3A_1107, %ne3A_1108 : i32
      %and3A_1110 = arith.constant -1024 : i32
      %and3A_1111 = arith.andi %max3A_1051, %and3A_1110 : i32
      %add3A_1112 = arith.constant 8 : i32
      %add3A_1113 = arith.addi %add3A_1112, %and3A_1111 : i32
      %jit3A_1114 = arith.constant 0 : i32
      %select_n3A_1115 = arith.select %ne3A_1109, %add3A_1113, %jit3A_1114 : i32
      %multiple_of3A_1116 = tpu.assume_multiple %select_n3A_1115, 8 : i32
      %add3A_1117 = arith.addi %sub3A_960, %add3A_1113 : i32
      %select_n3A_1118 = arith.select %ne3A_1109, %add3A_1117, %add3A_1019 : i32
      %multiple_of3A_1119 = tpu.assume_multiple %select_n3A_1118, 8 : i32
      %dma_start3A_1120 = tpu.memref_slice %arg19[%multiple_of3A_1116] : memref<6408xi32, #tpu.memory_space<vmem>> -> memref<512xi32, #tpu.memory_space<vmem>>
      %dma_start3A_1121 = tpu.memref_slice %arg9[%multiple_of3A_1119] : memref<1359872xi32, #tpu.memory_space<hbm>> -> memref<512xi32, #tpu.memory_space<hbm>>
      %dma_start3A_1122 = tpu.memref_slice %arg9[%multiple_of3A_1119] : memref<1359872xi32, #tpu.memory_space<hbm>> -> memref<512xi32, #tpu.memory_space<hbm>>
      %dma_start3A_1123 = tpu.memref_slice %arg19[%multiple_of3A_1116] : memref<6408xi32, #tpu.memory_space<vmem>> -> memref<512xi32, #tpu.memory_space<vmem>>
      tpu.enqueue_dma source(%dma_start3A_1123 : memref<512xi32, #tpu.memory_space<vmem>>) target(%dma_start3A_1122 : memref<512xi32, #tpu.memory_space<hbm>>) target_semaphore(%arg23 : memref<!tpu.dma_semaphore, #tpu.memory_space<semaphore_mem>>)
      %and3A_1124 = arith.constant 256 : i32
      %and3A_1125 = arith.andi %max3A_1051, %and3A_1124 : i32
      %ne3A_1126 = arith.constant 0 : i32
      %ne3A_1127 = arith.cmpi ne, %and3A_1125, %ne3A_1126 : i32
      %and3A_1128 = arith.constant -512 : i32
      %and3A_1129 = arith.andi %max3A_1051, %and3A_1128 : i32
      %add3A_1130 = arith.constant 8 : i32
      %add3A_1131 = arith.addi %add3A_1130, %and3A_1129 : i32
      %jit3A_1132 = arith.constant 0 : i32
      %select_n3A_1133 = arith.select %ne3A_1127, %add3A_1131, %jit3A_1132 : i32
      %multiple_of3A_1134 = tpu.assume_multiple %select_n3A_1133, 8 : i32
      %add3A_1135 = arith.addi %sub3A_960, %add3A_1131 : i32
      %select_n3A_1136 = arith.select %ne3A_1127, %add3A_1135, %add3A_1019 : i32
      %multiple_of3A_1137 = tpu.assume_multiple %select_n3A_1136, 8 : i32
      %dma_start3A_1138 = tpu.memref_slice %arg19[%multiple_of3A_1134] : memref<6408xi32, #tpu.memory_space<vmem>> -> memref<256xi32, #tpu.memory_space<vmem>>
      %dma_start3A_1139 = tpu.memref_slice %arg9[%multiple_of3A_1137] : memref<1359872xi32, #tpu.memory_space<hbm>> -> memref<256xi32, #tpu.memory_space<hbm>>
      %dma_start3A_1140 = tpu.memref_slice %arg9[%multiple_of3A_1137] : memref<1359872xi32, #tpu.memory_space<hbm>> -> memref<256xi32, #tpu.memory_space<hbm>>
      %dma_start3A_1141 = tpu.memref_slice %arg19[%multiple_of3A_1134] : memref<6408xi32, #tpu.memory_space<vmem>> -> memref<256xi32, #tpu.memory_space<vmem>>
      tpu.enqueue_dma source(%dma_start3A_1141 : memref<256xi32, #tpu.memory_space<vmem>>) target(%dma_start3A_1140 : memref<256xi32, #tpu.memory_space<hbm>>) target_semaphore(%arg23 : memref<!tpu.dma_semaphore, #tpu.memory_space<semaphore_mem>>)
      %and3A_1142 = arith.constant 128 : i32
      %and3A_1143 = arith.andi %max3A_1051, %and3A_1142 : i32
      %ne3A_1144 = arith.constant 0 : i32
      %ne3A_1145 = arith.cmpi ne, %and3A_1143, %ne3A_1144 : i32
      %and3A_1146 = arith.constant -256 : i32
      %and3A_1147 = arith.andi %max3A_1051, %and3A_1146 : i32
      %add3A_1148 = arith.constant 8 : i32
      %add3A_1149 = arith.addi %add3A_1148, %and3A_1147 : i32
      %jit3A_1150 = arith.constant 0 : i32
      %select_n3A_1151 = arith.select %ne3A_1145, %add3A_1149, %jit3A_1150 : i32
      %multiple_of3A_1152 = tpu.assume_multiple %select_n3A_1151, 8 : i32
      %add3A_1153 = arith.addi %sub3A_960, %add3A_1149 : i32
      %select_n3A_1154 = arith.select %ne3A_1145, %add3A_1153, %add3A_1019 : i32
      %multiple_of3A_1155 = tpu.assume_multiple %select_n3A_1154, 8 : i32
      %dma_start3A_1156 = tpu.memref_slice %arg19[%multiple_of3A_1152] : memref<6408xi32, #tpu.memory_space<vmem>> -> memref<128xi32, #tpu.memory_space<vmem>>
      %dma_start3A_1157 = tpu.memref_slice %arg9[%multiple_of3A_1155] : memref<1359872xi32, #tpu.memory_space<hbm>> -> memref<128xi32, #tpu.memory_space<hbm>>
      %dma_start3A_1158 = tpu.memref_slice %arg9[%multiple_of3A_1155] : memref<1359872xi32, #tpu.memory_space<hbm>> -> memref<128xi32, #tpu.memory_space<hbm>>
      %dma_start3A_1159 = tpu.memref_slice %arg19[%multiple_of3A_1152] : memref<6408xi32, #tpu.memory_space<vmem>> -> memref<128xi32, #tpu.memory_space<vmem>>
      tpu.enqueue_dma source(%dma_start3A_1159 : memref<128xi32, #tpu.memory_space<vmem>>) target(%dma_start3A_1158 : memref<128xi32, #tpu.memory_space<hbm>>) target_semaphore(%arg23 : memref<!tpu.dma_semaphore, #tpu.memory_space<semaphore_mem>>)
      %and3A_1160 = arith.constant 64 : i32
      %and3A_1161 = arith.andi %max3A_1051, %and3A_1160 : i32
      %ne3A_1162 = arith.constant 0 : i32
      %ne3A_1163 = arith.cmpi ne, %and3A_1161, %ne3A_1162 : i32
      %and3A_1164 = arith.constant -128 : i32
      %and3A_1165 = arith.andi %max3A_1051, %and3A_1164 : i32
      %add3A_1166 = arith.constant 8 : i32
      %add3A_1167 = arith.addi %add3A_1166, %and3A_1165 : i32
      %jit3A_1168 = arith.constant 0 : i32
      %select_n3A_1169 = arith.select %ne3A_1163, %add3A_1167, %jit3A_1168 : i32
      %multiple_of3A_1170 = tpu.assume_multiple %select_n3A_1169, 8 : i32
      %add3A_1171 = arith.addi %sub3A_960, %add3A_1167 : i32
      %select_n3A_1172 = arith.select %ne3A_1163, %add3A_1171, %add3A_1019 : i32
      %multiple_of3A_1173 = tpu.assume_multiple %select_n3A_1172, 8 : i32
      %dma_start3A_1174 = tpu.memref_slice %arg19[%multiple_of3A_1170] : memref<6408xi32, #tpu.memory_space<vmem>> -> memref<64xi32, #tpu.memory_space<vmem>>
      %dma_start3A_1175 = tpu.memref_slice %arg9[%multiple_of3A_1173] : memref<1359872xi32, #tpu.memory_space<hbm>> -> memref<64xi32, #tpu.memory_space<hbm>>
      %dma_start3A_1176 = tpu.memref_slice %arg9[%multiple_of3A_1173] : memref<1359872xi32, #tpu.memory_space<hbm>> -> memref<64xi32, #tpu.memory_space<hbm>>
      %dma_start3A_1177 = tpu.memref_slice %arg19[%multiple_of3A_1170] : memref<6408xi32, #tpu.memory_space<vmem>> -> memref<64xi32, #tpu.memory_space<vmem>>
      tpu.enqueue_dma source(%dma_start3A_1177 : memref<64xi32, #tpu.memory_space<vmem>>) target(%dma_start3A_1176 : memref<64xi32, #tpu.memory_space<hbm>>) target_semaphore(%arg23 : memref<!tpu.dma_semaphore, #tpu.memory_space<semaphore_mem>>)
      %and3A_1178 = arith.constant 32 : i32
      %and3A_1179 = arith.andi %max3A_1051, %and3A_1178 : i32
      %ne3A_1180 = arith.constant 0 : i32
      %ne3A_1181 = arith.cmpi ne, %and3A_1179, %ne3A_1180 : i32
      %and3A_1182 = arith.constant -64 : i32
      %and3A_1183 = arith.andi %max3A_1051, %and3A_1182 : i32
      %add3A_1184 = arith.constant 8 : i32
      %add3A_1185 = arith.addi %add3A_1184, %and3A_1183 : i32
      %jit3A_1186 = arith.constant 0 : i32
      %select_n3A_1187 = arith.select %ne3A_1181, %add3A_1185, %jit3A_1186 : i32
      %multiple_of3A_1188 = tpu.assume_multiple %select_n3A_1187, 8 : i32
      %add3A_1189 = arith.addi %sub3A_960, %add3A_1185 : i32
      %select_n3A_1190 = arith.select %ne3A_1181, %add3A_1189, %add3A_1019 : i32
      %multiple_of3A_1191 = tpu.assume_multiple %select_n3A_1190, 8 : i32
      %dma_start3A_1192 = tpu.memref_slice %arg19[%multiple_of3A_1188] : memref<6408xi32, #tpu.memory_space<vmem>> -> memref<32xi32, #tpu.memory_space<vmem>>
      %dma_start3A_1193 = tpu.memref_slice %arg9[%multiple_of3A_1191] : memref<1359872xi32, #tpu.memory_space<hbm>> -> memref<32xi32, #tpu.memory_space<hbm>>
      %dma_start3A_1194 = tpu.memref_slice %arg9[%multiple_of3A_1191] : memref<1359872xi32, #tpu.memory_space<hbm>> -> memref<32xi32, #tpu.memory_space<hbm>>
      %dma_start3A_1195 = tpu.memref_slice %arg19[%multiple_of3A_1188] : memref<6408xi32, #tpu.memory_space<vmem>> -> memref<32xi32, #tpu.memory_space<vmem>>
      tpu.enqueue_dma source(%dma_start3A_1195 : memref<32xi32, #tpu.memory_space<vmem>>) target(%dma_start3A_1194 : memref<32xi32, #tpu.memory_space<hbm>>) target_semaphore(%arg23 : memref<!tpu.dma_semaphore, #tpu.memory_space<semaphore_mem>>)
      %and3A_1196 = arith.constant 16 : i32
      %and3A_1197 = arith.andi %max3A_1051, %and3A_1196 : i32
      %ne3A_1198 = arith.constant 0 : i32
      %ne3A_1199 = arith.cmpi ne, %and3A_1197, %ne3A_1198 : i32
      %and3A_1200 = arith.constant -32 : i32
      %and3A_1201 = arith.andi %max3A_1051, %and3A_1200 : i32
      %add3A_1202 = arith.constant 8 : i32
      %add3A_1203 = arith.addi %add3A_1202, %and3A_1201 : i32
      %jit3A_1204 = arith.constant 0 : i32
      %select_n3A_1205 = arith.select %ne3A_1199, %add3A_1203, %jit3A_1204 : i32
      %multiple_of3A_1206 = tpu.assume_multiple %select_n3A_1205, 8 : i32
      %add3A_1207 = arith.addi %sub3A_960, %add3A_1203 : i32
      %select_n3A_1208 = arith.select %ne3A_1199, %add3A_1207, %add3A_1019 : i32
      %multiple_of3A_1209 = tpu.assume_multiple %select_n3A_1208, 8 : i32
      %dma_start3A_1210 = tpu.memref_slice %arg19[%multiple_of3A_1206] : memref<6408xi32, #tpu.memory_space<vmem>> -> memref<16xi32, #tpu.memory_space<vmem>>
      %dma_start3A_1211 = tpu.memref_slice %arg9[%multiple_of3A_1209] : memref<1359872xi32, #tpu.memory_space<hbm>> -> memref<16xi32, #tpu.memory_space<hbm>>
      %dma_start3A_1212 = tpu.memref_slice %arg9[%multiple_of3A_1209] : memref<1359872xi32, #tpu.memory_space<hbm>> -> memref<16xi32, #tpu.memory_space<hbm>>
      %dma_start3A_1213 = tpu.memref_slice %arg19[%multiple_of3A_1206] : memref<6408xi32, #tpu.memory_space<vmem>> -> memref<16xi32, #tpu.memory_space<vmem>>
      tpu.enqueue_dma source(%dma_start3A_1213 : memref<16xi32, #tpu.memory_space<vmem>>) target(%dma_start3A_1212 : memref<16xi32, #tpu.memory_space<hbm>>) target_semaphore(%arg23 : memref<!tpu.dma_semaphore, #tpu.memory_space<semaphore_mem>>)
      %and3A_1214 = arith.constant 8 : i32
      %and3A_1215 = arith.andi %max3A_1051, %and3A_1214 : i32
      %ne3A_1216 = arith.constant 0 : i32
      %ne3A_1217 = arith.cmpi ne, %and3A_1215, %ne3A_1216 : i32
      %and3A_1218 = arith.constant -16 : i32
      %and3A_1219 = arith.andi %max3A_1051, %and3A_1218 : i32
      %add3A_1220 = arith.constant 8 : i32
      %add3A_1221 = arith.addi %add3A_1220, %and3A_1219 : i32
      %jit3A_1222 = arith.constant 0 : i32
      %select_n3A_1223 = arith.select %ne3A_1217, %add3A_1221, %jit3A_1222 : i32
      %multiple_of3A_1224 = tpu.assume_multiple %select_n3A_1223, 8 : i32
      %add3A_1225 = arith.addi %sub3A_960, %add3A_1221 : i32
      %select_n3A_1226 = arith.select %ne3A_1217, %add3A_1225, %add3A_1019 : i32
      %multiple_of3A_1227 = tpu.assume_multiple %select_n3A_1226, 8 : i32
      %dma_start3A_1228 = tpu.memref_slice %arg19[%multiple_of3A_1224] : memref<6408xi32, #tpu.memory_space<vmem>> -> memref<8xi32, #tpu.memory_space<vmem>>
      %dma_start3A_1229 = tpu.memref_slice %arg9[%multiple_of3A_1227] : memref<1359872xi32, #tpu.memory_space<hbm>> -> memref<8xi32, #tpu.memory_space<hbm>>
      %dma_start3A_1230 = tpu.memref_slice %arg9[%multiple_of3A_1227] : memref<1359872xi32, #tpu.memory_space<hbm>> -> memref<8xi32, #tpu.memory_space<hbm>>
      %dma_start3A_1231 = tpu.memref_slice %arg19[%multiple_of3A_1224] : memref<6408xi32, #tpu.memory_space<vmem>> -> memref<8xi32, #tpu.memory_space<vmem>>
      tpu.enqueue_dma source(%dma_start3A_1231 : memref<8xi32, #tpu.memory_space<vmem>>) target(%dma_start3A_1230 : memref<8xi32, #tpu.memory_space<hbm>>) target_semaphore(%arg23 : memref<!tpu.dma_semaphore, #tpu.memory_space<semaphore_mem>>)
      %jit3A_1232 = arith.constant 8 : i32
      %eq3A_1233 = arith.constant 0 : i32
      %eq3A_1234 = arith.cmpi eq, %jit3A_1232, %eq3A_1233 : i32
      %jit3A_1235 = arith.constant 1 : i32
      %select_n3A_1236 = arith.select %eq3A_1234, %jit3A_1235, %jit3A_1232 : i32
      %rem3A_1237 = arith.remsi %scan3A_590, %select_n3A_1236 : i32
      %ne3A_1238 = arith.constant 0 : i32
      %ne3A_1239 = arith.cmpi ne, %rem3A_1237, %ne3A_1238 : i32
      %lt3A_1240 = arith.constant 0 : i32
      %lt3A_1241 = arith.cmpi slt, %rem3A_1237, %lt3A_1240 : i32
      %lt3A_1242 = arith.constant 0 : i32
      %lt3A_1243 = arith.cmpi slt, %select_n3A_1236, %lt3A_1242 : i32
      %ne3A_1244 = arith.xori %lt3A_1241, %lt3A_1243 : i1
      %and3A_1245 = arith.andi %ne3A_1244, %ne3A_1239 : i1
      %add3A_1246 = arith.addi %rem3A_1237, %select_n3A_1236 : i32
      %select_n3A_1247 = arith.select %and3A_1245, %add3A_1246, %rem3A_1237 : i32
      %sub3A_1248 = arith.subi %scan3A_590, %select_n3A_1247 : i32
      %add3A_1249 = arith.addi %scan3A_590, %sub3A_660 : i32
      %jit3A_1250 = arith.constant 8 : i32
      %eq3A_1251 = arith.constant 0 : i32
      %eq3A_1252 = arith.cmpi eq, %jit3A_1250, %eq3A_1251 : i32
      %jit3A_1253 = arith.constant 1 : i32
      %select_n3A_1254 = arith.select %eq3A_1252, %jit3A_1253, %jit3A_1250 : i32
      %rem3A_1255 = arith.remsi %add3A_1249, %select_n3A_1254 : i32
      %ne3A_1256 = arith.constant 0 : i32
      %ne3A_1257 = arith.cmpi ne, %rem3A_1255, %ne3A_1256 : i32
      %lt3A_1258 = arith.constant 0 : i32
      %lt3A_1259 = arith.cmpi slt, %rem3A_1255, %lt3A_1258 : i32
      %lt3A_1260 = arith.constant 0 : i32
      %lt3A_1261 = arith.cmpi slt, %select_n3A_1254, %lt3A_1260 : i32
      %ne3A_1262 = arith.xori %lt3A_1259, %lt3A_1261 : i1
      %and3A_1263 = arith.andi %ne3A_1262, %ne3A_1257 : i1
      %add3A_1264 = arith.addi %rem3A_1255, %select_n3A_1254 : i32
      %select_n3A_1265 = arith.select %and3A_1263, %add3A_1264, %rem3A_1255 : i32
      %sub3A_1266 = arith.subi %add3A_1249, %select_n3A_1265 : i32
      %iota3A_1267 = tpu.iota {dimensions = array<i32: 0>} : vector<16xi32>
      %add3A_1268 = vector.broadcast %sub3A_1248 : i32 to vector<16xi32>
      %add3A_1269 = arith.addi %add3A_1268, %iota3A_1267 : vector<16xi32>
      %add3A_1270 = vector.broadcast %sub3A_1266 : i32 to vector<16xi32>
      %add3A_1271 = arith.addi %add3A_1270, %iota3A_1267 : vector<16xi32>
      %sub3A_1272 = arith.constant 8 : i32
      %sub3A_1273 = vector.broadcast %sub3A_1272 : i32 to vector<16xi32>
      %sub3A_1274 = arith.subi %add3A_1271, %sub3A_1273 : vector<16xi32>
      %lt3A_1275 = arith.constant 8 : i32
      %lt3A_1276 = vector.broadcast %lt3A_1275 : i32 to vector<16xi32>
      %lt3A_1277 = arith.cmpi slt, %iota3A_1267, %lt3A_1276 : vector<16xi32>
      %select_n3A_1278 = arith.select %lt3A_1277, %add3A_1269, %sub3A_1274 : vector<16xi1>, vector<16xi32>
      %lt3A_1279 = arith.constant 8 : i32
      %lt3A_1280 = vector.broadcast %lt3A_1279 : i32 to vector<16xi32>
      %lt3A_1281 = arith.cmpi slt, %iota3A_1267, %lt3A_1280 : vector<16xi32>
      %ge3A_1282 = vector.broadcast %scan3A_590 : i32 to vector<16xi32>
      %ge3A_1283 = arith.cmpi sge, %select_n3A_1278, %ge3A_1282 : vector<16xi32>
      %and3A_1284 = arith.andi %lt3A_1281, %ge3A_1283 : vector<16xi1>
      %add3A_1285 = arith.constant 8 : i32
      %add3A_1286 = arith.addi %sub3A_1248, %add3A_1285 : i32
      %min3A_1287 = arith.minsi %add3A_1249, %add3A_1286 : i32
      %lt3A_1288 = vector.broadcast %min3A_1287 : i32 to vector<16xi32>
      %lt3A_1289 = arith.cmpi slt, %select_n3A_1278, %lt3A_1288 : vector<16xi32>
      %and3A_1290 = arith.andi %and3A_1284, %lt3A_1289 : vector<16xi1>
      %ge3A_1291 = arith.constant 8 : i32
      %ge3A_1292 = vector.broadcast %ge3A_1291 : i32 to vector<16xi32>
      %ge3A_1293 = arith.cmpi sge, %iota3A_1267, %ge3A_1292 : vector<16xi32>
      %max3A_1294 = arith.maxsi %scan3A_590, %sub3A_1266 : i32
      %ge3A_1295 = vector.broadcast %max3A_1294 : i32 to vector<16xi32>
      %ge3A_1296 = arith.cmpi sge, %select_n3A_1278, %ge3A_1295 : vector<16xi32>
      %and3A_1297 = arith.andi %ge3A_1293, %ge3A_1296 : vector<16xi1>
      %lt3A_1298 = vector.broadcast %add3A_1249 : i32 to vector<16xi32>
      %lt3A_1299 = arith.cmpi slt, %select_n3A_1278, %lt3A_1298 : vector<16xi32>
      %and3A_1300 = arith.andi %and3A_1297, %lt3A_1299 : vector<16xi1>
      %gt3A_1301 = arith.cmpi sgt, %sub3A_1266, %sub3A_1248 : i32
      %and3A_1302 = vector.broadcast %gt3A_1301 : i1 to vector<16xi1>
      %and3A_1303 = arith.andi %and3A_1300, %and3A_1302 : vector<16xi1>
      %mul3A_1304 = arith.constant 4096 : i32
      %mul3A_1305 = arith.muli %add3A, %mul3A_1304 : i32
      %add3A_1306 = arith.constant 1228800 : i32
      %add3A_1307 = arith.addi %add3A_1306, %mul3A_1305 : i32
      %or3A_1308 = arith.ori %and3A_1290, %and3A_1303 : vector<16xi1>
      %add3A_1309 = vector.broadcast %add3A_1307 : i32 to vector<16xi32>
      %add3A_1310 = arith.addi %add3A_1309, %iota3A_1267 : vector<16xi32>
      %select_n3A_1311 = arith.select %or3A_1308, %select_n3A_1278, %add3A_1310 : vector<16xi1>, vector<16xi32>
      %sub3A_1312 = arith.subi %sub3A_1266, %sub3A_1248 : i32
      %sub3A_1313 = arith.constant 8 : i32
      %sub3A_1314 = arith.subi %sub3A_1312, %sub3A_1313 : i32
      %max3A_1315 = arith.constant 0 : i32
      %max3A_1316 = arith.maxsi %sub3A_1314, %max3A_1315 : i32
      %get3A_1317 = arith.constant 0 : index
      %get3A_1318 = tpu.vector_load %arg17[%get3A_1317] {strides = array<i32>} : memref<6408xi32, #tpu.memory_space<vmem>>, vector<16xi32>,
      %get3A_1319 = arith.index_cast %max3A_1316 : i32 to index
      %get3A_1320 = tpu.vector_load %arg17[%get3A_1319] {strides = array<i32>} : memref<6408xi32, #tpu.memory_space<vmem>>, vector<16xi32>,
      %lt3A_1321 = arith.constant 8 : i32
      %lt3A_1322 = vector.broadcast %lt3A_1321 : i32 to vector<16xi32>
      %lt3A_1323 = arith.cmpi slt, %iota3A_1267, %lt3A_1322 : vector<16xi32>
      %select_n3A_1324 = arith.select %lt3A_1323, %get3A_1318, %get3A_1320 : vector<16xi1>, vector<16xi32>
      %swap3A_1325 = arith.constant 2 : i32
      %swap3A_1326 = arith.index_cast %swap3A_1325 : i32 to index
      %swap3A_1327 = arith.constant 0 : index
      %swap3A_1328 = tpu.vector_load %arg22[%swap3A_1326, %swap3A_1327] {strides = array<i32>} : memref<6x16xi32, #tpu.memory_space<vmem>>, vector<16xi32>,
      tpu.vector_store %arg22[%swap3A_1326, %swap3A_1327], %select_n3A_1324 {strides = array<i32>} : memref<6x16xi32, #tpu.memory_space<vmem>>, vector<16xi32>,
      %dma_start3A_1329 = arith.constant 2 : i32
      %dma_start3A_1330 = arith.constant 0 : i32
      %dma_start3A_1331 = tpu.memref_slice %arg22[%dma_start3A_1329, %dma_start3A_1330] : memref<6x16xi32, #tpu.memory_space<vmem>> -> memref<1x16xi32, #tpu.memory_space<vmem>>
      %dma_start3A_1332 = tpu.memref_squeeze %dma_start3A_1331 : memref<1x16xi32, #tpu.memory_space<vmem>> -> memref<16xi32, #tpu.memory_space<vmem>>
      %dma_start3A_1333 = arith.constant 0 : i32
      %dma_start3A_1334 = tpu.memref_slice %arg8[%dma_start3A_1333] : memref<1359872xi32, #tpu.memory_space<hbm>> -> memref<1359872xi32, #tpu.memory_space<hbm>>
      tpu.enqueue_indirect_dma source(%dma_start3A_1332 : memref<16xi32, #tpu.memory_space<vmem>>) target(%dma_start3A_1334 : memref<1359872xi32, #tpu.memory_space<hbm>>) offsets(%select_n3A_1311 : vector<16xi32>) semaphore(%arg23 : memref<!tpu.dma_semaphore, #tpu.memory_space<semaphore_mem>>)
      %sub3A_1335 = arith.subi %sub3A_1266, %sub3A_1248 : i32
      %sub3A_1336 = arith.constant 8 : i32
      %sub3A_1337 = arith.subi %sub3A_1335, %sub3A_1336 : i32
      %max3A_1338 = arith.constant 0 : i32
      %max3A_1339 = arith.maxsi %sub3A_1337, %max3A_1338 : i32
      %and3A_1340 = arith.constant 4096 : i32
      %and3A_1341 = arith.andi %max3A_1339, %and3A_1340 : i32
      %ne3A_1342 = arith.constant 0 : i32
      %ne3A_1343 = arith.cmpi ne, %and3A_1341, %ne3A_1342 : i32
      %and3A_1344 = arith.constant -8192 : i32
      %and3A_1345 = arith.andi %max3A_1339, %and3A_1344 : i32
      %add3A_1346 = arith.constant 8 : i32
      %add3A_1347 = arith.addi %add3A_1346, %and3A_1345 : i32
      %jit3A_1348 = arith.constant 0 : i32
      %select_n3A_1349 = arith.select %ne3A_1343, %add3A_1347, %jit3A_1348 : i32
      %multiple_of3A_1350 = tpu.assume_multiple %select_n3A_1349, 8 : i32
      %add3A_1351 = arith.addi %sub3A_1248, %add3A_1347 : i32
      %select_n3A_1352 = arith.select %ne3A_1343, %add3A_1351, %add3A_1307 : i32
      %multiple_of3A_1353 = tpu.assume_multiple %select_n3A_1352, 8 : i32
      %dma_start3A_1354 = tpu.memref_slice %arg17[%multiple_of3A_1350] : memref<6408xi32, #tpu.memory_space<vmem>> -> memref<4096xi32, #tpu.memory_space<vmem>>
      %dma_start3A_1355 = tpu.memref_slice %arg8[%multiple_of3A_1353] : memref<1359872xi32, #tpu.memory_space<hbm>> -> memref<4096xi32, #tpu.memory_space<hbm>>
      %dma_start3A_1356 = tpu.memref_slice %arg8[%multiple_of3A_1353] : memref<1359872xi32, #tpu.memory_space<hbm>> -> memref<4096xi32, #tpu.memory_space<hbm>>
      %dma_start3A_1357 = tpu.memref_slice %arg17[%multiple_of3A_1350] : memref<6408xi32, #tpu.memory_space<vmem>> -> memref<4096xi32, #tpu.memory_space<vmem>>
      tpu.enqueue_dma source(%dma_start3A_1357 : memref<4096xi32, #tpu.memory_space<vmem>>) target(%dma_start3A_1356 : memref<4096xi32, #tpu.memory_space<hbm>>) target_semaphore(%arg23 : memref<!tpu.dma_semaphore, #tpu.memory_space<semaphore_mem>>)
      %and3A_1358 = arith.constant 2048 : i32
      %and3A_1359 = arith.andi %max3A_1339, %and3A_1358 : i32
      %ne3A_1360 = arith.constant 0 : i32
      %ne3A_1361 = arith.cmpi ne, %and3A_1359, %ne3A_1360 : i32
      %and3A_1362 = arith.constant -4096 : i32
      %and3A_1363 = arith.andi %max3A_1339, %and3A_1362 : i32
      %add3A_1364 = arith.constant 8 : i32
      %add3A_1365 = arith.addi %add3A_1364, %and3A_1363 : i32
      %jit3A_1366 = arith.constant 0 : i32
      %select_n3A_1367 = arith.select %ne3A_1361, %add3A_1365, %jit3A_1366 : i32
      %multiple_of3A_1368 = tpu.assume_multiple %select_n3A_1367, 8 : i32
      %add3A_1369 = arith.addi %sub3A_1248, %add3A_1365 : i32
      %select_n3A_1370 = arith.select %ne3A_1361, %add3A_1369, %add3A_1307 : i32
      %multiple_of3A_1371 = tpu.assume_multiple %select_n3A_1370, 8 : i32
      %dma_start3A_1372 = tpu.memref_slice %arg17[%multiple_of3A_1368] : memref<6408xi32, #tpu.memory_space<vmem>> -> memref<2048xi32, #tpu.memory_space<vmem>>
      %dma_start3A_1373 = tpu.memref_slice %arg8[%multiple_of3A_1371] : memref<1359872xi32, #tpu.memory_space<hbm>> -> memref<2048xi32, #tpu.memory_space<hbm>>
      %dma_start3A_1374 = tpu.memref_slice %arg8[%multiple_of3A_1371] : memref<1359872xi32, #tpu.memory_space<hbm>> -> memref<2048xi32, #tpu.memory_space<hbm>>
      %dma_start3A_1375 = tpu.memref_slice %arg17[%multiple_of3A_1368] : memref<6408xi32, #tpu.memory_space<vmem>> -> memref<2048xi32, #tpu.memory_space<vmem>>
      tpu.enqueue_dma source(%dma_start3A_1375 : memref<2048xi32, #tpu.memory_space<vmem>>) target(%dma_start3A_1374 : memref<2048xi32, #tpu.memory_space<hbm>>) target_semaphore(%arg23 : memref<!tpu.dma_semaphore, #tpu.memory_space<semaphore_mem>>)
      %and3A_1376 = arith.constant 1024 : i32
      %and3A_1377 = arith.andi %max3A_1339, %and3A_1376 : i32
      %ne3A_1378 = arith.constant 0 : i32
      %ne3A_1379 = arith.cmpi ne, %and3A_1377, %ne3A_1378 : i32
      %and3A_1380 = arith.constant -2048 : i32
      %and3A_1381 = arith.andi %max3A_1339, %and3A_1380 : i32
      %add3A_1382 = arith.constant 8 : i32
      %add3A_1383 = arith.addi %add3A_1382, %and3A_1381 : i32
      %jit3A_1384 = arith.constant 0 : i32
      %select_n3A_1385 = arith.select %ne3A_1379, %add3A_1383, %jit3A_1384 : i32
      %multiple_of3A_1386 = tpu.assume_multiple %select_n3A_1385, 8 : i32
      %add3A_1387 = arith.addi %sub3A_1248, %add3A_1383 : i32
      %select_n3A_1388 = arith.select %ne3A_1379, %add3A_1387, %add3A_1307 : i32
      %multiple_of3A_1389 = tpu.assume_multiple %select_n3A_1388, 8 : i32
      %dma_start3A_1390 = tpu.memref_slice %arg17[%multiple_of3A_1386] : memref<6408xi32, #tpu.memory_space<vmem>> -> memref<1024xi32, #tpu.memory_space<vmem>>
      %dma_start3A_1391 = tpu.memref_slice %arg8[%multiple_of3A_1389] : memref<1359872xi32, #tpu.memory_space<hbm>> -> memref<1024xi32, #tpu.memory_space<hbm>>
      %dma_start3A_1392 = tpu.memref_slice %arg8[%multiple_of3A_1389] : memref<1359872xi32, #tpu.memory_space<hbm>> -> memref<1024xi32, #tpu.memory_space<hbm>>
      %dma_start3A_1393 = tpu.memref_slice %arg17[%multiple_of3A_1386] : memref<6408xi32, #tpu.memory_space<vmem>> -> memref<1024xi32, #tpu.memory_space<vmem>>
      tpu.enqueue_dma source(%dma_start3A_1393 : memref<1024xi32, #tpu.memory_space<vmem>>) target(%dma_start3A_1392 : memref<1024xi32, #tpu.memory_space<hbm>>) target_semaphore(%arg23 : memref<!tpu.dma_semaphore, #tpu.memory_space<semaphore_mem>>)
      %and3A_1394 = arith.constant 512 : i32
      %and3A_1395 = arith.andi %max3A_1339, %and3A_1394 : i32
      %ne3A_1396 = arith.constant 0 : i32
      %ne3A_1397 = arith.cmpi ne, %and3A_1395, %ne3A_1396 : i32
      %and3A_1398 = arith.constant -1024 : i32
      %and3A_1399 = arith.andi %max3A_1339, %and3A_1398 : i32
      %add3A_1400 = arith.constant 8 : i32
      %add3A_1401 = arith.addi %add3A_1400, %and3A_1399 : i32
      %jit3A_1402 = arith.constant 0 : i32
      %select_n3A_1403 = arith.select %ne3A_1397, %add3A_1401, %jit3A_1402 : i32
      %multiple_of3A_1404 = tpu.assume_multiple %select_n3A_1403, 8 : i32
      %add3A_1405 = arith.addi %sub3A_1248, %add3A_1401 : i32
      %select_n3A_1406 = arith.select %ne3A_1397, %add3A_1405, %add3A_1307 : i32
      %multiple_of3A_1407 = tpu.assume_multiple %select_n3A_1406, 8 : i32
      %dma_start3A_1408 = tpu.memref_slice %arg17[%multiple_of3A_1404] : memref<6408xi32, #tpu.memory_space<vmem>> -> memref<512xi32, #tpu.memory_space<vmem>>
      %dma_start3A_1409 = tpu.memref_slice %arg8[%multiple_of3A_1407] : memref<1359872xi32, #tpu.memory_space<hbm>> -> memref<512xi32, #tpu.memory_space<hbm>>
      %dma_start3A_1410 = tpu.memref_slice %arg8[%multiple_of3A_1407] : memref<1359872xi32, #tpu.memory_space<hbm>> -> memref<512xi32, #tpu.memory_space<hbm>>
      %dma_start3A_1411 = tpu.memref_slice %arg17[%multiple_of3A_1404] : memref<6408xi32, #tpu.memory_space<vmem>> -> memref<512xi32, #tpu.memory_space<vmem>>
      tpu.enqueue_dma source(%dma_start3A_1411 : memref<512xi32, #tpu.memory_space<vmem>>) target(%dma_start3A_1410 : memref<512xi32, #tpu.memory_space<hbm>>) target_semaphore(%arg23 : memref<!tpu.dma_semaphore, #tpu.memory_space<semaphore_mem>>)
      %and3A_1412 = arith.constant 256 : i32
      %and3A_1413 = arith.andi %max3A_1339, %and3A_1412 : i32
      %ne3A_1414 = arith.constant 0 : i32
      %ne3A_1415 = arith.cmpi ne, %and3A_1413, %ne3A_1414 : i32
      %and3A_1416 = arith.constant -512 : i32
      %and3A_1417 = arith.andi %max3A_1339, %and3A_1416 : i32
      %add3A_1418 = arith.constant 8 : i32
      %add3A_1419 = arith.addi %add3A_1418, %and3A_1417 : i32
      %jit3A_1420 = arith.constant 0 : i32
      %select_n3A_1421 = arith.select %ne3A_1415, %add3A_1419, %jit3A_1420 : i32
      %multiple_of3A_1422 = tpu.assume_multiple %select_n3A_1421, 8 : i32
      %add3A_1423 = arith.addi %sub3A_1248, %add3A_1419 : i32
      %select_n3A_1424 = arith.select %ne3A_1415, %add3A_1423, %add3A_1307 : i32
      %multiple_of3A_1425 = tpu.assume_multiple %select_n3A_1424, 8 : i32
      %dma_start3A_1426 = tpu.memref_slice %arg17[%multiple_of3A_1422] : memref<6408xi32, #tpu.memory_space<vmem>> -> memref<256xi32, #tpu.memory_space<vmem>>
      %dma_start3A_1427 = tpu.memref_slice %arg8[%multiple_of3A_1425] : memref<1359872xi32, #tpu.memory_space<hbm>> -> memref<256xi32, #tpu.memory_space<hbm>>
      %dma_start3A_1428 = tpu.memref_slice %arg8[%multiple_of3A_1425] : memref<1359872xi32, #tpu.memory_space<hbm>> -> memref<256xi32, #tpu.memory_space<hbm>>
      %dma_start3A_1429 = tpu.memref_slice %arg17[%multiple_of3A_1422] : memref<6408xi32, #tpu.memory_space<vmem>> -> memref<256xi32, #tpu.memory_space<vmem>>
      tpu.enqueue_dma source(%dma_start3A_1429 : memref<256xi32, #tpu.memory_space<vmem>>) target(%dma_start3A_1428 : memref<256xi32, #tpu.memory_space<hbm>>) target_semaphore(%arg23 : memref<!tpu.dma_semaphore, #tpu.memory_space<semaphore_mem>>)
      %and3A_1430 = arith.constant 128 : i32
      %and3A_1431 = arith.andi %max3A_1339, %and3A_1430 : i32
      %ne3A_1432 = arith.constant 0 : i32
      %ne3A_1433 = arith.cmpi ne, %and3A_1431, %ne3A_1432 : i32
      %and3A_1434 = arith.constant -256 : i32
      %and3A_1435 = arith.andi %max3A_1339, %and3A_1434 : i32
      %add3A_1436 = arith.constant 8 : i32
      %add3A_1437 = arith.addi %add3A_1436, %and3A_1435 : i32
      %jit3A_1438 = arith.constant 0 : i32
      %select_n3A_1439 = arith.select %ne3A_1433, %add3A_1437, %jit3A_1438 : i32
      %multiple_of3A_1440 = tpu.assume_multiple %select_n3A_1439, 8 : i32
      %add3A_1441 = arith.addi %sub3A_1248, %add3A_1437 : i32
      %select_n3A_1442 = arith.select %ne3A_1433, %add3A_1441, %add3A_1307 : i32
      %multiple_of3A_1443 = tpu.assume_multiple %select_n3A_1442, 8 : i32
      %dma_start3A_1444 = tpu.memref_slice %arg17[%multiple_of3A_1440] : memref<6408xi32, #tpu.memory_space<vmem>> -> memref<128xi32, #tpu.memory_space<vmem>>
      %dma_start3A_1445 = tpu.memref_slice %arg8[%multiple_of3A_1443] : memref<1359872xi32, #tpu.memory_space<hbm>> -> memref<128xi32, #tpu.memory_space<hbm>>
      %dma_start3A_1446 = tpu.memref_slice %arg8[%multiple_of3A_1443] : memref<1359872xi32, #tpu.memory_space<hbm>> -> memref<128xi32, #tpu.memory_space<hbm>>
      %dma_start3A_1447 = tpu.memref_slice %arg17[%multiple_of3A_1440] : memref<6408xi32, #tpu.memory_space<vmem>> -> memref<128xi32, #tpu.memory_space<vmem>>
      tpu.enqueue_dma source(%dma_start3A_1447 : memref<128xi32, #tpu.memory_space<vmem>>) target(%dma_start3A_1446 : memref<128xi32, #tpu.memory_space<hbm>>) target_semaphore(%arg23 : memref<!tpu.dma_semaphore, #tpu.memory_space<semaphore_mem>>)
      %and3A_1448 = arith.constant 64 : i32
      %and3A_1449 = arith.andi %max3A_1339, %and3A_1448 : i32
      %ne3A_1450 = arith.constant 0 : i32
      %ne3A_1451 = arith.cmpi ne, %and3A_1449, %ne3A_1450 : i32
      %and3A_1452 = arith.constant -128 : i32
      %and3A_1453 = arith.andi %max3A_1339, %and3A_1452 : i32
      %add3A_1454 = arith.constant 8 : i32
      %add3A_1455 = arith.addi %add3A_1454, %and3A_1453 : i32
      %jit3A_1456 = arith.constant 0 : i32
      %select_n3A_1457 = arith.select %ne3A_1451, %add3A_1455, %jit3A_1456 : i32
      %multiple_of3A_1458 = tpu.assume_multiple %select_n3A_1457, 8 : i32
      %add3A_1459 = arith.addi %sub3A_1248, %add3A_1455 : i32
      %select_n3A_1460 = arith.select %ne3A_1451, %add3A_1459, %add3A_1307 : i32
      %multiple_of3A_1461 = tpu.assume_multiple %select_n3A_1460, 8 : i32
      %dma_start3A_1462 = tpu.memref_slice %arg17[%multiple_of3A_1458] : memref<6408xi32, #tpu.memory_space<vmem>> -> memref<64xi32, #tpu.memory_space<vmem>>
      %dma_start3A_1463 = tpu.memref_slice %arg8[%multiple_of3A_1461] : memref<1359872xi32, #tpu.memory_space<hbm>> -> memref<64xi32, #tpu.memory_space<hbm>>
      %dma_start3A_1464 = tpu.memref_slice %arg8[%multiple_of3A_1461] : memref<1359872xi32, #tpu.memory_space<hbm>> -> memref<64xi32, #tpu.memory_space<hbm>>
      %dma_start3A_1465 = tpu.memref_slice %arg17[%multiple_of3A_1458] : memref<6408xi32, #tpu.memory_space<vmem>> -> memref<64xi32, #tpu.memory_space<vmem>>
      tpu.enqueue_dma source(%dma_start3A_1465 : memref<64xi32, #tpu.memory_space<vmem>>) target(%dma_start3A_1464 : memref<64xi32, #tpu.memory_space<hbm>>) target_semaphore(%arg23 : memref<!tpu.dma_semaphore, #tpu.memory_space<semaphore_mem>>)
      %and3A_1466 = arith.constant 32 : i32
      %and3A_1467 = arith.andi %max3A_1339, %and3A_1466 : i32
      %ne3A_1468 = arith.constant 0 : i32
      %ne3A_1469 = arith.cmpi ne, %and3A_1467, %ne3A_1468 : i32
      %and3A_1470 = arith.constant -64 : i32
      %and3A_1471 = arith.andi %max3A_1339, %and3A_1470 : i32
      %add3A_1472 = arith.constant 8 : i32
      %add3A_1473 = arith.addi %add3A_1472, %and3A_1471 : i32
      %jit3A_1474 = arith.constant 0 : i32
      %select_n3A_1475 = arith.select %ne3A_1469, %add3A_1473, %jit3A_1474 : i32
      %multiple_of3A_1476 = tpu.assume_multiple %select_n3A_1475, 8 : i32
      %add3A_1477 = arith.addi %sub3A_1248, %add3A_1473 : i32
      %select_n3A_1478 = arith.select %ne3A_1469, %add3A_1477, %add3A_1307 : i32
      %multiple_of3A_1479 = tpu.assume_multiple %select_n3A_1478, 8 : i32
      %dma_start3A_1480 = tpu.memref_slice %arg17[%multiple_of3A_1476] : memref<6408xi32, #tpu.memory_space<vmem>> -> memref<32xi32, #tpu.memory_space<vmem>>
      %dma_start3A_1481 = tpu.memref_slice %arg8[%multiple_of3A_1479] : memref<1359872xi32, #tpu.memory_space<hbm>> -> memref<32xi32, #tpu.memory_space<hbm>>
      %dma_start3A_1482 = tpu.memref_slice %arg8[%multiple_of3A_1479] : memref<1359872xi32, #tpu.memory_space<hbm>> -> memref<32xi32, #tpu.memory_space<hbm>>
      %dma_start3A_1483 = tpu.memref_slice %arg17[%multiple_of3A_1476] : memref<6408xi32, #tpu.memory_space<vmem>> -> memref<32xi32, #tpu.memory_space<vmem>>
      tpu.enqueue_dma source(%dma_start3A_1483 : memref<32xi32, #tpu.memory_space<vmem>>) target(%dma_start3A_1482 : memref<32xi32, #tpu.memory_space<hbm>>) target_semaphore(%arg23 : memref<!tpu.dma_semaphore, #tpu.memory_space<semaphore_mem>>)
      %and3A_1484 = arith.constant 16 : i32
      %and3A_1485 = arith.andi %max3A_1339, %and3A_1484 : i32
      %ne3A_1486 = arith.constant 0 : i32
      %ne3A_1487 = arith.cmpi ne, %and3A_1485, %ne3A_1486 : i32
      %and3A_1488 = arith.constant -32 : i32
      %and3A_1489 = arith.andi %max3A_1339, %and3A_1488 : i32
      %add3A_1490 = arith.constant 8 : i32
      %add3A_1491 = arith.addi %add3A_1490, %and3A_1489 : i32
      %jit3A_1492 = arith.constant 0 : i32
      %select_n3A_1493 = arith.select %ne3A_1487, %add3A_1491, %jit3A_1492 : i32
      %multiple_of3A_1494 = tpu.assume_multiple %select_n3A_1493, 8 : i32
      %add3A_1495 = arith.addi %sub3A_1248, %add3A_1491 : i32
      %select_n3A_1496 = arith.select %ne3A_1487, %add3A_1495, %add3A_1307 : i32
      %multiple_of3A_1497 = tpu.assume_multiple %select_n3A_1496, 8 : i32
      %dma_start3A_1498 = tpu.memref_slice %arg17[%multiple_of3A_1494] : memref<6408xi32, #tpu.memory_space<vmem>> -> memref<16xi32, #tpu.memory_space<vmem>>
      %dma_start3A_1499 = tpu.memref_slice %arg8[%multiple_of3A_1497] : memref<1359872xi32, #tpu.memory_space<hbm>> -> memref<16xi32, #tpu.memory_space<hbm>>
      %dma_start3A_1500 = tpu.memref_slice %arg8[%multiple_of3A_1497] : memref<1359872xi32, #tpu.memory_space<hbm>> -> memref<16xi32, #tpu.memory_space<hbm>>
      %dma_start3A_1501 = tpu.memref_slice %arg17[%multiple_of3A_1494] : memref<6408xi32, #tpu.memory_space<vmem>> -> memref<16xi32, #tpu.memory_space<vmem>>
      tpu.enqueue_dma source(%dma_start3A_1501 : memref<16xi32, #tpu.memory_space<vmem>>) target(%dma_start3A_1500 : memref<16xi32, #tpu.memory_space<hbm>>) target_semaphore(%arg23 : memref<!tpu.dma_semaphore, #tpu.memory_space<semaphore_mem>>)
      %and3A_1502 = arith.constant 8 : i32
      %and3A_1503 = arith.andi %max3A_1339, %and3A_1502 : i32
      %ne3A_1504 = arith.constant 0 : i32
      %ne3A_1505 = arith.cmpi ne, %and3A_1503, %ne3A_1504 : i32
      %and3A_1506 = arith.constant -16 : i32
      %and3A_1507 = arith.andi %max3A_1339, %and3A_1506 : i32
      %add3A_1508 = arith.constant 8 : i32
      %add3A_1509 = arith.addi %add3A_1508, %and3A_1507 : i32
      %jit3A_1510 = arith.constant 0 : i32
      %select_n3A_1511 = arith.select %ne3A_1505, %add3A_1509, %jit3A_1510 : i32
      %multiple_of3A_1512 = tpu.assume_multiple %select_n3A_1511, 8 : i32
      %add3A_1513 = arith.addi %sub3A_1248, %add3A_1509 : i32
      %select_n3A_1514 = arith.select %ne3A_1505, %add3A_1513, %add3A_1307 : i32
      %multiple_of3A_1515 = tpu.assume_multiple %select_n3A_1514, 8 : i32
      %dma_start3A_1516 = tpu.memref_slice %arg17[%multiple_of3A_1512] : memref<6408xi32, #tpu.memory_space<vmem>> -> memref<8xi32, #tpu.memory_space<vmem>>
      %dma_start3A_1517 = tpu.memref_slice %arg8[%multiple_of3A_1515] : memref<1359872xi32, #tpu.memory_space<hbm>> -> memref<8xi32, #tpu.memory_space<hbm>>
      %dma_start3A_1518 = tpu.memref_slice %arg8[%multiple_of3A_1515] : memref<1359872xi32, #tpu.memory_space<hbm>> -> memref<8xi32, #tpu.memory_space<hbm>>
      %dma_start3A_1519 = tpu.memref_slice %arg17[%multiple_of3A_1512] : memref<6408xi32, #tpu.memory_space<vmem>> -> memref<8xi32, #tpu.memory_space<vmem>>
      tpu.enqueue_dma source(%dma_start3A_1519 : memref<8xi32, #tpu.memory_space<vmem>>) target(%dma_start3A_1518 : memref<8xi32, #tpu.memory_space<hbm>>) target_semaphore(%arg23 : memref<!tpu.dma_semaphore, #tpu.memory_space<semaphore_mem>>)
      %jit3A_1520 = arith.constant 8 : i32
      %eq3A_1521 = arith.constant 0 : i32
      %eq3A_1522 = arith.cmpi eq, %jit3A_1520, %eq3A_1521 : i32
      %jit3A_1523 = arith.constant 1 : i32
      %select_n3A_1524 = arith.select %eq3A_1522, %jit3A_1523, %jit3A_1520 : i32
      %rem3A_1525 = arith.remsi %scan3A_590, %select_n3A_1524 : i32
      %ne3A_1526 = arith.constant 0 : i32
      %ne3A_1527 = arith.cmpi ne, %rem3A_1525, %ne3A_1526 : i32
      %lt3A_1528 = arith.constant 0 : i32
      %lt3A_1529 = arith.cmpi slt, %rem3A_1525, %lt3A_1528 : i32
      %lt3A_1530 = arith.constant 0 : i32
      %lt3A_1531 = arith.cmpi slt, %select_n3A_1524, %lt3A_1530 : i32
      %ne3A_1532 = arith.xori %lt3A_1529, %lt3A_1531 : i1
      %and3A_1533 = arith.andi %ne3A_1532, %ne3A_1527 : i1
      %add3A_1534 = arith.addi %rem3A_1525, %select_n3A_1524 : i32
      %select_n3A_1535 = arith.select %and3A_1533, %add3A_1534, %rem3A_1525 : i32
      %sub3A_1536 = arith.subi %scan3A_590, %select_n3A_1535 : i32
      %add3A_1537 = arith.addi %scan3A_590, %sub3A_660 : i32
      %jit3A_1538 = arith.constant 8 : i32
      %eq3A_1539 = arith.constant 0 : i32
      %eq3A_1540 = arith.cmpi eq, %jit3A_1538, %eq3A_1539 : i32
      %jit3A_1541 = arith.constant 1 : i32
      %select_n3A_1542 = arith.select %eq3A_1540, %jit3A_1541, %jit3A_1538 : i32
      %rem3A_1543 = arith.remsi %add3A_1537, %select_n3A_1542 : i32
      %ne3A_1544 = arith.constant 0 : i32
      %ne3A_1545 = arith.cmpi ne, %rem3A_1543, %ne3A_1544 : i32
      %lt3A_1546 = arith.constant 0 : i32
      %lt3A_1547 = arith.cmpi slt, %rem3A_1543, %lt3A_1546 : i32
      %lt3A_1548 = arith.constant 0 : i32
      %lt3A_1549 = arith.cmpi slt, %select_n3A_1542, %lt3A_1548 : i32
      %ne3A_1550 = arith.xori %lt3A_1547, %lt3A_1549 : i1
      %and3A_1551 = arith.andi %ne3A_1550, %ne3A_1545 : i1
      %add3A_1552 = arith.addi %rem3A_1543, %select_n3A_1542 : i32
      %select_n3A_1553 = arith.select %and3A_1551, %add3A_1552, %rem3A_1543 : i32
      %sub3A_1554 = arith.subi %add3A_1537, %select_n3A_1553 : i32
      %iota3A_1555 = tpu.iota {dimensions = array<i32: 0>} : vector<16xi32>
      %add3A_1556 = vector.broadcast %sub3A_1536 : i32 to vector<16xi32>
      %add3A_1557 = arith.addi %add3A_1556, %iota3A_1555 : vector<16xi32>
      %add3A_1558 = vector.broadcast %sub3A_1554 : i32 to vector<16xi32>
      %add3A_1559 = arith.addi %add3A_1558, %iota3A_1555 : vector<16xi32>
      %sub3A_1560 = arith.constant 8 : i32
      %sub3A_1561 = vector.broadcast %sub3A_1560 : i32 to vector<16xi32>
      %sub3A_1562 = arith.subi %add3A_1559, %sub3A_1561 : vector<16xi32>
      %lt3A_1563 = arith.constant 8 : i32
      %lt3A_1564 = vector.broadcast %lt3A_1563 : i32 to vector<16xi32>
      %lt3A_1565 = arith.cmpi slt, %iota3A_1555, %lt3A_1564 : vector<16xi32>
      %select_n3A_1566 = arith.select %lt3A_1565, %add3A_1557, %sub3A_1562 : vector<16xi1>, vector<16xi32>
      %lt3A_1567 = arith.constant 8 : i32
      %lt3A_1568 = vector.broadcast %lt3A_1567 : i32 to vector<16xi32>
      %lt3A_1569 = arith.cmpi slt, %iota3A_1555, %lt3A_1568 : vector<16xi32>
      %ge3A_1570 = vector.broadcast %scan3A_590 : i32 to vector<16xi32>
      %ge3A_1571 = arith.cmpi sge, %select_n3A_1566, %ge3A_1570 : vector<16xi32>
      %and3A_1572 = arith.andi %lt3A_1569, %ge3A_1571 : vector<16xi1>
      %add3A_1573 = arith.constant 8 : i32
      %add3A_1574 = arith.addi %sub3A_1536, %add3A_1573 : i32
      %min3A_1575 = arith.minsi %add3A_1537, %add3A_1574 : i32
      %lt3A_1576 = vector.broadcast %min3A_1575 : i32 to vector<16xi32>
      %lt3A_1577 = arith.cmpi slt, %select_n3A_1566, %lt3A_1576 : vector<16xi32>
      %and3A_1578 = arith.andi %and3A_1572, %lt3A_1577 : vector<16xi1>
      %ge3A_1579 = arith.constant 8 : i32
      %ge3A_1580 = vector.broadcast %ge3A_1579 : i32 to vector<16xi32>
      %ge3A_1581 = arith.cmpi sge, %iota3A_1555, %ge3A_1580 : vector<16xi32>
      %max3A_1582 = arith.maxsi %scan3A_590, %sub3A_1554 : i32
      %ge3A_1583 = vector.broadcast %max3A_1582 : i32 to vector<16xi32>
      %ge3A_1584 = arith.cmpi sge, %select_n3A_1566, %ge3A_1583 : vector<16xi32>
      %and3A_1585 = arith.andi %ge3A_1581, %ge3A_1584 : vector<16xi1>
      %lt3A_1586 = vector.broadcast %add3A_1537 : i32 to vector<16xi32>
      %lt3A_1587 = arith.cmpi slt, %select_n3A_1566, %lt3A_1586 : vector<16xi32>
      %and3A_1588 = arith.andi %and3A_1585, %lt3A_1587 : vector<16xi1>
      %gt3A_1589 = arith.cmpi sgt, %sub3A_1554, %sub3A_1536 : i32
      %and3A_1590 = vector.broadcast %gt3A_1589 : i1 to vector<16xi1>
      %and3A_1591 = arith.andi %and3A_1588, %and3A_1590 : vector<16xi1>
      %mul3A_1592 = arith.constant 4096 : i32
      %mul3A_1593 = arith.muli %add3A, %mul3A_1592 : i32
      %add3A_1594 = arith.constant 1228800 : i32
      %add3A_1595 = arith.addi %add3A_1594, %mul3A_1593 : i32
      %or3A_1596 = arith.ori %and3A_1578, %and3A_1591 : vector<16xi1>
      %add3A_1597 = vector.broadcast %add3A_1595 : i32 to vector<16xi32>
      %add3A_1598 = arith.addi %add3A_1597, %iota3A_1555 : vector<16xi32>
      %select_n3A_1599 = arith.select %or3A_1596, %select_n3A_1566, %add3A_1598 : vector<16xi1>, vector<16xi32>
      %sub3A_1600 = arith.subi %sub3A_1554, %sub3A_1536 : i32
      %sub3A_1601 = arith.constant 8 : i32
      %sub3A_1602 = arith.subi %sub3A_1600, %sub3A_1601 : i32
      %max3A_1603 = arith.constant 0 : i32
      %max3A_1604 = arith.maxsi %sub3A_1602, %max3A_1603 : i32
      %get3A_1605 = arith.constant 0 : index
      %get3A_1606 = tpu.vector_load %arg20[%get3A_1605] {strides = array<i32>} : memref<6408xi32, #tpu.memory_space<vmem>>, vector<16xi32>,
      %get3A_1607 = arith.index_cast %max3A_1604 : i32 to index
      %get3A_1608 = tpu.vector_load %arg20[%get3A_1607] {strides = array<i32>} : memref<6408xi32, #tpu.memory_space<vmem>>, vector<16xi32>,
      %lt3A_1609 = arith.constant 8 : i32
      %lt3A_1610 = vector.broadcast %lt3A_1609 : i32 to vector<16xi32>
      %lt3A_1611 = arith.cmpi slt, %iota3A_1555, %lt3A_1610 : vector<16xi32>
      %select_n3A_1612 = arith.select %lt3A_1611, %get3A_1606, %get3A_1608 : vector<16xi1>, vector<16xi32>
      %swap3A_1613 = arith.constant 3 : i32
      %swap3A_1614 = arith.index_cast %swap3A_1613 : i32 to index
      %swap3A_1615 = arith.constant 0 : index
      %swap3A_1616 = tpu.vector_load %arg22[%swap3A_1614, %swap3A_1615] {strides = array<i32>} : memref<6x16xi32, #tpu.memory_space<vmem>>, vector<16xi32>,
      tpu.vector_store %arg22[%swap3A_1614, %swap3A_1615], %select_n3A_1612 {strides = array<i32>} : memref<6x16xi32, #tpu.memory_space<vmem>>, vector<16xi32>,
      %dma_start3A_1617 = arith.constant 3 : i32
      %dma_start3A_1618 = arith.constant 0 : i32
      %dma_start3A_1619 = tpu.memref_slice %arg22[%dma_start3A_1617, %dma_start3A_1618] : memref<6x16xi32, #tpu.memory_space<vmem>> -> memref<1x16xi32, #tpu.memory_space<vmem>>
      %dma_start3A_1620 = tpu.memref_squeeze %dma_start3A_1619 : memref<1x16xi32, #tpu.memory_space<vmem>> -> memref<16xi32, #tpu.memory_space<vmem>>
      %dma_start3A_1621 = arith.constant 0 : i32
      %dma_start3A_1622 = tpu.memref_slice %arg9[%dma_start3A_1621] : memref<1359872xi32, #tpu.memory_space<hbm>> -> memref<1359872xi32, #tpu.memory_space<hbm>>
      tpu.enqueue_indirect_dma source(%dma_start3A_1620 : memref<16xi32, #tpu.memory_space<vmem>>) target(%dma_start3A_1622 : memref<1359872xi32, #tpu.memory_space<hbm>>) offsets(%select_n3A_1599 : vector<16xi32>) semaphore(%arg23 : memref<!tpu.dma_semaphore, #tpu.memory_space<semaphore_mem>>)
      %sub3A_1623 = arith.subi %sub3A_1554, %sub3A_1536 : i32
      %sub3A_1624 = arith.constant 8 : i32
      %sub3A_1625 = arith.subi %sub3A_1623, %sub3A_1624 : i32
      %max3A_1626 = arith.constant 0 : i32
      %max3A_1627 = arith.maxsi %sub3A_1625, %max3A_1626 : i32
      %and3A_1628 = arith.constant 4096 : i32
      %and3A_1629 = arith.andi %max3A_1627, %and3A_1628 : i32
      %ne3A_1630 = arith.constant 0 : i32
      %ne3A_1631 = arith.cmpi ne, %and3A_1629, %ne3A_1630 : i32
      %and3A_1632 = arith.constant -8192 : i32
      %and3A_1633 = arith.andi %max3A_1627, %and3A_1632 : i32
      %add3A_1634 = arith.constant 8 : i32
      %add3A_1635 = arith.addi %add3A_1634, %and3A_1633 : i32
      %jit3A_1636 = arith.constant 0 : i32
      %select_n3A_1637 = arith.select %ne3A_1631, %add3A_1635, %jit3A_1636 : i32
      %multiple_of3A_1638 = tpu.assume_multiple %select_n3A_1637, 8 : i32
      %add3A_1639 = arith.addi %sub3A_1536, %add3A_1635 : i32
      %select_n3A_1640 = arith.select %ne3A_1631, %add3A_1639, %add3A_1595 : i32
      %multiple_of3A_1641 = tpu.assume_multiple %select_n3A_1640, 8 : i32
      %dma_start3A_1642 = tpu.memref_slice %arg20[%multiple_of3A_1638] : memref<6408xi32, #tpu.memory_space<vmem>> -> memref<4096xi32, #tpu.memory_space<vmem>>
      %dma_start3A_1643 = tpu.memref_slice %arg9[%multiple_of3A_1641] : memref<1359872xi32, #tpu.memory_space<hbm>> -> memref<4096xi32, #tpu.memory_space<hbm>>
      %dma_start3A_1644 = tpu.memref_slice %arg9[%multiple_of3A_1641] : memref<1359872xi32, #tpu.memory_space<hbm>> -> memref<4096xi32, #tpu.memory_space<hbm>>
      %dma_start3A_1645 = tpu.memref_slice %arg20[%multiple_of3A_1638] : memref<6408xi32, #tpu.memory_space<vmem>> -> memref<4096xi32, #tpu.memory_space<vmem>>
      tpu.enqueue_dma source(%dma_start3A_1645 : memref<4096xi32, #tpu.memory_space<vmem>>) target(%dma_start3A_1644 : memref<4096xi32, #tpu.memory_space<hbm>>) target_semaphore(%arg23 : memref<!tpu.dma_semaphore, #tpu.memory_space<semaphore_mem>>)
      %and3A_1646 = arith.constant 2048 : i32
      %and3A_1647 = arith.andi %max3A_1627, %and3A_1646 : i32
      %ne3A_1648 = arith.constant 0 : i32
      %ne3A_1649 = arith.cmpi ne, %and3A_1647, %ne3A_1648 : i32
      %and3A_1650 = arith.constant -4096 : i32
      %and3A_1651 = arith.andi %max3A_1627, %and3A_1650 : i32
      %add3A_1652 = arith.constant 8 : i32
      %add3A_1653 = arith.addi %add3A_1652, %and3A_1651 : i32
      %jit3A_1654 = arith.constant 0 : i32
      %select_n3A_1655 = arith.select %ne3A_1649, %add3A_1653, %jit3A_1654 : i32
      %multiple_of3A_1656 = tpu.assume_multiple %select_n3A_1655, 8 : i32
      %add3A_1657 = arith.addi %sub3A_1536, %add3A_1653 : i32
      %select_n3A_1658 = arith.select %ne3A_1649, %add3A_1657, %add3A_1595 : i32
      %multiple_of3A_1659 = tpu.assume_multiple %select_n3A_1658, 8 : i32
      %dma_start3A_1660 = tpu.memref_slice %arg20[%multiple_of3A_1656] : memref<6408xi32, #tpu.memory_space<vmem>> -> memref<2048xi32, #tpu.memory_space<vmem>>
      %dma_start3A_1661 = tpu.memref_slice %arg9[%multiple_of3A_1659] : memref<1359872xi32, #tpu.memory_space<hbm>> -> memref<2048xi32, #tpu.memory_space<hbm>>
      %dma_start3A_1662 = tpu.memref_slice %arg9[%multiple_of3A_1659] : memref<1359872xi32, #tpu.memory_space<hbm>> -> memref<2048xi32, #tpu.memory_space<hbm>>
      %dma_start3A_1663 = tpu.memref_slice %arg20[%multiple_of3A_1656] : memref<6408xi32, #tpu.memory_space<vmem>> -> memref<2048xi32, #tpu.memory_space<vmem>>
      tpu.enqueue_dma source(%dma_start3A_1663 : memref<2048xi32, #tpu.memory_space<vmem>>) target(%dma_start3A_1662 : memref<2048xi32, #tpu.memory_space<hbm>>) target_semaphore(%arg23 : memref<!tpu.dma_semaphore, #tpu.memory_space<semaphore_mem>>)
      %and3A_1664 = arith.constant 1024 : i32
      %and3A_1665 = arith.andi %max3A_1627, %and3A_1664 : i32
      %ne3A_1666 = arith.constant 0 : i32
      %ne3A_1667 = arith.cmpi ne, %and3A_1665, %ne3A_1666 : i32
      %and3A_1668 = arith.constant -2048 : i32
      %and3A_1669 = arith.andi %max3A_1627, %and3A_1668 : i32
      %add3A_1670 = arith.constant 8 : i32
      %add3A_1671 = arith.addi %add3A_1670, %and3A_1669 : i32
      %jit3A_1672 = arith.constant 0 : i32
      %select_n3A_1673 = arith.select %ne3A_1667, %add3A_1671, %jit3A_1672 : i32
      %multiple_of3A_1674 = tpu.assume_multiple %select_n3A_1673, 8 : i32
      %add3A_1675 = arith.addi %sub3A_1536, %add3A_1671 : i32
      %select_n3A_1676 = arith.select %ne3A_1667, %add3A_1675, %add3A_1595 : i32
      %multiple_of3A_1677 = tpu.assume_multiple %select_n3A_1676, 8 : i32
      %dma_start3A_1678 = tpu.memref_slice %arg20[%multiple_of3A_1674] : memref<6408xi32, #tpu.memory_space<vmem>> -> memref<1024xi32, #tpu.memory_space<vmem>>
      %dma_start3A_1679 = tpu.memref_slice %arg9[%multiple_of3A_1677] : memref<1359872xi32, #tpu.memory_space<hbm>> -> memref<1024xi32, #tpu.memory_space<hbm>>
      %dma_start3A_1680 = tpu.memref_slice %arg9[%multiple_of3A_1677] : memref<1359872xi32, #tpu.memory_space<hbm>> -> memref<1024xi32, #tpu.memory_space<hbm>>
      %dma_start3A_1681 = tpu.memref_slice %arg20[%multiple_of3A_1674] : memref<6408xi32, #tpu.memory_space<vmem>> -> memref<1024xi32, #tpu.memory_space<vmem>>
      tpu.enqueue_dma source(%dma_start3A_1681 : memref<1024xi32, #tpu.memory_space<vmem>>) target(%dma_start3A_1680 : memref<1024xi32, #tpu.memory_space<hbm>>) target_semaphore(%arg23 : memref<!tpu.dma_semaphore, #tpu.memory_space<semaphore_mem>>)
      %and3A_1682 = arith.constant 512 : i32
      %and3A_1683 = arith.andi %max3A_1627, %and3A_1682 : i32
      %ne3A_1684 = arith.constant 0 : i32
      %ne3A_1685 = arith.cmpi ne, %and3A_1683, %ne3A_1684 : i32
      %and3A_1686 = arith.constant -1024 : i32
      %and3A_1687 = arith.andi %max3A_1627, %and3A_1686 : i32
      %add3A_1688 = arith.constant 8 : i32
      %add3A_1689 = arith.addi %add3A_1688, %and3A_1687 : i32
      %jit3A_1690 = arith.constant 0 : i32
      %select_n3A_1691 = arith.select %ne3A_1685, %add3A_1689, %jit3A_1690 : i32
      %multiple_of3A_1692 = tpu.assume_multiple %select_n3A_1691, 8 : i32
      %add3A_1693 = arith.addi %sub3A_1536, %add3A_1689 : i32
      %select_n3A_1694 = arith.select %ne3A_1685, %add3A_1693, %add3A_1595 : i32
      %multiple_of3A_1695 = tpu.assume_multiple %select_n3A_1694, 8 : i32
      %dma_start3A_1696 = tpu.memref_slice %arg20[%multiple_of3A_1692] : memref<6408xi32, #tpu.memory_space<vmem>> -> memref<512xi32, #tpu.memory_space<vmem>>
      %dma_start3A_1697 = tpu.memref_slice %arg9[%multiple_of3A_1695] : memref<1359872xi32, #tpu.memory_space<hbm>> -> memref<512xi32, #tpu.memory_space<hbm>>
      %dma_start3A_1698 = tpu.memref_slice %arg9[%multiple_of3A_1695] : memref<1359872xi32, #tpu.memory_space<hbm>> -> memref<512xi32, #tpu.memory_space<hbm>>
      %dma_start3A_1699 = tpu.memref_slice %arg20[%multiple_of3A_1692] : memref<6408xi32, #tpu.memory_space<vmem>> -> memref<512xi32, #tpu.memory_space<vmem>>
      tpu.enqueue_dma source(%dma_start3A_1699 : memref<512xi32, #tpu.memory_space<vmem>>) target(%dma_start3A_1698 : memref<512xi32, #tpu.memory_space<hbm>>) target_semaphore(%arg23 : memref<!tpu.dma_semaphore, #tpu.memory_space<semaphore_mem>>)
      %and3A_1700 = arith.constant 256 : i32
      %and3A_1701 = arith.andi %max3A_1627, %and3A_1700 : i32
      %ne3A_1702 = arith.constant 0 : i32
      %ne3A_1703 = arith.cmpi ne, %and3A_1701, %ne3A_1702 : i32
      %and3A_1704 = arith.constant -512 : i32
      %and3A_1705 = arith.andi %max3A_1627, %and3A_1704 : i32
      %add3A_1706 = arith.constant 8 : i32
      %add3A_1707 = arith.addi %add3A_1706, %and3A_1705 : i32
      %jit3A_1708 = arith.constant 0 : i32
      %select_n3A_1709 = arith.select %ne3A_1703, %add3A_1707, %jit3A_1708 : i32
      %multiple_of3A_1710 = tpu.assume_multiple %select_n3A_1709, 8 : i32
      %add3A_1711 = arith.addi %sub3A_1536, %add3A_1707 : i32
      %select_n3A_1712 = arith.select %ne3A_1703, %add3A_1711, %add3A_1595 : i32
      %multiple_of3A_1713 = tpu.assume_multiple %select_n3A_1712, 8 : i32
      %dma_start3A_1714 = tpu.memref_slice %arg20[%multiple_of3A_1710] : memref<6408xi32, #tpu.memory_space<vmem>> -> memref<256xi32, #tpu.memory_space<vmem>>
      %dma_start3A_1715 = tpu.memref_slice %arg9[%multiple_of3A_1713] : memref<1359872xi32, #tpu.memory_space<hbm>> -> memref<256xi32, #tpu.memory_space<hbm>>
      %dma_start3A_1716 = tpu.memref_slice %arg9[%multiple_of3A_1713] : memref<1359872xi32, #tpu.memory_space<hbm>> -> memref<256xi32, #tpu.memory_space<hbm>>
      %dma_start3A_1717 = tpu.memref_slice %arg20[%multiple_of3A_1710] : memref<6408xi32, #tpu.memory_space<vmem>> -> memref<256xi32, #tpu.memory_space<vmem>>
      tpu.enqueue_dma source(%dma_start3A_1717 : memref<256xi32, #tpu.memory_space<vmem>>) target(%dma_start3A_1716 : memref<256xi32, #tpu.memory_space<hbm>>) target_semaphore(%arg23 : memref<!tpu.dma_semaphore, #tpu.memory_space<semaphore_mem>>)
      %and3A_1718 = arith.constant 128 : i32
      %and3A_1719 = arith.andi %max3A_1627, %and3A_1718 : i32
      %ne3A_1720 = arith.constant 0 : i32
      %ne3A_1721 = arith.cmpi ne, %and3A_1719, %ne3A_1720 : i32
      %and3A_1722 = arith.constant -256 : i32
      %and3A_1723 = arith.andi %max3A_1627, %and3A_1722 : i32
      %add3A_1724 = arith.constant 8 : i32
      %add3A_1725 = arith.addi %add3A_1724, %and3A_1723 : i32
      %jit3A_1726 = arith.constant 0 : i32
      %select_n3A_1727 = arith.select %ne3A_1721, %add3A_1725, %jit3A_1726 : i32
      %multiple_of3A_1728 = tpu.assume_multiple %select_n3A_1727, 8 : i32
      %add3A_1729 = arith.addi %sub3A_1536, %add3A_1725 : i32
      %select_n3A_1730 = arith.select %ne3A_1721, %add3A_1729, %add3A_1595 : i32
      %multiple_of3A_1731 = tpu.assume_multiple %select_n3A_1730, 8 : i32
      %dma_start3A_1732 = tpu.memref_slice %arg20[%multiple_of3A_1728] : memref<6408xi32, #tpu.memory_space<vmem>> -> memref<128xi32, #tpu.memory_space<vmem>>
      %dma_start3A_1733 = tpu.memref_slice %arg9[%multiple_of3A_1731] : memref<1359872xi32, #tpu.memory_space<hbm>> -> memref<128xi32, #tpu.memory_space<hbm>>
      %dma_start3A_1734 = tpu.memref_slice %arg9[%multiple_of3A_1731] : memref<1359872xi32, #tpu.memory_space<hbm>> -> memref<128xi32, #tpu.memory_space<hbm>>
      %dma_start3A_1735 = tpu.memref_slice %arg20[%multiple_of3A_1728] : memref<6408xi32, #tpu.memory_space<vmem>> -> memref<128xi32, #tpu.memory_space<vmem>>
      tpu.enqueue_dma source(%dma_start3A_1735 : memref<128xi32, #tpu.memory_space<vmem>>) target(%dma_start3A_1734 : memref<128xi32, #tpu.memory_space<hbm>>) target_semaphore(%arg23 : memref<!tpu.dma_semaphore, #tpu.memory_space<semaphore_mem>>)
      %and3A_1736 = arith.constant 64 : i32
      %and3A_1737 = arith.andi %max3A_1627, %and3A_1736 : i32
      %ne3A_1738 = arith.constant 0 : i32
      %ne3A_1739 = arith.cmpi ne, %and3A_1737, %ne3A_1738 : i32
      %and3A_1740 = arith.constant -128 : i32
      %and3A_1741 = arith.andi %max3A_1627, %and3A_1740 : i32
      %add3A_1742 = arith.constant 8 : i32
      %add3A_1743 = arith.addi %add3A_1742, %and3A_1741 : i32
      %jit3A_1744 = arith.constant 0 : i32
      %select_n3A_1745 = arith.select %ne3A_1739, %add3A_1743, %jit3A_1744 : i32
      %multiple_of3A_1746 = tpu.assume_multiple %select_n3A_1745, 8 : i32
      %add3A_1747 = arith.addi %sub3A_1536, %add3A_1743 : i32
      %select_n3A_1748 = arith.select %ne3A_1739, %add3A_1747, %add3A_1595 : i32
      %multiple_of3A_1749 = tpu.assume_multiple %select_n3A_1748, 8 : i32
      %dma_start3A_1750 = tpu.memref_slice %arg20[%multiple_of3A_1746] : memref<6408xi32, #tpu.memory_space<vmem>> -> memref<64xi32, #tpu.memory_space<vmem>>
      %dma_start3A_1751 = tpu.memref_slice %arg9[%multiple_of3A_1749] : memref<1359872xi32, #tpu.memory_space<hbm>> -> memref<64xi32, #tpu.memory_space<hbm>>
      %dma_start3A_1752 = tpu.memref_slice %arg9[%multiple_of3A_1749] : memref<1359872xi32, #tpu.memory_space<hbm>> -> memref<64xi32, #tpu.memory_space<hbm>>
      %dma_start3A_1753 = tpu.memref_slice %arg20[%multiple_of3A_1746] : memref<6408xi32, #tpu.memory_space<vmem>> -> memref<64xi32, #tpu.memory_space<vmem>>
      tpu.enqueue_dma source(%dma_start3A_1753 : memref<64xi32, #tpu.memory_space<vmem>>) target(%dma_start3A_1752 : memref<64xi32, #tpu.memory_space<hbm>>) target_semaphore(%arg23 : memref<!tpu.dma_semaphore, #tpu.memory_space<semaphore_mem>>)
      %and3A_1754 = arith.constant 32 : i32
      %and3A_1755 = arith.andi %max3A_1627, %and3A_1754 : i32
      %ne3A_1756 = arith.constant 0 : i32
      %ne3A_1757 = arith.cmpi ne, %and3A_1755, %ne3A_1756 : i32
      %and3A_1758 = arith.constant -64 : i32
      %and3A_1759 = arith.andi %max3A_1627, %and3A_1758 : i32
      %add3A_1760 = arith.constant 8 : i32
      %add3A_1761 = arith.addi %add3A_1760, %and3A_1759 : i32
      %jit3A_1762 = arith.constant 0 : i32
      %select_n3A_1763 = arith.select %ne3A_1757, %add3A_1761, %jit3A_1762 : i32
      %multiple_of3A_1764 = tpu.assume_multiple %select_n3A_1763, 8 : i32
      %add3A_1765 = arith.addi %sub3A_1536, %add3A_1761 : i32
      %select_n3A_1766 = arith.select %ne3A_1757, %add3A_1765, %add3A_1595 : i32
      %multiple_of3A_1767 = tpu.assume_multiple %select_n3A_1766, 8 : i32
      %dma_start3A_1768 = tpu.memref_slice %arg20[%multiple_of3A_1764] : memref<6408xi32, #tpu.memory_space<vmem>> -> memref<32xi32, #tpu.memory_space<vmem>>
      %dma_start3A_1769 = tpu.memref_slice %arg9[%multiple_of3A_1767] : memref<1359872xi32, #tpu.memory_space<hbm>> -> memref<32xi32, #tpu.memory_space<hbm>>
      %dma_start3A_1770 = tpu.memref_slice %arg9[%multiple_of3A_1767] : memref<1359872xi32, #tpu.memory_space<hbm>> -> memref<32xi32, #tpu.memory_space<hbm>>
      %dma_start3A_1771 = tpu.memref_slice %arg20[%multiple_of3A_1764] : memref<6408xi32, #tpu.memory_space<vmem>> -> memref<32xi32, #tpu.memory_space<vmem>>
      tpu.enqueue_dma source(%dma_start3A_1771 : memref<32xi32, #tpu.memory_space<vmem>>) target(%dma_start3A_1770 : memref<32xi32, #tpu.memory_space<hbm>>) target_semaphore(%arg23 : memref<!tpu.dma_semaphore, #tpu.memory_space<semaphore_mem>>)
      %and3A_1772 = arith.constant 16 : i32
      %and3A_1773 = arith.andi %max3A_1627, %and3A_1772 : i32
      %ne3A_1774 = arith.constant 0 : i32
      %ne3A_1775 = arith.cmpi ne, %and3A_1773, %ne3A_1774 : i32
      %and3A_1776 = arith.constant -32 : i32
      %and3A_1777 = arith.andi %max3A_1627, %and3A_1776 : i32
      %add3A_1778 = arith.constant 8 : i32
      %add3A_1779 = arith.addi %add3A_1778, %and3A_1777 : i32
      %jit3A_1780 = arith.constant 0 : i32
      %select_n3A_1781 = arith.select %ne3A_1775, %add3A_1779, %jit3A_1780 : i32
      %multiple_of3A_1782 = tpu.assume_multiple %select_n3A_1781, 8 : i32
      %add3A_1783 = arith.addi %sub3A_1536, %add3A_1779 : i32
      %select_n3A_1784 = arith.select %ne3A_1775, %add3A_1783, %add3A_1595 : i32
      %multiple_of3A_1785 = tpu.assume_multiple %select_n3A_1784, 8 : i32
      %dma_start3A_1786 = tpu.memref_slice %arg20[%multiple_of3A_1782] : memref<6408xi32, #tpu.memory_space<vmem>> -> memref<16xi32, #tpu.memory_space<vmem>>
      %dma_start3A_1787 = tpu.memref_slice %arg9[%multiple_of3A_1785] : memref<1359872xi32, #tpu.memory_space<hbm>> -> memref<16xi32, #tpu.memory_space<hbm>>
      %dma_start3A_1788 = tpu.memref_slice %arg9[%multiple_of3A_1785] : memref<1359872xi32, #tpu.memory_space<hbm>> -> memref<16xi32, #tpu.memory_space<hbm>>
      %dma_start3A_1789 = tpu.memref_slice %arg20[%multiple_of3A_1782] : memref<6408xi32, #tpu.memory_space<vmem>> -> memref<16xi32, #tpu.memory_space<vmem>>
      tpu.enqueue_dma source(%dma_start3A_1789 : memref<16xi32, #tpu.memory_space<vmem>>) target(%dma_start3A_1788 : memref<16xi32, #tpu.memory_space<hbm>>) target_semaphore(%arg23 : memref<!tpu.dma_semaphore, #tpu.memory_space<semaphore_mem>>)
      %and3A_1790 = arith.constant 8 : i32
      %and3A_1791 = arith.andi %max3A_1627, %and3A_1790 : i32
      %ne3A_1792 = arith.constant 0 : i32
      %ne3A_1793 = arith.cmpi ne, %and3A_1791, %ne3A_1792 : i32
      %and3A_1794 = arith.constant -16 : i32
      %and3A_1795 = arith.andi %max3A_1627, %and3A_1794 : i32
      %add3A_1796 = arith.constant 8 : i32
      %add3A_1797 = arith.addi %add3A_1796, %and3A_1795 : i32
      %jit3A_1798 = arith.constant 0 : i32
      %select_n3A_1799 = arith.select %ne3A_1793, %add3A_1797, %jit3A_1798 : i32
      %multiple_of3A_1800 = tpu.assume_multiple %select_n3A_1799, 8 : i32
      %add3A_1801 = arith.addi %sub3A_1536, %add3A_1797 : i32
      %select_n3A_1802 = arith.select %ne3A_1793, %add3A_1801, %add3A_1595 : i32
      %multiple_of3A_1803 = tpu.assume_multiple %select_n3A_1802, 8 : i32
      %dma_start3A_1804 = tpu.memref_slice %arg20[%multiple_of3A_1800] : memref<6408xi32, #tpu.memory_space<vmem>> -> memref<8xi32, #tpu.memory_space<vmem>>
      %dma_start3A_1805 = tpu.memref_slice %arg9[%multiple_of3A_1803] : memref<1359872xi32, #tpu.memory_space<hbm>> -> memref<8xi32, #tpu.memory_space<hbm>>
      %dma_start3A_1806 = tpu.memref_slice %arg9[%multiple_of3A_1803] : memref<1359872xi32, #tpu.memory_space<hbm>> -> memref<8xi32, #tpu.memory_space<hbm>>
      %dma_start3A_1807 = tpu.memref_slice %arg20[%multiple_of3A_1800] : memref<6408xi32, #tpu.memory_space<vmem>> -> memref<8xi32, #tpu.memory_space<vmem>>
      tpu.enqueue_dma source(%dma_start3A_1807 : memref<8xi32, #tpu.memory_space<vmem>>) target(%dma_start3A_1806 : memref<8xi32, #tpu.memory_space<hbm>>) target_semaphore(%arg23 : memref<!tpu.dma_semaphore, #tpu.memory_space<semaphore_mem>>)
      %jit3A_1808 = arith.constant 8 : i32
      %eq3A_1809 = arith.constant 0 : i32
      %eq3A_1810 = arith.cmpi eq, %jit3A_1808, %eq3A_1809 : i32
      %jit3A_1811 = arith.constant 1 : i32
      %select_n3A_1812 = arith.select %eq3A_1810, %jit3A_1811, %jit3A_1808 : i32
      %rem3A_1813 = arith.remsi %scan3A_591, %select_n3A_1812 : i32
      %ne3A_1814 = arith.constant 0 : i32
      %ne3A_1815 = arith.cmpi ne, %rem3A_1813, %ne3A_1814 : i32
      %lt3A_1816 = arith.constant 0 : i32
      %lt3A_1817 = arith.cmpi slt, %rem3A_1813, %lt3A_1816 : i32
      %lt3A_1818 = arith.constant 0 : i32
      %lt3A_1819 = arith.cmpi slt, %select_n3A_1812, %lt3A_1818 : i32
      %ne3A_1820 = arith.xori %lt3A_1817, %lt3A_1819 : i1
      %and3A_1821 = arith.andi %ne3A_1820, %ne3A_1815 : i1
      %add3A_1822 = arith.addi %rem3A_1813, %select_n3A_1812 : i32
      %select_n3A_1823 = arith.select %and3A_1821, %add3A_1822, %rem3A_1813 : i32
      %sub3A_1824 = arith.subi %scan3A_591, %select_n3A_1823 : i32
      %add3A_1825 = arith.addi %scan3A_591, %sub3A_661 : i32
      %jit3A_1826 = arith.constant 8 : i32
      %eq3A_1827 = arith.constant 0 : i32
      %eq3A_1828 = arith.cmpi eq, %jit3A_1826, %eq3A_1827 : i32
      %jit3A_1829 = arith.constant 1 : i32
      %select_n3A_1830 = arith.select %eq3A_1828, %jit3A_1829, %jit3A_1826 : i32
      %rem3A_1831 = arith.remsi %add3A_1825, %select_n3A_1830 : i32
      %ne3A_1832 = arith.constant 0 : i32
      %ne3A_1833 = arith.cmpi ne, %rem3A_1831, %ne3A_1832 : i32
      %lt3A_1834 = arith.constant 0 : i32
      %lt3A_1835 = arith.cmpi slt, %rem3A_1831, %lt3A_1834 : i32
      %lt3A_1836 = arith.constant 0 : i32
      %lt3A_1837 = arith.cmpi slt, %select_n3A_1830, %lt3A_1836 : i32
      %ne3A_1838 = arith.xori %lt3A_1835, %lt3A_1837 : i1
      %and3A_1839 = arith.andi %ne3A_1838, %ne3A_1833 : i1
      %add3A_1840 = arith.addi %rem3A_1831, %select_n3A_1830 : i32
      %select_n3A_1841 = arith.select %and3A_1839, %add3A_1840, %rem3A_1831 : i32
      %sub3A_1842 = arith.subi %add3A_1825, %select_n3A_1841 : i32
      %iota3A_1843 = tpu.iota {dimensions = array<i32: 0>} : vector<16xi32>
      %add3A_1844 = vector.broadcast %sub3A_1824 : i32 to vector<16xi32>
      %add3A_1845 = arith.addi %add3A_1844, %iota3A_1843 : vector<16xi32>
      %add3A_1846 = vector.broadcast %sub3A_1842 : i32 to vector<16xi32>
      %add3A_1847 = arith.addi %add3A_1846, %iota3A_1843 : vector<16xi32>
      %sub3A_1848 = arith.constant 8 : i32
      %sub3A_1849 = vector.broadcast %sub3A_1848 : i32 to vector<16xi32>
      %sub3A_1850 = arith.subi %add3A_1847, %sub3A_1849 : vector<16xi32>
      %lt3A_1851 = arith.constant 8 : i32
      %lt3A_1852 = vector.broadcast %lt3A_1851 : i32 to vector<16xi32>
      %lt3A_1853 = arith.cmpi slt, %iota3A_1843, %lt3A_1852 : vector<16xi32>
      %select_n3A_1854 = arith.select %lt3A_1853, %add3A_1845, %sub3A_1850 : vector<16xi1>, vector<16xi32>
      %lt3A_1855 = arith.constant 8 : i32
      %lt3A_1856 = vector.broadcast %lt3A_1855 : i32 to vector<16xi32>
      %lt3A_1857 = arith.cmpi slt, %iota3A_1843, %lt3A_1856 : vector<16xi32>
      %ge3A_1858 = vector.broadcast %scan3A_591 : i32 to vector<16xi32>
      %ge3A_1859 = arith.cmpi sge, %select_n3A_1854, %ge3A_1858 : vector<16xi32>
      %and3A_1860 = arith.andi %lt3A_1857, %ge3A_1859 : vector<16xi1>
      %add3A_1861 = arith.constant 8 : i32
      %add3A_1862 = arith.addi %sub3A_1824, %add3A_1861 : i32
      %min3A_1863 = arith.minsi %add3A_1825, %add3A_1862 : i32
      %lt3A_1864 = vector.broadcast %min3A_1863 : i32 to vector<16xi32>
      %lt3A_1865 = arith.cmpi slt, %select_n3A_1854, %lt3A_1864 : vector<16xi32>
      %and3A_1866 = arith.andi %and3A_1860, %lt3A_1865 : vector<16xi1>
      %ge3A_1867 = arith.constant 8 : i32
      %ge3A_1868 = vector.broadcast %ge3A_1867 : i32 to vector<16xi32>
      %ge3A_1869 = arith.cmpi sge, %iota3A_1843, %ge3A_1868 : vector<16xi32>
      %max3A_1870 = arith.maxsi %scan3A_591, %sub3A_1842 : i32
      %ge3A_1871 = vector.broadcast %max3A_1870 : i32 to vector<16xi32>
      %ge3A_1872 = arith.cmpi sge, %select_n3A_1854, %ge3A_1871 : vector<16xi32>
      %and3A_1873 = arith.andi %ge3A_1869, %ge3A_1872 : vector<16xi1>
      %lt3A_1874 = vector.broadcast %add3A_1825 : i32 to vector<16xi32>
      %lt3A_1875 = arith.cmpi slt, %select_n3A_1854, %lt3A_1874 : vector<16xi32>
      %and3A_1876 = arith.andi %and3A_1873, %lt3A_1875 : vector<16xi1>
      %gt3A_1877 = arith.cmpi sgt, %sub3A_1842, %sub3A_1824 : i32
      %and3A_1878 = vector.broadcast %gt3A_1877 : i1 to vector<16xi1>
      %and3A_1879 = arith.andi %and3A_1876, %and3A_1878 : vector<16xi1>
      %mul3A_1880 = arith.constant 4096 : i32
      %mul3A_1881 = arith.muli %add3A, %mul3A_1880 : i32
      %add3A_1882 = arith.constant 1228800 : i32
      %add3A_1883 = arith.addi %add3A_1882, %mul3A_1881 : i32
      %or3A_1884 = arith.ori %and3A_1866, %and3A_1879 : vector<16xi1>
      %add3A_1885 = vector.broadcast %add3A_1883 : i32 to vector<16xi32>
      %add3A_1886 = arith.addi %add3A_1885, %iota3A_1843 : vector<16xi32>
      %select_n3A_1887 = arith.select %or3A_1884, %select_n3A_1854, %add3A_1886 : vector<16xi1>, vector<16xi32>
      %sub3A_1888 = arith.subi %sub3A_1842, %sub3A_1824 : i32
      %sub3A_1889 = arith.constant 8 : i32
      %sub3A_1890 = arith.subi %sub3A_1888, %sub3A_1889 : i32
      %max3A_1891 = arith.constant 0 : i32
      %max3A_1892 = arith.maxsi %sub3A_1890, %max3A_1891 : i32
      %get3A_1893 = arith.constant 0 : index
      %get3A_1894 = tpu.vector_load %arg18[%get3A_1893] {strides = array<i32>} : memref<6408xi32, #tpu.memory_space<vmem>>, vector<16xi32>,
      %get3A_1895 = arith.index_cast %max3A_1892 : i32 to index
      %get3A_1896 = tpu.vector_load %arg18[%get3A_1895] {strides = array<i32>} : memref<6408xi32, #tpu.memory_space<vmem>>, vector<16xi32>,
      %lt3A_1897 = arith.constant 8 : i32
      %lt3A_1898 = vector.broadcast %lt3A_1897 : i32 to vector<16xi32>
      %lt3A_1899 = arith.cmpi slt, %iota3A_1843, %lt3A_1898 : vector<16xi32>
      %select_n3A_1900 = arith.select %lt3A_1899, %get3A_1894, %get3A_1896 : vector<16xi1>, vector<16xi32>
      %swap3A_1901 = arith.constant 4 : i32
      %swap3A_1902 = arith.index_cast %swap3A_1901 : i32 to index
      %swap3A_1903 = arith.constant 0 : index
      %swap3A_1904 = tpu.vector_load %arg22[%swap3A_1902, %swap3A_1903] {strides = array<i32>} : memref<6x16xi32, #tpu.memory_space<vmem>>, vector<16xi32>,
      tpu.vector_store %arg22[%swap3A_1902, %swap3A_1903], %select_n3A_1900 {strides = array<i32>} : memref<6x16xi32, #tpu.memory_space<vmem>>, vector<16xi32>,
      %dma_start3A_1905 = arith.constant 4 : i32
      %dma_start3A_1906 = arith.constant 0 : i32
      %dma_start3A_1907 = tpu.memref_slice %arg22[%dma_start3A_1905, %dma_start3A_1906] : memref<6x16xi32, #tpu.memory_space<vmem>> -> memref<1x16xi32, #tpu.memory_space<vmem>>
      %dma_start3A_1908 = tpu.memref_squeeze %dma_start3A_1907 : memref<1x16xi32, #tpu.memory_space<vmem>> -> memref<16xi32, #tpu.memory_space<vmem>>
      %dma_start3A_1909 = arith.constant 0 : i32
      %dma_start3A_1910 = tpu.memref_slice %arg8[%dma_start3A_1909] : memref<1359872xi32, #tpu.memory_space<hbm>> -> memref<1359872xi32, #tpu.memory_space<hbm>>
      tpu.enqueue_indirect_dma source(%dma_start3A_1908 : memref<16xi32, #tpu.memory_space<vmem>>) target(%dma_start3A_1910 : memref<1359872xi32, #tpu.memory_space<hbm>>) offsets(%select_n3A_1887 : vector<16xi32>) semaphore(%arg23 : memref<!tpu.dma_semaphore, #tpu.memory_space<semaphore_mem>>)
      %sub3A_1911 = arith.subi %sub3A_1842, %sub3A_1824 : i32
      %sub3A_1912 = arith.constant 8 : i32
      %sub3A_1913 = arith.subi %sub3A_1911, %sub3A_1912 : i32
      %max3A_1914 = arith.constant 0 : i32
      %max3A_1915 = arith.maxsi %sub3A_1913, %max3A_1914 : i32
      %and3A_1916 = arith.constant 4096 : i32
      %and3A_1917 = arith.andi %max3A_1915, %and3A_1916 : i32
      %ne3A_1918 = arith.constant 0 : i32
      %ne3A_1919 = arith.cmpi ne, %and3A_1917, %ne3A_1918 : i32
      %and3A_1920 = arith.constant -8192 : i32
      %and3A_1921 = arith.andi %max3A_1915, %and3A_1920 : i32
      %add3A_1922 = arith.constant 8 : i32
      %add3A_1923 = arith.addi %add3A_1922, %and3A_1921 : i32
      %jit3A_1924 = arith.constant 0 : i32
      %select_n3A_1925 = arith.select %ne3A_1919, %add3A_1923, %jit3A_1924 : i32
      %multiple_of3A_1926 = tpu.assume_multiple %select_n3A_1925, 8 : i32
      %add3A_1927 = arith.addi %sub3A_1824, %add3A_1923 : i32
      %select_n3A_1928 = arith.select %ne3A_1919, %add3A_1927, %add3A_1883 : i32
      %multiple_of3A_1929 = tpu.assume_multiple %select_n3A_1928, 8 : i32
      %dma_start3A_1930 = tpu.memref_slice %arg18[%multiple_of3A_1926] : memref<6408xi32, #tpu.memory_space<vmem>> -> memref<4096xi32, #tpu.memory_space<vmem>>
      %dma_start3A_1931 = tpu.memref_slice %arg8[%multiple_of3A_1929] : memref<1359872xi32, #tpu.memory_space<hbm>> -> memref<4096xi32, #tpu.memory_space<hbm>>
      %dma_start3A_1932 = tpu.memref_slice %arg8[%multiple_of3A_1929] : memref<1359872xi32, #tpu.memory_space<hbm>> -> memref<4096xi32, #tpu.memory_space<hbm>>
      %dma_start3A_1933 = tpu.memref_slice %arg18[%multiple_of3A_1926] : memref<6408xi32, #tpu.memory_space<vmem>> -> memref<4096xi32, #tpu.memory_space<vmem>>
      tpu.enqueue_dma source(%dma_start3A_1933 : memref<4096xi32, #tpu.memory_space<vmem>>) target(%dma_start3A_1932 : memref<4096xi32, #tpu.memory_space<hbm>>) target_semaphore(%arg23 : memref<!tpu.dma_semaphore, #tpu.memory_space<semaphore_mem>>)
      %and3A_1934 = arith.constant 2048 : i32
      %and3A_1935 = arith.andi %max3A_1915, %and3A_1934 : i32
      %ne3A_1936 = arith.constant 0 : i32
      %ne3A_1937 = arith.cmpi ne, %and3A_1935, %ne3A_1936 : i32
      %and3A_1938 = arith.constant -4096 : i32
      %and3A_1939 = arith.andi %max3A_1915, %and3A_1938 : i32
      %add3A_1940 = arith.constant 8 : i32
      %add3A_1941 = arith.addi %add3A_1940, %and3A_1939 : i32
      %jit3A_1942 = arith.constant 0 : i32
      %select_n3A_1943 = arith.select %ne3A_1937, %add3A_1941, %jit3A_1942 : i32
      %multiple_of3A_1944 = tpu.assume_multiple %select_n3A_1943, 8 : i32
      %add3A_1945 = arith.addi %sub3A_1824, %add3A_1941 : i32
      %select_n3A_1946 = arith.select %ne3A_1937, %add3A_1945, %add3A_1883 : i32
      %multiple_of3A_1947 = tpu.assume_multiple %select_n3A_1946, 8 : i32
      %dma_start3A_1948 = tpu.memref_slice %arg18[%multiple_of3A_1944] : memref<6408xi32, #tpu.memory_space<vmem>> -> memref<2048xi32, #tpu.memory_space<vmem>>
      %dma_start3A_1949 = tpu.memref_slice %arg8[%multiple_of3A_1947] : memref<1359872xi32, #tpu.memory_space<hbm>> -> memref<2048xi32, #tpu.memory_space<hbm>>
      %dma_start3A_1950 = tpu.memref_slice %arg8[%multiple_of3A_1947] : memref<1359872xi32, #tpu.memory_space<hbm>> -> memref<2048xi32, #tpu.memory_space<hbm>>
      %dma_start3A_1951 = tpu.memref_slice %arg18[%multiple_of3A_1944] : memref<6408xi32, #tpu.memory_space<vmem>> -> memref<2048xi32, #tpu.memory_space<vmem>>
      tpu.enqueue_dma source(%dma_start3A_1951 : memref<2048xi32, #tpu.memory_space<vmem>>) target(%dma_start3A_1950 : memref<2048xi32, #tpu.memory_space<hbm>>) target_semaphore(%arg23 : memref<!tpu.dma_semaphore, #tpu.memory_space<semaphore_mem>>)
      %and3A_1952 = arith.constant 1024 : i32
      %and3A_1953 = arith.andi %max3A_1915, %and3A_1952 : i32
      %ne3A_1954 = arith.constant 0 : i32
      %ne3A_1955 = arith.cmpi ne, %and3A_1953, %ne3A_1954 : i32
      %and3A_1956 = arith.constant -2048 : i32
      %and3A_1957 = arith.andi %max3A_1915, %and3A_1956 : i32
      %add3A_1958 = arith.constant 8 : i32
      %add3A_1959 = arith.addi %add3A_1958, %and3A_1957 : i32
      %jit3A_1960 = arith.constant 0 : i32
      %select_n3A_1961 = arith.select %ne3A_1955, %add3A_1959, %jit3A_1960 : i32
      %multiple_of3A_1962 = tpu.assume_multiple %select_n3A_1961, 8 : i32
      %add3A_1963 = arith.addi %sub3A_1824, %add3A_1959 : i32
      %select_n3A_1964 = arith.select %ne3A_1955, %add3A_1963, %add3A_1883 : i32
      %multiple_of3A_1965 = tpu.assume_multiple %select_n3A_1964, 8 : i32
      %dma_start3A_1966 = tpu.memref_slice %arg18[%multiple_of3A_1962] : memref<6408xi32, #tpu.memory_space<vmem>> -> memref<1024xi32, #tpu.memory_space<vmem>>
      %dma_start3A_1967 = tpu.memref_slice %arg8[%multiple_of3A_1965] : memref<1359872xi32, #tpu.memory_space<hbm>> -> memref<1024xi32, #tpu.memory_space<hbm>>
      %dma_start3A_1968 = tpu.memref_slice %arg8[%multiple_of3A_1965] : memref<1359872xi32, #tpu.memory_space<hbm>> -> memref<1024xi32, #tpu.memory_space<hbm>>
      %dma_start3A_1969 = tpu.memref_slice %arg18[%multiple_of3A_1962] : memref<6408xi32, #tpu.memory_space<vmem>> -> memref<1024xi32, #tpu.memory_space<vmem>>
      tpu.enqueue_dma source(%dma_start3A_1969 : memref<1024xi32, #tpu.memory_space<vmem>>) target(%dma_start3A_1968 : memref<1024xi32, #tpu.memory_space<hbm>>) target_semaphore(%arg23 : memref<!tpu.dma_semaphore, #tpu.memory_space<semaphore_mem>>)
      %and3A_1970 = arith.constant 512 : i32
      %and3A_1971 = arith.andi %max3A_1915, %and3A_1970 : i32
      %ne3A_1972 = arith.constant 0 : i32
      %ne3A_1973 = arith.cmpi ne, %and3A_1971, %ne3A_1972 : i32
      %and3A_1974 = arith.constant -1024 : i32
      %and3A_1975 = arith.andi %max3A_1915, %and3A_1974 : i32
      %add3A_1976 = arith.constant 8 : i32
      %add3A_1977 = arith.addi %add3A_1976, %and3A_1975 : i32
      %jit3A_1978 = arith.constant 0 : i32
      %select_n3A_1979 = arith.select %ne3A_1973, %add3A_1977, %jit3A_1978 : i32
      %multiple_of3A_1980 = tpu.assume_multiple %select_n3A_1979, 8 : i32
      %add3A_1981 = arith.addi %sub3A_1824, %add3A_1977 : i32
      %select_n3A_1982 = arith.select %ne3A_1973, %add3A_1981, %add3A_1883 : i32
      %multiple_of3A_1983 = tpu.assume_multiple %select_n3A_1982, 8 : i32
      %dma_start3A_1984 = tpu.memref_slice %arg18[%multiple_of3A_1980] : memref<6408xi32, #tpu.memory_space<vmem>> -> memref<512xi32, #tpu.memory_space<vmem>>
      %dma_start3A_1985 = tpu.memref_slice %arg8[%multiple_of3A_1983] : memref<1359872xi32, #tpu.memory_space<hbm>> -> memref<512xi32, #tpu.memory_space<hbm>>
      %dma_start3A_1986 = tpu.memref_slice %arg8[%multiple_of3A_1983] : memref<1359872xi32, #tpu.memory_space<hbm>> -> memref<512xi32, #tpu.memory_space<hbm>>
      %dma_start3A_1987 = tpu.memref_slice %arg18[%multiple_of3A_1980] : memref<6408xi32, #tpu.memory_space<vmem>> -> memref<512xi32, #tpu.memory_space<vmem>>
      tpu.enqueue_dma source(%dma_start3A_1987 : memref<512xi32, #tpu.memory_space<vmem>>) target(%dma_start3A_1986 : memref<512xi32, #tpu.memory_space<hbm>>) target_semaphore(%arg23 : memref<!tpu.dma_semaphore, #tpu.memory_space<semaphore_mem>>)
      %and3A_1988 = arith.constant 256 : i32
      %and3A_1989 = arith.andi %max3A_1915, %and3A_1988 : i32
      %ne3A_1990 = arith.constant 0 : i32
      %ne3A_1991 = arith.cmpi ne, %and3A_1989, %ne3A_1990 : i32
      %and3A_1992 = arith.constant -512 : i32
      %and3A_1993 = arith.andi %max3A_1915, %and3A_1992 : i32
      %add3A_1994 = arith.constant 8 : i32
      %add3A_1995 = arith.addi %add3A_1994, %and3A_1993 : i32
      %jit3A_1996 = arith.constant 0 : i32
      %select_n3A_1997 = arith.select %ne3A_1991, %add3A_1995, %jit3A_1996 : i32
      %multiple_of3A_1998 = tpu.assume_multiple %select_n3A_1997, 8 : i32
      %add3A_1999 = arith.addi %sub3A_1824, %add3A_1995 : i32
      %select_n3A_2000 = arith.select %ne3A_1991, %add3A_1999, %add3A_1883 : i32
      %multiple_of3A_2001 = tpu.assume_multiple %select_n3A_2000, 8 : i32
      %dma_start3A_2002 = tpu.memref_slice %arg18[%multiple_of3A_1998] : memref<6408xi32, #tpu.memory_space<vmem>> -> memref<256xi32, #tpu.memory_space<vmem>>
      %dma_start3A_2003 = tpu.memref_slice %arg8[%multiple_of3A_2001] : memref<1359872xi32, #tpu.memory_space<hbm>> -> memref<256xi32, #tpu.memory_space<hbm>>
      %dma_start3A_2004 = tpu.memref_slice %arg8[%multiple_of3A_2001] : memref<1359872xi32, #tpu.memory_space<hbm>> -> memref<256xi32, #tpu.memory_space<hbm>>
      %dma_start3A_2005 = tpu.memref_slice %arg18[%multiple_of3A_1998] : memref<6408xi32, #tpu.memory_space<vmem>> -> memref<256xi32, #tpu.memory_space<vmem>>
      tpu.enqueue_dma source(%dma_start3A_2005 : memref<256xi32, #tpu.memory_space<vmem>>) target(%dma_start3A_2004 : memref<256xi32, #tpu.memory_space<hbm>>) target_semaphore(%arg23 : memref<!tpu.dma_semaphore, #tpu.memory_space<semaphore_mem>>)
      %and3A_2006 = arith.constant 128 : i32
      %and3A_2007 = arith.andi %max3A_1915, %and3A_2006 : i32
      %ne3A_2008 = arith.constant 0 : i32
      %ne3A_2009 = arith.cmpi ne, %and3A_2007, %ne3A_2008 : i32
      %and3A_2010 = arith.constant -256 : i32
      %and3A_2011 = arith.andi %max3A_1915, %and3A_2010 : i32
      %add3A_2012 = arith.constant 8 : i32
      %add3A_2013 = arith.addi %add3A_2012, %and3A_2011 : i32
      %jit3A_2014 = arith.constant 0 : i32
      %select_n3A_2015 = arith.select %ne3A_2009, %add3A_2013, %jit3A_2014 : i32
      %multiple_of3A_2016 = tpu.assume_multiple %select_n3A_2015, 8 : i32
      %add3A_2017 = arith.addi %sub3A_1824, %add3A_2013 : i32
      %select_n3A_2018 = arith.select %ne3A_2009, %add3A_2017, %add3A_1883 : i32
      %multiple_of3A_2019 = tpu.assume_multiple %select_n3A_2018, 8 : i32
      %dma_start3A_2020 = tpu.memref_slice %arg18[%multiple_of3A_2016] : memref<6408xi32, #tpu.memory_space<vmem>> -> memref<128xi32, #tpu.memory_space<vmem>>
      %dma_start3A_2021 = tpu.memref_slice %arg8[%multiple_of3A_2019] : memref<1359872xi32, #tpu.memory_space<hbm>> -> memref<128xi32, #tpu.memory_space<hbm>>
      %dma_start3A_2022 = tpu.memref_slice %arg8[%multiple_of3A_2019] : memref<1359872xi32, #tpu.memory_space<hbm>> -> memref<128xi32, #tpu.memory_space<hbm>>
      %dma_start3A_2023 = tpu.memref_slice %arg18[%multiple_of3A_2016] : memref<6408xi32, #tpu.memory_space<vmem>> -> memref<128xi32, #tpu.memory_space<vmem>>
      tpu.enqueue_dma source(%dma_start3A_2023 : memref<128xi32, #tpu.memory_space<vmem>>) target(%dma_start3A_2022 : memref<128xi32, #tpu.memory_space<hbm>>) target_semaphore(%arg23 : memref<!tpu.dma_semaphore, #tpu.memory_space<semaphore_mem>>)
      %and3A_2024 = arith.constant 64 : i32
      %and3A_2025 = arith.andi %max3A_1915, %and3A_2024 : i32
      %ne3A_2026 = arith.constant 0 : i32
      %ne3A_2027 = arith.cmpi ne, %and3A_2025, %ne3A_2026 : i32
      %and3A_2028 = arith.constant -128 : i32
      %and3A_2029 = arith.andi %max3A_1915, %and3A_2028 : i32
      %add3A_2030 = arith.constant 8 : i32
      %add3A_2031 = arith.addi %add3A_2030, %and3A_2029 : i32
      %jit3A_2032 = arith.constant 0 : i32
      %select_n3A_2033 = arith.select %ne3A_2027, %add3A_2031, %jit3A_2032 : i32
      %multiple_of3A_2034 = tpu.assume_multiple %select_n3A_2033, 8 : i32
      %add3A_2035 = arith.addi %sub3A_1824, %add3A_2031 : i32
      %select_n3A_2036 = arith.select %ne3A_2027, %add3A_2035, %add3A_1883 : i32
      %multiple_of3A_2037 = tpu.assume_multiple %select_n3A_2036, 8 : i32
      %dma_start3A_2038 = tpu.memref_slice %arg18[%multiple_of3A_2034] : memref<6408xi32, #tpu.memory_space<vmem>> -> memref<64xi32, #tpu.memory_space<vmem>>
      %dma_start3A_2039 = tpu.memref_slice %arg8[%multiple_of3A_2037] : memref<1359872xi32, #tpu.memory_space<hbm>> -> memref<64xi32, #tpu.memory_space<hbm>>
      %dma_start3A_2040 = tpu.memref_slice %arg8[%multiple_of3A_2037] : memref<1359872xi32, #tpu.memory_space<hbm>> -> memref<64xi32, #tpu.memory_space<hbm>>
      %dma_start3A_2041 = tpu.memref_slice %arg18[%multiple_of3A_2034] : memref<6408xi32, #tpu.memory_space<vmem>> -> memref<64xi32, #tpu.memory_space<vmem>>
      tpu.enqueue_dma source(%dma_start3A_2041 : memref<64xi32, #tpu.memory_space<vmem>>) target(%dma_start3A_2040 : memref<64xi32, #tpu.memory_space<hbm>>) target_semaphore(%arg23 : memref<!tpu.dma_semaphore, #tpu.memory_space<semaphore_mem>>)
      %and3A_2042 = arith.constant 32 : i32
      %and3A_2043 = arith.andi %max3A_1915, %and3A_2042 : i32
      %ne3A_2044 = arith.constant 0 : i32
      %ne3A_2045 = arith.cmpi ne, %and3A_2043, %ne3A_2044 : i32
      %and3A_2046 = arith.constant -64 : i32
      %and3A_2047 = arith.andi %max3A_1915, %and3A_2046 : i32
      %add3A_2048 = arith.constant 8 : i32
      %add3A_2049 = arith.addi %add3A_2048, %and3A_2047 : i32
      %jit3A_2050 = arith.constant 0 : i32
      %select_n3A_2051 = arith.select %ne3A_2045, %add3A_2049, %jit3A_2050 : i32
      %multiple_of3A_2052 = tpu.assume_multiple %select_n3A_2051, 8 : i32
      %add3A_2053 = arith.addi %sub3A_1824, %add3A_2049 : i32
      %select_n3A_2054 = arith.select %ne3A_2045, %add3A_2053, %add3A_1883 : i32
      %multiple_of3A_2055 = tpu.assume_multiple %select_n3A_2054, 8 : i32
      %dma_start3A_2056 = tpu.memref_slice %arg18[%multiple_of3A_2052] : memref<6408xi32, #tpu.memory_space<vmem>> -> memref<32xi32, #tpu.memory_space<vmem>>
      %dma_start3A_2057 = tpu.memref_slice %arg8[%multiple_of3A_2055] : memref<1359872xi32, #tpu.memory_space<hbm>> -> memref<32xi32, #tpu.memory_space<hbm>>
      %dma_start3A_2058 = tpu.memref_slice %arg8[%multiple_of3A_2055] : memref<1359872xi32, #tpu.memory_space<hbm>> -> memref<32xi32, #tpu.memory_space<hbm>>
      %dma_start3A_2059 = tpu.memref_slice %arg18[%multiple_of3A_2052] : memref<6408xi32, #tpu.memory_space<vmem>> -> memref<32xi32, #tpu.memory_space<vmem>>
      tpu.enqueue_dma source(%dma_start3A_2059 : memref<32xi32, #tpu.memory_space<vmem>>) target(%dma_start3A_2058 : memref<32xi32, #tpu.memory_space<hbm>>) target_semaphore(%arg23 : memref<!tpu.dma_semaphore, #tpu.memory_space<semaphore_mem>>)
      %and3A_2060 = arith.constant 16 : i32
      %and3A_2061 = arith.andi %max3A_1915, %and3A_2060 : i32
      %ne3A_2062 = arith.constant 0 : i32
      %ne3A_2063 = arith.cmpi ne, %and3A_2061, %ne3A_2062 : i32
      %and3A_2064 = arith.constant -32 : i32
      %and3A_2065 = arith.andi %max3A_1915, %and3A_2064 : i32
      %add3A_2066 = arith.constant 8 : i32
      %add3A_2067 = arith.addi %add3A_2066, %and3A_2065 : i32
      %jit3A_2068 = arith.constant 0 : i32
      %select_n3A_2069 = arith.select %ne3A_2063, %add3A_2067, %jit3A_2068 : i32
      %multiple_of3A_2070 = tpu.assume_multiple %select_n3A_2069, 8 : i32
      %add3A_2071 = arith.addi %sub3A_1824, %add3A_2067 : i32
      %select_n3A_2072 = arith.select %ne3A_2063, %add3A_2071, %add3A_1883 : i32
      %multiple_of3A_2073 = tpu.assume_multiple %select_n3A_2072, 8 : i32
      %dma_start3A_2074 = tpu.memref_slice %arg18[%multiple_of3A_2070] : memref<6408xi32, #tpu.memory_space<vmem>> -> memref<16xi32, #tpu.memory_space<vmem>>
      %dma_start3A_2075 = tpu.memref_slice %arg8[%multiple_of3A_2073] : memref<1359872xi32, #tpu.memory_space<hbm>> -> memref<16xi32, #tpu.memory_space<hbm>>
      %dma_start3A_2076 = tpu.memref_slice %arg8[%multiple_of3A_2073] : memref<1359872xi32, #tpu.memory_space<hbm>> -> memref<16xi32, #tpu.memory_space<hbm>>
      %dma_start3A_2077 = tpu.memref_slice %arg18[%multiple_of3A_2070] : memref<6408xi32, #tpu.memory_space<vmem>> -> memref<16xi32, #tpu.memory_space<vmem>>
      tpu.enqueue_dma source(%dma_start3A_2077 : memref<16xi32, #tpu.memory_space<vmem>>) target(%dma_start3A_2076 : memref<16xi32, #tpu.memory_space<hbm>>) target_semaphore(%arg23 : memref<!tpu.dma_semaphore, #tpu.memory_space<semaphore_mem>>)
      %and3A_2078 = arith.constant 8 : i32
      %and3A_2079 = arith.andi %max3A_1915, %and3A_2078 : i32
      %ne3A_2080 = arith.constant 0 : i32
      %ne3A_2081 = arith.cmpi ne, %and3A_2079, %ne3A_2080 : i32
      %and3A_2082 = arith.constant -16 : i32
      %and3A_2083 = arith.andi %max3A_1915, %and3A_2082 : i32
      %add3A_2084 = arith.constant 8 : i32
      %add3A_2085 = arith.addi %add3A_2084, %and3A_2083 : i32
      %jit3A_2086 = arith.constant 0 : i32
      %select_n3A_2087 = arith.select %ne3A_2081, %add3A_2085, %jit3A_2086 : i32
      %multiple_of3A_2088 = tpu.assume_multiple %select_n3A_2087, 8 : i32
      %add3A_2089 = arith.addi %sub3A_1824, %add3A_2085 : i32
      %select_n3A_2090 = arith.select %ne3A_2081, %add3A_2089, %add3A_1883 : i32
      %multiple_of3A_2091 = tpu.assume_multiple %select_n3A_2090, 8 : i32
      %dma_start3A_2092 = tpu.memref_slice %arg18[%multiple_of3A_2088] : memref<6408xi32, #tpu.memory_space<vmem>> -> memref<8xi32, #tpu.memory_space<vmem>>
      %dma_start3A_2093 = tpu.memref_slice %arg8[%multiple_of3A_2091] : memref<1359872xi32, #tpu.memory_space<hbm>> -> memref<8xi32, #tpu.memory_space<hbm>>
      %dma_start3A_2094 = tpu.memref_slice %arg8[%multiple_of3A_2091] : memref<1359872xi32, #tpu.memory_space<hbm>> -> memref<8xi32, #tpu.memory_space<hbm>>
      %dma_start3A_2095 = tpu.memref_slice %arg18[%multiple_of3A_2088] : memref<6408xi32, #tpu.memory_space<vmem>> -> memref<8xi32, #tpu.memory_space<vmem>>
      tpu.enqueue_dma source(%dma_start3A_2095 : memref<8xi32, #tpu.memory_space<vmem>>) target(%dma_start3A_2094 : memref<8xi32, #tpu.memory_space<hbm>>) target_semaphore(%arg23 : memref<!tpu.dma_semaphore, #tpu.memory_space<semaphore_mem>>)
      %jit3A_2096 = arith.constant 8 : i32
      %eq3A_2097 = arith.constant 0 : i32
      %eq3A_2098 = arith.cmpi eq, %jit3A_2096, %eq3A_2097 : i32
      %jit3A_2099 = arith.constant 1 : i32
      %select_n3A_2100 = arith.select %eq3A_2098, %jit3A_2099, %jit3A_2096 : i32
      %rem3A_2101 = arith.remsi %scan3A_591, %select_n3A_2100 : i32
      %ne3A_2102 = arith.constant 0 : i32
      %ne3A_2103 = arith.cmpi ne, %rem3A_2101, %ne3A_2102 : i32
      %lt3A_2104 = arith.constant 0 : i32
      %lt3A_2105 = arith.cmpi slt, %rem3A_2101, %lt3A_2104 : i32
      %lt3A_2106 = arith.constant 0 : i32
      %lt3A_2107 = arith.cmpi slt, %select_n3A_2100, %lt3A_2106 : i32
      %ne3A_2108 = arith.xori %lt3A_2105, %lt3A_2107 : i1
      %and3A_2109 = arith.andi %ne3A_2108, %ne3A_2103 : i1
      %add3A_2110 = arith.addi %rem3A_2101, %select_n3A_2100 : i32
      %select_n3A_2111 = arith.select %and3A_2109, %add3A_2110, %rem3A_2101 : i32
      %sub3A_2112 = arith.subi %scan3A_591, %select_n3A_2111 : i32
      %add3A_2113 = arith.addi %scan3A_591, %sub3A_661 : i32
      %jit3A_2114 = arith.constant 8 : i32
      %eq3A_2115 = arith.constant 0 : i32
      %eq3A_2116 = arith.cmpi eq, %jit3A_2114, %eq3A_2115 : i32
      %jit3A_2117 = arith.constant 1 : i32
      %select_n3A_2118 = arith.select %eq3A_2116, %jit3A_2117, %jit3A_2114 : i32
      %rem3A_2119 = arith.remsi %add3A_2113, %select_n3A_2118 : i32
      %ne3A_2120 = arith.constant 0 : i32
      %ne3A_2121 = arith.cmpi ne, %rem3A_2119, %ne3A_2120 : i32
      %lt3A_2122 = arith.constant 0 : i32
      %lt3A_2123 = arith.cmpi slt, %rem3A_2119, %lt3A_2122 : i32
      %lt3A_2124 = arith.constant 0 : i32
      %lt3A_2125 = arith.cmpi slt, %select_n3A_2118, %lt3A_2124 : i32
      %ne3A_2126 = arith.xori %lt3A_2123, %lt3A_2125 : i1
      %and3A_2127 = arith.andi %ne3A_2126, %ne3A_2121 : i1
      %add3A_2128 = arith.addi %rem3A_2119, %select_n3A_2118 : i32
      %select_n3A_2129 = arith.select %and3A_2127, %add3A_2128, %rem3A_2119 : i32
      %sub3A_2130 = arith.subi %add3A_2113, %select_n3A_2129 : i32
      %iota3A_2131 = tpu.iota {dimensions = array<i32: 0>} : vector<16xi32>
      %add3A_2132 = vector.broadcast %sub3A_2112 : i32 to vector<16xi32>
      %add3A_2133 = arith.addi %add3A_2132, %iota3A_2131 : vector<16xi32>
      %add3A_2134 = vector.broadcast %sub3A_2130 : i32 to vector<16xi32>
      %add3A_2135 = arith.addi %add3A_2134, %iota3A_2131 : vector<16xi32>
      %sub3A_2136 = arith.constant 8 : i32
      %sub3A_2137 = vector.broadcast %sub3A_2136 : i32 to vector<16xi32>
      %sub3A_2138 = arith.subi %add3A_2135, %sub3A_2137 : vector<16xi32>
      %lt3A_2139 = arith.constant 8 : i32
      %lt3A_2140 = vector.broadcast %lt3A_2139 : i32 to vector<16xi32>
      %lt3A_2141 = arith.cmpi slt, %iota3A_2131, %lt3A_2140 : vector<16xi32>
      %select_n3A_2142 = arith.select %lt3A_2141, %add3A_2133, %sub3A_2138 : vector<16xi1>, vector<16xi32>
      %lt3A_2143 = arith.constant 8 : i32
      %lt3A_2144 = vector.broadcast %lt3A_2143 : i32 to vector<16xi32>
      %lt3A_2145 = arith.cmpi slt, %iota3A_2131, %lt3A_2144 : vector<16xi32>
      %ge3A_2146 = vector.broadcast %scan3A_591 : i32 to vector<16xi32>
      %ge3A_2147 = arith.cmpi sge, %select_n3A_2142, %ge3A_2146 : vector<16xi32>
      %and3A_2148 = arith.andi %lt3A_2145, %ge3A_2147 : vector<16xi1>
      %add3A_2149 = arith.constant 8 : i32
      %add3A_2150 = arith.addi %sub3A_2112, %add3A_2149 : i32
      %min3A_2151 = arith.minsi %add3A_2113, %add3A_2150 : i32
      %lt3A_2152 = vector.broadcast %min3A_2151 : i32 to vector<16xi32>
      %lt3A_2153 = arith.cmpi slt, %select_n3A_2142, %lt3A_2152 : vector<16xi32>
      %and3A_2154 = arith.andi %and3A_2148, %lt3A_2153 : vector<16xi1>
      %ge3A_2155 = arith.constant 8 : i32
      %ge3A_2156 = vector.broadcast %ge3A_2155 : i32 to vector<16xi32>
      %ge3A_2157 = arith.cmpi sge, %iota3A_2131, %ge3A_2156 : vector<16xi32>
      %max3A_2158 = arith.maxsi %scan3A_591, %sub3A_2130 : i32
      %ge3A_2159 = vector.broadcast %max3A_2158 : i32 to vector<16xi32>
      %ge3A_2160 = arith.cmpi sge, %select_n3A_2142, %ge3A_2159 : vector<16xi32>
      %and3A_2161 = arith.andi %ge3A_2157, %ge3A_2160 : vector<16xi1>
      %lt3A_2162 = vector.broadcast %add3A_2113 : i32 to vector<16xi32>
      %lt3A_2163 = arith.cmpi slt, %select_n3A_2142, %lt3A_2162 : vector<16xi32>
      %and3A_2164 = arith.andi %and3A_2161, %lt3A_2163 : vector<16xi1>
      %gt3A_2165 = arith.cmpi sgt, %sub3A_2130, %sub3A_2112 : i32
      %and3A_2166 = vector.broadcast %gt3A_2165 : i1 to vector<16xi1>
      %and3A_2167 = arith.andi %and3A_2164, %and3A_2166 : vector<16xi1>
      %mul3A_2168 = arith.constant 4096 : i32
      %mul3A_2169 = arith.muli %add3A, %mul3A_2168 : i32
      %add3A_2170 = arith.constant 1228800 : i32
      %add3A_2171 = arith.addi %add3A_2170, %mul3A_2169 : i32
      %or3A_2172 = arith.ori %and3A_2154, %and3A_2167 : vector<16xi1>
      %add3A_2173 = vector.broadcast %add3A_2171 : i32 to vector<16xi32>
      %add3A_2174 = arith.addi %add3A_2173, %iota3A_2131 : vector<16xi32>
      %select_n3A_2175 = arith.select %or3A_2172, %select_n3A_2142, %add3A_2174 : vector<16xi1>, vector<16xi32>
      %sub3A_2176 = arith.subi %sub3A_2130, %sub3A_2112 : i32
      %sub3A_2177 = arith.constant 8 : i32
      %sub3A_2178 = arith.subi %sub3A_2176, %sub3A_2177 : i32
      %max3A_2179 = arith.constant 0 : i32
      %max3A_2180 = arith.maxsi %sub3A_2178, %max3A_2179 : i32
      %get3A_2181 = arith.constant 0 : index
      %get3A_2182 = tpu.vector_load %arg21[%get3A_2181] {strides = array<i32>} : memref<6408xi32, #tpu.memory_space<vmem>>, vector<16xi32>,
      %get3A_2183 = arith.index_cast %max3A_2180 : i32 to index
      %get3A_2184 = tpu.vector_load %arg21[%get3A_2183] {strides = array<i32>} : memref<6408xi32, #tpu.memory_space<vmem>>, vector<16xi32>,
      %lt3A_2185 = arith.constant 8 : i32
      %lt3A_2186 = vector.broadcast %lt3A_2185 : i32 to vector<16xi32>
      %lt3A_2187 = arith.cmpi slt, %iota3A_2131, %lt3A_2186 : vector<16xi32>
      %select_n3A_2188 = arith.select %lt3A_2187, %get3A_2182, %get3A_2184 : vector<16xi1>, vector<16xi32>
      %swap3A_2189 = arith.constant 5 : i32
      %swap3A_2190 = arith.index_cast %swap3A_2189 : i32 to index
      %swap3A_2191 = arith.constant 0 : index
      %swap3A_2192 = tpu.vector_load %arg22[%swap3A_2190, %swap3A_2191] {strides = array<i32>} : memref<6x16xi32, #tpu.memory_space<vmem>>, vector<16xi32>,
      tpu.vector_store %arg22[%swap3A_2190, %swap3A_2191], %select_n3A_2188 {strides = array<i32>} : memref<6x16xi32, #tpu.memory_space<vmem>>, vector<16xi32>,
      %dma_start3A_2193 = arith.constant 5 : i32
      %dma_start3A_2194 = arith.constant 0 : i32
      %dma_start3A_2195 = tpu.memref_slice %arg22[%dma_start3A_2193, %dma_start3A_2194] : memref<6x16xi32, #tpu.memory_space<vmem>> -> memref<1x16xi32, #tpu.memory_space<vmem>>
      %dma_start3A_2196 = tpu.memref_squeeze %dma_start3A_2195 : memref<1x16xi32, #tpu.memory_space<vmem>> -> memref<16xi32, #tpu.memory_space<vmem>>
      %dma_start3A_2197 = arith.constant 0 : i32
      %dma_start3A_2198 = tpu.memref_slice %arg9[%dma_start3A_2197] : memref<1359872xi32, #tpu.memory_space<hbm>> -> memref<1359872xi32, #tpu.memory_space<hbm>>
      tpu.enqueue_indirect_dma source(%dma_start3A_2196 : memref<16xi32, #tpu.memory_space<vmem>>) target(%dma_start3A_2198 : memref<1359872xi32, #tpu.memory_space<hbm>>) offsets(%select_n3A_2175 : vector<16xi32>) semaphore(%arg23 : memref<!tpu.dma_semaphore, #tpu.memory_space<semaphore_mem>>)
      %sub3A_2199 = arith.subi %sub3A_2130, %sub3A_2112 : i32
      %sub3A_2200 = arith.constant 8 : i32
      %sub3A_2201 = arith.subi %sub3A_2199, %sub3A_2200 : i32
      %max3A_2202 = arith.constant 0 : i32
      %max3A_2203 = arith.maxsi %sub3A_2201, %max3A_2202 : i32
      %and3A_2204 = arith.constant 4096 : i32
      %and3A_2205 = arith.andi %max3A_2203, %and3A_2204 : i32
      %ne3A_2206 = arith.constant 0 : i32
      %ne3A_2207 = arith.cmpi ne, %and3A_2205, %ne3A_2206 : i32
      %and3A_2208 = arith.constant -8192 : i32
      %and3A_2209 = arith.andi %max3A_2203, %and3A_2208 : i32
      %add3A_2210 = arith.constant 8 : i32
      %add3A_2211 = arith.addi %add3A_2210, %and3A_2209 : i32
      %jit3A_2212 = arith.constant 0 : i32
      %select_n3A_2213 = arith.select %ne3A_2207, %add3A_2211, %jit3A_2212 : i32
      %multiple_of3A_2214 = tpu.assume_multiple %select_n3A_2213, 8 : i32
      %add3A_2215 = arith.addi %sub3A_2112, %add3A_2211 : i32
      %select_n3A_2216 = arith.select %ne3A_2207, %add3A_2215, %add3A_2171 : i32
      %multiple_of3A_2217 = tpu.assume_multiple %select_n3A_2216, 8 : i32
      %dma_start3A_2218 = tpu.memref_slice %arg21[%multiple_of3A_2214] : memref<6408xi32, #tpu.memory_space<vmem>> -> memref<4096xi32, #tpu.memory_space<vmem>>
      %dma_start3A_2219 = tpu.memref_slice %arg9[%multiple_of3A_2217] : memref<1359872xi32, #tpu.memory_space<hbm>> -> memref<4096xi32, #tpu.memory_space<hbm>>
      %dma_start3A_2220 = tpu.memref_slice %arg9[%multiple_of3A_2217] : memref<1359872xi32, #tpu.memory_space<hbm>> -> memref<4096xi32, #tpu.memory_space<hbm>>
      %dma_start3A_2221 = tpu.memref_slice %arg21[%multiple_of3A_2214] : memref<6408xi32, #tpu.memory_space<vmem>> -> memref<4096xi32, #tpu.memory_space<vmem>>
      tpu.enqueue_dma source(%dma_start3A_2221 : memref<4096xi32, #tpu.memory_space<vmem>>) target(%dma_start3A_2220 : memref<4096xi32, #tpu.memory_space<hbm>>) target_semaphore(%arg23 : memref<!tpu.dma_semaphore, #tpu.memory_space<semaphore_mem>>)
      %and3A_2222 = arith.constant 2048 : i32
      %and3A_2223 = arith.andi %max3A_2203, %and3A_2222 : i32
      %ne3A_2224 = arith.constant 0 : i32
      %ne3A_2225 = arith.cmpi ne, %and3A_2223, %ne3A_2224 : i32
      %and3A_2226 = arith.constant -4096 : i32
      %and3A_2227 = arith.andi %max3A_2203, %and3A_2226 : i32
      %add3A_2228 = arith.constant 8 : i32
      %add3A_2229 = arith.addi %add3A_2228, %and3A_2227 : i32
      %jit3A_2230 = arith.constant 0 : i32
      %select_n3A_2231 = arith.select %ne3A_2225, %add3A_2229, %jit3A_2230 : i32
      %multiple_of3A_2232 = tpu.assume_multiple %select_n3A_2231, 8 : i32
      %add3A_2233 = arith.addi %sub3A_2112, %add3A_2229 : i32
      %select_n3A_2234 = arith.select %ne3A_2225, %add3A_2233, %add3A_2171 : i32
      %multiple_of3A_2235 = tpu.assume_multiple %select_n3A_2234, 8 : i32
      %dma_start3A_2236 = tpu.memref_slice %arg21[%multiple_of3A_2232] : memref<6408xi32, #tpu.memory_space<vmem>> -> memref<2048xi32, #tpu.memory_space<vmem>>
      %dma_start3A_2237 = tpu.memref_slice %arg9[%multiple_of3A_2235] : memref<1359872xi32, #tpu.memory_space<hbm>> -> memref<2048xi32, #tpu.memory_space<hbm>>
      %dma_start3A_2238 = tpu.memref_slice %arg9[%multiple_of3A_2235] : memref<1359872xi32, #tpu.memory_space<hbm>> -> memref<2048xi32, #tpu.memory_space<hbm>>
      %dma_start3A_2239 = tpu.memref_slice %arg21[%multiple_of3A_2232] : memref<6408xi32, #tpu.memory_space<vmem>> -> memref<2048xi32, #tpu.memory_space<vmem>>
      tpu.enqueue_dma source(%dma_start3A_2239 : memref<2048xi32, #tpu.memory_space<vmem>>) target(%dma_start3A_2238 : memref<2048xi32, #tpu.memory_space<hbm>>) target_semaphore(%arg23 : memref<!tpu.dma_semaphore, #tpu.memory_space<semaphore_mem>>)
      %and3A_2240 = arith.constant 1024 : i32
      %and3A_2241 = arith.andi %max3A_2203, %and3A_2240 : i32
      %ne3A_2242 = arith.constant 0 : i32
      %ne3A_2243 = arith.cmpi ne, %and3A_2241, %ne3A_2242 : i32
      %and3A_2244 = arith.constant -2048 : i32
      %and3A_2245 = arith.andi %max3A_2203, %and3A_2244 : i32
      %add3A_2246 = arith.constant 8 : i32
      %add3A_2247 = arith.addi %add3A_2246, %and3A_2245 : i32
      %jit3A_2248 = arith.constant 0 : i32
      %select_n3A_2249 = arith.select %ne3A_2243, %add3A_2247, %jit3A_2248 : i32
      %multiple_of3A_2250 = tpu.assume_multiple %select_n3A_2249, 8 : i32
      %add3A_2251 = arith.addi %sub3A_2112, %add3A_2247 : i32
      %select_n3A_2252 = arith.select %ne3A_2243, %add3A_2251, %add3A_2171 : i32
      %multiple_of3A_2253 = tpu.assume_multiple %select_n3A_2252, 8 : i32
      %dma_start3A_2254 = tpu.memref_slice %arg21[%multiple_of3A_2250] : memref<6408xi32, #tpu.memory_space<vmem>> -> memref<1024xi32, #tpu.memory_space<vmem>>
      %dma_start3A_2255 = tpu.memref_slice %arg9[%multiple_of3A_2253] : memref<1359872xi32, #tpu.memory_space<hbm>> -> memref<1024xi32, #tpu.memory_space<hbm>>
      %dma_start3A_2256 = tpu.memref_slice %arg9[%multiple_of3A_2253] : memref<1359872xi32, #tpu.memory_space<hbm>> -> memref<1024xi32, #tpu.memory_space<hbm>>
      %dma_start3A_2257 = tpu.memref_slice %arg21[%multiple_of3A_2250] : memref<6408xi32, #tpu.memory_space<vmem>> -> memref<1024xi32, #tpu.memory_space<vmem>>
      tpu.enqueue_dma source(%dma_start3A_2257 : memref<1024xi32, #tpu.memory_space<vmem>>) target(%dma_start3A_2256 : memref<1024xi32, #tpu.memory_space<hbm>>) target_semaphore(%arg23 : memref<!tpu.dma_semaphore, #tpu.memory_space<semaphore_mem>>)
      %and3A_2258 = arith.constant 512 : i32
      %and3A_2259 = arith.andi %max3A_2203, %and3A_2258 : i32
      %ne3A_2260 = arith.constant 0 : i32
      %ne3A_2261 = arith.cmpi ne, %and3A_2259, %ne3A_2260 : i32
      %and3A_2262 = arith.constant -1024 : i32
      %and3A_2263 = arith.andi %max3A_2203, %and3A_2262 : i32
      %add3A_2264 = arith.constant 8 : i32
      %add3A_2265 = arith.addi %add3A_2264, %and3A_2263 : i32
      %jit3A_2266 = arith.constant 0 : i32
      %select_n3A_2267 = arith.select %ne3A_2261, %add3A_2265, %jit3A_2266 : i32
      %multiple_of3A_2268 = tpu.assume_multiple %select_n3A_2267, 8 : i32
      %add3A_2269 = arith.addi %sub3A_2112, %add3A_2265 : i32
      %select_n3A_2270 = arith.select %ne3A_2261, %add3A_2269, %add3A_2171 : i32
      %multiple_of3A_2271 = tpu.assume_multiple %select_n3A_2270, 8 : i32
      %dma_start3A_2272 = tpu.memref_slice %arg21[%multiple_of3A_2268] : memref<6408xi32, #tpu.memory_space<vmem>> -> memref<512xi32, #tpu.memory_space<vmem>>
      %dma_start3A_2273 = tpu.memref_slice %arg9[%multiple_of3A_2271] : memref<1359872xi32, #tpu.memory_space<hbm>> -> memref<512xi32, #tpu.memory_space<hbm>>
      %dma_start3A_2274 = tpu.memref_slice %arg9[%multiple_of3A_2271] : memref<1359872xi32, #tpu.memory_space<hbm>> -> memref<512xi32, #tpu.memory_space<hbm>>
      %dma_start3A_2275 = tpu.memref_slice %arg21[%multiple_of3A_2268] : memref<6408xi32, #tpu.memory_space<vmem>> -> memref<512xi32, #tpu.memory_space<vmem>>
      tpu.enqueue_dma source(%dma_start3A_2275 : memref<512xi32, #tpu.memory_space<vmem>>) target(%dma_start3A_2274 : memref<512xi32, #tpu.memory_space<hbm>>) target_semaphore(%arg23 : memref<!tpu.dma_semaphore, #tpu.memory_space<semaphore_mem>>)
      %and3A_2276 = arith.constant 256 : i32
      %and3A_2277 = arith.andi %max3A_2203, %and3A_2276 : i32
      %ne3A_2278 = arith.constant 0 : i32
      %ne3A_2279 = arith.cmpi ne, %and3A_2277, %ne3A_2278 : i32
      %and3A_2280 = arith.constant -512 : i32
      %and3A_2281 = arith.andi %max3A_2203, %and3A_2280 : i32
      %add3A_2282 = arith.constant 8 : i32
      %add3A_2283 = arith.addi %add3A_2282, %and3A_2281 : i32
      %jit3A_2284 = arith.constant 0 : i32
      %select_n3A_2285 = arith.select %ne3A_2279, %add3A_2283, %jit3A_2284 : i32
      %multiple_of3A_2286 = tpu.assume_multiple %select_n3A_2285, 8 : i32
      %add3A_2287 = arith.addi %sub3A_2112, %add3A_2283 : i32
      %select_n3A_2288 = arith.select %ne3A_2279, %add3A_2287, %add3A_2171 : i32
      %multiple_of3A_2289 = tpu.assume_multiple %select_n3A_2288, 8 : i32
      %dma_start3A_2290 = tpu.memref_slice %arg21[%multiple_of3A_2286] : memref<6408xi32, #tpu.memory_space<vmem>> -> memref<256xi32, #tpu.memory_space<vmem>>
      %dma_start3A_2291 = tpu.memref_slice %arg9[%multiple_of3A_2289] : memref<1359872xi32, #tpu.memory_space<hbm>> -> memref<256xi32, #tpu.memory_space<hbm>>
      %dma_start3A_2292 = tpu.memref_slice %arg9[%multiple_of3A_2289] : memref<1359872xi32, #tpu.memory_space<hbm>> -> memref<256xi32, #tpu.memory_space<hbm>>
      %dma_start3A_2293 = tpu.memref_slice %arg21[%multiple_of3A_2286] : memref<6408xi32, #tpu.memory_space<vmem>> -> memref<256xi32, #tpu.memory_space<vmem>>
      tpu.enqueue_dma source(%dma_start3A_2293 : memref<256xi32, #tpu.memory_space<vmem>>) target(%dma_start3A_2292 : memref<256xi32, #tpu.memory_space<hbm>>) target_semaphore(%arg23 : memref<!tpu.dma_semaphore, #tpu.memory_space<semaphore_mem>>)
      %and3A_2294 = arith.constant 128 : i32
      %and3A_2295 = arith.andi %max3A_2203, %and3A_2294 : i32
      %ne3A_2296 = arith.constant 0 : i32
      %ne3A_2297 = arith.cmpi ne, %and3A_2295, %ne3A_2296 : i32
      %and3A_2298 = arith.constant -256 : i32
      %and3A_2299 = arith.andi %max3A_2203, %and3A_2298 : i32
      %add3A_2300 = arith.constant 8 : i32
      %add3A_2301 = arith.addi %add3A_2300, %and3A_2299 : i32
      %jit3A_2302 = arith.constant 0 : i32
      %select_n3A_2303 = arith.select %ne3A_2297, %add3A_2301, %jit3A_2302 : i32
      %multiple_of3A_2304 = tpu.assume_multiple %select_n3A_2303, 8 : i32
      %add3A_2305 = arith.addi %sub3A_2112, %add3A_2301 : i32
      %select_n3A_2306 = arith.select %ne3A_2297, %add3A_2305, %add3A_2171 : i32
      %multiple_of3A_2307 = tpu.assume_multiple %select_n3A_2306, 8 : i32
      %dma_start3A_2308 = tpu.memref_slice %arg21[%multiple_of3A_2304] : memref<6408xi32, #tpu.memory_space<vmem>> -> memref<128xi32, #tpu.memory_space<vmem>>
      %dma_start3A_2309 = tpu.memref_slice %arg9[%multiple_of3A_2307] : memref<1359872xi32, #tpu.memory_space<hbm>> -> memref<128xi32, #tpu.memory_space<hbm>>
      %dma_start3A_2310 = tpu.memref_slice %arg9[%multiple_of3A_2307] : memref<1359872xi32, #tpu.memory_space<hbm>> -> memref<128xi32, #tpu.memory_space<hbm>>
      %dma_start3A_2311 = tpu.memref_slice %arg21[%multiple_of3A_2304] : memref<6408xi32, #tpu.memory_space<vmem>> -> memref<128xi32, #tpu.memory_space<vmem>>
      tpu.enqueue_dma source(%dma_start3A_2311 : memref<128xi32, #tpu.memory_space<vmem>>) target(%dma_start3A_2310 : memref<128xi32, #tpu.memory_space<hbm>>) target_semaphore(%arg23 : memref<!tpu.dma_semaphore, #tpu.memory_space<semaphore_mem>>)
      %and3A_2312 = arith.constant 64 : i32
      %and3A_2313 = arith.andi %max3A_2203, %and3A_2312 : i32
      %ne3A_2314 = arith.constant 0 : i32
      %ne3A_2315 = arith.cmpi ne, %and3A_2313, %ne3A_2314 : i32
      %and3A_2316 = arith.constant -128 : i32
      %and3A_2317 = arith.andi %max3A_2203, %and3A_2316 : i32
      %add3A_2318 = arith.constant 8 : i32
      %add3A_2319 = arith.addi %add3A_2318, %and3A_2317 : i32
      %jit3A_2320 = arith.constant 0 : i32
      %select_n3A_2321 = arith.select %ne3A_2315, %add3A_2319, %jit3A_2320 : i32
      %multiple_of3A_2322 = tpu.assume_multiple %select_n3A_2321, 8 : i32
      %add3A_2323 = arith.addi %sub3A_2112, %add3A_2319 : i32
      %select_n3A_2324 = arith.select %ne3A_2315, %add3A_2323, %add3A_2171 : i32
      %multiple_of3A_2325 = tpu.assume_multiple %select_n3A_2324, 8 : i32
      %dma_start3A_2326 = tpu.memref_slice %arg21[%multiple_of3A_2322] : memref<6408xi32, #tpu.memory_space<vmem>> -> memref<64xi32, #tpu.memory_space<vmem>>
      %dma_start3A_2327 = tpu.memref_slice %arg9[%multiple_of3A_2325] : memref<1359872xi32, #tpu.memory_space<hbm>> -> memref<64xi32, #tpu.memory_space<hbm>>
      %dma_start3A_2328 = tpu.memref_slice %arg9[%multiple_of3A_2325] : memref<1359872xi32, #tpu.memory_space<hbm>> -> memref<64xi32, #tpu.memory_space<hbm>>
      %dma_start3A_2329 = tpu.memref_slice %arg21[%multiple_of3A_2322] : memref<6408xi32, #tpu.memory_space<vmem>> -> memref<64xi32, #tpu.memory_space<vmem>>
      tpu.enqueue_dma source(%dma_start3A_2329 : memref<64xi32, #tpu.memory_space<vmem>>) target(%dma_start3A_2328 : memref<64xi32, #tpu.memory_space<hbm>>) target_semaphore(%arg23 : memref<!tpu.dma_semaphore, #tpu.memory_space<semaphore_mem>>)
      %and3A_2330 = arith.constant 32 : i32
      %and3A_2331 = arith.andi %max3A_2203, %and3A_2330 : i32
      %ne3A_2332 = arith.constant 0 : i32
      %ne3A_2333 = arith.cmpi ne, %and3A_2331, %ne3A_2332 : i32
      %and3A_2334 = arith.constant -64 : i32
      %and3A_2335 = arith.andi %max3A_2203, %and3A_2334 : i32
      %add3A_2336 = arith.constant 8 : i32
      %add3A_2337 = arith.addi %add3A_2336, %and3A_2335 : i32
      %jit3A_2338 = arith.constant 0 : i32
      %select_n3A_2339 = arith.select %ne3A_2333, %add3A_2337, %jit3A_2338 : i32
      %multiple_of3A_2340 = tpu.assume_multiple %select_n3A_2339, 8 : i32
      %add3A_2341 = arith.addi %sub3A_2112, %add3A_2337 : i32
      %select_n3A_2342 = arith.select %ne3A_2333, %add3A_2341, %add3A_2171 : i32
      %multiple_of3A_2343 = tpu.assume_multiple %select_n3A_2342, 8 : i32
      %dma_start3A_2344 = tpu.memref_slice %arg21[%multiple_of3A_2340] : memref<6408xi32, #tpu.memory_space<vmem>> -> memref<32xi32, #tpu.memory_space<vmem>>
      %dma_start3A_2345 = tpu.memref_slice %arg9[%multiple_of3A_2343] : memref<1359872xi32, #tpu.memory_space<hbm>> -> memref<32xi32, #tpu.memory_space<hbm>>
      %dma_start3A_2346 = tpu.memref_slice %arg9[%multiple_of3A_2343] : memref<1359872xi32, #tpu.memory_space<hbm>> -> memref<32xi32, #tpu.memory_space<hbm>>
      %dma_start3A_2347 = tpu.memref_slice %arg21[%multiple_of3A_2340] : memref<6408xi32, #tpu.memory_space<vmem>> -> memref<32xi32, #tpu.memory_space<vmem>>
      tpu.enqueue_dma source(%dma_start3A_2347 : memref<32xi32, #tpu.memory_space<vmem>>) target(%dma_start3A_2346 : memref<32xi32, #tpu.memory_space<hbm>>) target_semaphore(%arg23 : memref<!tpu.dma_semaphore, #tpu.memory_space<semaphore_mem>>)
      %and3A_2348 = arith.constant 16 : i32
      %and3A_2349 = arith.andi %max3A_2203, %and3A_2348 : i32
      %ne3A_2350 = arith.constant 0 : i32
      %ne3A_2351 = arith.cmpi ne, %and3A_2349, %ne3A_2350 : i32
      %and3A_2352 = arith.constant -32 : i32
      %and3A_2353 = arith.andi %max3A_2203, %and3A_2352 : i32
      %add3A_2354 = arith.constant 8 : i32
      %add3A_2355 = arith.addi %add3A_2354, %and3A_2353 : i32
      %jit3A_2356 = arith.constant 0 : i32
      %select_n3A_2357 = arith.select %ne3A_2351, %add3A_2355, %jit3A_2356 : i32
      %multiple_of3A_2358 = tpu.assume_multiple %select_n3A_2357, 8 : i32
      %add3A_2359 = arith.addi %sub3A_2112, %add3A_2355 : i32
      %select_n3A_2360 = arith.select %ne3A_2351, %add3A_2359, %add3A_2171 : i32
      %multiple_of3A_2361 = tpu.assume_multiple %select_n3A_2360, 8 : i32
      %dma_start3A_2362 = tpu.memref_slice %arg21[%multiple_of3A_2358] : memref<6408xi32, #tpu.memory_space<vmem>> -> memref<16xi32, #tpu.memory_space<vmem>>
      %dma_start3A_2363 = tpu.memref_slice %arg9[%multiple_of3A_2361] : memref<1359872xi32, #tpu.memory_space<hbm>> -> memref<16xi32, #tpu.memory_space<hbm>>
      %dma_start3A_2364 = tpu.memref_slice %arg9[%multiple_of3A_2361] : memref<1359872xi32, #tpu.memory_space<hbm>> -> memref<16xi32, #tpu.memory_space<hbm>>
      %dma_start3A_2365 = tpu.memref_slice %arg21[%multiple_of3A_2358] : memref<6408xi32, #tpu.memory_space<vmem>> -> memref<16xi32, #tpu.memory_space<vmem>>
      tpu.enqueue_dma source(%dma_start3A_2365 : memref<16xi32, #tpu.memory_space<vmem>>) target(%dma_start3A_2364 : memref<16xi32, #tpu.memory_space<hbm>>) target_semaphore(%arg23 : memref<!tpu.dma_semaphore, #tpu.memory_space<semaphore_mem>>)
      %and3A_2366 = arith.constant 8 : i32
      %and3A_2367 = arith.andi %max3A_2203, %and3A_2366 : i32
      %ne3A_2368 = arith.constant 0 : i32
      %ne3A_2369 = arith.cmpi ne, %and3A_2367, %ne3A_2368 : i32
      %and3A_2370 = arith.constant -16 : i32
      %and3A_2371 = arith.andi %max3A_2203, %and3A_2370 : i32
      %add3A_2372 = arith.constant 8 : i32
      %add3A_2373 = arith.addi %add3A_2372, %and3A_2371 : i32
      %jit3A_2374 = arith.constant 0 : i32
      %select_n3A_2375 = arith.select %ne3A_2369, %add3A_2373, %jit3A_2374 : i32
      %multiple_of3A_2376 = tpu.assume_multiple %select_n3A_2375, 8 : i32
      %add3A_2377 = arith.addi %sub3A_2112, %add3A_2373 : i32
      %select_n3A_2378 = arith.select %ne3A_2369, %add3A_2377, %add3A_2171 : i32
      %multiple_of3A_2379 = tpu.assume_multiple %select_n3A_2378, 8 : i32
      %dma_start3A_2380 = tpu.memref_slice %arg21[%multiple_of3A_2376] : memref<6408xi32, #tpu.memory_space<vmem>> -> memref<8xi32, #tpu.memory_space<vmem>>
      %dma_start3A_2381 = tpu.memref_slice %arg9[%multiple_of3A_2379] : memref<1359872xi32, #tpu.memory_space<hbm>> -> memref<8xi32, #tpu.memory_space<hbm>>
      %dma_start3A_2382 = tpu.memref_slice %arg9[%multiple_of3A_2379] : memref<1359872xi32, #tpu.memory_space<hbm>> -> memref<8xi32, #tpu.memory_space<hbm>>
      %dma_start3A_2383 = tpu.memref_slice %arg21[%multiple_of3A_2376] : memref<6408xi32, #tpu.memory_space<vmem>> -> memref<8xi32, #tpu.memory_space<vmem>>
      tpu.enqueue_dma source(%dma_start3A_2383 : memref<8xi32, #tpu.memory_space<vmem>>) target(%dma_start3A_2382 : memref<8xi32, #tpu.memory_space<hbm>>) target_semaphore(%arg23 : memref<!tpu.dma_semaphore, #tpu.memory_space<semaphore_mem>>)
      %dma_wait3A_2384 = arith.constant 0 : i32
      %dma_wait3A_2385 = tpu.memref_slice %arg10[%dma_wait3A_2384] : memref<50040xf32, #tpu.memory_space<vmem>> -> memref<8200xf32, #tpu.memory_space<vmem>>
      %dma_wait3A_2386 = arith.constant 0 : i32
      %dma_wait3A_2387 = tpu.memref_slice %arg6[%dma_wait3A_2386] : memref<50040xf32, #tpu.memory_space<hbm>> -> memref<8200xf32, #tpu.memory_space<hbm>>
      %dma_wait3A_2388 = arith.constant 0 : i32
      %dma_wait3A_2389 = tpu.memref_slice %arg10[%dma_wait3A_2388] : memref<50040xf32, #tpu.memory_space<vmem>> -> memref<8200xf32, #tpu.memory_space<vmem>>
      %dma_wait3A_2390 = arith.constant 0 : i32
      %dma_wait3A_2391 = tpu.memref_slice %arg6[%dma_wait3A_2390] : memref<50040xf32, #tpu.memory_space<hbm>> -> memref<8200xf32, #tpu.memory_space<hbm>>
      tpu.wait_dma2 semaphore(%arg23 : memref<!tpu.dma_semaphore, #tpu.memory_space<semaphore_mem>>) src(%dma_wait3A_2391 : memref<8200xf32, #tpu.memory_space<hbm>>) dst(%dma_wait3A_2389 : memref<8200xf32, #tpu.memory_space<vmem>>)
      %dma_wait3A_2392 = arith.constant 0 : i32
      %dma_wait3A_2393 = tpu.memref_slice %arg10[%dma_wait3A_2392] : memref<50040xf32, #tpu.memory_space<vmem>> -> memref<8200xf32, #tpu.memory_space<vmem>>
      %dma_wait3A_2394 = arith.constant 0 : i32
      %dma_wait3A_2395 = tpu.memref_slice %arg6[%dma_wait3A_2394] : memref<50040xf32, #tpu.memory_space<hbm>> -> memref<8200xf32, #tpu.memory_space<hbm>>
      %dma_wait3A_2396 = arith.constant 0 : i32
      %dma_wait3A_2397 = tpu.memref_slice %arg10[%dma_wait3A_2396] : memref<50040xf32, #tpu.memory_space<vmem>> -> memref<8200xf32, #tpu.memory_space<vmem>>
      %dma_wait3A_2398 = arith.constant 0 : i32
      %dma_wait3A_2399 = tpu.memref_slice %arg6[%dma_wait3A_2398] : memref<50040xf32, #tpu.memory_space<hbm>> -> memref<8200xf32, #tpu.memory_space<hbm>>
      tpu.wait_dma2 semaphore(%arg23 : memref<!tpu.dma_semaphore, #tpu.memory_space<semaphore_mem>>) src(%dma_wait3A_2399 : memref<8200xf32, #tpu.memory_space<hbm>>) dst(%dma_wait3A_2397 : memref<8200xf32, #tpu.memory_space<vmem>>)
      %dma_wait3A_2400 = arith.constant 0 : i32
      %dma_wait3A_2401 = tpu.memref_slice %arg10[%dma_wait3A_2400] : memref<50040xf32, #tpu.memory_space<vmem>> -> memref<8200xf32, #tpu.memory_space<vmem>>
      %dma_wait3A_2402 = arith.constant 0 : i32
      %dma_wait3A_2403 = tpu.memref_slice %arg6[%dma_wait3A_2402] : memref<50040xf32, #tpu.memory_space<hbm>> -> memref<8200xf32, #tpu.memory_space<hbm>>
      %dma_wait3A_2404 = arith.constant 0 : i32
      %dma_wait3A_2405 = tpu.memref_slice %arg10[%dma_wait3A_2404] : memref<50040xf32, #tpu.memory_space<vmem>> -> memref<8200xf32, #tpu.memory_space<vmem>>
      %dma_wait3A_2406 = arith.constant 0 : i32
      %dma_wait3A_2407 = tpu.memref_slice %arg6[%dma_wait3A_2406] : memref<50040xf32, #tpu.memory_space<hbm>> -> memref<8200xf32, #tpu.memory_space<hbm>>
      tpu.wait_dma2 semaphore(%arg23 : memref<!tpu.dma_semaphore, #tpu.memory_space<semaphore_mem>>) src(%dma_wait3A_2407 : memref<8200xf32, #tpu.memory_space<hbm>>) dst(%dma_wait3A_2405 : memref<8200xf32, #tpu.memory_space<vmem>>)
      %dma_wait3A_2408 = arith.constant 0 : i32
      %dma_wait3A_2409 = tpu.memref_slice %arg10[%dma_wait3A_2408] : memref<50040xf32, #tpu.memory_space<vmem>> -> memref<8200xf32, #tpu.memory_space<vmem>>
      %dma_wait3A_2410 = arith.constant 0 : i32
      %dma_wait3A_2411 = tpu.memref_slice %arg6[%dma_wait3A_2410] : memref<50040xf32, #tpu.memory_space<hbm>> -> memref<8200xf32, #tpu.memory_space<hbm>>
      %dma_wait3A_2412 = arith.constant 0 : i32
      %dma_wait3A_2413 = tpu.memref_slice %arg10[%dma_wait3A_2412] : memref<50040xf32, #tpu.memory_space<vmem>> -> memref<8200xf32, #tpu.memory_space<vmem>>
      %dma_wait3A_2414 = arith.constant 0 : i32
      %dma_wait3A_2415 = tpu.memref_slice %arg6[%dma_wait3A_2414] : memref<50040xf32, #tpu.memory_space<hbm>> -> memref<8200xf32, #tpu.memory_space<hbm>>
      tpu.wait_dma2 semaphore(%arg23 : memref<!tpu.dma_semaphore, #tpu.memory_space<semaphore_mem>>) src(%dma_wait3A_2415 : memref<8200xf32, #tpu.memory_space<hbm>>) dst(%dma_wait3A_2413 : memref<8200xf32, #tpu.memory_space<vmem>>)
      %dma_wait3A_2416 = arith.constant 0 : i32
      %dma_wait3A_2417 = tpu.memref_slice %arg10[%dma_wait3A_2416] : memref<50040xf32, #tpu.memory_space<vmem>> -> memref<8200xf32, #tpu.memory_space<vmem>>
      %dma_wait3A_2418 = arith.constant 0 : i32
      %dma_wait3A_2419 = tpu.memref_slice %arg6[%dma_wait3A_2418] : memref<50040xf32, #tpu.memory_space<hbm>> -> memref<8200xf32, #tpu.memory_space<hbm>>
      %dma_wait3A_2420 = arith.constant 0 : i32
      %dma_wait3A_2421 = tpu.memref_slice %arg10[%dma_wait3A_2420] : memref<50040xf32, #tpu.memory_space<vmem>> -> memref<8200xf32, #tpu.memory_space<vmem>>
      %dma_wait3A_2422 = arith.constant 0 : i32
      %dma_wait3A_2423 = tpu.memref_slice %arg6[%dma_wait3A_2422] : memref<50040xf32, #tpu.memory_space<hbm>> -> memref<8200xf32, #tpu.memory_space<hbm>>
      tpu.wait_dma2 semaphore(%arg23 : memref<!tpu.dma_semaphore, #tpu.memory_space<semaphore_mem>>) src(%dma_wait3A_2423 : memref<8200xf32, #tpu.memory_space<hbm>>) dst(%dma_wait3A_2421 : memref<8200xf32, #tpu.memory_space<vmem>>)
      %dma_wait3A_2424 = arith.constant 0 : i32
      %dma_wait3A_2425 = tpu.memref_slice %arg10[%dma_wait3A_2424] : memref<50040xf32, #tpu.memory_space<vmem>> -> memref<8200xf32, #tpu.memory_space<vmem>>
      %dma_wait3A_2426 = arith.constant 0 : i32
      %dma_wait3A_2427 = tpu.memref_slice %arg6[%dma_wait3A_2426] : memref<50040xf32, #tpu.memory_space<hbm>> -> memref<8200xf32, #tpu.memory_space<hbm>>
      %dma_wait3A_2428 = arith.constant 0 : i32
      %dma_wait3A_2429 = tpu.memref_slice %arg10[%dma_wait3A_2428] : memref<50040xf32, #tpu.memory_space<vmem>> -> memref<8200xf32, #tpu.memory_space<vmem>>
      %dma_wait3A_2430 = arith.constant 0 : i32
      %dma_wait3A_2431 = tpu.memref_slice %arg6[%dma_wait3A_2430] : memref<50040xf32, #tpu.memory_space<hbm>> -> memref<8200xf32, #tpu.memory_space<hbm>>
      tpu.wait_dma2 semaphore(%arg23 : memref<!tpu.dma_semaphore, #tpu.memory_space<semaphore_mem>>) src(%dma_wait3A_2431 : memref<8200xf32, #tpu.memory_space<hbm>>) dst(%dma_wait3A_2429 : memref<8200xf32, #tpu.memory_space<vmem>>)
      %add3A_2432 = arith.addi %scan3A_589, %sub3A_659 : i32
      %add3A_2433 = arith.addi %scan3A_590, %sub3A_660 : i32
      %add3A_2434 = arith.addi %scan3A_591, %sub3A_661 : i32
      scf.yield %add3A_2432, %add3A_2433, %add3A_2434 : i32, i32, i32
    }
    %scan3A_587 = arith.constant 6 : i32
    return
  }
}

module attributes {stable_mosaic.version = 14 : i64} {
  func.func @_xext_body(%arg0: i32, %arg1: memref<512x128xf32, #tpu.memory_space<vmem>>, %arg2: memref<8x128xf32, #tpu.memory_space<vmem>>, %arg3: memref<512x128xf32, #tpu.memory_space<vmem>>) attributes {dimension_semantics = [#tpu.dimension_semantics<arbitrary>], iteration_bounds = array<i64: 98>, scalar_prefetch = 0 : i64, scratch_operands = 0 : i64, tpu.core_type = #tpu.core_type<tc>, window_params = [{transform_indices = @transform_0, window_bounds = array<i64: 512, 128>}, {pipeline_mode = #tpu.pipeline_mode<synchronous>, transform_indices = @transform_1, window_bounds = array<i64: 8, 128>}, {transform_indices = @transform_2, window_bounds = array<i64: 512, 128>}]} {
    %get3A = arith.constant 0 : index
    %get3A_0 = arith.constant 0 : index
    %get3A_1 = vector.load %arg1[%get3A, %get3A_0] : memref<512x128xf32, #tpu.memory_space<vmem>>, vector<512x128xf32>
    %swap3A = arith.constant 0 : index
    %swap3A_2 = arith.constant 0 : index
    %swap3A_3 = vector.load %arg3[%swap3A, %swap3A_2] : memref<512x128xf32, #tpu.memory_space<vmem>>, vector<512x128xf32>
    tpu.vector_store %arg3[%swap3A, %swap3A_2], %get3A_1 {strides = array<i32>} : memref<512x128xf32, #tpu.memory_space<vmem>>, vector<512x128xf32>,
    %eq3A = arith.constant 97 : i32
    %eq3A_4 = arith.cmpi eq, %arg0, %eq3A : i32
    %convert_element_type3A = arith.extui %eq3A_4 : i1 to i32
    %cond3A = arith.constant 0 : i32
    %cond3A_5 = arith.cmpi ne, %convert_element_type3A, %cond3A : i32
    scf.if %cond3A_5 {
      %iota3A = tpu.iota {dimensions = array<i32: 0>} : vector<512x1xi32>
      %mul3A = arith.constant 512 : i32
      %mul3A_6 = arith.muli %arg0, %mul3A : i32
      %add3A = vector.broadcast %mul3A_6 : i32 to vector<512x1xi32>
      %add3A_7 = arith.addi %iota3A, %add3A : vector<512x1xi32>
      %sub3A = arith.constant 50000 : i32
      %sub3A_8 = vector.broadcast %sub3A : i32 to vector<512x1xi32>
      %sub3A_9 = arith.subi %add3A_7, %sub3A_8 : vector<512x1xi32>
      %jit3A = arith.constant 10 : i32
      %div3A = vector.broadcast %jit3A : i32 to vector<512x1xi32>
      %div3A_10 = arith.divsi %sub3A_9, %div3A : vector<512x1xi32>
      %sign3A = arith.constant 0 : i32
      %sign3A_11 = vector.broadcast %sign3A : i32 to vector<512x1xi32>
      %sign3A_12 = arith.cmpi sgt, %sub3A_9, %sign3A_11 : vector<512x1xi32>
      %sign3A_13 = arith.extui %sign3A_12 : vector<512x1xi1> to vector<512x1xi32>
      %sign3A_14 = arith.constant 0 : i32
      %sign3A_15 = vector.broadcast %sign3A_14 : i32 to vector<512x1xi32>
      %sign3A_16 = arith.cmpi slt, %sub3A_9, %sign3A_15 : vector<512x1xi32>
      %sign3A_17 = arith.extui %sign3A_16 : vector<512x1xi1> to vector<512x1xi32>
      %sign3A_18 = arith.subi %sign3A_13, %sign3A_17 : vector<512x1xi32>
      %sign3A_19 = arith.constant 0 : i32
      %sign3A_20 = arith.cmpi sgt, %jit3A, %sign3A_19 : i32
      %sign3A_21 = arith.extui %sign3A_20 : i1 to i32
      %sign3A_22 = arith.constant 0 : i32
      %sign3A_23 = arith.cmpi slt, %jit3A, %sign3A_22 : i32
      %sign3A_24 = arith.extui %sign3A_23 : i1 to i32
      %sign3A_25 = arith.subi %sign3A_21, %sign3A_24 : i32
      %ne3A = vector.broadcast %sign3A_25 : i32 to vector<512x1xi32>
      %ne3A_26 = arith.cmpi ne, %sign3A_18, %ne3A : vector<512x1xi32>
      %rem3A = vector.broadcast %jit3A : i32 to vector<512x1xi32>
      %rem3A_27 = arith.remsi %sub3A_9, %rem3A : vector<512x1xi32>
      %ne3A_28 = arith.constant 0 : i32
      %ne3A_29 = vector.broadcast %ne3A_28 : i32 to vector<512x1xi32>
      %ne3A_30 = arith.cmpi ne, %rem3A_27, %ne3A_29 : vector<512x1xi32>
      %and3A = arith.andi %ne3A_26, %ne3A_30 : vector<512x1xi1>
      %sub3A_31 = arith.constant 1 : i32
      %sub3A_32 = vector.broadcast %sub3A_31 : i32 to vector<512x1xi32>
      %sub3A_33 = arith.subi %div3A_10, %sub3A_32 : vector<512x1xi32>
      %select_n3A = arith.select %and3A, %sub3A_33, %div3A_10 : vector<512x1xi1>, vector<512x1xi32>
      %jit3A_34 = arith.constant 0 : i32
      %jit3A_35 = arith.constant 3 : i32
      %max3A = vector.broadcast %jit3A_34 : i32 to vector<512x1xi32>
      %max3A_36 = arith.maxsi %max3A, %select_n3A : vector<512x1xi32>
      %min3A = vector.broadcast %jit3A_35 : i32 to vector<512x1xi32>
      %min3A_37 = arith.minsi %min3A, %max3A_36 : vector<512x1xi32>
      %iota3A_38 = tpu.iota {dimensions = array<i32: 1>} : vector<512x8xi32>
      %eq3A_39 = vector.broadcast %min3A_37 : vector<512x1xi32> to vector<512x8xi32>
      %eq3A_40 = arith.cmpi eq, %eq3A_39, %iota3A_38 : vector<512x8xi32>
      %convert_element_type3A_41 = arith.extui %eq3A_40 : vector<512x8xi1> to vector<512x8xi32>
      %convert_element_type3A_42 = arith.sitofp %convert_element_type3A_41 : vector<512x8xi32> to vector<512x8xf32>
      %get3A_43 = arith.constant 0 : index
      %get3A_44 = arith.constant 0 : index
      %get3A_45 = vector.load %arg2[%get3A_43, %get3A_44] : memref<8x128xf32, #tpu.memory_space<vmem>>, vector<8x128xf32>
      %dot_general3A = arith.constant dense<0.000000e+00> : vector<512x128xf32>
      %dot_general3A_46 = tpu.matmul %convert_element_type3A_42, %get3A_45, %dot_general3A {dimension_numbers = #tpu.dot_dimension_numbers<[1], [0], [0], [1], [0, 0, 1, 1], [], []>, transpose_lhs_hint = false} : vector<512x8xf32>, vector<8x128xf32>, vector<512x128xf32> -> vector<512x128xf32>
      %lt3A = arith.constant 50000 : i32
      %lt3A_47 = vector.broadcast %lt3A : i32 to vector<512x1xi32>
      %lt3A_48 = arith.cmpi slt, %add3A_7, %lt3A_47 : vector<512x1xi32>
      %broadcast_in_dim3A = vector.shape_cast %lt3A_48 : vector<512x1xi1> to vector<512x1xi1>
      %broadcast_in_dim3A_49 = vector.broadcast %broadcast_in_dim3A : vector<512x1xi1> to vector<512x128xi1>
      %select_n3A_50 = arith.select %broadcast_in_dim3A_49, %get3A_1, %dot_general3A_46 : vector<512x128xi1>, vector<512x128xf32>
      %swap3A_51 = arith.constant 0 : index
      %swap3A_52 = arith.constant 0 : index
      %swap3A_53 = vector.load %arg3[%swap3A_51, %swap3A_52] : memref<512x128xf32, #tpu.memory_space<vmem>>, vector<512x128xf32>
      tpu.vector_store %arg3[%swap3A_51, %swap3A_52], %select_n3A_50 {strides = array<i32>} : memref<512x128xf32, #tpu.memory_space<vmem>>, vector<512x128xf32>,
    } else {
    }
    return
  }
  func.func @transform_0(%arg0: i32) -> (i32, i32) {
    %c0_i32 = arith.constant 0 : i32
    %c0_i32_0 = arith.constant 0 : i32
    return %arg0, %c0_i32 : i32, i32
  }
  func.func @transform_1(%arg0: i32) -> (i32, i32) {
    %c0_i32 = arith.constant 0 : i32
    %c0_i32_0 = arith.constant 0 : i32
    %c0_i32_1 = arith.constant 0 : i32
    return %c0_i32, %c0_i32_0 : i32, i32
  }
  func.func @transform_2(%arg0: i32) -> (i32, i32) {
    %c0_i32 = arith.constant 0 : i32
    %c0_i32_0 = arith.constant 0 : i32
    return %arg0, %c0_i32 : i32, i32
  }
}

</mosaic_0001>

<sc_bundles>
// kernel: kernel.5.cloned.1.call-start
scs
__scs_entry_jumppad:
0x0: {  	(pc) =	sbr.rel $0x88, $3  }
0x1: {  	(tag) =	ssettag $0x0;
	lr =	simm.s32 $0x1  }
0x2: {  	[smem:$0x3F9E] =	sst lr;
	_ =	strace $0xD0000000  }
0x3: {  	_ = 	snop  }
0x4: {  	_ = 	snop  }
0x5: {  	_ = 	snop  }
0x6: {  	_ = 	snop  }
0x7: {  	_ = 	snop  }
__scs_overlays_trampoline_lowered:
0x8: {  	[smem:$0x3FAD] =	sst s0  }
0x9: {  	[smem:$0x3FAE] =	sst s1  }
0xa: {  	[smem:$0x3FAF] =	sst s2  }
0xb: {  	[smem:$0x3FB0] =	sst s3  }
0xc: {  	[smem:$0x3FB1] =	sst s4  }
0xd: {  	[smem:$0x3FB2] =	sst s5  }
0xe: {  	[smem:$0x3FB3] =	sst s6  }
0xf: {  	[smem:$0x3FB4] =	sst s7  }
0x10: {  	[smem:$0x3FB5] =	sst s8  }
0x11: {  	[smem:$0x3FB6] =	sst s9;
	s0 =	simm.s32 @!p0 $0x0  }
0x12: {  	s1 =	sld [smem:$0x3F9C];
	s0 =	simm.s32 @p0 $0x1  }
0x13: {  	[smem:$0x3FB7] =	sst s0;
	s0 =	simm.s32 @!p1 $0x0  }
0x14: {  	s2 =	sld [smem:$0x3F9B];
	s0 =	simm.s32 @p1 $0x1  }
0x15: {  	[smem:$0x3FB8] =	sst s0;
	s0 =	simm.s32 @!p2 $0x0  }
0x16: {  	s3 =	sld [smem:$0x3FDB];
	s0 =	simm.s32 @p2 $0x1  }
0x17: {  	s4 =	simm.s32 $0x1BF5;
	[smem:$0x3FBA] =	sst s0  }
0x18: {  	s0 =	sld [smem:$0x3F9D];
	_ =	swait.ge [sflag:s4], $0x0  }
0x19: {  	s7 =	sld [smem:$0x3F9E]  }
0x1a: {  	s8 =	sadd.s32 $0xFFFFE003, lr  }
0x1b: {  	s9 =	sadd.s32 $0xFFFFFEF7, lr;
	s5 =	simm.s32 $0xFFFFFFFF;
	p2 =	slt.u32 s8, $0xFFFFF086  }
0x1c: {  	p1 =	slt.u32 s9, $0xF7A;
	s5 =	simm.s32 @!p2 $0x0  }
0x1d: {  	s5 =	simm.s32 @p1 $0x1;
	p0 =	seq.s32 s7, s2  }
0x1e: {  	s7 =	smul.u32 @!p0 $0xF7A, s2;
	p2 =	seq.s32 @!p0 s5, $0x0  }
0x1f: {  	s9 =	smul.u32 $0xF7A, s1;
	s8 =	simm.s32 @!p0 $0x1BF5;
	p2 =	por !p2, p0  }
0x20: {  	[sflag:s8] =	ssyncset.s32 @!p0 $0xFFFFF086;
	s6 =	sadd.s32 @!p0 s3, s7;
	s7 =	simm.s32 @!p0 $0x108  }
0x21: {  	s3 =	sadd.s32 s3, s9;
	s6 =	sadd.s32 @!p0 $0x88, s6;
	s7 =	simm.s32 @p2 $0x1082  }
0x22: {  	[simem:s7], [sflag:s8] =	dma.local @!p0 [hbm:s6], $0xF7A  }
0x23: {  	s9 =	sor.u32 $0xD0000000, s2;
	s6 =	simm.s32 $0x108;
	_ =	swait.ge @!p0 [sflag:s8], $0x0  }
0x24: {  	s3 =	sadd.s32 $0x88, s3;
	s6 =	simm.s32 @!p1 $0x1082;
	[sflag:s4] =	ssyncset.s32 $0xFFFFF086  }
0x25: {  	[simem:s6], [sflag:s4] =	dma.local [hbm:s3], $0xF7A  }
0x26: {  	[smem:$0x3F9E] =	sst s1;
	(tag) =	ssettag s2;
	_ =	strace s9  }
0x27: {  	s1 =	sld [smem:$0x3FAE]  }
0x28: {  	s2 =	sld [smem:$0x3FAF]  }
0x29: {  	s4 =	sld [smem:$0x3FB1]  }
0x2a: {  	p0 =	seq.s32 s5, $0x0;
	s5 =	sld [smem:$0x3FB2]  }
0x2b: {  	s6 =	sld [smem:$0x3FB3]  }
0x2c: {  	s7 =	sld [smem:$0x3FB4]  }
0x2d: {  	s3 =	simm.s32 $0x108;
	s8 =	sld [smem:$0x3FB5]  }
0x2e: {  	s3 =	simm.s32 @!p0 $0x1082;
	s9 =	sld [smem:$0x3FB6]  }
0x2f: {  	lr =	sadd.s32 s0, s3;
	s0 =	sld [smem:$0x3FAD]  }
0x30: {  	s3 =	sld [smem:$0x3FB0]  }
0x31: {  	[smem:$0x3FB9] =	sst s10  }
0x32: {  	s10 =	sld [smem:$0x3FB7];
	_ =	sdelay $0x3  }
0x33: {  	p0 =	seq.s32 s10, $0x1;
	s10 =	sld [smem:$0x3FB9];
	_ =	sdelay $0x3  }
0x34: {  	[smem:$0x3FB9] =	sst s10  }
0x35: {  	s10 =	sld [smem:$0x3FB8];
	_ =	sdelay $0x3  }
0x36: {  	p1 =	seq.s32 s10, $0x1;
	s10 =	sld [smem:$0x3FB9];
	_ =	sdelay $0x3  }
0x37: {  	[smem:$0x3FB9] =	sst s10  }
0x38: {  	s10 =	sld [smem:$0x3FBA]  }
0x39: {  	_ = 	snop;
	(pc) =	sbr.ind lr, $3  }
0x3a: {  	_ = 	snop  }
0x3b: {  	_ = 	snop  }
0x3c: {  	p2 =	seq.s32 s10, $0x1;
	s10 =	sld [smem:$0x3FB9]  }
0x3d: {  	_ =	shalt  }
0x3e: {  	_ =	shalt  }
0x3f: {  	_ =	shalt  }
0x40: {  	_ =	shalt  }
0x41: {  	_ =	shalt  }
0x42: {  	_ =	shalt  }
0x43: {  	_ =	shalt  }
0x44: {  	_ =	shalt  }
0x45: {  	_ =	shalt  }
0x46: {  	_ =	shalt  }
0x47: {  	_ =	shalt  }
0x48: {  	_ =	shalt  }
0x49: {  	_ =	shalt  }
0x4a: {  	_ =	shalt  }
0x4b: {  	_ =	shalt  }
0x4c: {  	_ =	shalt  }
0x4d: {  	_ =	shalt  }
0x4e: {  	_ =	shalt  }
0x4f: {  	_ =	shalt  }
0x50: {  	_ =	shalt  }
0x51: {  	_ =	shalt  }
0x52: {  	_ =	shalt  }
0x53: {  	_ =	shalt  }
0x54: {  	_ =	shalt  }
0x55: {  	_ =	shalt  }
0x56: {  	_ =	shalt  }
0x57: {  	_ =	shalt  }
0x58: {  	_ =	shalt  }
0x59: {  	_ =	shalt  }
0x5a: {  	_ =	shalt  }
0x5b: {  	_ =	shalt  }
0x5c: {  	_ =	shalt  }
0x5d: {  	_ =	shalt  }
0x5e: {  	_ =	shalt  }
0x5f: {  	_ =	shalt  }
0x60: {  	_ =	shalt  }
0x61: {  	_ =	shalt  }
0x62: {  	_ =	shalt  }
0x63: {  	_ =	shalt  }
0x64: {  	_ =	shalt  }
0x65: {  	_ =	shalt  }
0x66: {  	_ =	shalt  }
0x67: {  	_ =	shalt  }
0x68: {  	_ =	shalt  }
0x69: {  	_ =	shalt  }
0x6a: {  	_ =	shalt  }
0x6b: {  	_ =	shalt  }
0x6c: {  	_ =	shalt  }
0x6d: {  	_ =	shalt  }
0x6e: {  	_ =	shalt  }
0x6f: {  	_ =	shalt  }
0x70: {  	_ =	shalt  }
0x71: {  	_ =	shalt  }
0x72: {  	_ =	shalt  }
0x73: {  	_ =	shalt  }
0x74: {  	_ =	shalt  }
0x75: {  	_ =	shalt  }
0x76: {  	_ =	shalt  }
0x77: {  	_ =	shalt  }
0x78: {  	_ =	shalt  }
0x79: {  	_ =	shalt  }
0x7a: {  	_ =	shalt  }
0x7b: {  	_ =	shalt  }
0x7c: {  	_ =	shalt  }
0x7d: {  	_ =	shalt  }
0x7e: {  	_ =	shalt  }
0x7f: {  	_ =	shalt  }
0x80: {  	_ =	shalt  }
0x81: {  	_ =	shalt  }
0x82: {  	_ =	shalt  }
0x83: {  	_ =	shalt  }
0x84: {  	_ =	shalt  }
0x85: {  	_ =	shalt  }
0x86: {  	_ =	shalt  }
0x87: {  	_ =	shalt  }
.Lfunc_end0:
.L_simem_size_0:
called_computation_lowered:
.L_overlay_start_0:
0x88: {  	s2 =	sld [smem:$0x3FD9]  }
0x89: {  	s3 =	sld [smem:$0x3FFE];
	_ =	sdelay $0x1  }
0x8a: {  	s1 =	srdreg.scid  }
0x8b: {  	s0 =	sand.u32 $0x1, s1  }
0x8c: {  	s14 =	sshll.u32 s0, $0xA;
	s2 =	sadd.s32 s3, s2  }
0x8d: {  	s2 =	sadd.s32 s2, s14  }
0x8e: {  	[smem:$0x3FC5] =	sst s2  }
0x8f: {  	_ = 	snop  }
0x90: {  	s2 =	sld [smem:$0x3FD0];
	_ =	sdelay $0x2  }
0x91: {  	s4 =	simm.s32 $0xA;
	s5 =	simm.s32 $0x10;
	s15 =	sld [smem:$0x3FC8]  }
0x92: {  	[smem:s5], [sflag:s4] =	dma.local [hbm:s2], $0x1  }
0x93: {  	_ =	swait.eq [sflag:s4], $0x1  }
0x94: {  	[sflag:s4] =	ssyncset.done $0x0  }
0x95: {  	s16 =	sld [smem:$0x10];
	[sflag:s4] =	ssyncadd.s32 $0xFFFFFFFF  }
0x96: {  	s17 =	sld [smem:$0x11];
	(tm) =	ssettm $0x1  }
0x97: {  	s18 =	sld [smem:$0x3FFB];
	_ =	sdelay $0x3  }
0x98: {  	_ =	strace s18  }
0x99: {  	s5 =	sld [smem:$0x3FFC];
	_ =	sdelay $0x3  }
0x9a: {  	_ =	strace s5  }
0x9b: {  	s5 =	sld [smem:$0x3FFD];
	_ =	sdelay $0x3  }
0x9c: {  	_ =	strace s5  }
0x9d: {  	_ =	strace $0x8FFFFFFF  }
0x9e: {  	s19 =	sld [smem:$0x3FDB];
	_ =	sdelay $0x1  }
0x9f: {  	s6 =	simm.s32 $_scs_section_size  }
0xa0: {  	s7 =	simm.s32 $_size__tile_overlayer_lowered;
	s8 =	simm.s32 $_tile_overlayer_lowered  }
0xa1: {  	s22 =	simm.s32 $0x1BFF;
	s21 =	sshll.u32 s8, $0x1;
	s5 =	sadd.s32 s6, s19  }
0xa2: {  	s9 =	simm.s32 $0x0;
	s20 =	sshll.u32 s7, $0x1;
	s7 =	sadd.s32 s21, s5  }
0xa3: {  	[timem:s9], [sflag:s22] =	dma.local [hbm:s7], s20  }
0xa4: {  	_ =	swait.ge [sflag:s22], s20  }
0xa5: {  	s6 =	ssub.s32 $0x0, s20;
	[sflag:s22] =	ssyncset.done $0x0  }
0xa6: {  	[sflag:s22] =	ssyncadd.s32 s6;
	_ =	sdelay $0x1  }
0xa7: {  	s23 =	simm.s32 $0x1B8B  }
0xa8: {  	_ =	swait.ge [sflag:s23], $0x1  }
0xa9: {  	[sflag:s23] =	ssyncset.done $0x0  }
0xaa: {  	s25 =	simm.s32 $0x1B8E;
	s24 =	sld [smem:$0x3FFE];
	[sflag:s23] =	ssyncadd.s32 $0xFFFFFFFF  }
0xab: {  	s26 =	simm.s32 $execute0_lowered;
	[smem:$0x3FD2] =	sst s25  }
0xac: {  	s7 =	sshll.u32 s26, $0x1;
	_ =	strace $0x80000046;
	[dreg:$0x1] =	wrdreg $0xFFFFFFFF  }
0xad: {  	s28 =	simm.s32 $_size_execute0_lowered;
	s5 =	sadd.s32 s5, s7;
	[dreg:$0x0] =	wrdreg $0x0  }
0xae: {  	s7 =	sshll.u32 s28, $0x1;
	[dreg:$0x2] =	wrdreg s5  }
0xaf: {  	[dreg:$0x3] =	wrdreg s7  }
0xb0: {  	[dreg:$0x4] =	wrdreg $0xC0  }
0xb1: {  	_ =	task [dreg:s9], $0x5FFFF  }
0xb2: {  	[dreg:$0x1] =	wrdreg $0xFFFFFFFF  }
0xb3: {  	[dreg:$0x0] =	wrdreg $0x60  }
0xb4: {  	[dreg:$0x2] =	wrdreg s17  }
0xb5: {  	[dreg:$0x3] =	wrdreg s16  }
0xb6: {  	[dreg:$0x4] =	wrdreg s24  }
0xb7: {  	[dreg:$0x5] =	wrdreg s15  }
0xb8: {  	[dreg:$0x6] =	wrdreg $0x9  }
0xb9: {  	_ =	task.clear_ibuf [dreg:s9], $0x7FFFF;
	_ =	strace $0x90000046  }
0xba: {  	s29 =	simm.s32 $0x9;
	_ =	strace $0x80000048  }
0xbb: {  	_ =	swait.ge [sflag:s29], $0x1  }
0xbc: {  	[sflag:s29] =	ssyncadd.s32 $0xFFFFFFFF  }
0xbd: {  	_ =	strace $0x90000048  }
0xbe: {  	_ =	sfence  }
0xbf: {  	s30 =	sld [smem:$0x0];
	_ =	sdelay $0x2  }
0xc0: {  	s31 =	sshll.u32 s1, $0xD;
	s1 =	sshrl.u32 s1, $0x2  }
0xc1: {  	s3 =	sand.u32 $0x4000, s31;
	s1 =	sadd.s32 s1, s30  }
0xc2: {  	s0 =	sor.u32 s3, s0;
	s1 =	sshll.u32 s1, $0x11  }
0xc3: {  	s0 =	sor.u32 s1, s0  }
0xc4: {  	s0 =	sadd.s32 $0x8F2B, s0  }
0xc5: {  	[sflag:s0] =	ssyncadd.remote.s32 $0x1  }
0xc6: {  	_ =	sfence.sel $0xFFFF  }
0xc7: {  	[dreg:$0x0] =	wrdreg $0xFFFFFFFF;
	(pc) =	sbr.abs _section_cstart, $3  }
0xc8: {  	[dreg:$0x1] =	wrdreg $0xFFFFFFFF  }
0xc9: {  	_ =	task.clear_ibuf [dreg:s9], $0x2FFFF;
	_ =	strace $0x9FFFFFFF  }
0xca: {  	(tm) =	ssettm $0x7FFFFFFF  }
0xcb: {  	_ =	shalt  }
tec
execute0_lowered:
.L_overlay_start_1:
0x0: {  	(tag) =	ssettag $0x1  }
0x1: {  	s8 =	rddreg [dreg:$0x0]  }
0x2: {  	s9 =	rddreg [dreg:$0x1]  }
0x3: {  	s4 =	rddreg [dreg:$0x2]  }
0x4: {  	s2 =	rddreg [dreg:$0x3]  }
0x5: {  	s0 =	rddreg [dreg:$0x4]  }
0x6: {  	s5 =	srdreg.scid;
	s1 =	stileid.u32;
	s3 =	simm.s32 $0x0  }
0x7: {  	s15 =	simm.s32 $0xC380;
	s16 =	simm.s32 $0x10E80;
	s17 =	simm.s32 $0x15980  }
0x8: {  	s18 =	simm.s32 $0x1A480;
	s19 =	simm.s32 $0x1;
	s20 =	simm.s32 $0x1EF80  }
0x9: {  	s21 =	simm.s32 $0x0;
	s5 =	sand.u32 $0x1, s5;
	s6 =	sshll.u32 s1, $0x1  }
0xa: {  	[smem:$0x7FF] =	sst s3;
	s10 =	sadd.s32 $0x4E000, s4;
	s6 =	sor.u32 s5, s6  }
0xb: {  	s11 =	sadd.s32 $0x3000, s4;
	s5 =	ssub.s32 $0x2, s5;
	s7 =	smul.u32 $0x9600, s6  }
0xc: {  	_ =	strace $0x80000047;
	s6 =	sshll.u32 s6, $0x4;
	s12 =	sshrl.u32 s5, $0x1  }
0xd: {  	s13 =	sadd.s32 s6, s4;
	s14 =	ssub.s32 s5, s12;
	s7 =	sshrl.u32 s7, $0x3  }
0xe: {  	s12 =	sadd.s32 $0xE4000, s13;
	s13 =	smax.u32 s14, $0x1;
	s14 =	simm.s32 $0x2  }
0xf: {  	s4 =	sadd.s32 s8, s7;
	s5 =	sadd.s32 s9, s7;
	s31 =	sadd.s32 $0x960, s7  }
0x10: {  	s6 =	sadd.s32 s10, s7;
	s7 =	sadd.s32 s11, s7;
	s8 =	sadd.s32 s8, s31  }
0x11: {  	v0 =	vimm.s32 $0x0;
	vm0 =	vcmask $0x704;
	vm1 =	vcmask $0x3F04;
	s9 =	sadd.s32 s9, s31;
	s10 =	sadd.s32 s10, s31;
	s11 =	sadd.s32 s11, s31  }
.LBB2_1:
0x12: {  	[tilespmem:s3], [sflag:$0x2] =	stream.linear.gather [hbm4b:s2+s3], $0xC380, $0x38;
	[tilespmem:$0x1F000] =	vst v63  }
0x13: {  	_ =	swait.ge [sflag:s14], $0xC380  }
0x14: {  	[sflag:s14] =	ssyncset.done $0x0  }
0x15: {  	[sflag:s14] =	ssyncadd.s32 $0xFFFF3C80  }
0x16: {  	[tilespmem:s15], [sflag:$0x1] =	stream.linear.gather [hbm4b:s4+s3], $0x4B00, $0x38;
	[tilespmem:$0x1F000] =	vst v63  }
0x17: {  	_ = 	snop  }
0x18: {  	[tilespmem:s16], [sflag:$0x1] =	stream.linear.gather [hbm4b:s5+s3], $0x4B00, $0x38;
	[tilespmem:$0x1F000] =	vst v63  }
0x19: {  	_ = 	snop  }
0x1a: {  	[tilespmem:s17], [sflag:$0x1] =	stream.linear.gather [hbm4b:s6+s3], $0x4B00, $0x38;
	[tilespmem:$0x1F000] =	vst v63  }
0x1b: {  	_ = 	snop  }
0x1c: {  	[tilespmem:s18], [sflag:$0x1] =	stream.linear.gather [hbm4b:s7+s3], $0x4B00, $0x38;
	[tilespmem:$0x1F000] =	vst v63  }
0x1d: {  	_ =	swait.ge [sflag:s19], $0x4B00  }
0x1e: {  	[sflag:s19] =	ssyncset.done $0x0  }
0x1f: {  	[sflag:s19] =	ssyncadd.s32 $0xFFFFB500  }
0x20: {  	_ =	swait.ge [sflag:s19], $0x4B00  }
0x21: {  	[sflag:s19] =	ssyncset.done $0x0  }
0x22: {  	[sflag:s19] =	ssyncadd.s32 $0xFFFFB500  }
0x23: {  	_ =	swait.ge [sflag:s19], $0x4B00  }
0x24: {  	[sflag:s19] =	ssyncset.done $0x0  }
0x25: {  	[sflag:s19] =	ssyncadd.s32 $0xFFFFB500  }
0x26: {  	_ =	swait.ge [sflag:s19], $0x4B00  }
0x27: {  	[sflag:s19] =	ssyncset.done $0x0  }
0x28: {  	s22 =	simm.s32 $0x0;
	[sflag:s19] =	ssyncadd.s32 $0xFFFFB500  }
0x29: {  	v4 =	vld [tilespmem:s22+$0xC390]  }
0x2a: {  	v5 =	vld [tilespmem:s22+$0x10E90]  }
0x2b: {  	v9 =	vld [tilespmem:s22+$0xC380]  }
0x2c: {  	v10 =	vld [tilespmem:s22+$0x10E80]  }
0x2d: {  	v2 =	vld [tilespmem:s22+$0x15990]  }
0x2e: {  	v1 =	vld [tilespmem:s22+$0x1A490]  }
0x2f: {  	v3 =	vld [tilespmem:s22+$0x15980]  }
0x30: {  	s23 =	simm.s32 $0x20;
	v6 =	vld [tilespmem:s22+$0x1A480]  }
0x31: {  	v13 =	vld [tilespmem:s23+$0xC390]  }
0x32: {  	v7 =	vld.idx.msk [tilespmem:v4+s3+$0x0], $0xffff  }
0x33: {  	v8 =	vld.idx.msk [tilespmem:v5+s3+$0x0], $0xffff  }
0x34: {  	v9 =	vld.idx.msk [tilespmem:v9+s3+$0x0], $0xffff  }
0x35: {  	v10 =	vld.idx.msk [tilespmem:v10+s3+$0x0], $0xffff  }
0x36: {  	v12 =	vld [tilespmem:s23+$0x10E90]  }
0x37: {  	v11 =	vld [tilespmem:s23+$0xC380];
	s22 =	simm.s32 $0x100;
	v5 =	vimm.s32 $0x0;
	v4 =	vimm.s32 $0x0  }
.LBB2_2:
0x38: {  	p0 =	sne.s32 s22, $0x12B80;
	v14 =	vld [tilespmem:s23+$0x10E80]  }
0x39: {  	vm2 =	vlt.f32 v2, v7;
	vm3 =	vlt.f32 v1, v8;
	v2 =	vld [tilespmem:s23+$0x15990]  }
0x3a: {  	vm4 =	vlt.f32 v3, v9;
	vm5 =	vlt.f32 v6, v10;
	vm6 =	vmand vm2, vm3;
	v1 =	vld [tilespmem:s23+$0x1A490]  }
0x3b: {  	vm2 =	vmxor vm2, vm3;
	vm7 =	vmand vm4, vm5;
	vm4 =	vmxor vm4, vm5;
	v3 =	vld [tilespmem:s23+$0x15980]  }
0x3c: {  	v10 =	vsel vm6, $0x1, v0;
	v8 =	vsel vm7, $0x1, v0;
	v9 =	vsel vm4, $0x1, v0;
	v6 =	vld [tilespmem:s23+$0x1A480]  }
0x3d: {  	v5 =	vadd.s32 v8, v5;
	v4 =	vadd.s32 v9, v4;
	v9 =	vsel vm2, $0x1, v0;
	v7 =	vld.idx.msk [tilespmem:v13+s3+$0x0], $0xffff  }
0x3e: {  	v5 =	vadd.s32 v10, v5;
	v4 =	vadd.s32 v9, v4;
	v8 =	vld.idx.msk [tilespmem:v12+s3+$0x0], $0xffff  }
.Ltmp0:
0x3f: {  	v9 =	vld.idx.msk [tilespmem:v11+s3+$0x0], $0xffff;
	(pc) =	sbr.rel @p0 .LBB2_2-.Ltmp0, $4  }
0x40: {  	s23 =	sshra.s32 s22, $0x2;
	v10 =	vld.idx.msk [tilespmem:v14+s3+$0x0], $0xffff  }
0x41: {  	v13 =	vld [tilespmem:s23+$0xC390]  }
0x42: {  	v12 =	vld [tilespmem:s23+$0x10E90]  }
0x43: {  	s22 =	sadd.s32 $0x80, s22;
	v11 =	vld [tilespmem:s23+$0xC380]  }
0x44: {  	_ = 	snop  }
0x45: {  	v14 =	vld [tilespmem:s23+$0x10E80]  }
0x46: {  	v15 =	vld [tilespmem:s23+$0x15990]  }
0x47: {  	v16 =	vld [tilespmem:s23+$0x1A490]  }
0x48: {  	v17 =	vld [tilespmem:s23+$0x15980]  }
0x49: {  	v18 =	vld [tilespmem:s23+$0x1A480]  }
0x4a: {  	v13 =	vld.idx.msk [tilespmem:v13+s3+$0x0], $0xffff  }
0x4b: {  	v12 =	vld.idx.msk [tilespmem:v12+s3+$0x0], $0xffff  }
0x4c: {  	s22 =	simm.s32 $0x0;
	v11 =	vld.idx.msk [tilespmem:v11+s3+$0x0], $0xffff  }
0x4d: {  	v14 =	vld.idx.msk [tilespmem:v14+s3+$0x0], $0xffff;
	[tilespmem:s15], [sflag:$0x1] =	stream.linear.gather [hbm4b:s8+s22], $0x4B00, $0x38  }
0x4e: {  	_ = 	snop  }
0x4f: {  	[tilespmem:s16], [sflag:$0x1] =	stream.linear.gather [hbm4b:s9+s22], $0x4B00, $0x38;
	[tilespmem:$0x1F000] =	vst v63  }
0x50: {  	_ = 	snop  }
0x51: {  	[tilespmem:s17], [sflag:$0x1] =	stream.linear.gather [hbm4b:s10+s22], $0x4B00, $0x38;
	[tilespmem:$0x1F000] =	vst v63  }
0x52: {  	_ = 	snop  }
0x53: {  	[tilespmem:s18], [sflag:$0x1] =	stream.linear.gather [hbm4b:s11+s22], $0x4B00, $0x38;
	[tilespmem:$0x1F000] =	vst v63  }
0x54: {  	_ =	swait.ge [sflag:s19], $0x4B00  }
0x55: {  	[sflag:s19] =	ssyncset.done $0x0  }
0x56: {  	[sflag:s19] =	ssyncadd.s32 $0xFFFFB500  }
0x57: {  	_ =	swait.ge [sflag:s19], $0x4B00  }
0x58: {  	[sflag:s19] =	ssyncset.done $0x0  }
0x59: {  	[sflag:s19] =	ssyncadd.s32 $0xFFFFB500  }
0x5a: {  	_ =	swait.ge [sflag:s19], $0x4B00  }
0x5b: {  	[sflag:s19] =	ssyncset.done $0x0  }
0x5c: {  	[sflag:s19] =	ssyncadd.s32 $0xFFFFB500  }
0x5d: {  	_ =	swait.ge [sflag:s19], $0x4B00  }
0x5e: {  	[sflag:s19] =	ssyncset.done $0x0  }
0x5f: {  	s31 =	simm.s32 $0x0;
	[sflag:s19] =	ssyncadd.s32 $0xFFFFB500  }
0x60: {  	v19 =	vld [tilespmem:s31+$0xC390]  }
0x61: {  	v20 =	vld [tilespmem:s31+$0x10E90]  }
0x62: {  	v21 =	vld [tilespmem:s31+$0xC380]  }
0x63: {  	vm3 =	vlt.f32 v6, v10;
	v6 =	vld [tilespmem:s31+$0x10E80]  }
0x64: {  	vm2 =	vlt.f32 v3, v9;
	vm5 =	vlt.f32 v2, v7;
	v3 =	vld [tilespmem:s31+$0x15990]  }
0x65: {  	vm4 =	vmand vm2, vm3;
	vm2 =	vmxor vm2, vm3;
	vm3 =	vlt.f32 v1, v8;
	v2 =	vld [tilespmem:s31+$0x1A490]  }
0x66: {  	v7 =	vsel vm4, $0x1, v0;
	v8 =	vsel vm2, $0x1, v0;
	vm2 =	vmand vm5, vm3;
	v1 =	vld [tilespmem:s31+$0x15980]  }
0x67: {  	vm3 =	vmxor vm5, vm3;
	v5 =	vadd.s32 v7, v5;
	v8 =	vadd.s32 v8, v4;
	s22 =	simm.s32 $0x20;
	v4 =	vld [tilespmem:s31+$0x1A480]  }
0x68: {  	v9 =	vsel vm2, $0x1, v0;
	v10 =	vsel vm3, $0x1, v0;
	vm13 =	vlt.f32 v17, v11;
	v11 =	vld [tilespmem:s22+$0xC390]  }
0x69: {  	v5 =	vadd.s32 v9, v5;
	vm3 =	vlt.f32 v15, v13;
	vm14 =	vlt.f32 v16, v12;
	v7 =	vld.idx.msk [tilespmem:v19+s3+$0x0], $0xffff  }
0x6a: {  	v10 =	vadd.s32 v10, v8;
	vm15 =	vmand vm3, vm14;
	vm2 =	vlt.f32 v18, v14;
	v8 =	vld.idx.msk [tilespmem:v20+s3+$0x0], $0xffff  }
0x6b: {  	vm3 =	vmxor vm3, vm14;
	vm6 =	vmand vm13, vm2;
	vm2 =	vmxor vm13, vm2;
	v9 =	vld.idx.msk [tilespmem:v21+s3+$0x0], $0xffff  }
0x6c: {  	v14 =	vsel vm15, $0x1, v0;
	v12 =	vsel vm2, $0x1, v0;
	v13 =	vld.idx.msk [tilespmem:v6+s3+$0x0], $0xffff;
	v6 =	vsel vm6, $0x1, v0  }
0x6d: {  	v5 =	vadd.s32 v6, v5;
	v6 =	vadd.s32 v12, v10;
	v10 =	vsel vm3, $0x1, v0;
	v12 =	vld [tilespmem:s22+$0x10E90]  }
0x6e: {  	s23 =	simm.s32 $0x100;
	v5 =	vadd.s32 v14, v5;
	v6 =	vadd.s32 v10, v6;
	v10 =	vld [tilespmem:s22+$0xC380]  }
.LBB2_4:
0x6f: {  	p0 =	sne.s32 s23, $0x12B80;
	v14 =	vld [tilespmem:s22+$0x10E80]  }
0x70: {  	vm2 =	vlt.f32 v3, v7;
	vm3 =	vlt.f32 v2, v8;
	v3 =	vld [tilespmem:s22+$0x15990]  }
0x71: {  	vm4 =	vlt.f32 v1, v9;
	vm5 =	vlt.f32 v4, v13;
	vm6 =	vmand vm2, vm3;
	v2 =	vld [tilespmem:s22+$0x1A490]  }
0x72: {  	vm2 =	vmxor vm2, vm3;
	vm7 =	vmand vm4, vm5;
	vm4 =	vmxor vm4, vm5;
	v1 =	vld [tilespmem:s22+$0x15980]  }
0x73: {  	v13 =	vsel vm6, $0x1, v0;
	v8 =	vsel vm7, $0x1, v0;
	v9 =	vsel vm4, $0x1, v0;
	v4 =	vld [tilespmem:s22+$0x1A480]  }
0x74: {  	v5 =	vadd.s32 v8, v5;
	v6 =	vadd.s32 v9, v6;
	v9 =	vsel vm2, $0x1, v0;
	v7 =	vld.idx.msk [tilespmem:v11+s3+$0x0], $0xffff  }
0x75: {  	v5 =	vadd.s32 v13, v5;
	v6 =	vadd.s32 v9, v6;
	v8 =	vld.idx.msk [tilespmem:v12+s3+$0x0], $0xffff  }
.Ltmp1:
0x76: {  	v9 =	vld.idx.msk [tilespmem:v10+s3+$0x0], $0xffff;
	(pc) =	sbr.rel @p0 .LBB2_4-.Ltmp1, $4  }
0x77: {  	s22 =	sshra.s32 s23, $0x2;
	v13 =	vld.idx.msk [tilespmem:v14+s3+$0x0], $0xffff  }
0x78: {  	v11 =	vld [tilespmem:s22+$0xC390]  }
0x79: {  	v12 =	vld [tilespmem:s22+$0x10E90]  }
0x7a: {  	s23 =	sadd.s32 $0x80, s23;
	v10 =	vld [tilespmem:s22+$0xC380]  }
0x7b: {  	_ = 	snop  }
0x7c: {  	v14 =	vld [tilespmem:s22+$0x10E80]  }
0x7d: {  	v15 =	vld [tilespmem:s22+$0x15990]  }
0x7e: {  	v16 =	vld [tilespmem:s22+$0x1A490]  }
0x7f: {  	v17 =	vld [tilespmem:s22+$0x15980]  }
0x80: {  	v18 =	vld [tilespmem:s22+$0x1A480]  }
0x81: {  	v11 =	vld.idx.msk [tilespmem:v11+s3+$0x0], $0xffff  }
0x82: {  	v12 =	vld.idx.msk [tilespmem:v12+s3+$0x0], $0xffff  }
0x83: {  	vm2 =	vlt.f32 v3, v7;
	v3 =	vld.idx.msk [tilespmem:v10+s3+$0x0], $0xffff  }
0x84: {  	vm3 =	vlt.f32 v2, v8;
	vm4 =	vlt.f32 v1, v9;
	vm5 =	vlt.f32 v4, v13;
	v1 =	vld.idx.msk [tilespmem:v14+s3+$0x0], $0xffff  }
0x85: {  	vm12 =	vmand vm2, vm3;
	vm2 =	vmxor vm2, vm3;
	vm6 =	vmand vm4, vm5  }
0x86: {  	vm4 =	vmxor vm4, vm5;
	v60 =	vsel vm12, $0x1, v0;
	v2 =	vsel vm6, $0x1, v0  }
0x87: {  	v61 =	vsel vm2, $0x1, v0;
	v59 =	vsel vm4, $0x1, v0;
	v2 =	vadd.s32 v2, v5  }
0x88: {  	v4 =	vadd.s32 v59, v6;
	v2 =	vadd.s32 v60, v2;
	vm2 =	vlt.f32 v15, v11  }
0x89: {  	vm3 =	vlt.f32 v16, v12;
	vm13 =	vlt.f32 v17, v3;
	vm14 =	vlt.f32 v18, v1  }
0x8a: {  	vm15 =	vmand vm2, vm3;
	vm2 =	vmxor vm2, vm3;
	vm7 =	vmand vm13, vm14  }
0x8b: {  	v63 =	vsel vm15, $0x1, v0;
	vm4 =	vmxor vm13, vm14;
	v3 =	vsel vm7, $0x1, v0  }
0x8c: {  	v1 =	vadd.s32 v61, v4;
	v62 =	vsel vm4, $0x1, v0;
	v2 =	vadd.s32 v3, v2  }
0x8d: {  	v1 =	vadd.s32 v62, v1;
	v3 =	vsel vm2, $0x1, v0;
	v2 =	vadd.s32 v63, v2  }
0x8e: {  	v1 =	vadd.s32 v3, v1;
	(xrf0) =	vadd.scan.msk.s32 $0xffff, v2  }
0x8f: {  	(xrf0) =	vadd.scan.msk.s32 $0xffff, v1;
	_ =	sdelay $0x4  }
0x90: {  	v1, _, _ =	vpop (xrf0)  }
0x91: {  	v2, _, _ =	vpop (xrf0)  }
0x92: {  	v2 =	vbroadcast v2, $0xF  }
0x93: {  	v1 =	vbroadcast v1, $0xF  }
0x94: {  	s21 =	sadd.s32 $0x1, s21;
	v2 =	vnsel vm0, $0x0, v2  }
0x95: {  	p0 =	sne.s32 s21, s13;
	v1 =	vsel vm1, v2, v1  }
.Ltmp2:
0x96: {  	[tilespmem:$0x1EF80] =	vst v1;
	(pc) =	sbr.rel @p0 .LBB2_1-.Ltmp2, $4  }
0x97: {  	[hbm4b:s12+s3] =	stream.linear.scatter [tilespmem:s20], [sflag:$0x2], $0x80, $0x38;
	[tilespmem:$0x1F000] =	vst v63  }
0x98: {  	_ =	swait.ge [sflag:s14], $0x80  }
0x99: {  	[sflag:s14] =	ssyncset.done $0x0  }
0x9a: {  	[sflag:s14] =	ssyncadd.s32 $0xFFFFFF80  }
0x9b: {  	_ =	sfence.sel $0x180000  }
0x9c: {  	[bflag:$0x0] =	sbarrier.arrive $0xFFFF  }
0x9d: {  	p0 =	sne.s32 s1, $0x0;
	_ =	strace $0x90000047  }
0x9e: {  	s0 =	sadd.s32 @!p0 $0x100000, s0;
	[bflag:$0x2] =	sbarrier.arrive $0xFFFF  }
0x9f: {  	[sflag:s0] =	ssyncadd.tile.s32 @!p0 $0x1;
	_ =	shalt  }
.Lfunc_end2:
_tile_overlayer_lowered:
.L_overlay_start_2:
0xa0: {  	(tag) =	ssettag $0x2  }
0xa1: {  	s0 =	rddreg [dreg:$0x0];
	s2 =	stileid.u32  }
0xa2: {  	s1 =	rddreg [dreg:$0x1];
	p0 =	sne.s32 s2, $0x0  }
0xa3: {  	s3 =	rddreg [dreg:$0x2];
	[bflag:$0x3] =	sbarrier.arrive $0xFFFF;
	s2 =	simm.s32 @!p0 $0x1C02  }
0xa4: {  	[timem:s3], [sflag:s2] =	dma.local @!p0 [hbm:s0], s1  }
0xa5: {  	s0 =	simm.s32 @!p0 $0x2  }
0xa6: {  	_ =	swait.ge @!p0 [sflag:s0], s1  }
0xa7: {  	s1 =	ssub.s32 @!p0 $0x0, s1;
	[sflag:s0] =	ssyncset.done @!p0 $0x0  }
0xa8: {  	[sflag:s0] =	ssyncadd.s32 @!p0 s1  }
0xa9: {  	[bflag:$0x3] =	sbarrier.arrive $0xFFFF  }
0xaa: {  	_ =	shalt  }

// kernel: kernel.8.cloned.1.call-start
scs
__scs_entry_jumppad:
0x0: {  	(pc) =	sbr.rel $0x88, $3  }
0x1: {  	(tag) =	ssettag $0x0;
	lr =	simm.s32 $0x1  }
0x2: {  	[smem:$0x3F9E] =	sst lr;
	_ =	strace $0xD0000000  }
0x3: {  	_ = 	snop  }
0x4: {  	_ = 	snop  }
0x5: {  	_ = 	snop  }
0x6: {  	_ = 	snop  }
0x7: {  	_ = 	snop  }
__scs_overlays_trampoline_lowered:
0x8: {  	[smem:$0x3FAD] =	sst s0  }
0x9: {  	[smem:$0x3FAE] =	sst s1  }
0xa: {  	[smem:$0x3FAF] =	sst s2  }
0xb: {  	[smem:$0x3FB0] =	sst s3  }
0xc: {  	[smem:$0x3FB1] =	sst s4  }
0xd: {  	[smem:$0x3FB2] =	sst s5  }
0xe: {  	[smem:$0x3FB3] =	sst s6  }
0xf: {  	[smem:$0x3FB4] =	sst s7  }
0x10: {  	[smem:$0x3FB5] =	sst s8  }
0x11: {  	[smem:$0x3FB6] =	sst s9;
	s0 =	simm.s32 @!p0 $0x0  }
0x12: {  	s1 =	sld [smem:$0x3F9C];
	s0 =	simm.s32 @p0 $0x1  }
0x13: {  	[smem:$0x3FB7] =	sst s0;
	s0 =	simm.s32 @!p1 $0x0  }
0x14: {  	s2 =	sld [smem:$0x3F9B];
	s0 =	simm.s32 @p1 $0x1  }
0x15: {  	[smem:$0x3FB8] =	sst s0;
	s0 =	simm.s32 @!p2 $0x0  }
0x16: {  	s3 =	sld [smem:$0x3FDB];
	s0 =	simm.s32 @p2 $0x1  }
0x17: {  	s4 =	simm.s32 $0x1BF5;
	[smem:$0x3FBA] =	sst s0  }
0x18: {  	s0 =	sld [smem:$0x3F9D];
	_ =	swait.ge [sflag:s4], $0x0  }
0x19: {  	s7 =	sld [smem:$0x3F9E]  }
0x1a: {  	s8 =	sadd.s32 $0xFFFFE003, lr  }
0x1b: {  	s9 =	sadd.s32 $0xFFFFFEF7, lr;
	s5 =	simm.s32 $0xFFFFFFFF;
	p2 =	slt.u32 s8, $0xFFFFF086  }
0x1c: {  	p1 =	slt.u32 s9, $0xF7A;
	s5 =	simm.s32 @!p2 $0x0  }
0x1d: {  	s5 =	simm.s32 @p1 $0x1;
	p0 =	seq.s32 s7, s2  }
0x1e: {  	s7 =	smul.u32 @!p0 $0xF7A, s2;
	p2 =	seq.s32 @!p0 s5, $0x0  }
0x1f: {  	s9 =	smul.u32 $0xF7A, s1;
	s8 =	simm.s32 @!p0 $0x1BF5;
	p2 =	por !p2, p0  }
0x20: {  	[sflag:s8] =	ssyncset.s32 @!p0 $0xFFFFF086;
	s6 =	sadd.s32 @!p0 s3, s7;
	s7 =	simm.s32 @!p0 $0x108  }
0x21: {  	s3 =	sadd.s32 s3, s9;
	s6 =	sadd.s32 @!p0 $0x88, s6;
	s7 =	simm.s32 @p2 $0x1082  }
0x22: {  	[simem:s7], [sflag:s8] =	dma.local @!p0 [hbm:s6], $0xF7A  }
0x23: {  	s9 =	sor.u32 $0xD0000000, s2;
	s6 =	simm.s32 $0x108;
	_ =	swait.ge @!p0 [sflag:s8], $0x0  }
0x24: {  	s3 =	sadd.s32 $0x88, s3;
	s6 =	simm.s32 @!p1 $0x1082;
	[sflag:s4] =	ssyncset.s32 $0xFFFFF086  }
0x25: {  	[simem:s6], [sflag:s4] =	dma.local [hbm:s3], $0xF7A  }
0x26: {  	[smem:$0x3F9E] =	sst s1;
	(tag) =	ssettag s2;
	_ =	strace s9  }
0x27: {  	s1 =	sld [smem:$0x3FAE]  }
0x28: {  	s2 =	sld [smem:$0x3FAF]  }
0x29: {  	s4 =	sld [smem:$0x3FB1]  }
0x2a: {  	p0 =	seq.s32 s5, $0x0;
	s5 =	sld [smem:$0x3FB2]  }
0x2b: {  	s6 =	sld [smem:$0x3FB3]  }
0x2c: {  	s7 =	sld [smem:$0x3FB4]  }
0x2d: {  	s3 =	simm.s32 $0x108;
	s8 =	sld [smem:$0x3FB5]  }
0x2e: {  	s3 =	simm.s32 @!p0 $0x1082;
	s9 =	sld [smem:$0x3FB6]  }
0x2f: {  	lr =	sadd.s32 s0, s3;
	s0 =	sld [smem:$0x3FAD]  }
0x30: {  	s3 =	sld [smem:$0x3FB0]  }
0x31: {  	[smem:$0x3FB9] =	sst s10  }
0x32: {  	s10 =	sld [smem:$0x3FB7];
	_ =	sdelay $0x3  }
0x33: {  	p0 =	seq.s32 s10, $0x1;
	s10 =	sld [smem:$0x3FB9];
	_ =	sdelay $0x3  }
0x34: {  	[smem:$0x3FB9] =	sst s10  }
0x35: {  	s10 =	sld [smem:$0x3FB8];
	_ =	sdelay $0x3  }
0x36: {  	p1 =	seq.s32 s10, $0x1;
	s10 =	sld [smem:$0x3FB9];
	_ =	sdelay $0x3  }
0x37: {  	[smem:$0x3FB9] =	sst s10  }
0x38: {  	s10 =	sld [smem:$0x3FBA]  }
0x39: {  	_ = 	snop;
	(pc) =	sbr.ind lr, $3  }
0x3a: {  	_ = 	snop  }
0x3b: {  	_ = 	snop  }
0x3c: {  	p2 =	seq.s32 s10, $0x1;
	s10 =	sld [smem:$0x3FB9]  }
0x3d: {  	_ =	shalt  }
0x3e: {  	_ =	shalt  }
0x3f: {  	_ =	shalt  }
0x40: {  	_ =	shalt  }
0x41: {  	_ =	shalt  }
0x42: {  	_ =	shalt  }
0x43: {  	_ =	shalt  }
0x44: {  	_ =	shalt  }
0x45: {  	_ =	shalt  }
0x46: {  	_ =	shalt  }
0x47: {  	_ =	shalt  }
0x48: {  	_ =	shalt  }
0x49: {  	_ =	shalt  }
0x4a: {  	_ =	shalt  }
0x4b: {  	_ =	shalt  }
0x4c: {  	_ =	shalt  }
0x4d: {  	_ =	shalt  }
0x4e: {  	_ =	shalt  }
0x4f: {  	_ =	shalt  }
0x50: {  	_ =	shalt  }
0x51: {  	_ =	shalt  }
0x52: {  	_ =	shalt  }
0x53: {  	_ =	shalt  }
0x54: {  	_ =	shalt  }
0x55: {  	_ =	shalt  }
0x56: {  	_ =	shalt  }
0x57: {  	_ =	shalt  }
0x58: {  	_ =	shalt  }
0x59: {  	_ =	shalt  }
0x5a: {  	_ =	shalt  }
0x5b: {  	_ =	shalt  }
0x5c: {  	_ =	shalt  }
0x5d: {  	_ =	shalt  }
0x5e: {  	_ =	shalt  }
0x5f: {  	_ =	shalt  }
0x60: {  	_ =	shalt  }
0x61: {  	_ =	shalt  }
0x62: {  	_ =	shalt  }
0x63: {  	_ =	shalt  }
0x64: {  	_ =	shalt  }
0x65: {  	_ =	shalt  }
0x66: {  	_ =	shalt  }
0x67: {  	_ =	shalt  }
0x68: {  	_ =	shalt  }
0x69: {  	_ =	shalt  }
0x6a: {  	_ =	shalt  }
0x6b: {  	_ =	shalt  }
0x6c: {  	_ =	shalt  }
0x6d: {  	_ =	shalt  }
0x6e: {  	_ =	shalt  }
0x6f: {  	_ =	shalt  }
0x70: {  	_ =	shalt  }
0x71: {  	_ =	shalt  }
0x72: {  	_ =	shalt  }
0x73: {  	_ =	shalt  }
0x74: {  	_ =	shalt  }
0x75: {  	_ =	shalt  }
0x76: {  	_ =	shalt  }
0x77: {  	_ =	shalt  }
0x78: {  	_ =	shalt  }
0x79: {  	_ =	shalt  }
0x7a: {  	_ =	shalt  }
0x7b: {  	_ =	shalt  }
0x7c: {  	_ =	shalt  }
0x7d: {  	_ =	shalt  }
0x7e: {  	_ =	shalt  }
0x7f: {  	_ =	shalt  }
0x80: {  	_ =	shalt  }
0x81: {  	_ =	shalt  }
0x82: {  	_ =	shalt  }
0x83: {  	_ =	shalt  }
0x84: {  	_ =	shalt  }
0x85: {  	_ =	shalt  }
0x86: {  	_ =	shalt  }
0x87: {  	_ =	shalt  }
.Lfunc_end0:
.L_simem_size_0:
called_computation.1_lowered:
.L_overlay_start_0:
0x88: {  	s2 =	sld [smem:$0x3FD9]  }
0x89: {  	s3 =	sld [smem:$0x3FFE];
	_ =	sdelay $0x1  }
0x8a: {  	s1 =	srdreg.scid  }
0x8b: {  	s0 =	sand.u32 $0x1, s1  }
0x8c: {  	s14 =	sshll.u32 s0, $0xA;
	s2 =	sadd.s32 s3, s2  }
0x8d: {  	s2 =	sadd.s32 s2, s14  }
0x8e: {  	[smem:$0x3FC5] =	sst s2  }
0x8f: {  	_ = 	snop  }
0x90: {  	s2 =	sld [smem:$0x3FD0];
	_ =	sdelay $0x2  }
0x91: {  	s4 =	simm.s32 $0xA;
	s5 =	simm.s32 $0x10;
	s15 =	sld [smem:$0x3FC8]  }
0x92: {  	[smem:s5], [sflag:s4] =	dma.local [hbm:s2], $0x1  }
0x93: {  	_ =	swait.eq [sflag:s4], $0x1  }
0x94: {  	[sflag:s4] =	ssyncset.done $0x0  }
0x95: {  	[sflag:s4] =	ssyncadd.s32 $0xFFFFFFFF  }
0x96: {  	s16 =	sld [smem:$0x11];
	(tm) =	ssettm $0x1  }
0x97: {  	s17 =	sld [smem:$0x3FFB];
	_ =	sdelay $0x3  }
0x98: {  	_ =	strace s17  }
0x99: {  	s4 =	sld [smem:$0x3FFC];
	_ =	sdelay $0x3  }
0x9a: {  	_ =	strace s4  }
0x9b: {  	s4 =	sld [smem:$0x3FFD];
	_ =	sdelay $0x3  }
0x9c: {  	_ =	strace s4  }
0x9d: {  	_ =	strace $0x8FFFFFFF  }
0x9e: {  	s18 =	sld [smem:$0x3FDB];
	_ =	sdelay $0x1  }
0x9f: {  	s19 =	simm.s32 $_scs_section_size  }
0xa0: {  	s6 =	simm.s32 $_size__tile_overlayer_lowered;
	s7 =	simm.s32 $_tile_overlayer_lowered  }
0xa1: {  	s22 =	simm.s32 $0x1BFF;
	s21 =	sshll.u32 s7, $0x1;
	s4 =	sadd.s32 s19, s18  }
0xa2: {  	s8 =	simm.s32 $0x0;
	s20 =	sshll.u32 s6, $0x1;
	s6 =	sadd.s32 s21, s4  }
0xa3: {  	[timem:s8], [sflag:s22] =	dma.local [hbm:s6], s20  }
0xa4: {  	_ =	swait.ge [sflag:s22], s20  }
0xa5: {  	s5 =	ssub.s32 $0x0, s20;
	[sflag:s22] =	ssyncset.done $0x0  }
0xa6: {  	[sflag:s22] =	ssyncadd.s32 s5;
	_ =	sdelay $0x1  }
0xa7: {  	s23 =	simm.s32 $0x1B8B  }
0xa8: {  	_ =	swait.ge [sflag:s23], $0x1  }
0xa9: {  	[sflag:s23] =	ssyncset.done $0x0  }
0xaa: {  	s25 =	simm.s32 $0x1B8E;
	s24 =	sld [smem:$0x3FFE];
	[sflag:s23] =	ssyncadd.s32 $0xFFFFFFFF  }
0xab: {  	s26 =	simm.s32 $execute0_lowered;
	[smem:$0x3FD2] =	sst s25  }
0xac: {  	s6 =	sshll.u32 s26, $0x1;
	_ =	strace $0x80000049;
	[dreg:$0x1] =	wrdreg $0xFFFFFFFF  }
0xad: {  	s28 =	simm.s32 $_size_execute0_lowered;
	s4 =	sadd.s32 s4, s6;
	[dreg:$0x0] =	wrdreg $0x0  }
0xae: {  	s6 =	sshll.u32 s28, $0x1;
	[dreg:$0x2] =	wrdreg s4  }
0xaf: {  	[dreg:$0x3] =	wrdreg s6  }
0xb0: {  	[dreg:$0x4] =	wrdreg $0xC0  }
0xb1: {  	_ =	task [dreg:s8], $0x5FFFF  }
0xb2: {  	[dreg:$0x1] =	wrdreg $0xFFFFFFFF  }
0xb3: {  	[dreg:$0x0] =	wrdreg $0x60  }
0xb4: {  	[dreg:$0x2] =	wrdreg s24  }
0xb5: {  	[dreg:$0x3] =	wrdreg s15  }
0xb6: {  	[dreg:$0x4] =	wrdreg s16  }
0xb7: {  	[dreg:$0x5] =	wrdreg $0x9  }
0xb8: {  	_ =	task.clear_ibuf [dreg:s8], $0x6FFFF;
	_ =	strace $0x90000049  }
0xb9: {  	s29 =	simm.s32 $0x9;
	_ =	strace $0x8000004B  }
0xba: {  	_ =	swait.ge [sflag:s29], $0x1  }
0xbb: {  	[sflag:s29] =	ssyncadd.s32 $0xFFFFFFFF  }
0xbc: {  	_ =	strace $0x9000004B  }
0xbd: {  	_ =	sfence  }
0xbe: {  	s30 =	sld [smem:$0x0];
	_ =	sdelay $0x2  }
0xbf: {  	s31 =	sshll.u32 s1, $0xD;
	s1 =	sshrl.u32 s1, $0x2  }
0xc0: {  	s3 =	sand.u32 $0x4000, s31;
	s1 =	sadd.s32 s1, s30  }
0xc1: {  	s0 =	sor.u32 s3, s0;
	s1 =	sshll.u32 s1, $0x11  }
0xc2: {  	s0 =	sor.u32 s1, s0  }
0xc3: {  	s0 =	sadd.s32 $0x8F2B, s0  }
0xc4: {  	[sflag:s0] =	ssyncadd.remote.s32 $0x1  }
0xc5: {  	_ =	sfence.sel $0xFFFF  }
0xc6: {  	[dreg:$0x0] =	wrdreg $0xFFFFFFFF;
	(pc) =	sbr.abs _section_cstart, $3  }
0xc7: {  	[dreg:$0x1] =	wrdreg $0xFFFFFFFF  }
0xc8: {  	_ =	task.clear_ibuf [dreg:s8], $0x2FFFF;
	_ =	strace $0x9FFFFFFF  }
0xc9: {  	(tm) =	ssettm $0x7FFFFFFF  }
tec
execute0_lowered:
.L_overlay_start_1:
0x0: {  	(tag) =	ssettag $0x1  }
0x1: {  	s0 =	rddreg [dreg:$0x0]  }
0x2: {  	s3 =	simm.s32 $0x0;
	s25 =	srdreg.scid;
	s6 =	stileid.u32  }
0x3: {  	[smem:$0x7FF] =	sst s3;
	s1 =	sadd.s32 $0xBE800, s0;
	s24 =	sadd.s32 $0x99000, s0  }
0x4: {  	_ =	strace $0x8000004A;
	[dreg:$0x4] =	wrdreg s1;
	s1 =	sand.u32 $0x1, s25  }
0x5: {  	s2 =	sadd.s32 $0x73800, s0;
	s26 =	sadd.s32 $0x28800, s0;
	s28 =	ssub.s32 $0x2, s1  }
0x6: {  	s4 =	sshll.u32 s6, $0x1;
	s5 =	sadd.s32 $0xE4000, s0;
	s29 =	sshrl.u32 s28, $0x1  }
0x7: {  	s0 =	sadd.s32 $0xE4200, s0;
	s1 =	sor.u32 s1, s4;
	s30 =	ssub.s32 s28, s29  }
0x8: {  	[dreg:$0x9] =	wrdreg s0;
	p0 =	seq.s32 s1, $0x1F;
	s0 =	smax.u32 s30, $0x1  }
0x9: {  	[dreg:$0xc] =	wrdreg s0;
	s0 =	simm.s32 @!p0 $0x0  }
0xa: {  	s0 =	simm.s32 @p0 $0x1;
	p0 =	sgt.u32 s1, $0x1C  }
0xb: {  	[smem:$0x7E5] =	sst s0;
	s0 =	simm.s32 @!p0 $0x0  }
0xc: {  	s0 =	simm.s32 @p0 $0x1;
	p0 =	sgt.u32 s1, $0x1A  }
0xd: {  	[smem:$0x7E6] =	sst s0;
	s0 =	simm.s32 @!p0 $0x0  }
0xe: {  	s0 =	simm.s32 @p0 $0x1;
	p0 =	sgt.u32 s1, $0x18  }
0xf: {  	[smem:$0x7E7] =	sst s0;
	s0 =	simm.s32 @!p0 $0x0  }
0x10: {  	s0 =	simm.s32 @p0 $0x1;
	p0 =	sgt.u32 s1, $0x16  }
0x11: {  	[smem:$0x7E8] =	sst s0;
	s0 =	simm.s32 @!p0 $0x0  }
0x12: {  	s0 =	simm.s32 @p0 $0x1;
	p0 =	sgt.u32 s1, $0x14  }
0x13: {  	[smem:$0x7E9] =	sst s0;
	s0 =	simm.s32 @!p0 $0x0  }
0x14: {  	s0 =	simm.s32 @p0 $0x1;
	p0 =	sgt.u32 s1, $0x12  }
0x15: {  	[smem:$0x7EA] =	sst s0;
	s0 =	simm.s32 @!p0 $0x0  }
0x16: {  	s0 =	simm.s32 @p0 $0x1;
	p0 =	sgt.u32 s1, $0x10  }
0x17: {  	[smem:$0x7EB] =	sst s0;
	s0 =	simm.s32 @!p0 $0x0  }
0x18: {  	s0 =	simm.s32 @p0 $0x1;
	p0 =	sgt.u32 s1, $0xE  }
0x19: {  	[smem:$0x7EC] =	sst s0;
	s0 =	simm.s32 @!p0 $0x0  }
0x1a: {  	s0 =	simm.s32 @p0 $0x1;
	p0 =	sgt.u32 s1, $0xC  }
0x1b: {  	[smem:$0x7ED] =	sst s0;
	s0 =	simm.s32 @!p0 $0x0  }
0x1c: {  	s0 =	simm.s32 @p0 $0x1;
	p0 =	sgt.u32 s1, $0xA  }
0x1d: {  	[smem:$0x7EE] =	sst s0;
	s0 =	simm.s32 @!p0 $0x0  }
0x1e: {  	s0 =	simm.s32 @p0 $0x1;
	p0 =	sgt.u32 s1, $0x8  }
0x1f: {  	[smem:$0x7EF] =	sst s0;
	s0 =	simm.s32 @!p0 $0x0  }
0x20: {  	s0 =	simm.s32 @p0 $0x1;
	p0 =	sgt.u32 s1, $0x6  }
0x21: {  	[smem:$0x7F0] =	sst s0;
	s0 =	simm.s32 @!p0 $0x0  }
0x22: {  	s0 =	simm.s32 @p0 $0x1;
	p0 =	sgt.u32 s1, $0x4  }
0x23: {  	[smem:$0x7F1] =	sst s0;
	s0 =	simm.s32 @!p0 $0x0  }
0x24: {  	s0 =	simm.s32 @p0 $0x1;
	p0 =	sgt.u32 s1, $0x2  }
0x25: {  	[smem:$0x7F2] =	sst s0;
	s0 =	simm.s32 @!p0 $0x0  }
0x26: {  	s0 =	simm.s32 @p0 $0x1;
	p0 =	seq.s32 s1, $0x0  }
0x27: {  	s10 =	simm.s32 $0x1;
	[smem:$0x7F3] =	sst s0;
	s0 =	simm.s32 @!p0 $0x0  }
0x28: {  	s21 =	simm.s32 $0x13780;
	s0 =	simm.s32 @p0 $0x1;
	p0 =	seq.s32 s6, $0xF  }
0x29: {  	s22 =	simm.s32 $0x18400;
	[smem:$0x7F4] =	sst s0;
	s0 =	simm.s32 @!p0 $0x0  }
0x2a: {  	s23 =	simm.s32 $0x15100;
	s0 =	simm.s32 @p0 $0x1;
	p0 =	sgt.u32 s6, $0xD  }
0x2b: {  	p4 =	sgt.u32 s6, $0x5;
	[smem:$0x7F5] =	sst s0;
	s0 =	simm.s32 @!p0 $0x0  }
0x2c: {  	[dreg:$0x5] =	wrdreg s24;
	s0 =	simm.s32 @p0 $0x1;
	p0 =	sgt.u32 s6, $0xC  }
0x2d: {  	p5 =	sgt.u32 s6, $0x4;
	[smem:$0x7F6] =	sst s0;
	s0 =	simm.s32 @!p0 $0x0  }
0x2e: {  	[dreg:$0x6] =	wrdreg s2;
	s0 =	simm.s32 @p0 $0x1;
	p0 =	sgt.u32 s6, $0xB  }
0x2f: {  	p6 =	sgt.u32 s6, $0x3;
	[smem:$0x7F7] =	sst s0;
	s0 =	simm.s32 @!p0 $0x0  }
0x30: {  	[dreg:$0x7] =	wrdreg s26;
	s0 =	simm.s32 @p0 $0x1;
	p0 =	sgt.u32 s6, $0xA  }
0x31: {  	p1 =	sgt.u32 s6, $0x1;
	[smem:$0x7F8] =	sst s0;
	s0 =	simm.s32 @!p0 $0x0  }
0x32: {  	[dreg:$0x8] =	wrdreg s5;
	s0 =	simm.s32 @p0 $0x1;
	p0 =	sgt.u32 s6, $0x9  }
0x33: {  	p2 =	seq.s32 s6, $0x0;
	[smem:$0x7F9] =	sst s0;
	s0 =	simm.s32 @!p0 $0x0  }
0x34: {  	s24 =	simm.s32 $0x19D80;
	s0 =	simm.s32 @p0 $0x1;
	p0 =	sgt.u32 s6, $0x8  }
0x35: {  	s25 =	simm.s32 $0x16A80;
	[smem:$0x7FA] =	sst s0;
	s0 =	simm.s32 @!p0 $0x0  }
0x36: {  	s4 =	smul.u32 $0x9600, s1;
	s0 =	simm.s32 @p0 $0x1;
	p0 =	sgt.u32 s6, $0x7  }
0x37: {  	s31 =	sshll.u32 s1, $0xC;
	[smem:$0x7FB] =	sst s0;
	s0 =	simm.s32 @!p0 $0x0  }
0x38: {  	[dreg:$0xa] =	wrdreg s4;
	s0 =	simm.s32 @p0 $0x1;
	p0 =	sgt.u32 s6, $0x6  }
0x39: {  	v0 =	vlaneseq.u32;
	v2 =	vimm.s32 $0x0;
	s2 =	sadd.s32 $0x12C000, s31;
	[smem:$0x7FC] =	sst s0;
	s0 =	simm.s32 @!p0 $0x0  }
0x3a: {  	vm0 =	vmmov $0xff;
	vm1 =	vcmask $0x3F20;
	vm2 =	vmxor vm2, vm2;
	s26 =	simm.s32 $0x1B700;
	[dreg:$0xb] =	wrdreg s2;
	s0 =	simm.s32 @p0 $0x1  }
0x3b: {  	vm3 =	vmmov $0xffff;
	v3 =	vand.u32 $0x7, v0;
	v1 =	vor.u32 s2, v0;
	s1 =	simm.s32 $0x0;
	p0 =	sgt.u32 s6, $0x2;
	[smem:$0x7FD] =	sst s0  }
.LBB2_1:
0x3c: {  	[dreg:$0xd] =	wrdreg s1  }
0x3d: {  	s0 =	rddreg [dreg:$0x1];
	s16 =	simm.s32 $0x2  }
0x3e: {  	[tilespmem:s3], [sflag:$0x2] =	stream.linear.gather [hbm4b:s0+s3], $0xC380, $0x38;
	[tilespmem:$0x1D480] =	vst v63  }
0x3f: {  	_ =	swait.ge [sflag:s16], $0xC380  }
0x40: {  	[sflag:s16] =	ssyncset.done $0x0  }
0x41: {  	s2 =	simm.s32 $0x12780;
	s17 =	rddreg [dreg:$0x8];
	[sflag:s16] =	ssyncadd.s32 $0xFFFF3C80  }
0x42: {  	[tilespmem:s2], [sflag:$0x2] =	stream.linear.gather [hbm4b:s17+s3], $0x1000, $0x38;
	[tilespmem:$0x1D480] =	vst v63  }
0x43: {  	_ =	swait.ge [sflag:s16], $0x1000  }
0x44: {  	[sflag:s16] =	ssyncset.done $0x0  }
0x45: {  	[sflag:s16] =	ssyncadd.s32 $0xFFFFF000  }
0x46: {  	v4 =	vld [tilespmem:$0x12780];
	_ =	sdelay $0x1  }
0x47: {  	v5 =	vld [tilespmem:$0x12800];
	_ =	sdelay $0x2  }
0x48: {  	v6 =	vld [tilespmem:$0x12880];
	(v2sf) =	vpush v4, $0x0  }
0x49: {  	(v2sf) =	vpush v4, $0x1  }
0x4a: {  	(v2sf) =	vpush v5, $0x0  }
0x4b: {  	v4 =	vld [tilespmem:$0x12900];
	(v2sf) =	vpush v5, $0x1;
	_ =	sdelay $0x1  }
0x4c: {  	(v2sf) =	vpush v6, $0x0  }
0x4d: {  	v5 =	vld [tilespmem:$0x12980];
	(v2sf) =	vpush v6, $0x1;
	_ =	sdelay $0x1  }
0x4e: {  	(v2sf) =	vpush v4, $0x0  }
0x4f: {  	v59 =	vld [tilespmem:$0x12A00];
	(v2sf) =	vpush v4, $0x1;
	_ =	sdelay $0x1  }
0x50: {  	(v2sf) =	vpush v5, $0x0  }
0x51: {  	s7 =	sld [smem:$0x7F4]  }
0x52: {  	s19 =	sld [smem:$0x7F3];
	v4 =	vld [tilespmem:$0x12A80];
	(v2sf) =	vpush v5, $0x1  }
0x53: {  	s30 =	sld [smem:$0x7F2];
	(v2sf) =	vpush v59, $0x0  }
0x54: {  	s14 =	sld [smem:$0x7FD];
	s18 =	spop (v2sf)  }
0x55: {  	p3 =	seq.s32 s7, $0x1;
	(v2sf) =	vpush v59, $0x1;
	s29 =	spop (v2sf);
	s5 =	smov.u32 s18  }
0x56: {  	s15 =	sld [smem:$0x7ED];
	v5 =	vld [tilespmem:$0x12B00];
	s1 =	spop (v2sf);
	s5 =	simm.s32 @p3 $0x0  }
0x57: {  	(v2sf) =	vpush v4, $0x0;
	s7 =	smov.u32 s29;
	s8 =	spop (v2sf);
	s0 =	sadd.s32 s18, s1  }
0x58: {  	s1 =	simm.s32 @p2 $0x0;
	s7 =	simm.s32 @p3 $0x0;
	p3 =	seq.s32 s19, $0x1  }
0x59: {  	v60 =	vld [tilespmem:$0x12B80];
	(v2sf) =	vpush v4, $0x1;
	s2 =	spop (v2sf);
	s1 =	sadd.s32 s5, s1;
	s5 =	smov.u32 s8  }
0x5a: {  	[dreg:$0x16] =	wrdreg s8;
	s9 =	spop (v2sf);
	s5 =	simm.s32 @p2 $0x0  }
0x5b: {  	v4 =	vld [tilespmem:$0x12C00];
	(v2sf) =	vpush v5, $0x0;
	s0 =	sadd.s32 s2, s0;
	s2 =	simm.s32 @!p3 $0x0;
	[dreg:$0x17] =	wrdreg s9  }
0x5c: {  	(v2sf) =	vpush v5, $0x1;
	s4 =	spop (v2sf);
	s5 =	sadd.s32 s7, s5;
	s7 =	smov.u32 s9  }
0x5d: {  	s1 =	sadd.s32 s2, s1;
	s11 =	spop (v2sf);
	s7 =	simm.s32 @!p3 $0x0  }
0x5e: {  	(v2sf) =	vpush v60, $0x0;
	s0 =	sadd.s32 s4, s0;
	s4 =	simm.s32 @!p1 $0x0;
	p3 =	seq.s32 s30, $0x1  }
0x5f: {  	v5 =	vld [tilespmem:$0x12C80];
	(v2sf) =	vpush v60, $0x1;
	[dreg:$0x19] =	wrdreg s11;
	s6 =	spop (v2sf);
	s20 =	sadd.s32 s7, s5  }
0x60: {  	(v2sf) =	vpush v4, $0x0;
	s5 =	smov.u32 s11;
	s1 =	sadd.s32 s4, s1;
	s11 =	sld [smem:$0x7EF]  }
0x61: {  	s12 =	spop (v2sf);
	s5 =	simm.s32 @!p1 $0x0;
	s0 =	sadd.s32 s6, s0  }
0x62: {  	v61 =	vld [tilespmem:$0x12D00];
	(v2sf) =	vpush v4, $0x1;
	s6 =	simm.s32 @!p3 $0x0;
	[dreg:$0x1b] =	wrdreg s12;
	s8 =	spop (v2sf)  }
0x63: {  	s2 =	sadd.s32 s5, s20;
	s1 =	sadd.s32 s6, s1;
	s5 =	smov.u32 s12  }
0x64: {  	(v2sf) =	vpush v5, $0x0;
	s20 =	sld [smem:$0x7FC];
	s13 =	spop (v2sf);
	s5 =	simm.s32 @!p3 $0x0  }
0x65: {  	v4 =	vld [tilespmem:$0x12D80];
	(v2sf) =	vpush v5, $0x1;
	s0 =	sadd.s32 s8, s0;
	s8 =	simm.s32 @!p0 $0x0;
	[dreg:$0x1c] =	wrdreg s13  }
0x66: {  	s9 =	spop (v2sf);
	s1 =	sadd.s32 s8, s1;
	s8 =	sld [smem:$0x7F1]  }
0x67: {  	(v2sf) =	vpush v61, $0x0;
	s2 =	sadd.s32 s5, s2;
	s5 =	smov.u32 s13;
	s13 =	sld [smem:$0x7EE]  }
0x68: {  	v5 =	vld [tilespmem:$0x12E00];
	(v2sf) =	vpush v61, $0x1;
	s5 =	simm.s32 @!p0 $0x0;
	s0 =	sadd.s32 s9, s0;
	s28 =	spop (v2sf)  }
0x69: {  	s2 =	sadd.s32 s5, s2;
	p3 =	seq.s32 s8, $0x1;
	[dreg:$0x1d] =	wrdreg s28  }
0x6a: {  	(v2sf) =	vpush v4, $0x0;
	s4 =	spop (v2sf);
	s9 =	simm.s32 @!p3 $0x0;
	s5 =	smov.u32 s28  }
0x6b: {  	v62 =	vld [tilespmem:$0x12E80];
	s31 =	spop (v2sf);
	s1 =	sadd.s32 s9, s1;
	s5 =	simm.s32 @!p3 $0x0  }
0x6c: {  	(v2sf) =	vpush v4, $0x1;
	s0 =	sadd.s32 s4, s0;
	s4 =	simm.s32 @!p6 $0x0;
	s9 =	sld [smem:$0x7F0]  }
0x6d: {  	(v2sf) =	vpush v5, $0x0;
	[dreg:$0x1e] =	wrdreg s31;
	s6 =	spop (v2sf);
	s2 =	sadd.s32 s5, s2  }
0x6e: {  	v4 =	vld [tilespmem:$0x12F00];
	(v2sf) =	vpush v5, $0x1;
	s5 =	smov.u32 s31;
	s1 =	sadd.s32 s4, s1;
	s19 =	spop (v2sf)  }
0x6f: {  	s5 =	simm.s32 @!p6 $0x0;
	s0 =	sadd.s32 s6, s0;
	s7 =	spop (v2sf)  }
0x70: {  	(v2sf) =	vpush v62, $0x0;
	p3 =	seq.s32 s9, $0x1;
	s2 =	sadd.s32 s5, s2;
	s5 =	smov.u32 s19  }
0x71: {  	v5 =	vld [tilespmem:$0x12F80];
	(v2sf) =	vpush v62, $0x1;
	s28 =	spop (v2sf);
	s6 =	simm.s32 @!p3 $0x0;
	s5 =	simm.s32 @!p3 $0x0  }
0x72: {  	s0 =	sadd.s32 s7, s0;
	s7 =	simm.s32 @!p5 $0x0;
	p3 =	seq.s32 s11, $0x1  }
0x73: {  	(v2sf) =	vpush v4, $0x0;
	s8 =	spop (v2sf);
	s1 =	sadd.s32 s6, s1;
	s2 =	sadd.s32 s5, s2  }
0x74: {  	(v2sf) =	vpush v4, $0x1;
	v4 =	vld [tilespmem:$0x13000];
	s5 =	smov.u32 s28;
	s12 =	spop (v2sf);
	s1 =	sadd.s32 s7, s1  }
0x75: {  	s5 =	simm.s32 @!p5 $0x0;
	s0 =	sadd.s32 s8, s0;
	s8 =	simm.s32 @!p3 $0x0  }
0x76: {  	(v2sf) =	vpush v5, $0x0;
	s4 =	spop (v2sf);
	s2 =	sadd.s32 s5, s2;
	s5 =	smov.u32 s12  }
0x77: {  	(v2sf) =	vpush v5, $0x1;
	s1 =	sadd.s32 s8, s1;
	s30 =	spop (v2sf);
	s5 =	simm.s32 @!p3 $0x0  }
0x78: {  	v5 =	vld [tilespmem:$0x13080];
	s0 =	sadd.s32 s4, s0;
	s4 =	simm.s32 @!p4 $0x0;
	p3 =	seq.s32 s13, $0x1  }
0x79: {  	s13 =	sld [smem:$0x7FB];
	(v2sf) =	vpush v4, $0x0;
	s6 =	spop (v2sf);
	s2 =	sadd.s32 s5, s2  }
0x7a: {  	s1 =	sadd.s32 s4, s1;
	s4 =	smov.u32 s30;
	s5 =	sld [smem:$0x7EC];
	(v2sf) =	vpush v4, $0x1;
	v4 =	vld [tilespmem:$0x13100]  }
0x7b: {  	s4 =	simm.s32 @!p4 $0x0;
	s0 =	sadd.s32 s6, s0;
	s31 =	spop (v2sf)  }
0x7c: {  	v63 =	vld [tilespmem:$0x13180];
	s6 =	simm.s32 @!p3 $0x0;
	s2 =	sadd.s32 s4, s2;
	s7 =	spop (v2sf)  }
0x7d: {  	s1 =	sadd.s32 s6, s1;
	(v2sf) =	vpush v5, $0x0;
	s4 =	smov.u32 s31;
	s18 =	spop (v2sf)  }
0x7e: {  	(v2sf) =	vpush v5, $0x1;
	s4 =	simm.s32 @!p3 $0x0;
	s0 =	sadd.s32 s7, s0;
	p3 =	seq.s32 s14, $0x1  }
0x7f: {  	(v2sf) =	vpush v4, $0x0;
	s8 =	spop (v2sf);
	s2 =	sadd.s32 s4, s2;
	s4 =	smov.u32 s18  }
0x80: {  	(v2sf) =	vpush v4, $0x1;
	s7 =	simm.s32 @!p3 $0x0;
	s17 =	spop (v2sf);
	s4 =	simm.s32 @!p3 $0x0  }
0x81: {  	(v2sf) =	vpush v63, $0x0;
	s0 =	sadd.s32 s8, s0;
	s1 =	sadd.s32 s7, s1;
	p3 =	seq.s32 s15, $0x1  }
0x82: {  	s11 =	spop (v2sf);
	s2 =	sadd.s32 s4, s2;
	s4 =	smov.u32 s17  }
0x83: {  	v5 =	vld [tilespmem:$0x13200];
	s8 =	simm.s32 @!p3 $0x0;
	s16 =	spop (v2sf);
	s4 =	simm.s32 @!p3 $0x0  }
0x84: {  	s0 =	sadd.s32 s11, s0;
	s1 =	sadd.s32 s8, s1;
	p3 =	seq.s32 s20, $0x1  }
0x85: {  	s6 =	spop (v2sf);
	s2 =	sadd.s32 s4, s2;
	s4 =	smov.u32 s16  }
0x86: {  	s11 =	simm.s32 @!p3 $0x0;
	s15 =	spop (v2sf);
	s4 =	simm.s32 @!p3 $0x0  }
0x87: {  	(v2sf) =	vpush v63, $0x1;
	s0 =	sadd.s32 s6, s0;
	s8 =	sadd.s32 s11, s1;
	p3 =	seq.s32 s5, $0x1  }
0x88: {  	v4 =	vld [tilespmem:$0x13280];
	(v2sf) =	vpush v5, $0x0;
	s1 =	sld [smem:$0x7EB];
	s6 =	simm.s32 @!p3 $0x0;
	s11 =	smov.u32 s15  }
0x89: {  	(v2sf) =	vpush v5, $0x1;
	s2 =	sadd.s32 s4, s2;
	s9 =	sadd.s32 s6, s8;
	s11 =	simm.s32 @!p3 $0x0  }
0x8a: {  	p3 =	seq.s32 s13, $0x1;
	s7 =	spop (v2sf);
	s2 =	sadd.s32 s11, s2  }
0x8b: {  	s14 =	spop (v2sf);
	s0 =	sadd.s32 s7, s0;
	s7 =	simm.s32 @!p3 $0x0  }
0x8c: {  	s6 =	smov.u32 s14;
	s4 =	sadd.s32 s7, s9;
	s8 =	spop (v2sf)  }
0x8d: {  	(v2sf) =	vpush v4, $0x0;
	s6 =	simm.s32 @!p3 $0x0;
	p3 =	seq.s32 s1, $0x1;
	s13 =	spop (v2sf)  }
0x8e: {  	s1 =	sld [smem:$0x7FA];
	s2 =	sadd.s32 s6, s2;
	s7 =	spop (v2sf)  }
0x8f: {  	s20 =	sadd.s32 s8, s0;
	s8 =	simm.s32 @!p3 $0x0;
	s9 =	spop (v2sf)  }
0x90: {  	v5 =	vld [tilespmem:$0x13300];
	s5 =	sadd.s32 s8, s4;
	s11 =	sadd.s32 s7, s20;
	s20 =	spop (v2sf)  }
0x91: {  	s8 =	smov.u32 s13;
	s6 =	sadd.s32 s20, s11;
	s11 =	sld [smem:$0x7EA]  }
0x92: {  	s8 =	simm.s32 @!p3 $0x0  }
0x93: {  	(v2sf) =	vpush v4, $0x1;
	p3 =	seq.s32 s1, $0x1;
	s2 =	sadd.s32 s8, s2;
	s8 =	smov.u32 s9  }
0x94: {  	s7 =	simm.s32 @!p3 $0x0;
	s8 =	simm.s32 @!p3 $0x0;
	p3 =	seq.s32 s11, $0x1  }
0x95: {  	(v2sf) =	vpush v5, $0x0;
	s4 =	sadd.s32 s7, s5;
	s20 =	simm.s32 @!p3 $0x0  }
0x96: {  	v4 =	vld [tilespmem:$0x13380];
	s5 =	spop (v2sf);
	s0 =	sadd.s32 s20, s4;
	s4 =	sld [smem:$0x7F9]  }
0x97: {  	(v2sf) =	vpush v5, $0x1;
	s2 =	sadd.s32 s8, s2;
	s8 =	spop (v2sf)  }
0x98: {  	v5 =	vld [tilespmem:$0x13400];
	s7 =	spop (v2sf);
	s11 =	sadd.s32 s8, s6;
	s6 =	smov.u32 s5  }
0x99: {  	s6 =	simm.s32 @!p3 $0x0;
	s20 =	smov.u32 s7;
	p3 =	seq.s32 s4, $0x1  }
0x9a: {  	s2 =	sadd.s32 s6, s2;
	s20 =	simm.s32 @!p3 $0x0  }
0x9b: {  	(v2sf) =	vpush v4, $0x0;
	s2 =	sadd.s32 s20, s2;
	s20 =	sld [smem:$0x7E9]  }
0x9c: {  	(v2sf) =	vpush v4, $0x1;
	s6 =	spop (v2sf);
	s8 =	simm.s32 @!p3 $0x0  }
0x9d: {  	(v2sf) =	vpush v5, $0x0;
	s11 =	sadd.s32 s6, s11;
	s4 =	rddreg [dreg:$0xa];
	s0 =	sadd.s32 s8, s0  }
0x9e: {  	v4 =	vld [tilespmem:$0x13480];
	(v2sf) =	vpush v5, $0x1;
	s8 =	sadd.s32 s4, s29;
	s29 =	rddreg [dreg:$0x16];
	p3 =	seq.s32 s20, $0x1  }
0x9f: {  	s1 =	sadd.s32 s29, s8;
	s29 =	rddreg [dreg:$0x17];
	s6 =	simm.s32 @!p3 $0x0  }
0xa0: {  	s0 =	sadd.s32 s6, s0;
	s6 =	sadd.s32 s29, s1;
	s29 =	rddreg [dreg:$0x19]  }
0xa1: {  	v5 =	vld [tilespmem:$0x13500];
	s6 =	sadd.s32 s29, s6;
	s29 =	sld [smem:$0x7F8]  }
0xa2: {  	s4 =	spop (v2sf)  }
0xa3: {  	(v2sf) =	vpush v4, $0x0;
	s8 =	smov.u32 s4  }
0xa4: {  	s20 =	spop (v2sf);
	s8 =	simm.s32 @!p3 $0x0;
	p3 =	seq.s32 s29, $0x1  }
0xa5: {  	(v2sf) =	vpush v4, $0x1;
	s1 =	sadd.s32 s20, s11;
	s20 =	simm.s32 @!p3 $0x0  }
0xa6: {  	(v2sf) =	vpush v5, $0x0;
	s11 =	spop (v2sf);
	s0 =	sadd.s32 s20, s0;
	s20 =	rddreg [dreg:$0x1b]  }
0xa7: {  	s2 =	sadd.s32 s8, s2;
	s29 =	rddreg [dreg:$0x1c];
	s6 =	sadd.s32 s20, s6  }
0xa8: {  	v4 =	vld [tilespmem:$0x13580];
	(v2sf) =	vpush v5, $0x1;
	s8 =	smov.u32 s11;
	s6 =	sadd.s32 s29, s6;
	s29 =	rddreg [dreg:$0x1d]  }
0xa9: {  	s8 =	simm.s32 @!p3 $0x0;
	s6 =	sadd.s32 s29, s6;
	s29 =	rddreg [dreg:$0x1e]  }
0xaa: {  	s20 =	spop (v2sf);
	s6 =	sadd.s32 s29, s6;
	s29 =	sld [smem:$0x7E8]  }
0xab: {  	v5 =	vld [tilespmem:$0x13600];
	s2 =	sadd.s32 s8, s2;
	s8 =	spop (v2sf);
	s6 =	sadd.s32 s19, s6  }
0xac: {  	s1 =	sadd.s32 s20, s1;
	s19 =	spop (v2sf);
	s6 =	sadd.s32 s28, s6  }
0xad: {  	(v2sf) =	vpush v4, $0x0;
	s1 =	sadd.s32 s19, s1;
	s28 =	spop (v2sf);
	p3 =	seq.s32 s29, $0x1  }
0xae: {  	(v2sf) =	vpush v4, $0x1;
	v4 =	vld [tilespmem:$0x13680];
	s6 =	sadd.s32 s12, s6;
	s29 =	sld [smem:$0x7F7];
	s20 =	simm.s32 @!p3 $0x0  }
0xaf: {  	s6 =	sadd.s32 s30, s6;
	s0 =	sadd.s32 s20, s0;
	s20 =	smov.u32 s8  }
0xb0: {  	(v2sf) =	vpush v5, $0x0;
	s6 =	sadd.s32 s31, s6;
	s31 =	sld [smem:$0x7F6];
	s20 =	simm.s32 @!p3 $0x0  }
0xb1: {  	p3 =	seq.s32 s29, $0x1;
	s6 =	sadd.s32 s18, s6;
	s29 =	sld [smem:$0x7E7]  }
0xb2: {  	(v2sf) =	vpush v5, $0x1;
	s19 =	simm.s32 @!p3 $0x0;
	s2 =	sadd.s32 s20, s2;
	s20 =	spop (v2sf)  }
0xb3: {  	(v2sf) =	vpush v4, $0x0;
	s6 =	sadd.s32 s17, s6;
	s0 =	sadd.s32 s19, s0;
	s19 =	smov.u32 s28  }
0xb4: {  	v5 =	vld [tilespmem:$0x13700];
	s1 =	sadd.s32 s20, s1;
	s17 =	spop (v2sf);
	s6 =	sadd.s32 s16, s6  }
0xb5: {  	s19 =	simm.s32 @!p3 $0x0;
	p3 =	seq.s32 s29, $0x1;
	s18 =	spop (v2sf)  }
0xb6: {  	s6 =	sadd.s32 s15, s6;
	s15 =	smov.u32 s17;
	s29 =	sld [smem:$0x7E5]  }
0xb7: {  	s2 =	sadd.s32 s19, s2;
	s20 =	simm.s32 @!p3 $0x0;
	s30 =	spop (v2sf)  }
0xb8: {  	(v2sf) =	vpush v4, $0x1;
	s1 =	sadd.s32 s18, s1;
	s6 =	sadd.s32 s14, s6;
	s15 =	simm.s32 @!p3 $0x0  }
0xb9: {  	(v2sf) =	vpush v5, $0x0;
	p3 =	seq.s32 s31, $0x1;
	s19 =	sld [smem:$0x7F5];
	s0 =	sadd.s32 s20, s0  }
0xba: {  	(v2sf) =	vpush v5, $0x1;
	s18 =	simm.s32 @!p3 $0x0;
	s2 =	sadd.s32 s15, s2;
	s6 =	sadd.s32 s13, s6  }
0xbb: {  	s13 =	smov.u32 s30;
	s15 =	sld [smem:$0x7E6];
	s0 =	sadd.s32 s18, s0  }
0xbc: {  	s6 =	sadd.s32 s9, s6;
	s9 =	spop (v2sf);
	s13 =	simm.s32 @!p3 $0x0  }
0xbd: {  	s2 =	sadd.s32 s13, s2;
	s5 =	sadd.s32 s5, s6;
	s1 =	sadd.s32 s9, s1  }
0xbe: {  	s14 =	spop (v2sf);
	s5 =	sadd.s32 s7, s5;
	p3 =	seq.s32 s15, $0x1  }
0xbf: {  	s7 =	spop (v2sf);
	s9 =	simm.s32 @!p3 $0x0;
	s4 =	sadd.s32 s4, s5  }
0xc0: {  	s1 =	sadd.s32 s7, s1;
	s0 =	sadd.s32 s9, s0;
	s4 =	sadd.s32 s11, s4  }
0xc1: {  	s18 =	spop (v2sf);
	s9 =	smov.u32 s14;
	s4 =	sadd.s32 s8, s4  }
0xc2: {  	s9 =	simm.s32 @!p3 $0x0;
	p3 =	seq.s32 s19, $0x1;
	s8 =	spop (v2sf)  }
0xc3: {  	s7 =	simm.s32 @!p3 $0x0;
	s2 =	sadd.s32 s9, s2;
	s4 =	sadd.s32 s28, s4  }
0xc4: {  	s20 =	sadd.s32 s8, s1;
	s0 =	sadd.s32 s7, s0;
	s7 =	smov.u32 s18  }
0xc5: {  	s4 =	sadd.s32 s17, s4;
	s7 =	simm.s32 @!p3 $0x0;
	p3 =	seq.s32 s29, $0x1  }
0xc6: {  	s4 =	sadd.s32 s30, s4;
	s2 =	sadd.s32 s7, s2;
	s8 =	simm.s32 @!p3 $0x0  }
0xc7: {  	s4 =	sadd.s32 s14, s4;
	s28 =	spop (v2sf);
	s1 =	sadd.s32 s8, s0  }
0xc8: {  	s4 =	sadd.s32 s18, s4;
	s30 =	spop (v2sf);
	s5 =	smov.u32 s28  }
0xc9: {  	s4 =	sadd.s32 s28, s4;
	s5 =	simm.s32 @!p3 $0x0;
	s31 =	spop (v2sf)  }
0xca: {  	s0 =	sadd.s32 s30, s20;
	s2 =	sadd.s32 s5, s2;
	s4 =	sadd.s32 s31, s4  }
0xcb: {  	s4 =	sadd.s32 s0, s4;
	s5 =	sadd.s32 s1, s2  }
0xcc: {  	s13 =	sadd.s32 s2, s0;
	s0 =	simm.s32 $0x0;
	s6 =	ssub.s32 s4, s5  }
.LBB2_2:
0xcd: {  	s12 =	smul.u32 $0x1900, s0  }
0xce: {  	s2 =	rddreg [dreg:$0xa]  }
0xcf: {  	[dreg:$0xe] =	wrdreg s0;
	s0 =	sadd.s32 s2, s12  }
0xd0: {  	s14 =	rddreg [dreg:$0x4];
	s4 =	simm.s32 $0x0;
	s0 =	sshrl.u32 s0, $0x3  }
0xd1: {  	s5 =	simm.s32 $0xC380;
	s15 =	rddreg [dreg:$0x5];
	s2 =	sadd.s32 s14, s0  }
0xd2: {  	[tilespmem:s5], [sflag:$0x1] =	stream.linear.gather [hbm4b:s2+s4], $0x1900, $0x38;
	[tilespmem:$0x1D480] =	vst v63  }
0xd3: {  	s16 =	simm.s32 $0xDC80;
	s17 =	rddreg [dreg:$0x6];
	s2 =	sadd.s32 s15, s0  }
0xd4: {  	[tilespmem:s16], [sflag:$0x1] =	stream.linear.gather [hbm4b:s2+s4], $0x1900, $0x38;
	[tilespmem:$0x1D480] =	vst v63  }
0xd5: {  	s18 =	simm.s32 $0xF580;
	s19 =	rddreg [dreg:$0x7];
	s2 =	sadd.s32 s17, s0  }
0xd6: {  	[tilespmem:s18], [sflag:$0x1] =	stream.linear.gather [hbm4b:s2+s4], $0x1900, $0x38;
	[tilespmem:$0x1D480] =	vst v63  }
0xd7: {  	s20 =	simm.s32 $0x10E80;
	s0 =	sadd.s32 s19, s0  }
0xd8: {  	[tilespmem:s20], [sflag:$0x1] =	stream.linear.gather [hbm4b:s0+s4], $0x1900, $0x38;
	[tilespmem:$0x1D480] =	vst v63  }
0xd9: {  	_ =	swait.ge [sflag:s10], $0x1900  }
0xda: {  	[sflag:s10] =	ssyncset.done $0x0  }
0xdb: {  	[sflag:s10] =	ssyncadd.s32 $0xFFFFE700  }
0xdc: {  	_ =	swait.ge [sflag:s10], $0x1900  }
0xdd: {  	[sflag:s10] =	ssyncset.done $0x0  }
0xde: {  	[sflag:s10] =	ssyncadd.s32 $0xFFFFE700  }
0xdf: {  	_ =	swait.ge [sflag:s10], $0x1900  }
0xe0: {  	[sflag:s10] =	ssyncset.done $0x0  }
0xe1: {  	[sflag:s10] =	ssyncadd.s32 $0xFFFFE700  }
0xe2: {  	_ =	swait.ge [sflag:s10], $0x1900  }
0xe3: {  	[sflag:s10] =	ssyncset.done $0x0  }
0xe4: {  	s28 =	simm.s32 $0x0;
	[sflag:s10] =	ssyncadd.s32 $0xFFFFE700  }
0xe5: {  	v4 =	vld [tilespmem:s28+$0xC380]  }
0xe6: {  	v5 =	vld [tilespmem:s28+$0xDC80];
	_ =	sdelay $0x4  }
0xe7: {  	v6 =	vld [tilespmem:s28+$0x10E80]  }
0xe8: {  	v7 =	vld [tilespmem:s28+$0xF580]  }
0xe9: {  	v8 =	vld.idx.msk [tilespmem:v4+s3+$0x0], $0xffff  }
0xea: {  	v9 =	vld.idx.msk [tilespmem:v5+s3+$0x0], $0xffff;
	_ =	sdelay $0x4  }
0xeb: {  	vm4 =	vlt.f32 v7, v8;
	vm5 =	vlt.f32 v6, v9  }
0xec: {  	vm6 =	vmand vm4, vm5;
	vm7 =	vmxor vm4, vm5  }
0xed: {  	v6 =	vsel vm7, $0x1, v2;
	v7 =	vsel vm6, $0x100, v2  }
0xee: {  	v7 =	vor.u32 v6, v7  }
0xef: {  	(xrf0) =	vadd.scan.msk.s32 $0xffff, v7;
	_ =	sdelay $0x5  }
0xf0: {  	v7, _, _ =	vpop (xrf0)  }
0xf1: {  	v60 =	vsel vm6, $0xFFFFFFFF, v2;
	v61 =	vshra.s32 v7, $0x8  }
0xf2: {  	s2 =	sand.u32 $0x7, s1;
	v8 =	vadd.s32 v60, v61  }
0xf3: {  	v7 =	vand.u32 $0xFF, v7;
	v10 =	vadd.s32 s2, v8  }
0xf4: {  	s7 =	sand.u32 $0x7, s13;
	v6 =	vsub.s32 v7, v6  }
0xf5: {  	s29 =	sand.u32 $0x7, s6;
	vm4 =	vmor vm4, vm5;
	v8 =	vadd.s32 v8, v6;
	v6 =	vadd.s32 s7, v6  }
0xf6: {  	vm4 =	vmneg vm4;
	v8 =	vsub.s32 s29, v8  }
0xf7: {  	v8 =	vadd.s32 v0, v8  }
0xf8: {  	[tilespmem:v10+s21+$0x0] =	vst.idx.msk vm6, v4  }
0xf9: {  	[tilespmem:v10+s22+$0x0] =	vst.idx.msk vm6, v5  }
0xfa: {  	[tilespmem:v6+s23+$0x0] =	vst.idx.msk vm7, v4  }
0xfb: {  	[tilespmem:v6+s24+$0x0] =	vst.idx.msk vm7, v5  }
0xfc: {  	[tilespmem:v8+s25+$0x0] =	vst.idx.msk vm4, v4  }
0xfd: {  	[tilespmem:v8+s26+$0x0] =	vst.idx.msk vm4, v5  }
0xfe: {  	v4 =	vld [tilespmem:s28+$0xC390]  }
0xff: {  	v5 =	vld [tilespmem:s28+$0xDC90];
	_ =	sdelay $0x4  }
0x100: {  	v6 =	vld [tilespmem:s28+$0x10E90]  }
0x101: {  	v8 =	vld [tilespmem:s28+$0xF590]  }
0x102: {  	v10 =	vld.idx.msk [tilespmem:v4+s3+$0x0], $0xffff  }
0x103: {  	v11 =	vld.idx.msk [tilespmem:v5+s3+$0x0], $0xffff;
	_ =	sdelay $0x1  }
0x104: {  	(v2sf) =	vpush v61, $0xF  }
0x105: {  	(v2sf) =	vpush v7, $0xF;
	_ =	sdelay $0x1  }
0x106: {  	vm4 =	vlt.f32 v8, v10;
	vm5 =	vlt.f32 v6, v11  }
0x107: {  	vm14 =	vmand vm4, vm5;
	vm15 =	vmxor vm4, vm5  }
0x108: {  	v6 =	vsel vm15, $0x1, v2;
	v7 =	vsel vm14, $0x100, v2  }
0x109: {  	v7 =	vor.u32 v6, v7  }
0x10a: {  	(xrf0) =	vadd.scan.msk.s32 $0xffff, v7;
	_ =	sdelay $0x5  }
0x10b: {  	v7, _, _ =	vpop (xrf0)  }
0x10c: {  	v62 =	vshra.s32 v7, $0x8  }
0x10d: {  	s30 =	spop (v2sf);
	v63 =	vsel vm14, $0xFFFFFFFF, v2;
	(v2sf) =	vpush v62, $0xF  }
0x10e: {  	[dreg:$0xf] =	wrdreg s6;
	s31 =	spop (v2sf);
	s6 =	sadd.s32 s2, s30;
	v7 =	vand.u32 $0xFF, v7;
	v8 =	vadd.s32 v63, v62  }
0x10f: {  	s0 =	sadd.s32 s30, s31;
	v9 =	vadd.s32 s6, v8;
	(v2sf) =	vpush v7, $0xF  }
0x110: {  	[dreg:$0x12] =	wrdreg s7;
	s7 =	sadd.s32 s7, s31;
	s4 =	ssub.s32 s29, s0;
	v6 =	vsub.s32 v7, v6  }
0x111: {  	s0 =	sadd.s32 $0x10, s4;
	vm4 =	vmor vm4, vm5;
	v8 =	vadd.s32 v8, v6;
	v6 =	vadd.s32 s7, v6  }
0x112: {  	vm4 =	vmneg vm4;
	v8 =	vsub.s32 s0, v8  }
0x113: {  	v8 =	vadd.s32 v0, v8  }
0x114: {  	[tilespmem:v9+s21+$0x0] =	vst.idx.msk vm14, v4  }
0x115: {  	[tilespmem:v9+s22+$0x0] =	vst.idx.msk vm14, v5  }
0x116: {  	[tilespmem:v6+s23+$0x0] =	vst.idx.msk vm15, v4  }
0x117: {  	[tilespmem:v6+s24+$0x0] =	vst.idx.msk vm15, v5  }
0x118: {  	[tilespmem:v8+s25+$0x0] =	vst.idx.msk vm4, v4  }
0x119: {  	s18 =	simm.s32 $0x20;
	[tilespmem:v8+s26+$0x0] =	vst.idx.msk vm4, v5  }
0x11a: {  	v4 =	vld [tilespmem:s18+$0xC380]  }
0x11b: {  	v5 =	vld [tilespmem:s18+$0xDC80]  }
0x11c: {  	s9 =	simm.s32 $0x100;
	[dreg:$0x10] =	wrdreg s29;
	s8 =	spop (v2sf)  }
.LBB2_3:
0x11d: {  	s28 =	sadd.s32 s6, s8  }
0x11e: {  	s6 =	spop (v2sf);
	s5 =	smov.u32 s9;
	s0 =	sadd.s32 $0x80, s9  }
0x11f: {  	p3 =	sne.s32 s9, $0x6380;
	s19 =	sadd.s32 s7, s6;
	s6 =	sadd.s32 s8, s6  }
0x120: {  	v6 =	vld [tilespmem:s18+$0x10E80];
	s4 =	ssub.s32 s4, s6  }
0x121: {  	v7 =	vld [tilespmem:s18+$0xF580];
	s4 =	sadd.s32 $0x20, s4  }
0x122: {  	v8 =	vld.idx.msk [tilespmem:v4+s3+$0x0], $0xffff  }
0x123: {  	v9 =	vld.idx.msk [tilespmem:v5+s3+$0x0], $0xffff;
	_ =	sdelay $0x4  }
0x124: {  	vm6 =	vlt.f32 v7, v8  }
0x125: {  	vm7 =	vlt.f32 v6, v9  }
0x126: {  	vm5 =	vmand vm6, vm7;
	vm4 =	vmxor vm6, vm7;
	vm6 =	vmor vm6, vm7  }
0x127: {  	v6 =	vsel vm4, $0x1, v2;
	v7 =	vsel vm5, $0x100, v2  }
0x128: {  	v7 =	vor.u32 v6, v7  }
0x129: {  	(xrf0) =	vadd.scan.msk.s32 $0xffff, v7;
	_ =	sdelay $0x5  }
0x12a: {  	v7 =	vsel vm5, $0xFFFFFFFF, v2;
	v8, _, _ =	vpop (xrf0)  }
0x12b: {  	v9 =	vshra.s32 v8, $0x8;
	v8 =	vand.u32 $0xFF, v8  }
0x12c: {  	v7 =	vadd.s32 v7, v9;
	v6 =	vsub.s32 v8, v6;
	(v2sf) =	vpush v9, $0xF  }
0x12d: {  	v9 =	vadd.s32 s28, v7;
	v7 =	vadd.s32 v7, v6;
	(v2sf) =	vpush v8, $0xF  }
0x12e: {  	v6 =	vadd.s32 s19, v6;
	v7 =	vsub.s32 s4, v7  }
0x12f: {  	vm6 =	vmneg vm6  }
0x130: {  	v7 =	vadd.s32 v0, v7;
	_ =	sdelay $0x1  }
0x131: {  	[tilespmem:v9+s21+$0x0] =	vst.idx.msk vm5, v4  }
0x132: {  	[tilespmem:v9+s22+$0x0] =	vst.idx.msk vm5, v5  }
0x133: {  	[tilespmem:v6+s23+$0x0] =	vst.idx.msk vm4, v4  }
0x134: {  	[tilespmem:v6+s24+$0x0] =	vst.idx.msk vm4, v5  }
0x135: {  	[tilespmem:v7+s25+$0x0] =	vst.idx.msk vm6, v4  }
0x136: {  	[tilespmem:v7+s26+$0x0] =	vst.idx.msk vm6, v5  }
0x137: {  	v4 =	vld [tilespmem:s18+$0xC390]  }
0x138: {  	v5 =	vld [tilespmem:s18+$0xDC90];
	_ =	sdelay $0x1  }
0x139: {  	s6 =	spop (v2sf)  }
0x13a: {  	s7 =	spop (v2sf)  }
0x13b: {  	s8 =	sadd.s32 s6, s7  }
0x13c: {  	v6 =	vld [tilespmem:s18+$0x10E90]  }
0x13d: {  	v7 =	vld [tilespmem:s18+$0xF590]  }
0x13e: {  	v8 =	vld.idx.msk [tilespmem:v4+s3+$0x0], $0xffff  }
0x13f: {  	v9 =	vld.idx.msk [tilespmem:v5+s3+$0x0], $0xffff;
	_ =	sdelay $0x4  }
0x140: {  	vm6 =	vlt.f32 v7, v8  }
0x141: {  	vm7 =	vlt.f32 v6, v9  }
0x142: {  	vm5 =	vmand vm6, vm7;
	vm4 =	vmxor vm6, vm7;
	vm6 =	vmor vm6, vm7  }
0x143: {  	v6 =	vsel vm4, $0x1, v2;
	v7 =	vsel vm5, $0x100, v2  }
0x144: {  	v7 =	vor.u32 v6, v7  }
0x145: {  	(xrf0) =	vadd.scan.msk.s32 $0xffff, v7;
	_ =	sdelay $0x5  }
0x146: {  	v7, _, _ =	vpop (xrf0)  }
0x147: {  	v8 =	vsel vm5, $0xFFFFFFFF, v2;
	v9 =	vshra.s32 v7, $0x8;
	v7 =	vand.u32 $0xFF, v7  }
0x148: {  	s6 =	sadd.s32 s28, s6;
	s4 =	ssub.s32 s4, s8;
	v8 =	vadd.s32 v8, v9;
	v6 =	vsub.s32 v7, v6;
	(v2sf) =	vpush v9, $0xF  }
0x149: {  	s8 =	sadd.s32 $0x10, s4;
	v9 =	vadd.s32 s6, v8;
	v8 =	vadd.s32 v8, v6;
	(v2sf) =	vpush v7, $0xF  }
0x14a: {  	s7 =	sadd.s32 s19, s7;
	v7 =	vsub.s32 s8, v8  }
0x14b: {  	v6 =	vadd.s32 s7, v6  }
0x14c: {  	vm6 =	vmneg vm6  }
0x14d: {  	v7 =	vadd.s32 v0, v7  }
0x14e: {  	[tilespmem:v9+s21+$0x0] =	vst.idx.msk vm5, v4  }
0x14f: {  	[tilespmem:v9+s22+$0x0] =	vst.idx.msk vm5, v5  }
0x150: {  	[tilespmem:v6+s23+$0x0] =	vst.idx.msk vm4, v4  }
0x151: {  	[tilespmem:v6+s24+$0x0] =	vst.idx.msk vm4, v5  }
0x152: {  	[tilespmem:v7+s25+$0x0] =	vst.idx.msk vm6, v4  }
.Ltmp0:
0x153: {  	s18 =	sshra.s32 s5, $0x2;
	[tilespmem:v7+s26+$0x0] =	vst.idx.msk vm6, v5;
	(pc) =	sbr.rel @p3 .LBB2_3-.Ltmp0, $3  }
0x154: {  	v4 =	vld [tilespmem:s18+$0xC380]  }
0x155: {  	v5 =	vld [tilespmem:s18+$0xDC80];
	_ =	sdelay $0x1  }
0x156: {  	s9 =	smov.u32 s0;
	s8 =	spop (v2sf)  }
0x157: {  	_ =	sdelay $0x2  }
0x158: {  	v6 =	vld [tilespmem:s18+$0x10E80]  }
0x159: {  	v7 =	vld [tilespmem:s18+$0xF580]  }
0x15a: {  	v8 =	vld.idx.msk [tilespmem:v4+s3+$0x0], $0xffff  }
0x15b: {  	v9 =	vld.idx.msk [tilespmem:v5+s3+$0x0], $0xffff;
	_ =	sdelay $0x4  }
0x15c: {  	vm4 =	vlt.f32 v7, v8;
	vm5 =	vlt.f32 v6, v9  }
0x15d: {  	vm6 =	vmand vm4, vm5;
	vm7 =	vmxor vm4, vm5  }
0x15e: {  	v51 =	vsel vm7, $0x1, v2;
	v52 =	vsel vm6, $0x100, v2  }
0x15f: {  	v7 =	vor.u32 v51, v52  }
0x160: {  	(xrf0) =	vadd.scan.msk.s32 $0xffff, v7;
	_ =	sdelay $0x5  }
0x161: {  	v7, _, _ =	vpop (xrf0)  }
0x162: {  	v53 =	vsel vm6, $0xFFFFFFFF, v2;
	v54 =	vshra.s32 v7, $0x8  }
0x163: {  	s0 =	sadd.s32 s6, s8;
	s5 =	spop (v2sf);
	v8 =	vadd.s32 v53, v54  }
0x164: {  	s10 =	sadd.s32 s8, s5;
	v7 =	vand.u32 $0xFF, v7;
	v10 =	vadd.s32 s0, v8  }
0x165: {  	s5 =	sadd.s32 s7, s5;
	s4 =	ssub.s32 s4, s10;
	v6 =	vsub.s32 v7, v51  }
0x166: {  	s4 =	sadd.s32 $0x20, s4;
	vm4 =	vmor vm4, vm5;
	v8 =	vadd.s32 v8, v6;
	v6 =	vadd.s32 s5, v6  }
0x167: {  	vm4 =	vmneg vm4;
	v8 =	vsub.s32 s4, v8  }
0x168: {  	v8 =	vadd.s32 v0, v8  }
0x169: {  	[tilespmem:v10+s21+$0x0] =	vst.idx.msk vm6, v4  }
0x16a: {  	[tilespmem:v10+s22+$0x0] =	vst.idx.msk vm6, v5  }
0x16b: {  	[tilespmem:v6+s23+$0x0] =	vst.idx.msk vm7, v4  }
0x16c: {  	[tilespmem:v6+s24+$0x0] =	vst.idx.msk vm7, v5  }
0x16d: {  	[tilespmem:v8+s25+$0x0] =	vst.idx.msk vm4, v4  }
0x16e: {  	[tilespmem:v8+s26+$0x0] =	vst.idx.msk vm4, v5  }
0x16f: {  	v5 =	vld [tilespmem:s18+$0xC390]  }
0x170: {  	v6 =	vld [tilespmem:s18+$0xDC90];
	_ =	sdelay $0x4  }
0x171: {  	v4 =	vld [tilespmem:s18+$0x10E90]  }
0x172: {  	v8 =	vld [tilespmem:s18+$0xF590]  }
0x173: {  	v10 =	vld.idx.msk [tilespmem:v5+s3+$0x0], $0xffff  }
0x174: {  	v11 =	vld.idx.msk [tilespmem:v6+s3+$0x0], $0xffff;
	_ =	sdelay $0x4  }
0x175: {  	vm12 =	vlt.f32 v8, v10;
	vm13 =	vlt.f32 v4, v11  }
0x176: {  	vm5 =	vmand vm12, vm13;
	vm4 =	vmxor vm12, vm13  }
0x177: {  	v55 =	vsel vm4, $0x1, v2;
	v4 =	vsel vm5, $0x100, v2  }
0x178: {  	v4 =	vor.u32 v55, v4  }
0x179: {  	(xrf0) =	vadd.scan.msk.s32 $0xffff, v4;
	_ =	sdelay $0x4  }
0x17a: {  	(v2sf) =	vpush v54, $0xF  }
0x17b: {  	(v2sf) =	vpush v7, $0xF;
	v4, _, _ =	vpop (xrf0)  }
0x17c: {  	v56 =	vshra.s32 v4, $0x8  }
0x17d: {  	(v2sf) =	vpush v56, $0xF;
	_ =	sdelay $0xb  }
0x17e: {  	s11 =	spop (v2sf);
	v57 =	vsel vm5, $0xFFFFFFFF, v2  }
0x17f: {  	s12 =	spop (v2sf);
	s0 =	sadd.s32 s0, s11;
	v7 =	vadd.s32 v57, v56  }
0x180: {  	s6 =	sadd.s32 s11, s12;
	v4 =	vand.u32 $0xFF, v4;
	v9 =	vadd.s32 s0, v7  }
0x181: {  	s14 =	sadd.s32 s5, s12;
	s4 =	ssub.s32 s4, s6;
	v8 =	vsub.s32 v4, v55;
	s15 =	spop (v2sf)  }
0x182: {  	[dreg:$0x14] =	wrdreg s4;
	s4 =	sadd.s32 $0x10, s4;
	vm6 =	vmor vm12, vm13;
	v7 =	vadd.s32 v7, v8;
	v8 =	vadd.s32 s14, v8;
	s0 =	sadd.s32 s0, s15  }
0x183: {  	vm6 =	vmneg vm6;
	v7 =	vsub.s32 s4, v7;
	s0 =	ssub.s32 s0, s2  }
0x184: {  	s20 =	rddreg [dreg:$0x2];
	v7 =	vadd.s32 v0, v7;
	s7 =	sadd.s32 s1, s0  }
0x185: {  	s10 =	rddreg [dreg:$0xb];
	[tilespmem:v9+s21+$0x0] =	vst.idx.msk vm5, v5;
	s16 =	sand.u32 $0xFFFFFFF8, s7  }
0x186: {  	[dreg:$0x18] =	wrdreg s14;
	[tilespmem:v9+s22+$0x0] =	vst.idx.msk vm5, v6;
	s0 =	sand.u32 $0xFFFFFFF8, s1;
	v58 =	vmov s16  }
0x187: {  	[tilespmem:v8+s23+$0x0] =	vst.idx.msk vm4, v5;
	s4 =	sadd.s32 $0x8, s0;
	p3 =	sgt.s32 s1, s16;
	s5 =	smov.u32 s16;
	v9 =	vsel vm0, s0, v58  }
0x188: {  	vm8 =	vmmov vm2;
	[tilespmem:v8+s24+$0x0] =	vst.idx.msk vm4, v6;
	s17 =	ssub.s32 s16, s0;
	s5 =	smov.u32 @p3 s1;
	p3 =	slt.s32 s7, s4;
	v59 =	vor.u32 v3, v9  }
0x189: {  	[tilespmem:v7+s25+$0x0] =	vst.idx.msk vm6, v5;
	s4 =	smov.u32 @p3 s7;
	p3 =	sgt.s32 s16, s0;
	vm4 =	vge.s32 v59, s1;
	vm5 =	vge.s32 v59, s5;
	vm14 =	vlt.s32 v59, s7;
	s5 =	sadd.s32 $0xFFFFFFF8, s17  }
0x18a: {  	[tilespmem:v7+s26+$0x0] =	vst.idx.msk vm6, v6;
	[dreg:$0x15] =	wrdreg s15;
	vm15 =	vlt.s32 v59, s4;
	vm8 =	vmneg @p3 vm8;
	vm5 =	vmand vm5, vm14;
	p3 =	sgt.s32 s5, $0x0  }
0x18b: {  	s18 =	simm.s32 $0x1D080;
	v6 =	vld [tilespmem:$0x13780];
	[dreg:$0x11] =	wrdreg s7;
	vm4 =	vmand vm4, vm15;
	vm5 =	vmand vm5, vm8;
	s5 =	simm.s32 @!p3 $0x0  }
0x18c: {  	vm4 =	vmand vm4, vm0;
	vm5 =	vmand vm5, vm1;
	v7 =	vld [tilespmem:s5+$0x13780];
	s19 =	sand.u32 $0x7FFFE000, s5;
	s28 =	sand.u32 $0x1000, s5;
	s29 =	sshll.u32 s5, $0x13  }
0x18d: {  	s7 =	sshll.u32 s5, $0x14;
	s9 =	sand.u32 $0x7FFFF800, s5;
	s11 =	sand.u32 $0x400, s5;
	vm4 =	vmor vm4, vm5  }
0x18e: {  	s12 =	sshll.u32 s5, $0x15;
	s17 =	sand.u32 $0x7FFFFC00, s5;
	s2 =	sor.u32 $0x8, s19;
	v5 =	vsel vm4, v59, v1  }
0x18f: {  	p3 =	seq.s32 s28, $0x0;
	s6 =	sshra.s32 s29, $0x1F;
	s4 =	sadd.s32 s1, s2  }
0x190: {  	s14 =	sshra.s32 s12, $0x1F;
	s6 =	sand.u32 s2, s6;
	s4 =	smov.u32 @p3 s10  }
0x191: {  	[dreg:$0x1f] =	wrdreg s6;
	s31 =	sadd.s32 $0x13780, s6;
	s6 =	sand.u32 $0x800, s5;
	v6 =	vsel vm0, v6, v7  }
0x192: {  	s30 =	sshrl.u32 s4, $0x3;
	s4 =	sand.u32 $0x7FFFF000, s5;
	p3 =	seq.s32 s6, $0x0;
	[tilespmem:$0x1D080] =	vst v6  }
0x193: {  	[hbm4b:s20+s3] =	stream.indirect_vreg.scatter [tilespmem:s18], [sflag:$0x1], $0x1, v5, vm3, $0xb8;
	[tilespmem:$0x1D480] =	vst v63  }
0x194: {  	s6 =	sshra.s32 s7, $0x1F;
	s7 =	sand.u32 $0x100, s5;
	s2 =	sadd.s32 s20, s30  }
0x195: {  	[hbm4b:s2+s3] =	stream.linear.scatter [tilespmem:s31], [sflag:$0x1], $0x1000, $0x38;
	[tilespmem:$0x1D480] =	vst v63  }
0x196: {  	[smem:$0x7DE] =	sst s30;
	s18 =	sand.u32 $0x200, s5;
	s2 =	sor.u32 $0x8, s4  }
0x197: {  	s4 =	sadd.s32 s1, s2;
	s6 =	sand.u32 s2, s6;
	s2 =	sor.u32 $0x8, s9  }
0x198: {  	s9 =	sshll.u32 s5, $0x16;
	s4 =	smov.u32 @p3 s10;
	[smem:$0x7DF] =	sst s6  }
0x199: {  	s6 =	sadd.s32 $0x13780, s6;
	p3 =	seq.s32 s11, $0x0;
	s31 =	sand.u32 s2, s14  }
0x19a: {  	s19 =	sshra.s32 s9, $0x1F;
	s14 =	sshll.u32 s5, $0x17;
	s4 =	sshrl.u32 s4, $0x3  }
0x19b: {  	s16 =	sadd.s32 $0x13780, s31;
	s14 =	sshra.s32 s14, $0x1F;
	s8 =	sadd.s32 s20, s4  }
0x19c: {  	[hbm4b:s8+s3] =	stream.linear.scatter [tilespmem:s6], [sflag:$0x1], $0x800, $0x38;
	[tilespmem:$0x1D480] =	vst v63  }
0x19d: {  	s8 =	sadd.s32 s1, s2;
	s2 =	sor.u32 $0x8, s17;
	s6 =	sand.u32 $0x7FFFFE00, s5  }
0x19e: {  	s8 =	smov.u32 @p3 s10;
	p3 =	seq.s32 s18, $0x0;
	s11 =	sadd.s32 s1, s2  }
0x19f: {  	s29 =	sshrl.u32 s8, $0x3;
	s11 =	smov.u32 @p3 s10;
	s8 =	sand.u32 s2, s19  }
0x1a0: {  	s2 =	sor.u32 $0x8, s6;
	p3 =	seq.s32 s7, $0x0;
	s15 =	sadd.s32 s20, s29  }
0x1a1: {  	s11 =	sshrl.u32 s11, $0x3;
	s30 =	sadd.s32 $0x13780, s8;
	s9 =	sadd.s32 s1, s2  }
0x1a2: {  	[hbm4b:s15+s3] =	stream.linear.scatter [tilespmem:s16], [sflag:$0x1], $0x400, $0x38;
	[tilespmem:$0x1D480] =	vst v63  }
0x1a3: {  	s14 =	sand.u32 s2, s14;
	s28 =	sadd.s32 s20, s11;
	s9 =	smov.u32 @p3 s10  }
0x1a4: {  	s12 =	sadd.s32 $0x13780, s14;
	s15 =	sand.u32 $0x7FFFFF00, s5;
	s16 =	sand.u32 $0x80, s5  }
0x1a5: {  	s17 =	sshrl.u32 s9, $0x3;
	s2 =	sor.u32 $0x8, s15;
	s15 =	sshll.u32 s5, $0x18  }
0x1a6: {  	[hbm4b:s28+s3] =	stream.linear.scatter [tilespmem:s30], [sflag:$0x1], $0x200, $0x38;
	[tilespmem:$0x1D480] =	vst v63  }
0x1a7: {  	p3 =	seq.s32 s16, $0x0;
	s16 =	sshll.u32 s5, $0x19;
	s9 =	sadd.s32 s20, s17  }
0x1a8: {  	s15 =	sshra.s32 s15, $0x1F;
	s28 =	sand.u32 $0x7FFFFF80, s5;
	s30 =	sand.u32 $0x40, s5  }
0x1a9: {  	[hbm4b:s9+s3] =	stream.linear.scatter [tilespmem:s12], [sflag:$0x1], $0x100, $0x38;
	[tilespmem:$0x1D480] =	vst v63  }
0x1aa: {  	s16 =	sshra.s32 s16, $0x1F;
	s15 =	sand.u32 s2, s15;
	s9 =	sadd.s32 s1, s2  }
0x1ab: {  	s19 =	sadd.s32 $0x13780, s15;
	s2 =	sor.u32 $0x8, s28;
	s9 =	smov.u32 @p3 s10  }
0x1ac: {  	p3 =	seq.s32 s30, $0x0;
	s6 =	sshrl.u32 s9, $0x3;
	s9 =	sadd.s32 s1, s2  }
0x1ad: {  	s28 =	sand.u32 $0x20, s5;
	s18 =	sadd.s32 s20, s6;
	s9 =	smov.u32 @p3 s10  }
0x1ae: {  	[hbm4b:s18+s3] =	stream.linear.scatter [tilespmem:s19], [sflag:$0x1], $0x80, $0x38;
	[tilespmem:$0x1D480] =	vst v63  }
0x1af: {  	s2 =	sand.u32 s2, s16;
	s9 =	sshrl.u32 s9, $0x3;
	s19 =	sand.u32 $0x7FFFFFC0, s5  }
0x1b0: {  	s12 =	sadd.s32 $0x13780, s2;
	s7 =	sadd.s32 s20, s9;
	s16 =	sor.u32 $0x8, s19  }
0x1b1: {  	[hbm4b:s7+s3] =	stream.linear.scatter [tilespmem:s12], [sflag:$0x1], $0x40, $0x38;
	[tilespmem:$0x1D480] =	vst v63  }
0x1b2: {  	s30 =	sshll.u32 s5, $0x1A;
	p3 =	seq.s32 s28, $0x0;
	s12 =	sadd.s32 s1, s16  }
0x1b3: {  	s18 =	sshra.s32 s30, $0x1F;
	s12 =	smov.u32 @p3 s10  }
0x1b4: {  	s16 =	sand.u32 s16, s18;
	s18 =	sshrl.u32 s12, $0x3  }
0x1b5: {  	s7 =	sand.u32 $0x7FFFFFE0, s5;
	s28 =	sadd.s32 $0x13780, s16;
	s12 =	sadd.s32 s20, s18  }
0x1b6: {  	[hbm4b:s12+s3] =	stream.linear.scatter [tilespmem:s28], [sflag:$0x1], $0x20, $0x38;
	[tilespmem:$0x1D480] =	vst v63  }
0x1b7: {  	s19 =	sand.u32 $0x10, s5;
	s12 =	sor.u32 $0x8, s7  }
0x1b8: {  	s30 =	sshll.u32 s5, $0x1B;
	p3 =	seq.s32 s19, $0x0;
	s1 =	sadd.s32 s1, s12  }
0x1b9: {  	s28 =	sshra.s32 s30, $0x1F;
	s1 =	smov.u32 @p3 s10  }
0x1ba: {  	s28 =	sand.u32 s12, s28;
	s1 =	sshrl.u32 s1, $0x3  }
0x1bb: {  	s19 =	sadd.s32 $0x13780, s28;
	s7 =	sadd.s32 s20, s1  }
0x1bc: {  	[hbm4b:s7+s3] =	stream.linear.scatter [tilespmem:s19], [sflag:$0x1], $0x10, $0x38;
	[tilespmem:$0x1D480] =	vst v63  }
0x1bd: {  	s30 =	sand.u32 $0x8, s5;
	s7 =	sor.u32 $0x8, s5  }
0x1be: {  	p3 =	seq.s32 s30, $0x0;
	s30 =	sshll.u32 s5, $0x1C;
	s0 =	sadd.s32 s0, s7  }
0x1bf: {  	s12 =	sshra.s32 s30, $0x1F;
	s0 =	smov.u32 @p3 s10  }
0x1c0: {  	s19 =	sand.u32 s7, s12;
	s0 =	sshrl.u32 s0, $0x3  }
0x1c1: {  	s30 =	sadd.s32 $0x13780, s19;
	s7 =	sadd.s32 s20, s0  }
0x1c2: {  	[hbm4b:s7+s3] =	stream.linear.scatter [tilespmem:s30], [sflag:$0x1], $0x8, $0x38;
	[tilespmem:$0x1D480] =	vst v63  }
0x1c3: {  	v6 =	vld [tilespmem:s5+$0x18400]  }
0x1c4: {  	v60 =	vld [tilespmem:$0x18400];
	_ =	sdelay $0x4  }
0x1c5: {  	s12 =	sld [smem:$0x7DE];
	v6 =	vsel vm0, v60, v6  }
0x1c6: {  	s7 =	rddreg [dreg:$0x9];
	s30 =	simm.s32 $0x1D100;
	[tilespmem:$0x1D100] =	vst v6  }
0x1c7: {  	[hbm4b:s7+s3] =	stream.indirect_vreg.scatter [tilespmem:s30], [sflag:$0x1], $0x1, v5, vm3, $0xb8;
	[tilespmem:$0x1D480] =	vst v63  }
0x1c8: {  	s30 =	rddreg [dreg:$0x1f]  }
0x1c9: {  	(v2sf) =	vpush v4, $0xF;
	s5 =	sadd.s32 s7, s12;
	s12 =	sadd.s32 $0x18400, s30  }
0x1ca: {  	[hbm4b:s5+s3] =	stream.linear.scatter [tilespmem:s12], [sflag:$0x1], $0x1000, $0x38;
	[tilespmem:$0x1D480] =	vst v63  }
0x1cb: {  	s12 =	sld [smem:$0x7DF];
	_ =	sdelay $0x2  }
0x1cc: {  	s4 =	sadd.s32 s7, s4;
	s5 =	sadd.s32 $0x18400, s12  }
0x1cd: {  	[hbm4b:s4+s3] =	stream.linear.scatter [tilespmem:s5], [sflag:$0x1], $0x800, $0x38;
	[tilespmem:$0x1D480] =	vst v63  }
0x1ce: {  	s31 =	sadd.s32 $0x18400, s31;
	s30 =	sadd.s32 s7, s29  }
0x1cf: {  	[hbm4b:s30+s3] =	stream.linear.scatter [tilespmem:s31], [sflag:$0x1], $0x400, $0x38;
	[tilespmem:$0x1D480] =	vst v63  }
0x1d0: {  	s11 =	sadd.s32 s7, s11;
	s12 =	sadd.s32 $0x18400, s8  }
0x1d1: {  	[hbm4b:s11+s3] =	stream.linear.scatter [tilespmem:s12], [sflag:$0x1], $0x200, $0x38;
	[tilespmem:$0x1D480] =	vst v63  }
0x1d2: {  	s17 =	sadd.s32 s7, s17;
	s29 =	sadd.s32 $0x18400, s14  }
0x1d3: {  	[hbm4b:s17+s3] =	stream.linear.scatter [tilespmem:s29], [sflag:$0x1], $0x100, $0x38;
	[tilespmem:$0x1D480] =	vst v63  }
0x1d4: {  	s2 =	sadd.s32 $0x18400, s2;
	s30 =	sadd.s32 s7, s6;
	s31 =	sadd.s32 $0x18400, s15  }
0x1d5: {  	[hbm4b:s30+s3] =	stream.linear.scatter [tilespmem:s31], [sflag:$0x1], $0x80, $0x38;
	[tilespmem:$0x1D480] =	vst v63  }
0x1d6: {  	s1 =	sadd.s32 s7, s1;
	s8 =	spop (v2sf);
	s6 =	sadd.s32 s7, s9  }
0x1d7: {  	[hbm4b:s6+s3] =	stream.linear.scatter [tilespmem:s2], [sflag:$0x1], $0x40, $0x38;
	[tilespmem:$0x1D480] =	vst v63  }
0x1d8: {  	s9 =	sadd.s32 s7, s18;
	s11 =	sadd.s32 $0x18400, s16;
	s12 =	rddreg [dreg:$0x18]  }
0x1d9: {  	[hbm4b:s9+s3] =	stream.linear.scatter [tilespmem:s11], [sflag:$0x1], $0x20, $0x38;
	[tilespmem:$0x1D480] =	vst v63  }
0x1da: {  	s14 =	sadd.s32 $0x18400, s28;
	s15 =	rddreg [dreg:$0x12];
	s2 =	sadd.s32 s12, s8  }
0x1db: {  	[hbm4b:s1+s3] =	stream.linear.scatter [tilespmem:s14], [sflag:$0x1], $0x10, $0x38;
	[tilespmem:$0x1D480] =	vst v63  }
0x1dc: {  	s1 =	ssub.s32 s2, s15  }
0x1dd: {  	s0 =	sadd.s32 s7, s0;
	s16 =	sadd.s32 $0x18400, s19;
	s1 =	sadd.s32 s13, s1  }
0x1de: {  	[hbm4b:s0+s3] =	stream.linear.scatter [tilespmem:s16], [sflag:$0x1], $0x8, $0x38;
	[tilespmem:$0x1D480] =	vst v63  }
0x1df: {  	s17 =	sand.u32 $0xFFFFFFF8, s1  }
0x1e0: {  	s0 =	sand.u32 $0xFFFFFFF8, s13;
	v4 =	vmov s17  }
0x1e1: {  	s4 =	sadd.s32 $0x8, s0;
	p3 =	sgt.s32 s13, s17;
	s5 =	smov.u32 s17;
	v4 =	vsel vm0, s0, v4  }
0x1e2: {  	vm7 =	vmmov vm2;
	s18 =	ssub.s32 s17, s0;
	s5 =	smov.u32 @p3 s13;
	p3 =	slt.s32 s1, s4;
	v4 =	vor.u32 v3, v4  }
0x1e3: {  	s4 =	smov.u32 @p3 s1;
	p3 =	sgt.s32 s17, s0;
	vm4 =	vge.s32 v4, s13;
	vm5 =	vge.s32 v4, s5;
	vm12 =	vlt.s32 v4, s1;
	s5 =	sadd.s32 $0xFFFFFFF8, s18  }
0x1e4: {  	vm13 =	vlt.s32 v4, s4;
	vm7 =	vmneg @p3 vm7;
	vm5 =	vmand vm5, vm12;
	p3 =	sgt.s32 s5, $0x0  }
0x1e5: {  	[dreg:$0x1a] =	wrdreg s8;
	s19 =	simm.s32 $0x1D180;
	v5 =	vld [tilespmem:$0x15100];
	vm4 =	vmand vm4, vm13;
	vm5 =	vmand vm5, vm7;
	s5 =	simm.s32 @!p3 $0x0  }
0x1e6: {  	[dreg:$0x13] =	wrdreg s1;
	vm4 =	vmand vm4, vm0;
	vm5 =	vmand vm5, vm1;
	v6 =	vld [tilespmem:s5+$0x15100];
	s28 =	sand.u32 $0x7FFFE000, s5;
	s29 =	sand.u32 $0x1000, s5  }
0x1e7: {  	s30 =	sshll.u32 s5, $0x13;
	s8 =	sand.u32 $0x7FFFF000, s5;
	s9 =	sand.u32 $0x800, s5;
	vm4 =	vmor vm4, vm5  }
0x1e8: {  	s11 =	sshll.u32 s5, $0x14;
	s14 =	sand.u32 $0x7FFFF800, s5;
	s15 =	sand.u32 $0x400, s5;
	v4 =	vsel vm4, v4, v1  }
0x1e9: {  	s16 =	sshll.u32 s5, $0x15;
	s1 =	sand.u32 $0x200, s5;
	s2 =	sor.u32 $0x8, s28  }
0x1ea: {  	p3 =	seq.s32 s29, $0x0;
	s6 =	sshra.s32 s30, $0x1F;
	s4 =	sadd.s32 s13, s2  }
0x1eb: {  	s17 =	sshra.s32 s16, $0x1F;
	s31 =	sand.u32 s2, s6;
	s4 =	smov.u32 @p3 s10;
	v5 =	vsel vm0, v5, v6  }
0x1ec: {  	s16 =	sand.u32 $0x100, s5;
	[smem:$0x7E1] =	sst s31;
	s4 =	sshrl.u32 s4, $0x3;
	[tilespmem:$0x1D180] =	vst v5  }
0x1ed: {  	[hbm4b:s20+s3] =	stream.indirect_vreg.scatter [tilespmem:s19], [sflag:$0x1], $0x1, v4, vm3, $0xb8;
	[tilespmem:$0x1D480] =	vst v63  }
0x1ee: {  	s6 =	sadd.s32 $0x15100, s31;
	p3 =	seq.s32 s9, $0x0;
	s2 =	sadd.s32 s20, s4  }
0x1ef: {  	[hbm4b:s2+s3] =	stream.linear.scatter [tilespmem:s6], [sflag:$0x1], $0x1000, $0x38;
	[tilespmem:$0x1D480] =	vst v63  }
0x1f0: {  	s31 =	sand.u32 $0x7FFFFC00, s5;
	s2 =	sor.u32 $0x8, s8;
	s6 =	sshra.s32 s11, $0x1F  }
0x1f1: {  	[smem:$0x7E0] =	sst s4;
	s4 =	sadd.s32 s13, s2;
	s30 =	sand.u32 s2, s6  }
0x1f2: {  	s2 =	sor.u32 $0x8, s14;
	s4 =	smov.u32 @p3 s10;
	s6 =	sadd.s32 $0x15100, s30  }
0x1f3: {  	p3 =	seq.s32 s15, $0x0;
	s8 =	sadd.s32 s13, s2;
	s28 =	sand.u32 s2, s17  }
0x1f4: {  	s2 =	sor.u32 $0x8, s31;
	s15 =	sand.u32 $0x7FFFFE00, s5;
	s17 =	sshll.u32 s5, $0x17  }
0x1f5: {  	s4 =	sshrl.u32 s4, $0x3;
	s8 =	smov.u32 @p3 s10;
	s19 =	sadd.s32 $0x15100, s28  }
0x1f6: {  	p3 =	seq.s32 s1, $0x0;
	s11 =	sadd.s32 s13, s2;
	s12 =	sadd.s32 s20, s4  }
0x1f7: {  	[hbm4b:s12+s3] =	stream.linear.scatter [tilespmem:s6], [sflag:$0x1], $0x800, $0x38;
	[tilespmem:$0x1D480] =	vst v63  }
0x1f8: {  	s1 =	sand.u32 $0x7FFFFF00, s5;
	s29 =	sshrl.u32 s8, $0x3;
	s6 =	sshll.u32 s5, $0x16  }
0x1f9: {  	s11 =	smov.u32 @p3 s10;
	s18 =	sadd.s32 s20, s29;
	s9 =	sshra.s32 s6, $0x1F  }
0x1fa: {  	[hbm4b:s18+s3] =	stream.linear.scatter [tilespmem:s19], [sflag:$0x1], $0x400, $0x38;
	[tilespmem:$0x1D480] =	vst v63  }
0x1fb: {  	p3 =	seq.s32 s16, $0x0;
	s11 =	sshrl.u32 s11, $0x3;
	s8 =	sand.u32 s2, s9  }
0x1fc: {  	s12 =	sadd.s32 s20, s11;
	s2 =	sor.u32 $0x8, s15;
	s14 =	sadd.s32 $0x15100, s8  }
0x1fd: {  	[hbm4b:s12+s3] =	stream.linear.scatter [tilespmem:s14], [sflag:$0x1], $0x200, $0x38;
	[tilespmem:$0x1D480] =	vst v63  }
0x1fe: {  	s6 =	sand.u32 $0x80, s5;
	s9 =	sadd.s32 s13, s2;
	s14 =	sshra.s32 s17, $0x1F  }
0x1ff: {  	s9 =	smov.u32 @p3 s10;
	s12 =	sshll.u32 s5, $0x18;
	p3 =	seq.s32 s6, $0x0  }
0x200: {  	s14 =	sand.u32 s2, s14;
	s31 =	sshrl.u32 s9, $0x3;
	s2 =	sor.u32 $0x8, s1  }
0x201: {  	s15 =	sshra.s32 s12, $0x1F;
	s1 =	sshll.u32 s5, $0x19;
	s18 =	sadd.s32 s20, s31  }
0x202: {  	s19 =	sadd.s32 $0x15100, s14;
	s9 =	sadd.s32 s13, s2;
	s15 =	sand.u32 s2, s15  }
0x203: {  	[hbm4b:s18+s3] =	stream.linear.scatter [tilespmem:s19], [sflag:$0x1], $0x100, $0x38;
	[tilespmem:$0x1D480] =	vst v63  }
0x204: {  	s9 =	smov.u32 @p3 s10;
	s17 =	sadd.s32 $0x15100, s15;
	s18 =	sand.u32 $0x7FFFFF80, s5  }
0x205: {  	s19 =	sand.u32 $0x40, s5;
	s6 =	sshrl.u32 s9, $0x3;
	s2 =	sor.u32 $0x8, s18  }
0x206: {  	p3 =	seq.s32 s19, $0x0;
	s16 =	sadd.s32 s20, s6;
	s9 =	sadd.s32 s13, s2  }
0x207: {  	[hbm4b:s16+s3] =	stream.linear.scatter [tilespmem:s17], [sflag:$0x1], $0x80, $0x38;
	[tilespmem:$0x1D480] =	vst v63  }
0x208: {  	s19 =	sand.u32 $0x7FFFFFC0, s5;
	s16 =	sshra.s32 s1, $0x1F;
	s9 =	smov.u32 @p3 s10  }
0x209: {  	s1 =	sand.u32 $0x20, s5;
	s2 =	sand.u32 s2, s16;
	s9 =	sshrl.u32 s9, $0x3  }
0x20a: {  	s16 =	sor.u32 $0x8, s19;
	s12 =	sadd.s32 s20, s9;
	s17 =	sadd.s32 $0x15100, s2  }
0x20b: {  	[hbm4b:s12+s3] =	stream.linear.scatter [tilespmem:s17], [sflag:$0x1], $0x40, $0x38;
	[tilespmem:$0x1D480] =	vst v63  }
0x20c: {  	p3 =	seq.s32 s1, $0x0;
	s19 =	sadd.s32 s13, s16;
	s12 =	sshll.u32 s5, $0x1A  }
0x20d: {  	s19 =	smov.u32 @p3 s10;
	s18 =	sshra.s32 s12, $0x1F  }
0x20e: {  	s16 =	sand.u32 s16, s18;
	s18 =	sshrl.u32 s19, $0x3  }
0x20f: {  	s19 =	sadd.s32 s20, s18;
	s17 =	sadd.s32 $0x15100, s16  }
0x210: {  	[hbm4b:s19+s3] =	stream.linear.scatter [tilespmem:s17], [sflag:$0x1], $0x20, $0x38;
	[tilespmem:$0x1D480] =	vst v63  }
0x211: {  	s19 =	sand.u32 $0x7FFFFFE0, s5  }
0x212: {  	s1 =	sand.u32 $0x10, s5;
	s12 =	sor.u32 $0x8, s19  }
0x213: {  	p3 =	seq.s32 s1, $0x0;
	s17 =	sshll.u32 s5, $0x1B;
	s13 =	sadd.s32 s13, s12  }
0x214: {  	s19 =	sshra.s32 s17, $0x1F;
	s13 =	smov.u32 @p3 s10  }
0x215: {  	s12 =	sand.u32 s12, s19;
	s13 =	sshrl.u32 s13, $0x3  }
0x216: {  	s17 =	sadd.s32 $0x15100, s12;
	s1 =	sadd.s32 s20, s13  }
0x217: {  	[hbm4b:s1+s3] =	stream.linear.scatter [tilespmem:s17], [sflag:$0x1], $0x10, $0x38;
	[tilespmem:$0x1D480] =	vst v63  }
0x218: {  	s19 =	sor.u32 $0x8, s5;
	s17 =	sand.u32 $0x8, s5  }
0x219: {  	s0 =	sadd.s32 s0, s19;
	p3 =	seq.s32 s17, $0x0;
	s17 =	sshll.u32 s5, $0x1C  }
0x21a: {  	s1 =	sshra.s32 s17, $0x1F;
	s0 =	smov.u32 @p3 s10  }
0x21b: {  	s1 =	sand.u32 s19, s1;
	s0 =	sshrl.u32 s0, $0x3  }
0x21c: {  	s19 =	sadd.s32 s20, s0;
	s17 =	sadd.s32 $0x15100, s1  }
0x21d: {  	[hbm4b:s19+s3] =	stream.linear.scatter [tilespmem:s17], [sflag:$0x1], $0x8, $0x38;
	[tilespmem:$0x1D480] =	vst v63  }
0x21e: {  	v5 =	vld [tilespmem:s5+$0x19D80]  }
0x21f: {  	v61 =	vld [tilespmem:$0x19D80];
	_ =	sdelay $0x4  }
0x220: {  	v5 =	vsel vm0, v61, v5  }
0x221: {  	s19 =	simm.s32 $0x1D200;
	s17 =	sld [smem:$0x7E0];
	[tilespmem:$0x1D200] =	vst v5  }
0x222: {  	[hbm4b:s7+s3] =	stream.indirect_vreg.scatter [tilespmem:s19], [sflag:$0x1], $0x1, v4, vm3, $0xb8;
	[tilespmem:$0x1D480] =	vst v63  }
0x223: {  	s19 =	sld [smem:$0x7E1];
	_ =	sdelay $0x2  }
0x224: {  	s5 =	sadd.s32 s7, s17;
	s17 =	sadd.s32 $0x19D80, s19  }
0x225: {  	[hbm4b:s5+s3] =	stream.linear.scatter [tilespmem:s17], [sflag:$0x1], $0x1000, $0x38;
	[tilespmem:$0x1D480] =	vst v63  }
0x226: {  	s30 =	sadd.s32 $0x19D80, s30;
	s4 =	sadd.s32 s7, s4  }
0x227: {  	[hbm4b:s4+s3] =	stream.linear.scatter [tilespmem:s30], [sflag:$0x1], $0x800, $0x38;
	[tilespmem:$0x1D480] =	vst v63  }
0x228: {  	s19 =	sadd.s32 $0x19D80, s28;
	s17 =	sadd.s32 s7, s29  }
0x229: {  	[hbm4b:s17+s3] =	stream.linear.scatter [tilespmem:s19], [sflag:$0x1], $0x400, $0x38;
	[tilespmem:$0x1D480] =	vst v63  }
0x22a: {  	s6 =	sadd.s32 s7, s6;
	s28 =	sadd.s32 s7, s11;
	s29 =	sadd.s32 $0x19D80, s8  }
0x22b: {  	[hbm4b:s28+s3] =	stream.linear.scatter [tilespmem:s29], [sflag:$0x1], $0x200, $0x38;
	[tilespmem:$0x1D480] =	vst v63  }
0x22c: {  	s11 =	rddreg [dreg:$0x15];
	s30 =	sadd.s32 s7, s31;
	s31 =	sadd.s32 $0x19D80, s14  }
0x22d: {  	[hbm4b:s30+s3] =	stream.linear.scatter [tilespmem:s31], [sflag:$0x1], $0x100, $0x38;
	[tilespmem:$0x1D480] =	vst v63  }
0x22e: {  	s2 =	sadd.s32 $0x19D80, s2;
	s8 =	sadd.s32 $0x19D80, s15;
	s14 =	rddreg [dreg:$0x1a]  }
0x22f: {  	[hbm4b:s6+s3] =	stream.linear.scatter [tilespmem:s8], [sflag:$0x1], $0x80, $0x38;
	[tilespmem:$0x1D480] =	vst v63  }
0x230: {  	s15 =	sadd.s32 s7, s9;
	s4 =	sadd.s32 s11, s14;
	s17 =	rddreg [dreg:$0x14]  }
0x231: {  	[hbm4b:s15+s3] =	stream.linear.scatter [tilespmem:s2], [sflag:$0x1], $0x40, $0x38;
	[tilespmem:$0x1D480] =	vst v63  }
0x232: {  	s14 =	rddreg [dreg:$0xf];
	s19 =	sadd.s32 s7, s18;
	s2 =	ssub.s32 s17, s4  }
0x233: {  	s28 =	sadd.s32 $0x19D80, s16;
	s31 =	rddreg [dreg:$0x10];
	s2 =	sadd.s32 $0x20, s2  }
0x234: {  	[hbm4b:s19+s3] =	stream.linear.scatter [tilespmem:s28], [sflag:$0x1], $0x20, $0x38;
	[tilespmem:$0x1D480] =	vst v63  }
0x235: {  	s29 =	sadd.s32 s7, s13;
	s30 =	sadd.s32 $0x19D80, s12;
	s2 =	ssub.s32 s2, s31  }
0x236: {  	[hbm4b:s29+s3] =	stream.linear.scatter [tilespmem:s30], [sflag:$0x1], $0x10, $0x38;
	[tilespmem:$0x1D480] =	vst v63  }
0x237: {  	s0 =	sadd.s32 s7, s0;
	s1 =	sadd.s32 $0x19D80, s1;
	s13 =	sadd.s32 s14, s2  }
0x238: {  	[hbm4b:s0+s3] =	stream.linear.scatter [tilespmem:s1], [sflag:$0x1], $0x8, $0x38;
	[tilespmem:$0x1D480] =	vst v63  }
0x239: {  	s5 =	sand.u32 $0xFFFFFFF8, s13;
	s0 =	sand.u32 $0xFFFFFFF8, s14  }
0x23a: {  	p3 =	sgt.s32 s14, s5;
	s4 =	smov.u32 s5;
	s2 =	sadd.s32 $0x8, s0  }
0x23b: {  	s4 =	smov.u32 @p3 s14;
	s6 =	ssub.s32 s5, s0;
	p3 =	slt.s32 s13, s2  }
0x23c: {  	vm7 =	vmmov vm2;
	v4 =	vmov s5;
	s2 =	smov.u32 @p3 s13;
	p3 =	sgt.s32 s5, s0;
	s5 =	sadd.s32 $0xFFFFFFF8, s6  }
0x23d: {  	vm7 =	vmneg @p3 vm7;
	p3 =	sgt.s32 s5, $0x0  }
0x23e: {  	s5 =	simm.s32 @!p3 $0x0  }
0x23f: {  	s8 =	simm.s32 $0x1D280;
	v4 =	vsel vm0, s0, v4;
	s9 =	sand.u32 $0x7FFFE000, s5  }
0x240: {  	v4 =	vor.u32 v3, v4;
	s11 =	sand.u32 $0x1000, s5;
	s12 =	sshll.u32 s5, $0x13;
	s18 =	sand.u32 $0x7FFFF000, s5  }
0x241: {  	vm5 =	vge.s32 v4, s4;
	vm14 =	vlt.s32 v4, s13;
	s19 =	sand.u32 $0x800, s5;
	s28 =	sshll.u32 s5, $0x14;
	s6 =	sand.u32 $0x7FFFF800, s5  }
0x242: {  	vm4 =	vge.s32 v4, s14;
	vm5 =	vmand vm5, vm14;
	vm15 =	vlt.s32 v4, s2;
	s1 =	sor.u32 $0x8, s9;
	p3 =	seq.s32 s11, $0x0;
	s4 =	sshra.s32 s12, $0x1F  }
0x243: {  	v5 =	vld [tilespmem:$0x16A80];
	vm4 =	vmand vm4, vm15;
	vm5 =	vmand vm5, vm7;
	s9 =	sshll.u32 s5, $0x15;
	s2 =	sadd.s32 s14, s1;
	s4 =	sand.u32 s1, s4  }
0x244: {  	vm4 =	vmand vm4, vm0;
	vm5 =	vmand vm5, vm1;
	v62 =	vld [tilespmem:s5+$0x16A80];
	s1 =	sor.u32 $0x8, s18;
	s2 =	smov.u32 @p3 s10;
	[smem:$0x7E2] =	sst s4  }
0x245: {  	vm4 =	vmor vm4, vm5;
	s16 =	sadd.s32 $0x16A80, s4;
	p3 =	seq.s32 s19, $0x0;
	s4 =	sshra.s32 s28, $0x1F  }
0x246: {  	v4 =	vsel vm4, v4, v1;
	s19 =	sshll.u32 s5, $0x16;
	s17 =	sshrl.u32 s2, $0x3;
	s2 =	sadd.s32 s14, s1  }
0x247: {  	s29 =	sand.u32 s1, s4;
	s1 =	sor.u32 $0x8, s6;
	s6 =	sshra.s32 s9, $0x1F  }
0x248: {  	s15 =	sadd.s32 s20, s17;
	s2 =	smov.u32 @p3 s10;
	[smem:$0x7E3] =	sst s29  }
0x249: {  	v5 =	vsel vm0, v5, v62;
	s31 =	sadd.s32 $0x16A80, s29;
	s6 =	sand.u32 s1, s6;
	s4 =	sshrl.u32 s2, $0x3  }
0x24a: {  	[tilespmem:$0x1D280] =	vst v5;
	s2 =	sadd.s32 s14, s1;
	[smem:$0x7E4] =	sst s6;
	s12 =	sadd.s32 $0x16A80, s6  }
0x24b: {  	[hbm4b:s20+s3] =	stream.indirect_vreg.scatter [tilespmem:s8], [sflag:$0x1], $0x1, v4, vm3, $0xb8;
	[tilespmem:$0x1D480] =	vst v63  }
0x24c: {  	s6 =	sshll.u32 s5, $0x17;
	s30 =	sadd.s32 s20, s4;
	s8 =	sand.u32 $0x400, s5  }
0x24d: {  	s9 =	sshra.s32 s6, $0x1F;
	p3 =	seq.s32 s8, $0x0;
	s8 =	sshra.s32 s19, $0x1F  }
0x24e: {  	[hbm4b:s15+s3] =	stream.linear.scatter [tilespmem:s16], [sflag:$0x1], $0x1000, $0x38;
	[tilespmem:$0x1D480] =	vst v63  }
0x24f: {  	s2 =	smov.u32 @p3 s10;
	s15 =	sand.u32 $0x7FFFFC00, s5;
	s16 =	sand.u32 $0x200, s5  }
0x250: {  	s18 =	sshrl.u32 s2, $0x3;
	s1 =	sor.u32 $0x8, s15;
	p3 =	seq.s32 s16, $0x0  }
0x251: {  	[hbm4b:s30+s3] =	stream.linear.scatter [tilespmem:s31], [sflag:$0x1], $0x800, $0x38;
	[tilespmem:$0x1D480] =	vst v63  }
0x252: {  	s15 =	sand.u32 $0x7FFFFF00, s5;
	s16 =	sand.u32 $0x80, s5;
	s11 =	sadd.s32 s20, s18  }
0x253: {  	s2 =	sadd.s32 s14, s1;
	s8 =	sand.u32 s1, s8;
	s30 =	sand.u32 $0x7FFFFE00, s5  }
0x254: {  	s31 =	sand.u32 $0x100, s5;
	s2 =	smov.u32 @p3 s10;
	s29 =	sadd.s32 $0x16A80, s8  }
0x255: {  	[hbm4b:s11+s3] =	stream.linear.scatter [tilespmem:s12], [sflag:$0x1], $0x400, $0x38;
	[tilespmem:$0x1D480] =	vst v63  }
0x256: {  	s1 =	sor.u32 $0x8, s30;
	p3 =	seq.s32 s31, $0x0;
	s11 =	sshrl.u32 s2, $0x3  }
0x257: {  	s2 =	sadd.s32 s14, s1;
	s19 =	sand.u32 s1, s9;
	s1 =	sor.u32 $0x8, s15  }
0x258: {  	s28 =	sadd.s32 s20, s11;
	s2 =	smov.u32 @p3 s10;
	s12 =	sadd.s32 $0x16A80, s19  }
0x259: {  	[hbm4b:s28+s3] =	stream.linear.scatter [tilespmem:s29], [sflag:$0x1], $0x200, $0x38;
	[tilespmem:$0x1D480] =	vst v63  }
0x25a: {  	p3 =	seq.s32 s16, $0x0;
	s28 =	sshrl.u32 s2, $0x3;
	s2 =	sadd.s32 s14, s1  }
0x25b: {  	s29 =	sshll.u32 s5, $0x18;
	s9 =	sadd.s32 s20, s28;
	s2 =	smov.u32 @p3 s10  }
0x25c: {  	[hbm4b:s9+s3] =	stream.linear.scatter [tilespmem:s12], [sflag:$0x1], $0x100, $0x38;
	[tilespmem:$0x1D480] =	vst v63  }
0x25d: {  	s9 =	sshra.s32 s29, $0x1F;
	s6 =	sshrl.u32 s2, $0x3  }
0x25e: {  	s12 =	sand.u32 $0x40, s5;
	s15 =	sand.u32 s1, s9;
	s9 =	sand.u32 $0x7FFFFF80, s5  }
0x25f: {  	s30 =	sadd.s32 s20, s6;
	s31 =	sadd.s32 $0x16A80, s15;
	s1 =	sor.u32 $0x8, s9  }
0x260: {  	[hbm4b:s30+s3] =	stream.linear.scatter [tilespmem:s31], [sflag:$0x1], $0x80, $0x38;
	[tilespmem:$0x1D480] =	vst v63  }
0x261: {  	s16 =	sshll.u32 s5, $0x19;
	p3 =	seq.s32 s12, $0x0;
	s12 =	sadd.s32 s14, s1  }
0x262: {  	s29 =	sshra.s32 s16, $0x1F;
	s16 =	sand.u32 $0x7FFFFFC0, s5;
	s12 =	smov.u32 @p3 s10  }
0x263: {  	s2 =	sand.u32 s1, s29;
	s29 =	sand.u32 $0x20, s5;
	s9 =	sshrl.u32 s12, $0x3  }
0x264: {  	s1 =	sor.u32 $0x8, s16;
	s31 =	sadd.s32 $0x16A80, s2;
	s30 =	sadd.s32 s20, s9  }
0x265: {  	[hbm4b:s30+s3] =	stream.linear.scatter [tilespmem:s31], [sflag:$0x1], $0x40, $0x38;
	[tilespmem:$0x1D480] =	vst v63  }
0x266: {  	p3 =	seq.s32 s29, $0x0;
	s12 =	sadd.s32 s14, s1;
	s30 =	sshll.u32 s5, $0x1A  }
0x267: {  	s12 =	smov.u32 @p3 s10;
	s16 =	sshra.s32 s30, $0x1F  }
0x268: {  	s12 =	sshrl.u32 s12, $0x3;
	s1 =	sand.u32 s1, s16  }
0x269: {  	s31 =	sadd.s32 s20, s12;
	s29 =	sadd.s32 $0x16A80, s1  }
0x26a: {  	[hbm4b:s31+s3] =	stream.linear.scatter [tilespmem:s29], [sflag:$0x1], $0x20, $0x38;
	[tilespmem:$0x1D480] =	vst v63  }
0x26b: {  	s31 =	sand.u32 $0x7FFFFFE0, s5  }
0x26c: {  	s30 =	sand.u32 $0x10, s5;
	s16 =	sor.u32 $0x8, s31  }
0x26d: {  	p3 =	seq.s32 s30, $0x0;
	s29 =	sshll.u32 s5, $0x1B;
	s30 =	sadd.s32 s14, s16  }
0x26e: {  	s31 =	sshra.s32 s29, $0x1F;
	s30 =	smov.u32 @p3 s10  }
0x26f: {  	s16 =	sand.u32 s16, s31;
	s30 =	sshrl.u32 s30, $0x3  }
0x270: {  	s29 =	sadd.s32 $0x16A80, s16;
	s14 =	sadd.s32 s20, s30  }
0x271: {  	[hbm4b:s14+s3] =	stream.linear.scatter [tilespmem:s29], [sflag:$0x1], $0x10, $0x38;
	[tilespmem:$0x1D480] =	vst v63  }
0x272: {  	s31 =	sor.u32 $0x8, s5;
	s14 =	sand.u32 $0x8, s5  }
0x273: {  	s0 =	sadd.s32 s0, s31;
	s29 =	sshll.u32 s5, $0x1C;
	p3 =	seq.s32 s14, $0x0  }
0x274: {  	s29 =	sshra.s32 s29, $0x1F;
	s0 =	smov.u32 @p3 s10  }
0x275: {  	s14 =	sand.u32 s31, s29;
	s0 =	sshrl.u32 s0, $0x3  }
0x276: {  	s31 =	sadd.s32 $0x16A80, s14;
	s10 =	sadd.s32 s20, s0  }
0x277: {  	[hbm4b:s10+s3] =	stream.linear.scatter [tilespmem:s31], [sflag:$0x1], $0x8, $0x38;
	[tilespmem:$0x1D480] =	vst v63  }
0x278: {  	v5 =	vld [tilespmem:s5+$0x1B700]  }
0x279: {  	v63 =	vld [tilespmem:$0x1B700];
	_ =	sdelay $0x4  }
0x27a: {  	v5 =	vsel vm0, v63, v5  }
0x27b: {  	s20 =	simm.s32 $0x1D300;
	s31 =	sld [smem:$0x7E2];
	[tilespmem:$0x1D300] =	vst v5  }
0x27c: {  	[hbm4b:s7+s3] =	stream.indirect_vreg.scatter [tilespmem:s20], [sflag:$0x1], $0x1, v4, vm3, $0xb8;
	[tilespmem:$0x1D480] =	vst v63  }
0x27d: {  	s20 =	sld [smem:$0x7E3]  }
0x27e: {  	s29 =	sadd.s32 s7, s17;
	s10 =	sadd.s32 $0x1B700, s31;
	s31 =	sld [smem:$0x7E4]  }
0x27f: {  	[hbm4b:s29+s3] =	stream.linear.scatter [tilespmem:s10], [sflag:$0x1], $0x1000, $0x38;
	[tilespmem:$0x1D480] =	vst v63  }
0x280: {  	s4 =	sadd.s32 s7, s4;
	s5 =	sadd.s32 $0x1B700, s20  }
0x281: {  	[hbm4b:s4+s3] =	stream.linear.scatter [tilespmem:s5], [sflag:$0x1], $0x800, $0x38;
	[tilespmem:$0x1D480] =	vst v63  }
0x282: {  	s29 =	sadd.s32 s7, s18;
	s5 =	sadd.s32 $0x1B700, s31  }
0x283: {  	[hbm4b:s29+s3] =	stream.linear.scatter [tilespmem:s5], [sflag:$0x1], $0x400, $0x38;
	[tilespmem:$0x1D480] =	vst v63  }
0x284: {  	s8 =	sadd.s32 $0x1B700, s8;
	s5 =	sadd.s32 s7, s11  }
0x285: {  	[hbm4b:s5+s3] =	stream.linear.scatter [tilespmem:s8], [sflag:$0x1], $0x200, $0x38;
	[tilespmem:$0x1D480] =	vst v63  }
0x286: {  	s10 =	sadd.s32 s7, s28;
	s11 =	sadd.s32 $0x1B700, s19  }
0x287: {  	[hbm4b:s10+s3] =	stream.linear.scatter [tilespmem:s11], [sflag:$0x1], $0x100, $0x38;
	[tilespmem:$0x1D480] =	vst v63  }
0x288: {  	s17 =	sadd.s32 s7, s6;
	s18 =	sadd.s32 $0x1B700, s15  }
0x289: {  	[hbm4b:s17+s3] =	stream.linear.scatter [tilespmem:s18], [sflag:$0x1], $0x80, $0x38;
	[tilespmem:$0x1D480] =	vst v63  }
0x28a: {  	s2 =	sadd.s32 $0x1B700, s2;
	s19 =	sadd.s32 s7, s9  }
0x28b: {  	[hbm4b:s19+s3] =	stream.linear.scatter [tilespmem:s2], [sflag:$0x1], $0x40, $0x38;
	[tilespmem:$0x1D480] =	vst v63  }
0x28c: {  	s1 =	sadd.s32 $0x1B700, s1;
	s20 =	sadd.s32 s7, s12  }
0x28d: {  	[hbm4b:s20+s3] =	stream.linear.scatter [tilespmem:s1], [sflag:$0x1], $0x20, $0x38;
	[tilespmem:$0x1D480] =	vst v63  }
0x28e: {  	s28 =	sadd.s32 s7, s30;
	s29 =	sadd.s32 $0x1B700, s16  }
0x28f: {  	[hbm4b:s28+s3] =	stream.linear.scatter [tilespmem:s29], [sflag:$0x1], $0x10, $0x38;
	[tilespmem:$0x1D480] =	vst v63  }
0x290: {  	s0 =	sadd.s32 s7, s0;
	s30 =	sadd.s32 $0x1B700, s14;
	s10 =	simm.s32 $0x1  }
0x291: {  	[hbm4b:s0+s3] =	stream.linear.scatter [tilespmem:s30], [sflag:$0x1], $0x8, $0x38;
	[tilespmem:$0x1D480] =	vst v63  }
0x292: {  	_ =	swait.ge [sflag:s10], $0x2008  }
0x293: {  	[sflag:s10] =	ssyncset.done $0x0  }
0x294: {  	[sflag:s10] =	ssyncadd.s32 $0xFFFFDFF8  }
0x295: {  	_ =	swait.ge [sflag:s10], $0x2008  }
0x296: {  	[sflag:s10] =	ssyncset.done $0x0  }
0x297: {  	[sflag:s10] =	ssyncadd.s32 $0xFFFFDFF8  }
0x298: {  	_ =	swait.ge [sflag:s10], $0x2008  }
0x299: {  	[sflag:s10] =	ssyncset.done $0x0  }
0x29a: {  	[sflag:s10] =	ssyncadd.s32 $0xFFFFDFF8  }
0x29b: {  	_ =	swait.ge [sflag:s10], $0x2008  }
0x29c: {  	[sflag:s10] =	ssyncset.done $0x0  }
0x29d: {  	[sflag:s10] =	ssyncadd.s32 $0xFFFFDFF8  }
0x29e: {  	_ =	swait.ge [sflag:s10], $0x2008  }
0x29f: {  	[sflag:s10] =	ssyncset.done $0x0  }
0x2a0: {  	[sflag:s10] =	ssyncadd.s32 $0xFFFFDFF8  }
0x2a1: {  	_ =	swait.ge [sflag:s10], $0x2008  }
0x2a2: {  	s31 =	rddreg [dreg:$0xe]  }
0x2a3: {  	s0 =	sadd.s32 $0x1, s31  }
0x2a4: {  	p3 =	sne.s32 s0, $0x6  }
.Ltmp1:
0x2a5: {  	_ = 	snop;
	(pc) =	sbr.rel @p3 .LBB2_2-.Ltmp1, $3  }
0x2a6: {  	_ =	sdelay $0x1  }
0x2a7: {  	s6 =	smov.u32 s13;
	[sflag:s10] =	ssyncset.done $0x0;
	s13 =	rddreg [dreg:$0x13]  }
0x2a8: {  	s1 =	rddreg [dreg:$0x11];
	[sflag:s10] =	ssyncadd.s32 $0xFFFFDFF8  }
0x2a9: {  	s1 =	rddreg [dreg:$0xd]  }
0x2aa: {  	s0 =	rddreg [dreg:$0xc];
	s1 =	sadd.s32 $0x1, s1  }
0x2ab: {  	p3 =	sne.s32 s1, s0  }
.Ltmp2:
0x2ac: {  	_ = 	snop;
	(pc) =	sbr.rel @p3 .LBB2_1-.Ltmp2, $1  }
0x2ad: {  	_ =	sdelay $0x3  }
0x2ae: {  	_ =	sfence.sel $0x180000  }
0x2af: {  	[bflag:$0x0] =	sbarrier.arrive $0xFFFF  }
0x2b0: {  	_ =	strace $0x9000004A  }
0x2b1: {  	s0 =	stileid.u32;
	[bflag:$0x2] =	sbarrier.arrive $0xFFFF  }
0x2b2: {  	p0 =	sne.s32 s0, $0x0;
	s0 =	rddreg [dreg:$0x3]  }
0x2b3: {  	s0 =	sadd.s32 @!p0 $0x100000, s0  }
0x2b4: {  	[sflag:s0] =	ssyncadd.tile.s32 @!p0 $0x1;
	_ =	shalt  }
.Lfunc_end2:
_tile_overlayer_lowered:
.L_overlay_start_2:
0x2b5: {  	(tag) =	ssettag $0x2  }
0x2b6: {  	s0 =	rddreg [dreg:$0x0];
	s2 =	stileid.u32  }
0x2b7: {  	s1 =	rddreg [dreg:$0x1];
	p0 =	sne.s32 s2, $0x0  }
0x2b8: {  	s3 =	rddreg [dreg:$0x2];
	[bflag:$0x3] =	sbarrier.arrive $0xFFFF;
	s2 =	simm.s32 @!p0 $0x1C02  }
0x2b9: {  	[timem:s3], [sflag:s2] =	dma.local @!p0 [hbm:s0], s1  }
0x2ba: {  	s0 =	simm.s32 @!p0 $0x2  }
0x2bb: {  	_ =	swait.ge @!p0 [sflag:s0], s1  }
0x2bc: {  	s1 =	ssub.s32 @!p0 $0x0, s1;
	[sflag:s0] =	ssyncset.done @!p0 $0x0  }
0x2bd: {  	[sflag:s0] =	ssyncadd.s32 @!p0 s1  }
0x2be: {  	[bflag:$0x3] =	sbarrier.arrive $0xFFFF  }
0x2bf: {  	_ =	shalt  }

</sc_bundles>
